<compile_context>
chip_gen: v7x
topology: tpu7x:2x2x1
jax: 0.10.2.dev20260603
libtpu: 0.0.44.dev20260713+nightly
codegen_flags: <defaults>
</compile_context>

<pallas_src>
import functools

import numpy as np
import jax
import jax.numpy as jnp
from jax import lax
from jax.experimental import pallas as pl
from jax.experimental.pallas import tpu as pltpu
from jax.experimental.pallas import tpu_sc as plsc

F32 = jnp.float32

B = 64
N = 196
D = 192
NKEY = 40
NEXP = 1600
NSEL = 4
ROW_W = 2 * D
RW_I32 = 256
HD = D // 2
R_TOTAL = B * N * NSEL

SC_NC = 2
SC_NS = 16
SC_NW = SC_NC * SC_NS
PER_W = R_TOTAL // SC_NW
CHUNK = 112
NCHUNK = PER_W // CHUNK
NBUF = 4
K1B = 2
BF = jnp.bfloat16


def _bdot(a, b):
    return jnp.dot(a.astype(BF), b.astype(BF), preferred_element_type=F32)


def _quick_gelu(v):
    return v * (1.0 / (1.0 + jnp.exp(-1.702 * v)))


def _gelu_tanh(v):
    c = 0.7978845608028654
    return 0.5 * v * (1.0 + jnp.tanh(c * (v + 0.044715 * v * v * v)))


def _k1_body(x_ref, vp_ref, cdw_ref, cdb_ref, gdw_ref, gdb_ref, vplw_ref,
             vplb_ref, qw_ref, keys_ref, pg_ref, pgg_ref, pieo_ref,
             gate_ref, xn_ref, idx_ref, w_ref):
  for bb in range(K1B):
    parts = []
    for c in range(3):
        Cc = x_ref[bb, 1 + N * c: 1 + N * (c + 1), :]
        parts.append(_bdot(Cc, cdw_ref[...]) + cdb_ref[...])
    Cm = jnp.concatenate(parts, axis=1)
    G = jnp.dot(Cm, gdw_ref[...], preferred_element_type=F32) + gdb_ref[...]
    VPd = (jnp.dot(vp_ref[bb], vplw_ref[...], preferred_element_type=F32)
           + vplb_ref[...])
    gate = jnp.concatenate([G, VPd], axis=1)
    gate_ref[bb] = gate

    def rms(v, gamma, d):
        n = jnp.sqrt(jnp.sum(v * v, axis=1, keepdims=True))
        n = jnp.maximum(n, 1e-12)
        return v / n * gamma * (d ** 0.5)

    xn = rms(Cm, pg_ref[...], 192.0)
    xn_ref[bb] = jnp.dot(xn, pieo_ref[...], preferred_element_type=F32)
    gn = rms(gate, pgg_ref[...], 128.0)
    q = _bdot(gn, qw_ref[...])

    iota40 = lax.broadcasted_iota(jnp.int32, (N, NKEY), 1)
    iota4 = lax.broadcasted_iota(jnp.int32, (N, 4), 1)

    def top2(sim):
        u = lax.bitcast_convert_type(sim, jnp.int32)
        m = jnp.right_shift(u, 31)
        ks = lax.bitwise_xor(u, jnp.bitwise_and(m, jnp.int32(0x7FFFFFFF)))
        key = jnp.bitwise_or(jnp.bitwise_and(ks, jnp.int32(-64)),
                             63 - iota40)
        k1 = jnp.max(key, axis=1, keepdims=True)
        key2 = jnp.where(key == k1, jnp.int32(-2147483648), key)
        k2 = jnp.max(key2, axis=1, keepdims=True)

        def unval(k):
            ks0 = jnp.bitwise_and(k, jnp.int32(-64))
            mm = jnp.right_shift(ks0, 31)
            return lax.bitcast_convert_type(
                lax.bitwise_xor(ks0, jnp.bitwise_and(
                    mm, jnp.int32(0x7FFFFFFF))), F32)

        i1 = 63 - jnp.bitwise_and(k1, 63)
        i2 = 63 - jnp.bitwise_and(k2, 63)
        return unval(k1), i1, unval(k2), i2

    idx_parts = []
    w_parts = []
    for h in range(2):
        qx = q[:, h * 64:(h + 1) * 64]
        qy = q[:, (2 + h) * 64:(3 + h) * 64]
        sx = _bdot(qx, keys_ref[h])
        sy = _bdot(qy, keys_ref[2 + h])
        vx1, ix1, vx2, ix2 = top2(sx)
        vy1, iy1, vy2, iy2 = top2(sy)
        cs = jnp.concatenate([vx1 + vy1, vx1 + vy2, vx2 + vy1, vx2 + vy2],
                             axis=1)
        ci = jnp.concatenate([ix1 * NKEY + iy1, ix1 * NKEY + iy2,
                              ix2 * NKEY + iy1, ix2 * NKEY + iy2], axis=1)
        s1 = jnp.max(cs, axis=1, keepdims=True)
        j1 = jnp.min(jnp.where(cs == s1, iota4, 4), axis=1, keepdims=True)
        csm = jnp.where(iota4 == j1, -1e30, cs)
        s2 = jnp.max(csm, axis=1, keepdims=True)
        j2 = jnp.min(jnp.where(csm == s2, iota4, 4), axis=1, keepdims=True)
        e1 = jnp.sum(jnp.where(iota4 == j1, ci, 0), axis=1, keepdims=True)
        e2 = jnp.sum(jnp.where(iota4 == j2, ci, 0), axis=1, keepdims=True)
        w2 = 1.0 / (1.0 + jnp.exp(s1 - s2))
        w1 = 1.0 - w2
        idx_parts += [e1, e2]
        w_parts += [w1, w2]
    idx_ref[bb] = jnp.concatenate(idx_parts, axis=1)
    w_ref[bb] = jnp.concatenate(w_parts, axis=1)


def _run_k1(x, VP, Cd_W, Cd_b, Gd_W, Gd_b, VPl_W, VPl_b, q_W, keys_r,
            pg, pgg, pieo):
    full = lambda shape: pl.BlockSpec(shape, lambda b: (0,) * len(shape))
    return pl.pallas_call(
        _k1_body,
        grid=(B // K1B,),
        in_specs=[
            pl.BlockSpec((K1B, 589, 768), lambda b: (b, 0, 0)),
            pl.BlockSpec((K1B, N, 64), lambda b: (b, 0, 0)),
            full((768, 64)), full((1, 64)),
            full((D, 64)), full((1, 64)),
            full((64, 64)), full((1, 64)),
            full((128, 256)), full((4, 64, NKEY)),
            full((1, D)), full((1, 128)), full((D, D)),
        ],
        out_specs=[
            pl.BlockSpec((K1B, N, 128), lambda b: (b, 0, 0)),
            pl.BlockSpec((K1B, N, D), lambda b: (b, 0, 0)),
            pl.BlockSpec((K1B, N, 4), lambda b: (b, 0, 0)),
            pl.BlockSpec((K1B, N, 4), lambda b: (b, 0, 0)),
        ],
        out_shape=[
            jax.ShapeDtypeStruct((B, N, 128), F32),
            jax.ShapeDtypeStruct((B, N, D), F32),
            jax.ShapeDtypeStruct((B, N, 4), jnp.int32),
            jax.ShapeDtypeStruct((B, N, 4), F32),
        ],
    )(x, VP, Cd_W, Cd_b, Gd_W, Gd_b, VPl_W, VPl_b, q_W, keys_r, pg, pgg,
      pieo)


def _sc_gather_body(table_hbm, idx_hbm, out_hbm, *scratch):
    wid = lax.axis_index("s") * SC_NC + lax.axis_index("c")
    base = wid * PER_W
    bufs = tuple((scratch[2 * j], scratch[2 * j + 1], scratch[2 * NBUF + j])
                 for j in range(NBUF))

    def fire(i):
        idx_v, rows_v, sem = bufs[i % NBUF]
        off = base + i * CHUNK
        pltpu.sync_copy(idx_hbm.at[pl.ds(off, CHUNK)], idx_v)
        return pltpu.async_copy(table_hbm.at[idx_v], rows_v, sem)

    cps = [None] * NBUF
    for i in range(NBUF - 1):
        cps[i] = fire(i)
    for i in range(NCHUNK):
        if i + NBUF - 1 < NCHUNK:
            cps[(i + NBUF - 1) % NBUF] = fire(i + NBUF - 1)
        cps[i % NBUF].wait()
        rows_v = bufs[i % NBUF][1]
        pltpu.sync_copy(rows_v, out_hbm.at[pl.ds(base + i * CHUNK, CHUNK)])


@functools.cache
def _sc_gather_kernel():
    mesh = plsc.VectorSubcoreMesh(core_axis_name="c", subcore_axis_name="s",
                                  num_cores=SC_NC, num_subcores=SC_NS)
    return pl.kernel(
        _sc_gather_body,
        mesh=mesh,
        out_type=jax.ShapeDtypeStruct((R_TOTAL, RW_I32), jnp.int32),
        scratch_types=(
            [pltpu.VMEM((CHUNK,), jnp.int32),
             pltpu.VMEM((CHUNK, RW_I32), jnp.int32)]
            * NBUF + [pltpu.SemaphoreType.DMA] * NBUF),
    )


def _sc_gather(table, idx_flat):
    return _sc_gather_kernel()(table, idx_flat)


def _shift_rows(X, s):
    rows, cols = X.shape
    if s == 0:
        return X
    if s > 0:
        return jnp.concatenate(
            [X[s:, :], jnp.zeros((s, cols), X.dtype)], axis=0)
    return jnp.concatenate(
        [jnp.zeros((-s, cols), X.dtype), X[:rows + s, :]], axis=0)


def _conv_cd(Xt, w_ref, masks_ref):
    kd = w_ref[0]
    for k in range(1, 9):
        kd = kd + w_ref[k]
    acc = _bdot(Xt, kd) * (-0.7)
    for k in range(9):
        dh, dw = k // 3 - 1, k % 3 - 1
        Y = _shift_rows(Xt, dh * 14 + dw)
        acc = acc + masks_ref[:, k:k + 1] * _bdot(Y, w_ref[k])
    return acc


def _k2_body(gate_ref, vp_ref, wg_ref, wvp_ref, wc_ref, perm_ref, masks_ref,
             eca_ref, vpout_ref):
  for bb in range(K1B):
    gt = _bdot(perm_ref[...], gate_ref[bb])
    vt = _bdot(perm_ref[...], vp_ref[bb])
    g = _quick_gelu(_conv_cd(gt, wg_ref, masks_ref))
    v = _quick_gelu(_conv_cd(vt, wvp_ref, masks_ref))
    vc = jnp.concatenate([v, g], axis=1)
    y = jnp.mean(vc, axis=0, keepdims=True)
    yl = jnp.concatenate([jnp.zeros((1, 1), F32), y[:, :127]], axis=1)
    yr = jnp.concatenate([y[:, 1:], jnp.zeros((1, 1), F32)], axis=1)
    yc = eca_ref[0] * yl + eca_ref[1] * y + eca_ref[2] * yr
    scale = 1.0 / (1.0 + jnp.exp(-yc))
    vs = vc * scale
    vpout_ref[bb] = _quick_gelu(_conv_cd(vs, wc_ref, masks_ref))


def _run_k2(gate, VP, Wg_r, Wvp_r, Wc_r, perm, masks, eca3):
    full = lambda shape: pl.BlockSpec(shape, lambda b: (0,) * len(shape))
    return pl.pallas_call(
        _k2_body,
        grid=(B // K1B,),
        in_specs=[
            pl.BlockSpec((K1B, N, 128), lambda b: (b, 0, 0)),
            pl.BlockSpec((K1B, N, 64), lambda b: (b, 0, 0)),
            full((9, 128, 64)), full((9, 64, 64)), full((9, 128, 64)),
            full((N, N)), full((N, 16)),
            pl.BlockSpec(memory_space=pltpu.SMEM),
        ],
        out_specs=[pl.BlockSpec((K1B, N, 64), lambda b: (b, 0, 0))],
        out_shape=[jax.ShapeDtypeStruct((B, N, 64), F32)],
    )(gate, VP, Wg_r, Wvp_r, Wc_r, perm, masks, eca3)[0]


def _unpack_pair(v):
    lo = lax.bitcast_convert_type(jnp.left_shift(v, 16), F32)
    hi = lax.bitcast_convert_type(
        jnp.bitwise_and(v, jnp.int32(-65536)), F32)
    return lo, hi


def _k3_body(x_ref, rows_ref, xn_ref, w_ref, upw_ref, upb_ref, p2_ref,
             out_ref):
  for bb in range(K1B):
    xne = xn_ref[bb][:, :HD]
    xno = xn_ref[bb][:, HD:]
    oge = None
    ogo = None
    for k in range(4):
        v = rows_ref[k, bb]
        wde, wdo = _unpack_pair(v[:, 0:HD])
        d = jnp.sum(xne * wde + xno * wdo, axis=1, keepdims=True)
        hk = _gelu_tanh(d) * w_ref[bb, :, k:k + 1]
        wue, wuo = _unpack_pair(v[:, HD:2 * HD])
        te = hk * wue
        to = hk * wuo
        oge = te if oge is None else oge + te
        ogo = to if ogo is None else ogo + to
    og_p = _quick_gelu(jnp.concatenate([oge, ogo], axis=1))
    og = jnp.dot(og_p, p2_ref[...], preferred_element_type=F32)
    o3 = jnp.concatenate([og[:, 0:64], og[:, 64:128], og[:, 128:192]],
                         axis=0)
    Y = _bdot(o3, upw_ref[...]) + upb_ref[...]
    row0 = x_ref[bb, 0:1, :]
    rest = x_ref[bb, 1:589, :] + Y
    out_ref[bb] = jnp.concatenate([row0, rest], axis=0)


def _run_k3(x, rows_r, xn, w4, up_W, up_b, p2):
    full = lambda shape: pl.BlockSpec(shape, lambda b: (0,) * len(shape))
    return pl.pallas_call(
        _k3_body,
        grid=(B // K1B,),
        in_specs=[
            pl.BlockSpec((K1B, 589, 768), lambda b: (b, 0, 0)),
            pl.BlockSpec((4, K1B, N, RW_I32), lambda b: (0, b, 0, 0)),
            pl.BlockSpec((K1B, N, D), lambda b: (b, 0, 0)),
            pl.BlockSpec((K1B, N, 4), lambda b: (b, 0, 0)),
            full((64, 768)), full((1, 768)), full((D, D)),
        ],
        out_specs=[pl.BlockSpec((K1B, 589, 768), lambda b: (b, 0, 0))],
        out_shape=[jax.ShapeDtypeStruct((B, 589, 768), F32)],
    )(x, rows_r, xn, w4, up_W, up_b, p2)[0]


def _perm_const():
    m = np.arange(N)
    t = (m % 14) * 14 + m // 14
    p = np.zeros((N, N), np.float32)
    p[np.arange(N), t] = 1.0
    return jnp.asarray(p)


def _eo_consts():
    s = np.concatenate([np.arange(0, D, 2), np.arange(1, D, 2)])
    pieo = np.zeros((D, D), np.float32)
    pieo[s, np.arange(D)] = 1.0
    p2 = np.zeros((D, D), np.float32)
    p2[np.arange(D), s] = 1.0
    return jnp.asarray(pieo), jnp.asarray(p2)


def _masks_const():
    m = np.arange(N)
    a, c = m // 14, m % 14
    out = np.zeros((N, 16), np.float32)
    for k in range(9):
        dh, dw = k // 3 - 1, k % 3 - 1
        out[:, k] = ((a + dh >= 0) & (a + dh < 14)
                     & (c + dw >= 0) & (c + dw < 14)).astype(np.float32)
    return jnp.asarray(out)


def kernel(x, VP, Cd_W, Cd_b, Gd_W, Gd_b, VPl_W, VPl_b, up_W, up_b,
           peer_gamma, peer_gate_gamma, q_W, keys, down_emb, up_emb,
           vb_Wvp, vb_Wg, vb_Wc, eca_w):
    keys_r = jnp.transpose(keys, (2, 0, 1, 3))
    keys_r = jnp.transpose(keys_r, (0, 1, 3, 2)).reshape(4, 64, NKEY)
    Wg_r = jnp.transpose(vb_Wg, (2, 3, 1, 0)).reshape(9, 128, 64)
    Wvp_r = jnp.transpose(vb_Wvp, (2, 3, 1, 0)).reshape(9, 64, 64)
    Wc_r = jnp.transpose(vb_Wc, (2, 3, 1, 0)).reshape(9, 128, 64)
    table = jnp.concatenate([down_emb, up_emb], axis=1).astype(BF)
    table = jnp.pad(table, ((0, 0), (0, 2 * RW_I32 - ROW_W)))
    table = lax.bitcast_convert_type(
        table.reshape(NEXP, RW_I32, 2), jnp.int32)
    eca3 = eca_w.reshape(3)

    pieo, p2 = _eo_consts()
    gate, xn, idx8, w4 = _run_k1(
        x, VP, Cd_W, Cd_b.reshape(1, 64), Gd_W, Gd_b.reshape(1, 64),
        VPl_W, VPl_b.reshape(1, 64), q_W, keys_r,
        peer_gamma.reshape(1, D), peer_gate_gamma.reshape(1, 128), pieo)

    idx_flat = jnp.transpose(idx8.reshape(B * N, 4), (1, 0)).reshape(-1)
    vp_out = _run_k2(gate, VP, Wg_r, Wvp_r, Wc_r,
                     _perm_const(), _masks_const(), eca3)
    rows = _sc_gather(table, idx_flat)
    rows_r = rows.reshape(4, B, N, RW_I32)
    x_out = _run_k3(x, rows_r, xn, w4, up_W, up_b.reshape(1, 768), p2)
    return (x_out, vp_out)

# --- scband reference (transcript-rebuilt; emitter-appended) ---
"""Pipeline reference for scband-peer-adaptor-vp-90340342104132 (READ-ONLY COPY).

The authoritative reference and input builder live on the scoring server;
editing this copy changes nothing except your own understanding.
"""

import jax, jax.numpy as jnp
import numpy as np
from jax import lax


def _rmsnorm(x, gamma):
    n = jnp.maximum(jnp.linalg.norm(x, axis=-1, keepdims=True), 1e-12)
    return x / n * gamma * (x.shape[-1] ** 0.5)


def _quick_gelu(x):
    return x * jax.nn.sigmoid(1.702 * x)


def _conv2d_cd(x, W, theta=0.7):
    dn = ('NCHW', 'OIHW', 'NCHW')
    out = lax.conv_general_dilated(x, W, (1, 1), [(1, 1), (1, 1)], dimension_numbers=dn)
    kd = W.sum(axis=(2, 3))[:, :, None, None]
    out_diff = lax.conv_general_dilated(x, kd, (1, 1), [(0, 0), (0, 0)], dimension_numbers=dn)
    return out - theta * out_diff


def _eca(x, w):
    y = x.mean(axis=(2, 3))
    y = lax.conv_general_dilated(y[:, None, :], w, (1,), [(1, 1)], dimension_numbers=('NCH', 'OIH', 'NCH'))
    y = jax.nn.sigmoid(y)[:, 0, :, None, None]
    return x * y


def _peer(x, gate_in, gamma, gamma_g, q_W, keys, down_emb, up_emb):
    b, n, _ = x.shape
    xn = _rmsnorm(x, gamma)
    gate = _rmsnorm(gate_in, gamma_g)
    q = (gate @ q_W).reshape(b, n, 2, 2, 64).transpose(2, 0, 1, 3, 4)
    sim = jnp.einsum('pbnhd,hkpd->pbnhk', q, keys)
    sx, ix = lax.top_k(sim[0], 2)
    sy, iy = lax.top_k(sim[1], 2)
    all_s = (sx[..., :, None] + sy[..., None, :]).reshape(b, n, 2, 4)
    all_i = (ix[..., :, None] * 40 + iy[..., None, :]).reshape(b, n, 2, 4)
    scores, pk = lax.top_k(all_s, 2)
    indices = jnp.take_along_axis(all_i, pk, axis=-1)
    wd = jnp.take(down_emb, indices, axis=0)
    wu = jnp.take(up_emb, indices, axis=0)
    h = jnp.einsum('bnd,bnhkd->bnhk', xn, wd)
    h = jax.nn.gelu(h, approximate=False)
    h = h * jax.nn.softmax(scores, axis=-1)
    return jnp.einsum('bnhk,bnhkd->bnd', h, wu)


def _vp_block(VP, gate, Wvp, Wg, Wc, eca_w):
    b, l, d = gate.shape
    g = jnp.transpose(gate.reshape(b, 14, 14, d), (0, 3, 2, 1))
    g = _quick_gelu(_conv2d_cd(g, Wg))
    v = jnp.transpose(VP.reshape(b, 14, 14, 64), (0, 3, 2, 1))
    v = _quick_gelu(_conv2d_cd(v, Wvp))
    v = jnp.concatenate([v, g], axis=1)
    v = _eca(v, eca_w)
    v = _quick_gelu(_conv2d_cd(v, Wc))
    return jnp.transpose(v.reshape(b, 64, 196), (0, 2, 1))


def setup_inputs(seed: int = 0) -> dict:
    key = jax.random.key(seed)
    ks = jax.random.split(key, 16)
    b = 64
    s = 0.02
    inp = {
        'x': jax.random.normal(ks[0], (b, 589, 768), dtype=jnp.float32),
        'VP': jax.random.normal(ks[1], (b, 196, 64), dtype=jnp.float32),
        'Cd_W': jax.random.normal(ks[2], (768, 64), dtype=jnp.float32) * s,
        'Cd_b': jnp.zeros((64,), dtype=jnp.float32),
        'Gd_W': jax.random.normal(ks[3], (192, 64), dtype=jnp.float32) * s,
        'Gd_b': jnp.zeros((64,), dtype=jnp.float32),
        'VPl_W': jax.random.normal(ks[4], (64, 64), dtype=jnp.float32) * s,
        'VPl_b': jnp.zeros((64,), dtype=jnp.float32),
        'up_W': jax.random.normal(ks[5], (64, 768), dtype=jnp.float32) * s,
        'up_b': jnp.zeros((768,), dtype=jnp.float32),
        'peer_gamma': jnp.ones((192,), dtype=jnp.float32),
        'peer_gate_gamma': jnp.ones((128,), dtype=jnp.float32),
        'q_W': jax.random.normal(ks[6], (128, 256), dtype=jnp.float32) * s,
        'keys': jax.random.normal(ks[7], (2, 40, 2, 64), dtype=jnp.float32) * s,
        'down_emb': jax.random.normal(ks[8], (1600, 192), dtype=jnp.float32) * s,
        'up_emb': jax.random.normal(ks[9], (1600, 192), dtype=jnp.float32) * s,
        'vb_Wvp': jax.random.normal(ks[10], (64, 64, 3, 3), dtype=jnp.float32) * s,
        'vb_Wg': jax.random.normal(ks[11], (64, 128, 3, 3), dtype=jnp.float32) * s,
        'vb_Wc': jax.random.normal(ks[12], (64, 128, 3, 3), dtype=jnp.float32) * s,
        'eca_w': jax.random.normal(ks[13], (1, 1, 3), dtype=jnp.float32) * s,
    }
    return inp


def reference(x, VP, Cd_W, Cd_b, Gd_W, Gd_b, VPl_W, VPl_b, up_W, up_b,
              peer_gamma, peer_gate_gamma, q_W, keys, down_emb, up_emb,
              vb_Wvp, vb_Wg, vb_Wc, eca_w):
    b = x.shape[0]
    cls = x[:, :1]
    C = x[:, 1:589]
    Cd = C @ Cd_W + Cd_b
    Cm = Cd.reshape(b, 3, 196, 64).transpose(0, 2, 1, 3).reshape(b, 196, 192)
    G = Cm @ Gd_W + Gd_b
    VPd = VP @ VPl_W + VPl_b
    gate = jnp.concatenate([G, VPd], axis=-1)
    out = _peer(Cm, gate, peer_gamma, peer_gate_gamma, q_W, keys, down_emb, up_emb)
    out = _quick_gelu(out)
    out = out.reshape(b, 196, 3, 64).transpose(0, 2, 1, 3).reshape(b, 588, 64)
    out = out @ up_W + up_b
    x_out = jnp.concatenate([cls, C + out], axis=1)
    VP_out = _vp_block(VP, gate, vb_Wvp, vb_Wg, vb_Wc, eca_w)
    return (x_out, VP_out)

if __name__ == "__main__":
    import jax
    _d = setup_inputs()
    print(jax.jit(kernel)(*tuple(_d.values())))

</pallas_src>

<mosaic_0001>
#map = affine_map<(d0, d1) -> (0, 0)>
#map1 = affine_map<(d0, d1) -> (0)>
module attributes {stable_mosaic.version = 14 : i64} {
  func.func @_sc_gather_body(%arg0: i32, %arg1: i32, %arg2: memref<1600x256xi32, #tpu.memory_space<hbm>>, %arg3: memref<50176xi32, #tpu.memory_space<hbm>>, %arg4: memref<50176x256xi32, #tpu.memory_space<hbm>>, %arg5: memref<112xi32, #tpu.memory_space<vmem>>, %arg6: memref<112x256xi32, #tpu.memory_space<vmem>>, %arg7: memref<112xi32, #tpu.memory_space<vmem>>, %arg8: memref<112x256xi32, #tpu.memory_space<vmem>>, %arg9: memref<112xi32, #tpu.memory_space<vmem>>, %arg10: memref<112x256xi32, #tpu.memory_space<vmem>>, %arg11: memref<112xi32, #tpu.memory_space<vmem>>, %arg12: memref<112x256xi32, #tpu.memory_space<vmem>>, %arg13: memref<!tpu.dma_semaphore, #tpu.memory_space<semaphore_mem>>, %arg14: memref<!tpu.dma_semaphore, #tpu.memory_space<semaphore_mem>>, %arg15: memref<!tpu.dma_semaphore, #tpu.memory_space<semaphore_mem>>, %arg16: memref<!tpu.dma_semaphore, #tpu.memory_space<semaphore_mem>>) attributes {dimension_semantics = [#tpu.dimension_semantics<core_parallel>, #tpu.dimension_semantics<subcore_parallel>], iteration_bounds = array<i64: 2, 16>, scalar_prefetch = 0 : i64, scratch_operands = 12 : i64, tpu.core_type = #tpu.core_type<sc_vector_subcore>, window_params = [{transform_indices = #map}, {transform_indices = #map1}, {transform_indices = #map}]} {
    %mul3A = arith.constant 2 : i32
    %mul3A_0 = arith.muli %arg1, %mul3A : i32
    %add3A = arith.addi %mul3A_0, %arg0 : i32
    %mul3A_1 = arith.constant 1568 : i32
    %mul3A_2 = arith.muli %add3A, %mul3A_1 : i32
    %add3A_3 = arith.constant 0 : i32
    %add3A_4 = arith.addi %mul3A_2, %add3A_3 : i32
    "tpu.region"() ({
      %run_scoped3A = tpu.sem_alloc : memref<!tpu.dma_semaphore, #tpu.memory_space<semaphore_mem>>
      %dma_start3A_141 = tpu.memref_slice %arg3[%add3A_4] : memref<50176xi32, #tpu.memory_space<hbm>> -> memref<112xi32, #tpu.memory_space<hbm>>
      %dma_start3A_142 = tpu.memref_slice %arg3[%add3A_4] : memref<50176xi32, #tpu.memory_space<hbm>> -> memref<112xi32, #tpu.memory_space<hbm>>
      tpu.enqueue_dma source(%dma_start3A_142 : memref<112xi32, #tpu.memory_space<hbm>>) target(%arg5 : memref<112xi32, #tpu.memory_space<vmem>>) target_semaphore(%run_scoped3A : memref<!tpu.dma_semaphore, #tpu.memory_space<semaphore_mem>>)
      %dma_wait3A_143 = tpu.memref_slice %arg3[%add3A_4] : memref<50176xi32, #tpu.memory_space<hbm>> -> memref<112xi32, #tpu.memory_space<hbm>>
      %dma_wait3A_144 = tpu.memref_slice %arg3[%add3A_4] : memref<50176xi32, #tpu.memory_space<hbm>> -> memref<112xi32, #tpu.memory_space<hbm>>
      tpu.wait_dma2 semaphore(%run_scoped3A : memref<!tpu.dma_semaphore, #tpu.memory_space<semaphore_mem>>) src(%dma_wait3A_144 : memref<112xi32, #tpu.memory_space<hbm>>) dst(%arg5 : memref<112xi32, #tpu.memory_space<vmem>>)
      tpu.yield
    }) : () -> ()
    %dma_start3A = arith.constant 0 : i32
    %dma_start3A_5 = arith.constant 0 : i32
    %dma_start3A_6 = tpu.memref_slice %arg2[%dma_start3A, %dma_start3A_5] : memref<1600x256xi32, #tpu.memory_space<hbm>> -> memref<1600x256xi32, #tpu.memory_space<hbm>>
    tpu.enqueue_indirect_dma source(%dma_start3A_6 : memref<1600x256xi32, #tpu.memory_space<hbm>>) target(%arg6 : memref<112x256xi32, #tpu.memory_space<vmem>>) offsets(%arg5 : memref<112xi32, #tpu.memory_space<vmem>>) semaphore(%arg13 : memref<!tpu.dma_semaphore, #tpu.memory_space<semaphore_mem>>)
    %add3A_7 = arith.constant 112 : i32
    %add3A_8 = arith.addi %mul3A_2, %add3A_7 : i32
    "tpu.region"() ({
      %run_scoped3A = tpu.sem_alloc : memref<!tpu.dma_semaphore, #tpu.memory_space<semaphore_mem>>
      %dma_start3A_141 = tpu.memref_slice %arg3[%add3A_8] : memref<50176xi32, #tpu.memory_space<hbm>> -> memref<112xi32, #tpu.memory_space<hbm>>
      %dma_start3A_142 = tpu.memref_slice %arg3[%add3A_8] : memref<50176xi32, #tpu.memory_space<hbm>> -> memref<112xi32, #tpu.memory_space<hbm>>
      tpu.enqueue_dma source(%dma_start3A_142 : memref<112xi32, #tpu.memory_space<hbm>>) target(%arg7 : memref<112xi32, #tpu.memory_space<vmem>>) target_semaphore(%run_scoped3A : memref<!tpu.dma_semaphore, #tpu.memory_space<semaphore_mem>>)
      %dma_wait3A_143 = tpu.memref_slice %arg3[%add3A_8] : memref<50176xi32, #tpu.memory_space<hbm>> -> memref<112xi32, #tpu.memory_space<hbm>>
      %dma_wait3A_144 = tpu.memref_slice %arg3[%add3A_8] : memref<50176xi32, #tpu.memory_space<hbm>> -> memref<112xi32, #tpu.memory_space<hbm>>
      tpu.wait_dma2 semaphore(%run_scoped3A : memref<!tpu.dma_semaphore, #tpu.memory_space<semaphore_mem>>) src(%dma_wait3A_144 : memref<112xi32, #tpu.memory_space<hbm>>) dst(%arg7 : memref<112xi32, #tpu.memory_space<vmem>>)
      tpu.yield
    }) : () -> ()
    %dma_start3A_9 = arith.constant 0 : i32
    %dma_start3A_10 = arith.constant 0 : i32
    %dma_start3A_11 = tpu.memref_slice %arg2[%dma_start3A_9, %dma_start3A_10] : memref<1600x256xi32, #tpu.memory_space<hbm>> -> memref<1600x256xi32, #tpu.memory_space<hbm>>
    tpu.enqueue_indirect_dma source(%dma_start3A_11 : memref<1600x256xi32, #tpu.memory_space<hbm>>) target(%arg8 : memref<112x256xi32, #tpu.memory_space<vmem>>) offsets(%arg7 : memref<112xi32, #tpu.memory_space<vmem>>) semaphore(%arg14 : memref<!tpu.dma_semaphore, #tpu.memory_space<semaphore_mem>>)
    %add3A_12 = arith.constant 224 : i32
    %add3A_13 = arith.addi %mul3A_2, %add3A_12 : i32
    "tpu.region"() ({
      %run_scoped3A = tpu.sem_alloc : memref<!tpu.dma_semaphore, #tpu.memory_space<semaphore_mem>>
      %dma_start3A_141 = tpu.memref_slice %arg3[%add3A_13] : memref<50176xi32, #tpu.memory_space<hbm>> -> memref<112xi32, #tpu.memory_space<hbm>>
      %dma_start3A_142 = tpu.memref_slice %arg3[%add3A_13] : memref<50176xi32, #tpu.memory_space<hbm>> -> memref<112xi32, #tpu.memory_space<hbm>>
      tpu.enqueue_dma source(%dma_start3A_142 : memref<112xi32, #tpu.memory_space<hbm>>) target(%arg9 : memref<112xi32, #tpu.memory_space<vmem>>) target_semaphore(%run_scoped3A : memref<!tpu.dma_semaphore, #tpu.memory_space<semaphore_mem>>)
      %dma_wait3A_143 = tpu.memref_slice %arg3[%add3A_13] : memref<50176xi32, #tpu.memory_space<hbm>> -> memref<112xi32, #tpu.memory_space<hbm>>
      %dma_wait3A_144 = tpu.memref_slice %arg3[%add3A_13] : memref<50176xi32, #tpu.memory_space<hbm>> -> memref<112xi32, #tpu.memory_space<hbm>>
      tpu.wait_dma2 semaphore(%run_scoped3A : memref<!tpu.dma_semaphore, #tpu.memory_space<semaphore_mem>>) src(%dma_wait3A_144 : memref<112xi32, #tpu.memory_space<hbm>>) dst(%arg9 : memref<112xi32, #tpu.memory_space<vmem>>)
      tpu.yield
    }) : () -> ()
    %dma_start3A_14 = arith.constant 0 : i32
    %dma_start3A_15 = arith.constant 0 : i32
    %dma_start3A_16 = tpu.memref_slice %arg2[%dma_start3A_14, %dma_start3A_15] : memref<1600x256xi32, #tpu.memory_space<hbm>> -> memref<1600x256xi32, #tpu.memory_space<hbm>>
    tpu.enqueue_indirect_dma source(%dma_start3A_16 : memref<1600x256xi32, #tpu.memory_space<hbm>>) target(%arg10 : memref<112x256xi32, #tpu.memory_space<vmem>>) offsets(%arg9 : memref<112xi32, #tpu.memory_space<vmem>>) semaphore(%arg15 : memref<!tpu.dma_semaphore, #tpu.memory_space<semaphore_mem>>)
    %add3A_17 = arith.constant 336 : i32
    %add3A_18 = arith.addi %mul3A_2, %add3A_17 : i32
    "tpu.region"() ({
      %run_scoped3A = tpu.sem_alloc : memref<!tpu.dma_semaphore, #tpu.memory_space<semaphore_mem>>
      %dma_start3A_141 = tpu.memref_slice %arg3[%add3A_18] : memref<50176xi32, #tpu.memory_space<hbm>> -> memref<112xi32, #tpu.memory_space<hbm>>
      %dma_start3A_142 = tpu.memref_slice %arg3[%add3A_18] : memref<50176xi32, #tpu.memory_space<hbm>> -> memref<112xi32, #tpu.memory_space<hbm>>
      tpu.enqueue_dma source(%dma_start3A_142 : memref<112xi32, #tpu.memory_space<hbm>>) target(%arg11 : memref<112xi32, #tpu.memory_space<vmem>>) target_semaphore(%run_scoped3A : memref<!tpu.dma_semaphore, #tpu.memory_space<semaphore_mem>>)
      %dma_wait3A_143 = tpu.memref_slice %arg3[%add3A_18] : memref<50176xi32, #tpu.memory_space<hbm>> -> memref<112xi32, #tpu.memory_space<hbm>>
      %dma_wait3A_144 = tpu.memref_slice %arg3[%add3A_18] : memref<50176xi32, #tpu.memory_space<hbm>> -> memref<112xi32, #tpu.memory_space<hbm>>
      tpu.wait_dma2 semaphore(%run_scoped3A : memref<!tpu.dma_semaphore, #tpu.memory_space<semaphore_mem>>) src(%dma_wait3A_144 : memref<112xi32, #tpu.memory_space<hbm>>) dst(%arg11 : memref<112xi32, #tpu.memory_space<vmem>>)
      tpu.yield
    }) : () -> ()
    %dma_start3A_19 = arith.constant 0 : i32
    %dma_start3A_20 = arith.constant 0 : i32
    %dma_start3A_21 = tpu.memref_slice %arg2[%dma_start3A_19, %dma_start3A_20] : memref<1600x256xi32, #tpu.memory_space<hbm>> -> memref<1600x256xi32, #tpu.memory_space<hbm>>
    tpu.enqueue_indirect_dma source(%dma_start3A_21 : memref<1600x256xi32, #tpu.memory_space<hbm>>) target(%arg12 : memref<112x256xi32, #tpu.memory_space<vmem>>) offsets(%arg11 : memref<112xi32, #tpu.memory_space<vmem>>) semaphore(%arg16 : memref<!tpu.dma_semaphore, #tpu.memory_space<semaphore_mem>>)
    %dma_wait3A = arith.constant 0 : i32
    %dma_wait3A_22 = arith.constant 0 : i32
    %dma_wait3A_23 = tpu.memref_slice %arg2[%dma_wait3A, %dma_wait3A_22] : memref<1600x256xi32, #tpu.memory_space<hbm>> -> memref<1600x256xi32, #tpu.memory_space<hbm>>
    tpu.wait_indirect_dma semaphore(%arg13 : memref<!tpu.dma_semaphore, #tpu.memory_space<semaphore_mem>>) src(%dma_wait3A_23 : memref<1600x256xi32, #tpu.memory_space<hbm>>) dst(%arg6 : memref<112x256xi32, #tpu.memory_space<vmem>>)
    %add3A_24 = arith.constant 0 : i32
    %add3A_25 = arith.addi %mul3A_2, %add3A_24 : i32
    "tpu.region"() ({
      %run_scoped3A = tpu.sem_alloc : memref<!tpu.dma_semaphore, #tpu.memory_space<semaphore_mem>>
      %dma_start3A_141 = arith.constant 0 : i32
      %dma_start3A_142 = tpu.memref_slice %arg4[%add3A_25, %dma_start3A_141] : memref<50176x256xi32, #tpu.memory_space<hbm>> -> memref<112x256xi32, #tpu.memory_space<hbm>>
      %dma_start3A_143 = arith.constant 0 : i32
      %dma_start3A_144 = tpu.memref_slice %arg4[%add3A_25, %dma_start3A_143] : memref<50176x256xi32, #tpu.memory_space<hbm>> -> memref<112x256xi32, #tpu.memory_space<hbm>>
      tpu.enqueue_dma source(%arg6 : memref<112x256xi32, #tpu.memory_space<vmem>>) target(%dma_start3A_144 : memref<112x256xi32, #tpu.memory_space<hbm>>) target_semaphore(%run_scoped3A : memref<!tpu.dma_semaphore, #tpu.memory_space<semaphore_mem>>)
      %dma_wait3A_145 = arith.constant 0 : i32
      %dma_wait3A_146 = tpu.memref_slice %arg4[%add3A_25, %dma_wait3A_145] : memref<50176x256xi32, #tpu.memory_space<hbm>> -> memref<112x256xi32, #tpu.memory_space<hbm>>
      %dma_wait3A_147 = arith.constant 0 : i32
      %dma_wait3A_148 = tpu.memref_slice %arg4[%add3A_25, %dma_wait3A_147] : memref<50176x256xi32, #tpu.memory_space<hbm>> -> memref<112x256xi32, #tpu.memory_space<hbm>>
      tpu.wait_dma2 semaphore(%run_scoped3A : memref<!tpu.dma_semaphore, #tpu.memory_space<semaphore_mem>>) src(%arg6 : memref<112x256xi32, #tpu.memory_space<vmem>>) dst(%dma_wait3A_148 : memref<112x256xi32, #tpu.memory_space<hbm>>)
      tpu.yield
    }) : () -> ()
    %add3A_26 = arith.constant 448 : i32
    %add3A_27 = arith.addi %mul3A_2, %add3A_26 : i32
    "tpu.region"() ({
      %run_scoped3A = tpu.sem_alloc : memref<!tpu.dma_semaphore, #tpu.memory_space<semaphore_mem>>
      %dma_start3A_141 = tpu.memref_slice %arg3[%add3A_27] : memref<50176xi32, #tpu.memory_space<hbm>> -> memref<112xi32, #tpu.memory_space<hbm>>
      %dma_start3A_142 = tpu.memref_slice %arg3[%add3A_27] : memref<50176xi32, #tpu.memory_space<hbm>> -> memref<112xi32, #tpu.memory_space<hbm>>
      tpu.enqueue_dma source(%dma_start3A_142 : memref<112xi32, #tpu.memory_space<hbm>>) target(%arg5 : memref<112xi32, #tpu.memory_space<vmem>>) target_semaphore(%run_scoped3A : memref<!tpu.dma_semaphore, #tpu.memory_space<semaphore_mem>>)
      %dma_wait3A_143 = tpu.memref_slice %arg3[%add3A_27] : memref<50176xi32, #tpu.memory_space<hbm>> -> memref<112xi32, #tpu.memory_space<hbm>>
      %dma_wait3A_144 = tpu.memref_slice %arg3[%add3A_27] : memref<50176xi32, #tpu.memory_space<hbm>> -> memref<112xi32, #tpu.memory_space<hbm>>
      tpu.wait_dma2 semaphore(%run_scoped3A : memref<!tpu.dma_semaphore, #tpu.memory_space<semaphore_mem>>) src(%dma_wait3A_144 : memref<112xi32, #tpu.memory_space<hbm>>) dst(%arg5 : memref<112xi32, #tpu.memory_space<vmem>>)
      tpu.yield
    }) : () -> ()
    %dma_start3A_28 = arith.constant 0 : i32
    %dma_start3A_29 = arith.constant 0 : i32
    %dma_start3A_30 = tpu.memref_slice %arg2[%dma_start3A_28, %dma_start3A_29] : memref<1600x256xi32, #tpu.memory_space<hbm>> -> memref<1600x256xi32, #tpu.memory_space<hbm>>
    tpu.enqueue_indirect_dma source(%dma_start3A_30 : memref<1600x256xi32, #tpu.memory_space<hbm>>) target(%arg6 : memref<112x256xi32, #tpu.memory_space<vmem>>) offsets(%arg5 : memref<112xi32, #tpu.memory_space<vmem>>) semaphore(%arg13 : memref<!tpu.dma_semaphore, #tpu.memory_space<semaphore_mem>>)
    %dma_wait3A_31 = arith.constant 0 : i32
    %dma_wait3A_32 = arith.constant 0 : i32
    %dma_wait3A_33 = tpu.memref_slice %arg2[%dma_wait3A_31, %dma_wait3A_32] : memref<1600x256xi32, #tpu.memory_space<hbm>> -> memref<1600x256xi32, #tpu.memory_space<hbm>>
    tpu.wait_indirect_dma semaphore(%arg14 : memref<!tpu.dma_semaphore, #tpu.memory_space<semaphore_mem>>) src(%dma_wait3A_33 : memref<1600x256xi32, #tpu.memory_space<hbm>>) dst(%arg8 : memref<112x256xi32, #tpu.memory_space<vmem>>)
    %add3A_34 = arith.constant 112 : i32
    %add3A_35 = arith.addi %mul3A_2, %add3A_34 : i32
    "tpu.region"() ({
      %run_scoped3A = tpu.sem_alloc : memref<!tpu.dma_semaphore, #tpu.memory_space<semaphore_mem>>
      %dma_start3A_141 = arith.constant 0 : i32
      %dma_start3A_142 = tpu.memref_slice %arg4[%add3A_35, %dma_start3A_141] : memref<50176x256xi32, #tpu.memory_space<hbm>> -> memref<112x256xi32, #tpu.memory_space<hbm>>
      %dma_start3A_143 = arith.constant 0 : i32
      %dma_start3A_144 = tpu.memref_slice %arg4[%add3A_35, %dma_start3A_143] : memref<50176x256xi32, #tpu.memory_space<hbm>> -> memref<112x256xi32, #tpu.memory_space<hbm>>
      tpu.enqueue_dma source(%arg8 : memref<112x256xi32, #tpu.memory_space<vmem>>) target(%dma_start3A_144 : memref<112x256xi32, #tpu.memory_space<hbm>>) target_semaphore(%run_scoped3A : memref<!tpu.dma_semaphore, #tpu.memory_space<semaphore_mem>>)
      %dma_wait3A_145 = arith.constant 0 : i32
      %dma_wait3A_146 = tpu.memref_slice %arg4[%add3A_35, %dma_wait3A_145] : memref<50176x256xi32, #tpu.memory_space<hbm>> -> memref<112x256xi32, #tpu.memory_space<hbm>>
      %dma_wait3A_147 = arith.constant 0 : i32
      %dma_wait3A_148 = tpu.memref_slice %arg4[%add3A_35, %dma_wait3A_147] : memref<50176x256xi32, #tpu.memory_space<hbm>> -> memref<112x256xi32, #tpu.memory_space<hbm>>
      tpu.wait_dma2 semaphore(%run_scoped3A : memref<!tpu.dma_semaphore, #tpu.memory_space<semaphore_mem>>) src(%arg8 : memref<112x256xi32, #tpu.memory_space<vmem>>) dst(%dma_wait3A_148 : memref<112x256xi32, #tpu.memory_space<hbm>>)
      tpu.yield
    }) : () -> ()
    %add3A_36 = arith.constant 560 : i32
    %add3A_37 = arith.addi %mul3A_2, %add3A_36 : i32
    "tpu.region"() ({
      %run_scoped3A = tpu.sem_alloc : memref<!tpu.dma_semaphore, #tpu.memory_space<semaphore_mem>>
      %dma_start3A_141 = tpu.memref_slice %arg3[%add3A_37] : memref<50176xi32, #tpu.memory_space<hbm>> -> memref<112xi32, #tpu.memory_space<hbm>>
      %dma_start3A_142 = tpu.memref_slice %arg3[%add3A_37] : memref<50176xi32, #tpu.memory_space<hbm>> -> memref<112xi32, #tpu.memory_space<hbm>>
      tpu.enqueue_dma source(%dma_start3A_142 : memref<112xi32, #tpu.memory_space<hbm>>) target(%arg7 : memref<112xi32, #tpu.memory_space<vmem>>) target_semaphore(%run_scoped3A : memref<!tpu.dma_semaphore, #tpu.memory_space<semaphore_mem>>)
      %dma_wait3A_143 = tpu.memref_slice %arg3[%add3A_37] : memref<50176xi32, #tpu.memory_space<hbm>> -> memref<112xi32, #tpu.memory_space<hbm>>
      %dma_wait3A_144 = tpu.memref_slice %arg3[%add3A_37] : memref<50176xi32, #tpu.memory_space<hbm>> -> memref<112xi32, #tpu.memory_space<hbm>>
      tpu.wait_dma2 semaphore(%run_scoped3A : memref<!tpu.dma_semaphore, #tpu.memory_space<semaphore_mem>>) src(%dma_wait3A_144 : memref<112xi32, #tpu.memory_space<hbm>>) dst(%arg7 : memref<112xi32, #tpu.memory_space<vmem>>)
      tpu.yield
    }) : () -> ()
    %dma_start3A_38 = arith.constant 0 : i32
    %dma_start3A_39 = arith.constant 0 : i32
    %dma_start3A_40 = tpu.memref_slice %arg2[%dma_start3A_38, %dma_start3A_39] : memref<1600x256xi32, #tpu.memory_space<hbm>> -> memref<1600x256xi32, #tpu.memory_space<hbm>>
    tpu.enqueue_indirect_dma source(%dma_start3A_40 : memref<1600x256xi32, #tpu.memory_space<hbm>>) target(%arg8 : memref<112x256xi32, #tpu.memory_space<vmem>>) offsets(%arg7 : memref<112xi32, #tpu.memory_space<vmem>>) semaphore(%arg14 : memref<!tpu.dma_semaphore, #tpu.memory_space<semaphore_mem>>)
    %dma_wait3A_41 = arith.constant 0 : i32
    %dma_wait3A_42 = arith.constant 0 : i32
    %dma_wait3A_43 = tpu.memref_slice %arg2[%dma_wait3A_41, %dma_wait3A_42] : memref<1600x256xi32, #tpu.memory_space<hbm>> -> memref<1600x256xi32, #tpu.memory_space<hbm>>
    tpu.wait_indirect_dma semaphore(%arg15 : memref<!tpu.dma_semaphore, #tpu.memory_space<semaphore_mem>>) src(%dma_wait3A_43 : memref<1600x256xi32, #tpu.memory_space<hbm>>) dst(%arg10 : memref<112x256xi32, #tpu.memory_space<vmem>>)
    %add3A_44 = arith.constant 224 : i32
    %add3A_45 = arith.addi %mul3A_2, %add3A_44 : i32
    "tpu.region"() ({
      %run_scoped3A = tpu.sem_alloc : memref<!tpu.dma_semaphore, #tpu.memory_space<semaphore_mem>>
      %dma_start3A_141 = arith.constant 0 : i32
      %dma_start3A_142 = tpu.memref_slice %arg4[%add3A_45, %dma_start3A_141] : memref<50176x256xi32, #tpu.memory_space<hbm>> -> memref<112x256xi32, #tpu.memory_space<hbm>>
      %dma_start3A_143 = arith.constant 0 : i32
      %dma_start3A_144 = tpu.memref_slice %arg4[%add3A_45, %dma_start3A_143] : memref<50176x256xi32, #tpu.memory_space<hbm>> -> memref<112x256xi32, #tpu.memory_space<hbm>>
      tpu.enqueue_dma source(%arg10 : memref<112x256xi32, #tpu.memory_space<vmem>>) target(%dma_start3A_144 : memref<112x256xi32, #tpu.memory_space<hbm>>) target_semaphore(%run_scoped3A : memref<!tpu.dma_semaphore, #tpu.memory_space<semaphore_mem>>)
      %dma_wait3A_145 = arith.constant 0 : i32
      %dma_wait3A_146 = tpu.memref_slice %arg4[%add3A_45, %dma_wait3A_145] : memref<50176x256xi32, #tpu.memory_space<hbm>> -> memref<112x256xi32, #tpu.memory_space<hbm>>
      %dma_wait3A_147 = arith.constant 0 : i32
      %dma_wait3A_148 = tpu.memref_slice %arg4[%add3A_45, %dma_wait3A_147] : memref<50176x256xi32, #tpu.memory_space<hbm>> -> memref<112x256xi32, #tpu.memory_space<hbm>>
      tpu.wait_dma2 semaphore(%run_scoped3A : memref<!tpu.dma_semaphore, #tpu.memory_space<semaphore_mem>>) src(%arg10 : memref<112x256xi32, #tpu.memory_space<vmem>>) dst(%dma_wait3A_148 : memref<112x256xi32, #tpu.memory_space<hbm>>)
      tpu.yield
    }) : () -> ()
    %add3A_46 = arith.constant 672 : i32
    %add3A_47 = arith.addi %mul3A_2, %add3A_46 : i32
    "tpu.region"() ({
      %run_scoped3A = tpu.sem_alloc : memref<!tpu.dma_semaphore, #tpu.memory_space<semaphore_mem>>
      %dma_start3A_141 = tpu.memref_slice %arg3[%add3A_47] : memref<50176xi32, #tpu.memory_space<hbm>> -> memref<112xi32, #tpu.memory_space<hbm>>
      %dma_start3A_142 = tpu.memref_slice %arg3[%add3A_47] : memref<50176xi32, #tpu.memory_space<hbm>> -> memref<112xi32, #tpu.memory_space<hbm>>
      tpu.enqueue_dma source(%dma_start3A_142 : memref<112xi32, #tpu.memory_space<hbm>>) target(%arg9 : memref<112xi32, #tpu.memory_space<vmem>>) target_semaphore(%run_scoped3A : memref<!tpu.dma_semaphore, #tpu.memory_space<semaphore_mem>>)
      %dma_wait3A_143 = tpu.memref_slice %arg3[%add3A_47] : memref<50176xi32, #tpu.memory_space<hbm>> -> memref<112xi32, #tpu.memory_space<hbm>>
      %dma_wait3A_144 = tpu.memref_slice %arg3[%add3A_47] : memref<50176xi32, #tpu.memory_space<hbm>> -> memref<112xi32, #tpu.memory_space<hbm>>
      tpu.wait_dma2 semaphore(%run_scoped3A : memref<!tpu.dma_semaphore, #tpu.memory_space<semaphore_mem>>) src(%dma_wait3A_144 : memref<112xi32, #tpu.memory_space<hbm>>) dst(%arg9 : memref<112xi32, #tpu.memory_space<vmem>>)
      tpu.yield
    }) : () -> ()
    %dma_start3A_48 = arith.constant 0 : i32
    %dma_start3A_49 = arith.constant 0 : i32
    %dma_start3A_50 = tpu.memref_slice %arg2[%dma_start3A_48, %dma_start3A_49] : memref<1600x256xi32, #tpu.memory_space<hbm>> -> memref<1600x256xi32, #tpu.memory_space<hbm>>
    tpu.enqueue_indirect_dma source(%dma_start3A_50 : memref<1600x256xi32, #tpu.memory_space<hbm>>) target(%arg10 : memref<112x256xi32, #tpu.memory_space<vmem>>) offsets(%arg9 : memref<112xi32, #tpu.memory_space<vmem>>) semaphore(%arg15 : memref<!tpu.dma_semaphore, #tpu.memory_space<semaphore_mem>>)
    %dma_wait3A_51 = arith.constant 0 : i32
    %dma_wait3A_52 = arith.constant 0 : i32
    %dma_wait3A_53 = tpu.memref_slice %arg2[%dma_wait3A_51, %dma_wait3A_52] : memref<1600x256xi32, #tpu.memory_space<hbm>> -> memref<1600x256xi32, #tpu.memory_space<hbm>>
    tpu.wait_indirect_dma semaphore(%arg16 : memref<!tpu.dma_semaphore, #tpu.memory_space<semaphore_mem>>) src(%dma_wait3A_53 : memref<1600x256xi32, #tpu.memory_space<hbm>>) dst(%arg12 : memref<112x256xi32, #tpu.memory_space<vmem>>)
    %add3A_54 = arith.constant 336 : i32
    %add3A_55 = arith.addi %mul3A_2, %add3A_54 : i32
    "tpu.region"() ({
      %run_scoped3A = tpu.sem_alloc : memref<!tpu.dma_semaphore, #tpu.memory_space<semaphore_mem>>
      %dma_start3A_141 = arith.constant 0 : i32
      %dma_start3A_142 = tpu.memref_slice %arg4[%add3A_55, %dma_start3A_141] : memref<50176x256xi32, #tpu.memory_space<hbm>> -> memref<112x256xi32, #tpu.memory_space<hbm>>
      %dma_start3A_143 = arith.constant 0 : i32
      %dma_start3A_144 = tpu.memref_slice %arg4[%add3A_55, %dma_start3A_143] : memref<50176x256xi32, #tpu.memory_space<hbm>> -> memref<112x256xi32, #tpu.memory_space<hbm>>
      tpu.enqueue_dma source(%arg12 : memref<112x256xi32, #tpu.memory_space<vmem>>) target(%dma_start3A_144 : memref<112x256xi32, #tpu.memory_space<hbm>>) target_semaphore(%run_scoped3A : memref<!tpu.dma_semaphore, #tpu.memory_space<semaphore_mem>>)
      %dma_wait3A_145 = arith.constant 0 : i32
      %dma_wait3A_146 = tpu.memref_slice %arg4[%add3A_55, %dma_wait3A_145] : memref<50176x256xi32, #tpu.memory_space<hbm>> -> memref<112x256xi32, #tpu.memory_space<hbm>>
      %dma_wait3A_147 = arith.constant 0 : i32
      %dma_wait3A_148 = tpu.memref_slice %arg4[%add3A_55, %dma_wait3A_147] : memref<50176x256xi32, #tpu.memory_space<hbm>> -> memref<112x256xi32, #tpu.memory_space<hbm>>
      tpu.wait_dma2 semaphore(%run_scoped3A : memref<!tpu.dma_semaphore, #tpu.memory_space<semaphore_mem>>) src(%arg12 : memref<112x256xi32, #tpu.memory_space<vmem>>) dst(%dma_wait3A_148 : memref<112x256xi32, #tpu.memory_space<hbm>>)
      tpu.yield
    }) : () -> ()
    %add3A_56 = arith.constant 784 : i32
    %add3A_57 = arith.addi %mul3A_2, %add3A_56 : i32
    "tpu.region"() ({
      %run_scoped3A = tpu.sem_alloc : memref<!tpu.dma_semaphore, #tpu.memory_space<semaphore_mem>>
      %dma_start3A_141 = tpu.memref_slice %arg3[%add3A_57] : memref<50176xi32, #tpu.memory_space<hbm>> -> memref<112xi32, #tpu.memory_space<hbm>>
      %dma_start3A_142 = tpu.memref_slice %arg3[%add3A_57] : memref<50176xi32, #tpu.memory_space<hbm>> -> memref<112xi32, #tpu.memory_space<hbm>>
      tpu.enqueue_dma source(%dma_start3A_142 : memref<112xi32, #tpu.memory_space<hbm>>) target(%arg11 : memref<112xi32, #tpu.memory_space<vmem>>) target_semaphore(%run_scoped3A : memref<!tpu.dma_semaphore, #tpu.memory_space<semaphore_mem>>)
      %dma_wait3A_143 = tpu.memref_slice %arg3[%add3A_57] : memref<50176xi32, #tpu.memory_space<hbm>> -> memref<112xi32, #tpu.memory_space<hbm>>
      %dma_wait3A_144 = tpu.memref_slice %arg3[%add3A_57] : memref<50176xi32, #tpu.memory_space<hbm>> -> memref<112xi32, #tpu.memory_space<hbm>>
      tpu.wait_dma2 semaphore(%run_scoped3A : memref<!tpu.dma_semaphore, #tpu.memory_space<semaphore_mem>>) src(%dma_wait3A_144 : memref<112xi32, #tpu.memory_space<hbm>>) dst(%arg11 : memref<112xi32, #tpu.memory_space<vmem>>)
      tpu.yield
    }) : () -> ()
    %dma_start3A_58 = arith.constant 0 : i32
    %dma_start3A_59 = arith.constant 0 : i32
    %dma_start3A_60 = tpu.memref_slice %arg2[%dma_start3A_58, %dma_start3A_59] : memref<1600x256xi32, #tpu.memory_space<hbm>> -> memref<1600x256xi32, #tpu.memory_space<hbm>>
    tpu.enqueue_indirect_dma source(%dma_start3A_60 : memref<1600x256xi32, #tpu.memory_space<hbm>>) target(%arg12 : memref<112x256xi32, #tpu.memory_space<vmem>>) offsets(%arg11 : memref<112xi32, #tpu.memory_space<vmem>>) semaphore(%arg16 : memref<!tpu.dma_semaphore, #tpu.memory_space<semaphore_mem>>)
    %dma_wait3A_61 = arith.constant 0 : i32
    %dma_wait3A_62 = arith.constant 0 : i32
    %dma_wait3A_63 = tpu.memref_slice %arg2[%dma_wait3A_61, %dma_wait3A_62] : memref<1600x256xi32, #tpu.memory_space<hbm>> -> memref<1600x256xi32, #tpu.memory_space<hbm>>
    tpu.wait_indirect_dma semaphore(%arg13 : memref<!tpu.dma_semaphore, #tpu.memory_space<semaphore_mem>>) src(%dma_wait3A_63 : memref<1600x256xi32, #tpu.memory_space<hbm>>) dst(%arg6 : memref<112x256xi32, #tpu.memory_space<vmem>>)
    %add3A_64 = arith.constant 448 : i32
    %add3A_65 = arith.addi %mul3A_2, %add3A_64 : i32
    "tpu.region"() ({
      %run_scoped3A = tpu.sem_alloc : memref<!tpu.dma_semaphore, #tpu.memory_space<semaphore_mem>>
      %dma_start3A_141 = arith.constant 0 : i32
      %dma_start3A_142 = tpu.memref_slice %arg4[%add3A_65, %dma_start3A_141] : memref<50176x256xi32, #tpu.memory_space<hbm>> -> memref<112x256xi32, #tpu.memory_space<hbm>>
      %dma_start3A_143 = arith.constant 0 : i32
      %dma_start3A_144 = tpu.memref_slice %arg4[%add3A_65, %dma_start3A_143] : memref<50176x256xi32, #tpu.memory_space<hbm>> -> memref<112x256xi32, #tpu.memory_space<hbm>>
      tpu.enqueue_dma source(%arg6 : memref<112x256xi32, #tpu.memory_space<vmem>>) target(%dma_start3A_144 : memref<112x256xi32, #tpu.memory_space<hbm>>) target_semaphore(%run_scoped3A : memref<!tpu.dma_semaphore, #tpu.memory_space<semaphore_mem>>)
      %dma_wait3A_145 = arith.constant 0 : i32
      %dma_wait3A_146 = tpu.memref_slice %arg4[%add3A_65, %dma_wait3A_145] : memref<50176x256xi32, #tpu.memory_space<hbm>> -> memref<112x256xi32, #tpu.memory_space<hbm>>
      %dma_wait3A_147 = arith.constant 0 : i32
      %dma_wait3A_148 = tpu.memref_slice %arg4[%add3A_65, %dma_wait3A_147] : memref<50176x256xi32, #tpu.memory_space<hbm>> -> memref<112x256xi32, #tpu.memory_space<hbm>>
      tpu.wait_dma2 semaphore(%run_scoped3A : memref<!tpu.dma_semaphore, #tpu.memory_space<semaphore_mem>>) src(%arg6 : memref<112x256xi32, #tpu.memory_space<vmem>>) dst(%dma_wait3A_148 : memref<112x256xi32, #tpu.memory_space<hbm>>)
      tpu.yield
    }) : () -> ()
    %add3A_66 = arith.constant 896 : i32
    %add3A_67 = arith.addi %mul3A_2, %add3A_66 : i32
    "tpu.region"() ({
      %run_scoped3A = tpu.sem_alloc : memref<!tpu.dma_semaphore, #tpu.memory_space<semaphore_mem>>
      %dma_start3A_141 = tpu.memref_slice %arg3[%add3A_67] : memref<50176xi32, #tpu.memory_space<hbm>> -> memref<112xi32, #tpu.memory_space<hbm>>
      %dma_start3A_142 = tpu.memref_slice %arg3[%add3A_67] : memref<50176xi32, #tpu.memory_space<hbm>> -> memref<112xi32, #tpu.memory_space<hbm>>
      tpu.enqueue_dma source(%dma_start3A_142 : memref<112xi32, #tpu.memory_space<hbm>>) target(%arg5 : memref<112xi32, #tpu.memory_space<vmem>>) target_semaphore(%run_scoped3A : memref<!tpu.dma_semaphore, #tpu.memory_space<semaphore_mem>>)
      %dma_wait3A_143 = tpu.memref_slice %arg3[%add3A_67] : memref<50176xi32, #tpu.memory_space<hbm>> -> memref<112xi32, #tpu.memory_space<hbm>>
      %dma_wait3A_144 = tpu.memref_slice %arg3[%add3A_67] : memref<50176xi32, #tpu.memory_space<hbm>> -> memref<112xi32, #tpu.memory_space<hbm>>
      tpu.wait_dma2 semaphore(%run_scoped3A : memref<!tpu.dma_semaphore, #tpu.memory_space<semaphore_mem>>) src(%dma_wait3A_144 : memref<112xi32, #tpu.memory_space<hbm>>) dst(%arg5 : memref<112xi32, #tpu.memory_space<vmem>>)
      tpu.yield
    }) : () -> ()
    %dma_start3A_68 = arith.constant 0 : i32
    %dma_start3A_69 = arith.constant 0 : i32
    %dma_start3A_70 = tpu.memref_slice %arg2[%dma_start3A_68, %dma_start3A_69] : memref<1600x256xi32, #tpu.memory_space<hbm>> -> memref<1600x256xi32, #tpu.memory_space<hbm>>
    tpu.enqueue_indirect_dma source(%dma_start3A_70 : memref<1600x256xi32, #tpu.memory_space<hbm>>) target(%arg6 : memref<112x256xi32, #tpu.memory_space<vmem>>) offsets(%arg5 : memref<112xi32, #tpu.memory_space<vmem>>) semaphore(%arg13 : memref<!tpu.dma_semaphore, #tpu.memory_space<semaphore_mem>>)
    %dma_wait3A_71 = arith.constant 0 : i32
    %dma_wait3A_72 = arith.constant 0 : i32
    %dma_wait3A_73 = tpu.memref_slice %arg2[%dma_wait3A_71, %dma_wait3A_72] : memref<1600x256xi32, #tpu.memory_space<hbm>> -> memref<1600x256xi32, #tpu.memory_space<hbm>>
    tpu.wait_indirect_dma semaphore(%arg14 : memref<!tpu.dma_semaphore, #tpu.memory_space<semaphore_mem>>) src(%dma_wait3A_73 : memref<1600x256xi32, #tpu.memory_space<hbm>>) dst(%arg8 : memref<112x256xi32, #tpu.memory_space<vmem>>)
    %add3A_74 = arith.constant 560 : i32
    %add3A_75 = arith.addi %mul3A_2, %add3A_74 : i32
    "tpu.region"() ({
      %run_scoped3A = tpu.sem_alloc : memref<!tpu.dma_semaphore, #tpu.memory_space<semaphore_mem>>
      %dma_start3A_141 = arith.constant 0 : i32
      %dma_start3A_142 = tpu.memref_slice %arg4[%add3A_75, %dma_start3A_141] : memref<50176x256xi32, #tpu.memory_space<hbm>> -> memref<112x256xi32, #tpu.memory_space<hbm>>
      %dma_start3A_143 = arith.constant 0 : i32
      %dma_start3A_144 = tpu.memref_slice %arg4[%add3A_75, %dma_start3A_143] : memref<50176x256xi32, #tpu.memory_space<hbm>> -> memref<112x256xi32, #tpu.memory_space<hbm>>
      tpu.enqueue_dma source(%arg8 : memref<112x256xi32, #tpu.memory_space<vmem>>) target(%dma_start3A_144 : memref<112x256xi32, #tpu.memory_space<hbm>>) target_semaphore(%run_scoped3A : memref<!tpu.dma_semaphore, #tpu.memory_space<semaphore_mem>>)
      %dma_wait3A_145 = arith.constant 0 : i32
      %dma_wait3A_146 = tpu.memref_slice %arg4[%add3A_75, %dma_wait3A_145] : memref<50176x256xi32, #tpu.memory_space<hbm>> -> memref<112x256xi32, #tpu.memory_space<hbm>>
      %dma_wait3A_147 = arith.constant 0 : i32
      %dma_wait3A_148 = tpu.memref_slice %arg4[%add3A_75, %dma_wait3A_147] : memref<50176x256xi32, #tpu.memory_space<hbm>> -> memref<112x256xi32, #tpu.memory_space<hbm>>
      tpu.wait_dma2 semaphore(%run_scoped3A : memref<!tpu.dma_semaphore, #tpu.memory_space<semaphore_mem>>) src(%arg8 : memref<112x256xi32, #tpu.memory_space<vmem>>) dst(%dma_wait3A_148 : memref<112x256xi32, #tpu.memory_space<hbm>>)
      tpu.yield
    }) : () -> ()
    %add3A_76 = arith.constant 1008 : i32
    %add3A_77 = arith.addi %mul3A_2, %add3A_76 : i32
    "tpu.region"() ({
      %run_scoped3A = tpu.sem_alloc : memref<!tpu.dma_semaphore, #tpu.memory_space<semaphore_mem>>
      %dma_start3A_141 = tpu.memref_slice %arg3[%add3A_77] : memref<50176xi32, #tpu.memory_space<hbm>> -> memref<112xi32, #tpu.memory_space<hbm>>
      %dma_start3A_142 = tpu.memref_slice %arg3[%add3A_77] : memref<50176xi32, #tpu.memory_space<hbm>> -> memref<112xi32, #tpu.memory_space<hbm>>
      tpu.enqueue_dma source(%dma_start3A_142 : memref<112xi32, #tpu.memory_space<hbm>>) target(%arg7 : memref<112xi32, #tpu.memory_space<vmem>>) target_semaphore(%run_scoped3A : memref<!tpu.dma_semaphore, #tpu.memory_space<semaphore_mem>>)
      %dma_wait3A_143 = tpu.memref_slice %arg3[%add3A_77] : memref<50176xi32, #tpu.memory_space<hbm>> -> memref<112xi32, #tpu.memory_space<hbm>>
      %dma_wait3A_144 = tpu.memref_slice %arg3[%add3A_77] : memref<50176xi32, #tpu.memory_space<hbm>> -> memref<112xi32, #tpu.memory_space<hbm>>
      tpu.wait_dma2 semaphore(%run_scoped3A : memref<!tpu.dma_semaphore, #tpu.memory_space<semaphore_mem>>) src(%dma_wait3A_144 : memref<112xi32, #tpu.memory_space<hbm>>) dst(%arg7 : memref<112xi32, #tpu.memory_space<vmem>>)
      tpu.yield
    }) : () -> ()
    %dma_start3A_78 = arith.constant 0 : i32
    %dma_start3A_79 = arith.constant 0 : i32
    %dma_start3A_80 = tpu.memref_slice %arg2[%dma_start3A_78, %dma_start3A_79] : memref<1600x256xi32, #tpu.memory_space<hbm>> -> memref<1600x256xi32, #tpu.memory_space<hbm>>
    tpu.enqueue_indirect_dma source(%dma_start3A_80 : memref<1600x256xi32, #tpu.memory_space<hbm>>) target(%arg8 : memref<112x256xi32, #tpu.memory_space<vmem>>) offsets(%arg7 : memref<112xi32, #tpu.memory_space<vmem>>) semaphore(%arg14 : memref<!tpu.dma_semaphore, #tpu.memory_space<semaphore_mem>>)
    %dma_wait3A_81 = arith.constant 0 : i32
    %dma_wait3A_82 = arith.constant 0 : i32
    %dma_wait3A_83 = tpu.memref_slice %arg2[%dma_wait3A_81, %dma_wait3A_82] : memref<1600x256xi32, #tpu.memory_space<hbm>> -> memref<1600x256xi32, #tpu.memory_space<hbm>>
    tpu.wait_indirect_dma semaphore(%arg15 : memref<!tpu.dma_semaphore, #tpu.memory_space<semaphore_mem>>) src(%dma_wait3A_83 : memref<1600x256xi32, #tpu.memory_space<hbm>>) dst(%arg10 : memref<112x256xi32, #tpu.memory_space<vmem>>)
    %add3A_84 = arith.constant 672 : i32
    %add3A_85 = arith.addi %mul3A_2, %add3A_84 : i32
    "tpu.region"() ({
      %run_scoped3A = tpu.sem_alloc : memref<!tpu.dma_semaphore, #tpu.memory_space<semaphore_mem>>
      %dma_start3A_141 = arith.constant 0 : i32
      %dma_start3A_142 = tpu.memref_slice %arg4[%add3A_85, %dma_start3A_141] : memref<50176x256xi32, #tpu.memory_space<hbm>> -> memref<112x256xi32, #tpu.memory_space<hbm>>
      %dma_start3A_143 = arith.constant 0 : i32
      %dma_start3A_144 = tpu.memref_slice %arg4[%add3A_85, %dma_start3A_143] : memref<50176x256xi32, #tpu.memory_space<hbm>> -> memref<112x256xi32, #tpu.memory_space<hbm>>
      tpu.enqueue_dma source(%arg10 : memref<112x256xi32, #tpu.memory_space<vmem>>) target(%dma_start3A_144 : memref<112x256xi32, #tpu.memory_space<hbm>>) target_semaphore(%run_scoped3A : memref<!tpu.dma_semaphore, #tpu.memory_space<semaphore_mem>>)
      %dma_wait3A_145 = arith.constant 0 : i32
      %dma_wait3A_146 = tpu.memref_slice %arg4[%add3A_85, %dma_wait3A_145] : memref<50176x256xi32, #tpu.memory_space<hbm>> -> memref<112x256xi32, #tpu.memory_space<hbm>>
      %dma_wait3A_147 = arith.constant 0 : i32
      %dma_wait3A_148 = tpu.memref_slice %arg4[%add3A_85, %dma_wait3A_147] : memref<50176x256xi32, #tpu.memory_space<hbm>> -> memref<112x256xi32, #tpu.memory_space<hbm>>
      tpu.wait_dma2 semaphore(%run_scoped3A : memref<!tpu.dma_semaphore, #tpu.memory_space<semaphore_mem>>) src(%arg10 : memref<112x256xi32, #tpu.memory_space<vmem>>) dst(%dma_wait3A_148 : memref<112x256xi32, #tpu.memory_space<hbm>>)
      tpu.yield
    }) : () -> ()
    %add3A_86 = arith.constant 1120 : i32
    %add3A_87 = arith.addi %mul3A_2, %add3A_86 : i32
    "tpu.region"() ({
      %run_scoped3A = tpu.sem_alloc : memref<!tpu.dma_semaphore, #tpu.memory_space<semaphore_mem>>
      %dma_start3A_141 = tpu.memref_slice %arg3[%add3A_87] : memref<50176xi32, #tpu.memory_space<hbm>> -> memref<112xi32, #tpu.memory_space<hbm>>
      %dma_start3A_142 = tpu.memref_slice %arg3[%add3A_87] : memref<50176xi32, #tpu.memory_space<hbm>> -> memref<112xi32, #tpu.memory_space<hbm>>
      tpu.enqueue_dma source(%dma_start3A_142 : memref<112xi32, #tpu.memory_space<hbm>>) target(%arg9 : memref<112xi32, #tpu.memory_space<vmem>>) target_semaphore(%run_scoped3A : memref<!tpu.dma_semaphore, #tpu.memory_space<semaphore_mem>>)
      %dma_wait3A_143 = tpu.memref_slice %arg3[%add3A_87] : memref<50176xi32, #tpu.memory_space<hbm>> -> memref<112xi32, #tpu.memory_space<hbm>>
      %dma_wait3A_144 = tpu.memref_slice %arg3[%add3A_87] : memref<50176xi32, #tpu.memory_space<hbm>> -> memref<112xi32, #tpu.memory_space<hbm>>
      tpu.wait_dma2 semaphore(%run_scoped3A : memref<!tpu.dma_semaphore, #tpu.memory_space<semaphore_mem>>) src(%dma_wait3A_144 : memref<112xi32, #tpu.memory_space<hbm>>) dst(%arg9 : memref<112xi32, #tpu.memory_space<vmem>>)
      tpu.yield
    }) : () -> ()
    %dma_start3A_88 = arith.constant 0 : i32
    %dma_start3A_89 = arith.constant 0 : i32
    %dma_start3A_90 = tpu.memref_slice %arg2[%dma_start3A_88, %dma_start3A_89] : memref<1600x256xi32, #tpu.memory_space<hbm>> -> memref<1600x256xi32, #tpu.memory_space<hbm>>
    tpu.enqueue_indirect_dma source(%dma_start3A_90 : memref<1600x256xi32, #tpu.memory_space<hbm>>) target(%arg10 : memref<112x256xi32, #tpu.memory_space<vmem>>) offsets(%arg9 : memref<112xi32, #tpu.memory_space<vmem>>) semaphore(%arg15 : memref<!tpu.dma_semaphore, #tpu.memory_space<semaphore_mem>>)
    %dma_wait3A_91 = arith.constant 0 : i32
    %dma_wait3A_92 = arith.constant 0 : i32
    %dma_wait3A_93 = tpu.memref_slice %arg2[%dma_wait3A_91, %dma_wait3A_92] : memref<1600x256xi32, #tpu.memory_space<hbm>> -> memref<1600x256xi32, #tpu.memory_space<hbm>>
    tpu.wait_indirect_dma semaphore(%arg16 : memref<!tpu.dma_semaphore, #tpu.memory_space<semaphore_mem>>) src(%dma_wait3A_93 : memref<1600x256xi32, #tpu.memory_space<hbm>>) dst(%arg12 : memref<112x256xi32, #tpu.memory_space<vmem>>)
    %add3A_94 = arith.constant 784 : i32
    %add3A_95 = arith.addi %mul3A_2, %add3A_94 : i32
    "tpu.region"() ({
      %run_scoped3A = tpu.sem_alloc : memref<!tpu.dma_semaphore, #tpu.memory_space<semaphore_mem>>
      %dma_start3A_141 = arith.constant 0 : i32
      %dma_start3A_142 = tpu.memref_slice %arg4[%add3A_95, %dma_start3A_141] : memref<50176x256xi32, #tpu.memory_space<hbm>> -> memref<112x256xi32, #tpu.memory_space<hbm>>
      %dma_start3A_143 = arith.constant 0 : i32
      %dma_start3A_144 = tpu.memref_slice %arg4[%add3A_95, %dma_start3A_143] : memref<50176x256xi32, #tpu.memory_space<hbm>> -> memref<112x256xi32, #tpu.memory_space<hbm>>
      tpu.enqueue_dma source(%arg12 : memref<112x256xi32, #tpu.memory_space<vmem>>) target(%dma_start3A_144 : memref<112x256xi32, #tpu.memory_space<hbm>>) target_semaphore(%run_scoped3A : memref<!tpu.dma_semaphore, #tpu.memory_space<semaphore_mem>>)
      %dma_wait3A_145 = arith.constant 0 : i32
      %dma_wait3A_146 = tpu.memref_slice %arg4[%add3A_95, %dma_wait3A_145] : memref<50176x256xi32, #tpu.memory_space<hbm>> -> memref<112x256xi32, #tpu.memory_space<hbm>>
      %dma_wait3A_147 = arith.constant 0 : i32
      %dma_wait3A_148 = tpu.memref_slice %arg4[%add3A_95, %dma_wait3A_147] : memref<50176x256xi32, #tpu.memory_space<hbm>> -> memref<112x256xi32, #tpu.memory_space<hbm>>
      tpu.wait_dma2 semaphore(%run_scoped3A : memref<!tpu.dma_semaphore, #tpu.memory_space<semaphore_mem>>) src(%arg12 : memref<112x256xi32, #tpu.memory_space<vmem>>) dst(%dma_wait3A_148 : memref<112x256xi32, #tpu.memory_space<hbm>>)
      tpu.yield
    }) : () -> ()
    %add3A_96 = arith.constant 1232 : i32
    %add3A_97 = arith.addi %mul3A_2, %add3A_96 : i32
    "tpu.region"() ({
      %run_scoped3A = tpu.sem_alloc : memref<!tpu.dma_semaphore, #tpu.memory_space<semaphore_mem>>
      %dma_start3A_141 = tpu.memref_slice %arg3[%add3A_97] : memref<50176xi32, #tpu.memory_space<hbm>> -> memref<112xi32, #tpu.memory_space<hbm>>
      %dma_start3A_142 = tpu.memref_slice %arg3[%add3A_97] : memref<50176xi32, #tpu.memory_space<hbm>> -> memref<112xi32, #tpu.memory_space<hbm>>
      tpu.enqueue_dma source(%dma_start3A_142 : memref<112xi32, #tpu.memory_space<hbm>>) target(%arg11 : memref<112xi32, #tpu.memory_space<vmem>>) target_semaphore(%run_scoped3A : memref<!tpu.dma_semaphore, #tpu.memory_space<semaphore_mem>>)
      %dma_wait3A_143 = tpu.memref_slice %arg3[%add3A_97] : memref<50176xi32, #tpu.memory_space<hbm>> -> memref<112xi32, #tpu.memory_space<hbm>>
      %dma_wait3A_144 = tpu.memref_slice %arg3[%add3A_97] : memref<50176xi32, #tpu.memory_space<hbm>> -> memref<112xi32, #tpu.memory_space<hbm>>
      tpu.wait_dma2 semaphore(%run_scoped3A : memref<!tpu.dma_semaphore, #tpu.memory_space<semaphore_mem>>) src(%dma_wait3A_144 : memref<112xi32, #tpu.memory_space<hbm>>) dst(%arg11 : memref<112xi32, #tpu.memory_space<vmem>>)
      tpu.yield
    }) : () -> ()
    %dma_start3A_98 = arith.constant 0 : i32
    %dma_start3A_99 = arith.constant 0 : i32
    %dma_start3A_100 = tpu.memref_slice %arg2[%dma_start3A_98, %dma_start3A_99] : memref<1600x256xi32, #tpu.memory_space<hbm>> -> memref<1600x256xi32, #tpu.memory_space<hbm>>
    tpu.enqueue_indirect_dma source(%dma_start3A_100 : memref<1600x256xi32, #tpu.memory_space<hbm>>) target(%arg12 : memref<112x256xi32, #tpu.memory_space<vmem>>) offsets(%arg11 : memref<112xi32, #tpu.memory_space<vmem>>) semaphore(%arg16 : memref<!tpu.dma_semaphore, #tpu.memory_space<semaphore_mem>>)
    %dma_wait3A_101 = arith.constant 0 : i32
    %dma_wait3A_102 = arith.constant 0 : i32
    %dma_wait3A_103 = tpu.memref_slice %arg2[%dma_wait3A_101, %dma_wait3A_102] : memref<1600x256xi32, #tpu.memory_space<hbm>> -> memref<1600x256xi32, #tpu.memory_space<hbm>>
    tpu.wait_indirect_dma semaphore(%arg13 : memref<!tpu.dma_semaphore, #tpu.memory_space<semaphore_mem>>) src(%dma_wait3A_103 : memref<1600x256xi32, #tpu.memory_space<hbm>>) dst(%arg6 : memref<112x256xi32, #tpu.memory_space<vmem>>)
    %add3A_104 = arith.constant 896 : i32
    %add3A_105 = arith.addi %mul3A_2, %add3A_104 : i32
    "tpu.region"() ({
      %run_scoped3A = tpu.sem_alloc : memref<!tpu.dma_semaphore, #tpu.memory_space<semaphore_mem>>
      %dma_start3A_141 = arith.constant 0 : i32
      %dma_start3A_142 = tpu.memref_slice %arg4[%add3A_105, %dma_start3A_141] : memref<50176x256xi32, #tpu.memory_space<hbm>> -> memref<112x256xi32, #tpu.memory_space<hbm>>
      %dma_start3A_143 = arith.constant 0 : i32
      %dma_start3A_144 = tpu.memref_slice %arg4[%add3A_105, %dma_start3A_143] : memref<50176x256xi32, #tpu.memory_space<hbm>> -> memref<112x256xi32, #tpu.memory_space<hbm>>
      tpu.enqueue_dma source(%arg6 : memref<112x256xi32, #tpu.memory_space<vmem>>) target(%dma_start3A_144 : memref<112x256xi32, #tpu.memory_space<hbm>>) target_semaphore(%run_scoped3A : memref<!tpu.dma_semaphore, #tpu.memory_space<semaphore_mem>>)
      %dma_wait3A_145 = arith.constant 0 : i32
      %dma_wait3A_146 = tpu.memref_slice %arg4[%add3A_105, %dma_wait3A_145] : memref<50176x256xi32, #tpu.memory_space<hbm>> -> memref<112x256xi32, #tpu.memory_space<hbm>>
      %dma_wait3A_147 = arith.constant 0 : i32
      %dma_wait3A_148 = tpu.memref_slice %arg4[%add3A_105, %dma_wait3A_147] : memref<50176x256xi32, #tpu.memory_space<hbm>> -> memref<112x256xi32, #tpu.memory_space<hbm>>
      tpu.wait_dma2 semaphore(%run_scoped3A : memref<!tpu.dma_semaphore, #tpu.memory_space<semaphore_mem>>) src(%arg6 : memref<112x256xi32, #tpu.memory_space<vmem>>) dst(%dma_wait3A_148 : memref<112x256xi32, #tpu.memory_space<hbm>>)
      tpu.yield
    }) : () -> ()
    %add3A_106 = arith.constant 1344 : i32
    %add3A_107 = arith.addi %mul3A_2, %add3A_106 : i32
    "tpu.region"() ({
      %run_scoped3A = tpu.sem_alloc : memref<!tpu.dma_semaphore, #tpu.memory_space<semaphore_mem>>
      %dma_start3A_141 = tpu.memref_slice %arg3[%add3A_107] : memref<50176xi32, #tpu.memory_space<hbm>> -> memref<112xi32, #tpu.memory_space<hbm>>
      %dma_start3A_142 = tpu.memref_slice %arg3[%add3A_107] : memref<50176xi32, #tpu.memory_space<hbm>> -> memref<112xi32, #tpu.memory_space<hbm>>
      tpu.enqueue_dma source(%dma_start3A_142 : memref<112xi32, #tpu.memory_space<hbm>>) target(%arg5 : memref<112xi32, #tpu.memory_space<vmem>>) target_semaphore(%run_scoped3A : memref<!tpu.dma_semaphore, #tpu.memory_space<semaphore_mem>>)
      %dma_wait3A_143 = tpu.memref_slice %arg3[%add3A_107] : memref<50176xi32, #tpu.memory_space<hbm>> -> memref<112xi32, #tpu.memory_space<hbm>>
      %dma_wait3A_144 = tpu.memref_slice %arg3[%add3A_107] : memref<50176xi32, #tpu.memory_space<hbm>> -> memref<112xi32, #tpu.memory_space<hbm>>
      tpu.wait_dma2 semaphore(%run_scoped3A : memref<!tpu.dma_semaphore, #tpu.memory_space<semaphore_mem>>) src(%dma_wait3A_144 : memref<112xi32, #tpu.memory_space<hbm>>) dst(%arg5 : memref<112xi32, #tpu.memory_space<vmem>>)
      tpu.yield
    }) : () -> ()
    %dma_start3A_108 = arith.constant 0 : i32
    %dma_start3A_109 = arith.constant 0 : i32
    %dma_start3A_110 = tpu.memref_slice %arg2[%dma_start3A_108, %dma_start3A_109] : memref<1600x256xi32, #tpu.memory_space<hbm>> -> memref<1600x256xi32, #tpu.memory_space<hbm>>
    tpu.enqueue_indirect_dma source(%dma_start3A_110 : memref<1600x256xi32, #tpu.memory_space<hbm>>) target(%arg6 : memref<112x256xi32, #tpu.memory_space<vmem>>) offsets(%arg5 : memref<112xi32, #tpu.memory_space<vmem>>) semaphore(%arg13 : memref<!tpu.dma_semaphore, #tpu.memory_space<semaphore_mem>>)
    %dma_wait3A_111 = arith.constant 0 : i32
    %dma_wait3A_112 = arith.constant 0 : i32
    %dma_wait3A_113 = tpu.memref_slice %arg2[%dma_wait3A_111, %dma_wait3A_112] : memref<1600x256xi32, #tpu.memory_space<hbm>> -> memref<1600x256xi32, #tpu.memory_space<hbm>>
    tpu.wait_indirect_dma semaphore(%arg14 : memref<!tpu.dma_semaphore, #tpu.memory_space<semaphore_mem>>) src(%dma_wait3A_113 : memref<1600x256xi32, #tpu.memory_space<hbm>>) dst(%arg8 : memref<112x256xi32, #tpu.memory_space<vmem>>)
    %add3A_114 = arith.constant 1008 : i32
    %add3A_115 = arith.addi %mul3A_2, %add3A_114 : i32
    "tpu.region"() ({
      %run_scoped3A = tpu.sem_alloc : memref<!tpu.dma_semaphore, #tpu.memory_space<semaphore_mem>>
      %dma_start3A_141 = arith.constant 0 : i32
      %dma_start3A_142 = tpu.memref_slice %arg4[%add3A_115, %dma_start3A_141] : memref<50176x256xi32, #tpu.memory_space<hbm>> -> memref<112x256xi32, #tpu.memory_space<hbm>>
      %dma_start3A_143 = arith.constant 0 : i32
      %dma_start3A_144 = tpu.memref_slice %arg4[%add3A_115, %dma_start3A_143] : memref<50176x256xi32, #tpu.memory_space<hbm>> -> memref<112x256xi32, #tpu.memory_space<hbm>>
      tpu.enqueue_dma source(%arg8 : memref<112x256xi32, #tpu.memory_space<vmem>>) target(%dma_start3A_144 : memref<112x256xi32, #tpu.memory_space<hbm>>) target_semaphore(%run_scoped3A : memref<!tpu.dma_semaphore, #tpu.memory_space<semaphore_mem>>)
      %dma_wait3A_145 = arith.constant 0 : i32
      %dma_wait3A_146 = tpu.memref_slice %arg4[%add3A_115, %dma_wait3A_145] : memref<50176x256xi32, #tpu.memory_space<hbm>> -> memref<112x256xi32, #tpu.memory_space<hbm>>
      %dma_wait3A_147 = arith.constant 0 : i32
      %dma_wait3A_148 = tpu.memref_slice %arg4[%add3A_115, %dma_wait3A_147] : memref<50176x256xi32, #tpu.memory_space<hbm>> -> memref<112x256xi32, #tpu.memory_space<hbm>>
      tpu.wait_dma2 semaphore(%run_scoped3A : memref<!tpu.dma_semaphore, #tpu.memory_space<semaphore_mem>>) src(%arg8 : memref<112x256xi32, #tpu.memory_space<vmem>>) dst(%dma_wait3A_148 : memref<112x256xi32, #tpu.memory_space<hbm>>)
      tpu.yield
    }) : () -> ()
    %add3A_116 = arith.constant 1456 : i32
    %add3A_117 = arith.addi %mul3A_2, %add3A_116 : i32
    "tpu.region"() ({
      %run_scoped3A = tpu.sem_alloc : memref<!tpu.dma_semaphore, #tpu.memory_space<semaphore_mem>>
      %dma_start3A_141 = tpu.memref_slice %arg3[%add3A_117] : memref<50176xi32, #tpu.memory_space<hbm>> -> memref<112xi32, #tpu.memory_space<hbm>>
      %dma_start3A_142 = tpu.memref_slice %arg3[%add3A_117] : memref<50176xi32, #tpu.memory_space<hbm>> -> memref<112xi32, #tpu.memory_space<hbm>>
      tpu.enqueue_dma source(%dma_start3A_142 : memref<112xi32, #tpu.memory_space<hbm>>) target(%arg7 : memref<112xi32, #tpu.memory_space<vmem>>) target_semaphore(%run_scoped3A : memref<!tpu.dma_semaphore, #tpu.memory_space<semaphore_mem>>)
      %dma_wait3A_143 = tpu.memref_slice %arg3[%add3A_117] : memref<50176xi32, #tpu.memory_space<hbm>> -> memref<112xi32, #tpu.memory_space<hbm>>
      %dma_wait3A_144 = tpu.memref_slice %arg3[%add3A_117] : memref<50176xi32, #tpu.memory_space<hbm>> -> memref<112xi32, #tpu.memory_space<hbm>>
      tpu.wait_dma2 semaphore(%run_scoped3A : memref<!tpu.dma_semaphore, #tpu.memory_space<semaphore_mem>>) src(%dma_wait3A_144 : memref<112xi32, #tpu.memory_space<hbm>>) dst(%arg7 : memref<112xi32, #tpu.memory_space<vmem>>)
      tpu.yield
    }) : () -> ()
    %dma_start3A_118 = arith.constant 0 : i32
    %dma_start3A_119 = arith.constant 0 : i32
    %dma_start3A_120 = tpu.memref_slice %arg2[%dma_start3A_118, %dma_start3A_119] : memref<1600x256xi32, #tpu.memory_space<hbm>> -> memref<1600x256xi32, #tpu.memory_space<hbm>>
    tpu.enqueue_indirect_dma source(%dma_start3A_120 : memref<1600x256xi32, #tpu.memory_space<hbm>>) target(%arg8 : memref<112x256xi32, #tpu.memory_space<vmem>>) offsets(%arg7 : memref<112xi32, #tpu.memory_space<vmem>>) semaphore(%arg14 : memref<!tpu.dma_semaphore, #tpu.memory_space<semaphore_mem>>)
    %dma_wait3A_121 = arith.constant 0 : i32
    %dma_wait3A_122 = arith.constant 0 : i32
    %dma_wait3A_123 = tpu.memref_slice %arg2[%dma_wait3A_121, %dma_wait3A_122] : memref<1600x256xi32, #tpu.memory_space<hbm>> -> memref<1600x256xi32, #tpu.memory_space<hbm>>
    tpu.wait_indirect_dma semaphore(%arg15 : memref<!tpu.dma_semaphore, #tpu.memory_space<semaphore_mem>>) src(%dma_wait3A_123 : memref<1600x256xi32, #tpu.memory_space<hbm>>) dst(%arg10 : memref<112x256xi32, #tpu.memory_space<vmem>>)
    %add3A_124 = arith.constant 1120 : i32
    %add3A_125 = arith.addi %mul3A_2, %add3A_124 : i32
    "tpu.region"() ({
      %run_scoped3A = tpu.sem_alloc : memref<!tpu.dma_semaphore, #tpu.memory_space<semaphore_mem>>
      %dma_start3A_141 = arith.constant 0 : i32
      %dma_start3A_142 = tpu.memref_slice %arg4[%add3A_125, %dma_start3A_141] : memref<50176x256xi32, #tpu.memory_space<hbm>> -> memref<112x256xi32, #tpu.memory_space<hbm>>
      %dma_start3A_143 = arith.constant 0 : i32
      %dma_start3A_144 = tpu.memref_slice %arg4[%add3A_125, %dma_start3A_143] : memref<50176x256xi32, #tpu.memory_space<hbm>> -> memref<112x256xi32, #tpu.memory_space<hbm>>
      tpu.enqueue_dma source(%arg10 : memref<112x256xi32, #tpu.memory_space<vmem>>) target(%dma_start3A_144 : memref<112x256xi32, #tpu.memory_space<hbm>>) target_semaphore(%run_scoped3A : memref<!tpu.dma_semaphore, #tpu.memory_space<semaphore_mem>>)
      %dma_wait3A_145 = arith.constant 0 : i32
      %dma_wait3A_146 = tpu.memref_slice %arg4[%add3A_125, %dma_wait3A_145] : memref<50176x256xi32, #tpu.memory_space<hbm>> -> memref<112x256xi32, #tpu.memory_space<hbm>>
      %dma_wait3A_147 = arith.constant 0 : i32
      %dma_wait3A_148 = tpu.memref_slice %arg4[%add3A_125, %dma_wait3A_147] : memref<50176x256xi32, #tpu.memory_space<hbm>> -> memref<112x256xi32, #tpu.memory_space<hbm>>
      tpu.wait_dma2 semaphore(%run_scoped3A : memref<!tpu.dma_semaphore, #tpu.memory_space<semaphore_mem>>) src(%arg10 : memref<112x256xi32, #tpu.memory_space<vmem>>) dst(%dma_wait3A_148 : memref<112x256xi32, #tpu.memory_space<hbm>>)
      tpu.yield
    }) : () -> ()
    %dma_wait3A_126 = arith.constant 0 : i32
    %dma_wait3A_127 = arith.constant 0 : i32
    %dma_wait3A_128 = tpu.memref_slice %arg2[%dma_wait3A_126, %dma_wait3A_127] : memref<1600x256xi32, #tpu.memory_space<hbm>> -> memref<1600x256xi32, #tpu.memory_space<hbm>>
    tpu.wait_indirect_dma semaphore(%arg16 : memref<!tpu.dma_semaphore, #tpu.memory_space<semaphore_mem>>) src(%dma_wait3A_128 : memref<1600x256xi32, #tpu.memory_space<hbm>>) dst(%arg12 : memref<112x256xi32, #tpu.memory_space<vmem>>)
    %add3A_129 = arith.constant 1232 : i32
    %add3A_130 = arith.addi %mul3A_2, %add3A_129 : i32
    "tpu.region"() ({
      %run_scoped3A = tpu.sem_alloc : memref<!tpu.dma_semaphore, #tpu.memory_space<semaphore_mem>>
      %dma_start3A_141 = arith.constant 0 : i32
      %dma_start3A_142 = tpu.memref_slice %arg4[%add3A_130, %dma_start3A_141] : memref<50176x256xi32, #tpu.memory_space<hbm>> -> memref<112x256xi32, #tpu.memory_space<hbm>>
      %dma_start3A_143 = arith.constant 0 : i32
      %dma_start3A_144 = tpu.memref_slice %arg4[%add3A_130, %dma_start3A_143] : memref<50176x256xi32, #tpu.memory_space<hbm>> -> memref<112x256xi32, #tpu.memory_space<hbm>>
      tpu.enqueue_dma source(%arg12 : memref<112x256xi32, #tpu.memory_space<vmem>>) target(%dma_start3A_144 : memref<112x256xi32, #tpu.memory_space<hbm>>) target_semaphore(%run_scoped3A : memref<!tpu.dma_semaphore, #tpu.memory_space<semaphore_mem>>)
      %dma_wait3A_145 = arith.constant 0 : i32
      %dma_wait3A_146 = tpu.memref_slice %arg4[%add3A_130, %dma_wait3A_145] : memref<50176x256xi32, #tpu.memory_space<hbm>> -> memref<112x256xi32, #tpu.memory_space<hbm>>
      %dma_wait3A_147 = arith.constant 0 : i32
      %dma_wait3A_148 = tpu.memref_slice %arg4[%add3A_130, %dma_wait3A_147] : memref<50176x256xi32, #tpu.memory_space<hbm>> -> memref<112x256xi32, #tpu.memory_space<hbm>>
      tpu.wait_dma2 semaphore(%run_scoped3A : memref<!tpu.dma_semaphore, #tpu.memory_space<semaphore_mem>>) src(%arg12 : memref<112x256xi32, #tpu.memory_space<vmem>>) dst(%dma_wait3A_148 : memref<112x256xi32, #tpu.memory_space<hbm>>)
      tpu.yield
    }) : () -> ()
    %dma_wait3A_131 = arith.constant 0 : i32
    %dma_wait3A_132 = arith.constant 0 : i32
    %dma_wait3A_133 = tpu.memref_slice %arg2[%dma_wait3A_131, %dma_wait3A_132] : memref<1600x256xi32, #tpu.memory_space<hbm>> -> memref<1600x256xi32, #tpu.memory_space<hbm>>
    tpu.wait_indirect_dma semaphore(%arg13 : memref<!tpu.dma_semaphore, #tpu.memory_space<semaphore_mem>>) src(%dma_wait3A_133 : memref<1600x256xi32, #tpu.memory_space<hbm>>) dst(%arg6 : memref<112x256xi32, #tpu.memory_space<vmem>>)
    %add3A_134 = arith.constant 1344 : i32
    %add3A_135 = arith.addi %mul3A_2, %add3A_134 : i32
    "tpu.region"() ({
      %run_scoped3A = tpu.sem_alloc : memref<!tpu.dma_semaphore, #tpu.memory_space<semaphore_mem>>
      %dma_start3A_141 = arith.constant 0 : i32
      %dma_start3A_142 = tpu.memref_slice %arg4[%add3A_135, %dma_start3A_141] : memref<50176x256xi32, #tpu.memory_space<hbm>> -> memref<112x256xi32, #tpu.memory_space<hbm>>
      %dma_start3A_143 = arith.constant 0 : i32
      %dma_start3A_144 = tpu.memref_slice %arg4[%add3A_135, %dma_start3A_143] : memref<50176x256xi32, #tpu.memory_space<hbm>> -> memref<112x256xi32, #tpu.memory_space<hbm>>
      tpu.enqueue_dma source(%arg6 : memref<112x256xi32, #tpu.memory_space<vmem>>) target(%dma_start3A_144 : memref<112x256xi32, #tpu.memory_space<hbm>>) target_semaphore(%run_scoped3A : memref<!tpu.dma_semaphore, #tpu.memory_space<semaphore_mem>>)
      %dma_wait3A_145 = arith.constant 0 : i32
      %dma_wait3A_146 = tpu.memref_slice %arg4[%add3A_135, %dma_wait3A_145] : memref<50176x256xi32, #tpu.memory_space<hbm>> -> memref<112x256xi32, #tpu.memory_space<hbm>>
      %dma_wait3A_147 = arith.constant 0 : i32
      %dma_wait3A_148 = tpu.memref_slice %arg4[%add3A_135, %dma_wait3A_147] : memref<50176x256xi32, #tpu.memory_space<hbm>> -> memref<112x256xi32, #tpu.memory_space<hbm>>
      tpu.wait_dma2 semaphore(%run_scoped3A : memref<!tpu.dma_semaphore, #tpu.memory_space<semaphore_mem>>) src(%arg6 : memref<112x256xi32, #tpu.memory_space<vmem>>) dst(%dma_wait3A_148 : memref<112x256xi32, #tpu.memory_space<hbm>>)
      tpu.yield
    }) : () -> ()
    %dma_wait3A_136 = arith.constant 0 : i32
    %dma_wait3A_137 = arith.constant 0 : i32
    %dma_wait3A_138 = tpu.memref_slice %arg2[%dma_wait3A_136, %dma_wait3A_137] : memref<1600x256xi32, #tpu.memory_space<hbm>> -> memref<1600x256xi32, #tpu.memory_space<hbm>>
    tpu.wait_indirect_dma semaphore(%arg14 : memref<!tpu.dma_semaphore, #tpu.memory_space<semaphore_mem>>) src(%dma_wait3A_138 : memref<1600x256xi32, #tpu.memory_space<hbm>>) dst(%arg8 : memref<112x256xi32, #tpu.memory_space<vmem>>)
    %add3A_139 = arith.constant 1456 : i32
    %add3A_140 = arith.addi %mul3A_2, %add3A_139 : i32
    "tpu.region"() ({
      %run_scoped3A = tpu.sem_alloc : memref<!tpu.dma_semaphore, #tpu.memory_space<semaphore_mem>>
      %dma_start3A_141 = arith.constant 0 : i32
      %dma_start3A_142 = tpu.memref_slice %arg4[%add3A_140, %dma_start3A_141] : memref<50176x256xi32, #tpu.memory_space<hbm>> -> memref<112x256xi32, #tpu.memory_space<hbm>>
      %dma_start3A_143 = arith.constant 0 : i32
      %dma_start3A_144 = tpu.memref_slice %arg4[%add3A_140, %dma_start3A_143] : memref<50176x256xi32, #tpu.memory_space<hbm>> -> memref<112x256xi32, #tpu.memory_space<hbm>>
      tpu.enqueue_dma source(%arg8 : memref<112x256xi32, #tpu.memory_space<vmem>>) target(%dma_start3A_144 : memref<112x256xi32, #tpu.memory_space<hbm>>) target_semaphore(%run_scoped3A : memref<!tpu.dma_semaphore, #tpu.memory_space<semaphore_mem>>)
      %dma_wait3A_145 = arith.constant 0 : i32
      %dma_wait3A_146 = tpu.memref_slice %arg4[%add3A_140, %dma_wait3A_145] : memref<50176x256xi32, #tpu.memory_space<hbm>> -> memref<112x256xi32, #tpu.memory_space<hbm>>
      %dma_wait3A_147 = arith.constant 0 : i32
      %dma_wait3A_148 = tpu.memref_slice %arg4[%add3A_140, %dma_wait3A_147] : memref<50176x256xi32, #tpu.memory_space<hbm>> -> memref<112x256xi32, #tpu.memory_space<hbm>>
      tpu.wait_dma2 semaphore(%run_scoped3A : memref<!tpu.dma_semaphore, #tpu.memory_space<semaphore_mem>>) src(%arg8 : memref<112x256xi32, #tpu.memory_space<vmem>>) dst(%dma_wait3A_148 : memref<112x256xi32, #tpu.memory_space<hbm>>)
      tpu.yield
    }) : () -> ()
    return
  }
}

module attributes {stable_mosaic.version = 14 : i64} {
  func.func @_k1_body(%arg0: i32, %arg1: memref<2x589x768xf32, #tpu.memory_space<vmem>>, %arg2: memref<2x196x64xf32, #tpu.memory_space<vmem>>, %arg3: memref<768x64xf32, #tpu.memory_space<vmem>>, %arg4: memref<1x64xf32, #tpu.memory_space<vmem>>, %arg5: memref<192x64xf32, #tpu.memory_space<vmem>>, %arg6: memref<1x64xf32, #tpu.memory_space<vmem>>, %arg7: memref<64x64xf32, #tpu.memory_space<vmem>>, %arg8: memref<1x64xf32, #tpu.memory_space<vmem>>, %arg9: memref<128x256xf32, #tpu.memory_space<vmem>>, %arg10: memref<4x64x40xf32, #tpu.memory_space<vmem>>, %arg11: memref<1x192xf32, #tpu.memory_space<vmem>>, %arg12: memref<1x128xf32, #tpu.memory_space<vmem>>, %arg13: memref<192x192xf32, #tpu.memory_space<vmem>>, %arg14: memref<2x196x128xf32, #tpu.memory_space<vmem>>, %arg15: memref<2x196x192xf32, #tpu.memory_space<vmem>>, %arg16: memref<2x196x4xi32, #tpu.memory_space<vmem>>, %arg17: memref<2x196x4xf32, #tpu.memory_space<vmem>>) attributes {dimension_semantics = [#tpu.dimension_semantics<arbitrary>], iteration_bounds = array<i64: 32>, scalar_prefetch = 0 : i64, scratch_operands = 0 : i64, tpu.core_type = #tpu.core_type<tc>, window_params = [{transform_indices = @transform_0, window_bounds = array<i64: 2, 589, 768>}, {transform_indices = @transform_1, window_bounds = array<i64: 2, 196, 64>}, {pipeline_mode = #tpu.pipeline_mode<synchronous>, transform_indices = @transform_2, window_bounds = array<i64: 768, 64>}, {pipeline_mode = #tpu.pipeline_mode<synchronous>, transform_indices = @transform_3, window_bounds = array<i64: 1, 64>}, {pipeline_mode = #tpu.pipeline_mode<synchronous>, transform_indices = @transform_4, window_bounds = array<i64: 192, 64>}, {pipeline_mode = #tpu.pipeline_mode<synchronous>, transform_indices = @transform_5, window_bounds = array<i64: 1, 64>}, {pipeline_mode = #tpu.pipeline_mode<synchronous>, transform_indices = @transform_6, window_bounds = array<i64: 64, 64>}, {pipeline_mode = #tpu.pipeline_mode<synchronous>, transform_indices = @transform_7, window_bounds = array<i64: 1, 64>}, {pipeline_mode = #tpu.pipeline_mode<synchronous>, transform_indices = @transform_8, window_bounds = array<i64: 128, 256>}, {pipeline_mode = #tpu.pipeline_mode<synchronous>, transform_indices = @transform_9, window_bounds = array<i64: 4, 64, 40>}, {pipeline_mode = #tpu.pipeline_mode<synchronous>, transform_indices = @transform_10, window_bounds = array<i64: 1, 192>}, {pipeline_mode = #tpu.pipeline_mode<synchronous>, transform_indices = @transform_11, window_bounds = array<i64: 1, 128>}, {pipeline_mode = #tpu.pipeline_mode<synchronous>, transform_indices = @transform_12, window_bounds = array<i64: 192, 192>}, {transform_indices = @transform_13, window_bounds = array<i64: 2, 196, 128>}, {transform_indices = @transform_14, window_bounds = array<i64: 2, 196, 192>}, {transform_indices = @transform_15, window_bounds = array<i64: 2, 196, 4>}, {transform_indices = @transform_16, window_bounds = array<i64: 2, 196, 4>}]} {
    %get3A = arith.constant 0 : index
    %get3A_0 = arith.constant 1 : index
    %get3A_1 = arith.constant 0 : index
    %get3A_2 = vector.load %arg1[%get3A, %get3A_0, %get3A_1] : memref<2x589x768xf32, #tpu.memory_space<vmem>>, vector<1x196x768xf32>
    %get3A_3 = vector.shape_cast %get3A_2 : vector<1x196x768xf32> to vector<196x768xf32>
    %get3A_4 = arith.constant 0 : index
    %get3A_5 = arith.constant 0 : index
    %get3A_6 = vector.load %arg3[%get3A_4, %get3A_5] : memref<768x64xf32, #tpu.memory_space<vmem>>, vector<768x64xf32>
    %convert_element_type3A = arith.truncf %get3A_3 : vector<196x768xf32> to vector<196x768xbf16>
    %convert_element_type3A_7 = arith.truncf %get3A_6 : vector<768x64xf32> to vector<768x64xbf16>
    %dot_general3A = arith.constant dense<0.000000e+00> : vector<196x64xf32>
    %dot_general3A_8 = tpu.matmul %convert_element_type3A, %convert_element_type3A_7, %dot_general3A {dimension_numbers = #tpu.dot_dimension_numbers<[1], [0], [0], [1], [0, 0, 1, 1], [], []>, transpose_lhs_hint = false} : vector<196x768xbf16>, vector<768x64xbf16>, vector<196x64xf32> -> vector<196x64xf32>
    %get3A_9 = arith.constant 0 : index
    %get3A_10 = arith.constant 0 : index
    %get3A_11 = vector.load %arg4[%get3A_9, %get3A_10] : memref<1x64xf32, #tpu.memory_space<vmem>>, vector<1x64xf32>
    %add3A = vector.broadcast %get3A_11 : vector<1x64xf32> to vector<196x64xf32>
    %add3A_12 = arith.addf %dot_general3A_8, %add3A : vector<196x64xf32>
    %get3A_13 = arith.constant 0 : index
    %get3A_14 = arith.constant 197 : index
    %get3A_15 = arith.constant 0 : index
    %get3A_16 = vector.load %arg1[%get3A_13, %get3A_14, %get3A_15] : memref<2x589x768xf32, #tpu.memory_space<vmem>>, vector<1x196x768xf32>
    %get3A_17 = vector.shape_cast %get3A_16 : vector<1x196x768xf32> to vector<196x768xf32>
    %get3A_18 = arith.constant 0 : index
    %get3A_19 = arith.constant 0 : index
    %get3A_20 = vector.load %arg3[%get3A_18, %get3A_19] : memref<768x64xf32, #tpu.memory_space<vmem>>, vector<768x64xf32>
    %convert_element_type3A_21 = arith.truncf %get3A_17 : vector<196x768xf32> to vector<196x768xbf16>
    %convert_element_type3A_22 = arith.truncf %get3A_20 : vector<768x64xf32> to vector<768x64xbf16>
    %dot_general3A_23 = arith.constant dense<0.000000e+00> : vector<196x64xf32>
    %dot_general3A_24 = tpu.matmul %convert_element_type3A_21, %convert_element_type3A_22, %dot_general3A_23 {dimension_numbers = #tpu.dot_dimension_numbers<[1], [0], [0], [1], [0, 0, 1, 1], [], []>, transpose_lhs_hint = false} : vector<196x768xbf16>, vector<768x64xbf16>, vector<196x64xf32> -> vector<196x64xf32>
    %get3A_25 = arith.constant 0 : index
    %get3A_26 = arith.constant 0 : index
    %get3A_27 = vector.load %arg4[%get3A_25, %get3A_26] : memref<1x64xf32, #tpu.memory_space<vmem>>, vector<1x64xf32>
    %add3A_28 = vector.broadcast %get3A_27 : vector<1x64xf32> to vector<196x64xf32>
    %add3A_29 = arith.addf %dot_general3A_24, %add3A_28 : vector<196x64xf32>
    %get3A_30 = arith.constant 0 : index
    %get3A_31 = arith.constant 393 : index
    %get3A_32 = arith.constant 0 : index
    %get3A_33 = vector.load %arg1[%get3A_30, %get3A_31, %get3A_32] : memref<2x589x768xf32, #tpu.memory_space<vmem>>, vector<1x196x768xf32>
    %get3A_34 = vector.shape_cast %get3A_33 : vector<1x196x768xf32> to vector<196x768xf32>
    %get3A_35 = arith.constant 0 : index
    %get3A_36 = arith.constant 0 : index
    %get3A_37 = vector.load %arg3[%get3A_35, %get3A_36] : memref<768x64xf32, #tpu.memory_space<vmem>>, vector<768x64xf32>
    %convert_element_type3A_38 = arith.truncf %get3A_34 : vector<196x768xf32> to vector<196x768xbf16>
    %convert_element_type3A_39 = arith.truncf %get3A_37 : vector<768x64xf32> to vector<768x64xbf16>
    %dot_general3A_40 = arith.constant dense<0.000000e+00> : vector<196x64xf32>
    %dot_general3A_41 = tpu.matmul %convert_element_type3A_38, %convert_element_type3A_39, %dot_general3A_40 {dimension_numbers = #tpu.dot_dimension_numbers<[1], [0], [0], [1], [0, 0, 1, 1], [], []>, transpose_lhs_hint = false} : vector<196x768xbf16>, vector<768x64xbf16>, vector<196x64xf32> -> vector<196x64xf32>
    %get3A_42 = arith.constant 0 : index
    %get3A_43 = arith.constant 0 : index
    %get3A_44 = vector.load %arg4[%get3A_42, %get3A_43] : memref<1x64xf32, #tpu.memory_space<vmem>>, vector<1x64xf32>
    %add3A_45 = vector.broadcast %get3A_44 : vector<1x64xf32> to vector<196x64xf32>
    %add3A_46 = arith.addf %dot_general3A_41, %add3A_45 : vector<196x64xf32>
    %concatenate3A = tpu.concatenate %add3A_12, %add3A_29, %add3A_46 in 1 : vector<196x64xf32>, vector<196x64xf32>, vector<196x64xf32> -> vector<196x192xf32>
    %get3A_47 = arith.constant 0 : index
    %get3A_48 = arith.constant 0 : index
    %get3A_49 = vector.load %arg5[%get3A_47, %get3A_48] : memref<192x64xf32, #tpu.memory_space<vmem>>, vector<192x64xf32>
    %dot_general3A_50 = arith.constant dense<0.000000e+00> : vector<196x64xf32>
    %dot_general3A_51 = tpu.matmul %concatenate3A, %get3A_49, %dot_general3A_50 {dimension_numbers = #tpu.dot_dimension_numbers<[1], [0], [0], [1], [0, 0, 1, 1], [], []>, transpose_lhs_hint = false} : vector<196x192xf32>, vector<192x64xf32>, vector<196x64xf32> -> vector<196x64xf32>
    %get3A_52 = arith.constant 0 : index
    %get3A_53 = arith.constant 0 : index
    %get3A_54 = vector.load %arg6[%get3A_52, %get3A_53] : memref<1x64xf32, #tpu.memory_space<vmem>>, vector<1x64xf32>
    %add3A_55 = vector.broadcast %get3A_54 : vector<1x64xf32> to vector<196x64xf32>
    %add3A_56 = arith.addf %dot_general3A_51, %add3A_55 : vector<196x64xf32>
    %get3A_57 = arith.constant 0 : index
    %get3A_58 = arith.constant 0 : index
    %get3A_59 = arith.constant 0 : index
    %get3A_60 = vector.load %arg2[%get3A_57, %get3A_58, %get3A_59] : memref<2x196x64xf32, #tpu.memory_space<vmem>>, vector<1x196x64xf32>
    %get3A_61 = vector.shape_cast %get3A_60 : vector<1x196x64xf32> to vector<196x64xf32>
    %get3A_62 = arith.constant 0 : index
    %get3A_63 = arith.constant 0 : index
    %get3A_64 = vector.load %arg7[%get3A_62, %get3A_63] : memref<64x64xf32, #tpu.memory_space<vmem>>, vector<64x64xf32>
    %dot_general3A_65 = arith.constant dense<0.000000e+00> : vector<196x64xf32>
    %dot_general3A_66 = tpu.matmul %get3A_61, %get3A_64, %dot_general3A_65 {dimension_numbers = #tpu.dot_dimension_numbers<[1], [0], [0], [1], [0, 0, 1, 1], [], []>, transpose_lhs_hint = false} : vector<196x64xf32>, vector<64x64xf32>, vector<196x64xf32> -> vector<196x64xf32>
    %get3A_67 = arith.constant 0 : index
    %get3A_68 = arith.constant 0 : index
    %get3A_69 = vector.load %arg8[%get3A_67, %get3A_68] : memref<1x64xf32, #tpu.memory_space<vmem>>, vector<1x64xf32>
    %add3A_70 = vector.broadcast %get3A_69 : vector<1x64xf32> to vector<196x64xf32>
    %add3A_71 = arith.addf %dot_general3A_66, %add3A_70 : vector<196x64xf32>
    %concatenate3A_72 = tpu.concatenate %add3A_56, %add3A_71 in 1 : vector<196x64xf32>, vector<196x64xf32> -> vector<196x128xf32>
    %swap3A = arith.constant 0 : index
    %swap3A_73 = arith.constant 0 : index
    %swap3A_74 = arith.constant 0 : index
    %swap3A_75 = vector.load %arg14[%swap3A, %swap3A_73, %swap3A_74] : memref<2x196x128xf32, #tpu.memory_space<vmem>>, vector<1x196x128xf32>
    %swap3A_76 = vector.shape_cast %swap3A_75 : vector<1x196x128xf32> to vector<196x128xf32>
    %swap3A_77 = vector.shape_cast %concatenate3A_72 : vector<196x128xf32> to vector<1x196x128xf32>
    tpu.vector_store %arg14[%swap3A, %swap3A_73, %swap3A_74], %swap3A_77 {strides = array<i32>} : memref<2x196x128xf32, #tpu.memory_space<vmem>>, vector<1x196x128xf32>,
    %get3A_78 = arith.constant 0 : index
    %get3A_79 = arith.constant 0 : index
    %get3A_80 = vector.load %arg11[%get3A_78, %get3A_79] : memref<1x192xf32, #tpu.memory_space<vmem>>, vector<1x192xf32>
    %mul3A = arith.mulf %concatenate3A, %concatenate3A : vector<196x192xf32>
    %reduce_sum3A = arith.constant dense<0.000000e+00> : vector<196xf32>
    %reduce_sum3A_81 = vector.multi_reduction <add>, %mul3A, %reduce_sum3A [1] : vector<196x192xf32> to vector<196xf32>
    %broadcast_in_dim3A = vector.shape_cast %reduce_sum3A_81 : vector<196xf32> to vector<196x1xf32>
    %sqrt3A = math.sqrt %broadcast_in_dim3A : vector<196x1xf32>
    %max3A = arith.constant 9.99999996E-13 : f32
    %max3A_82 = vector.broadcast %max3A : f32 to vector<196x1xf32>
    %max3A_83 = arith.maximumf %sqrt3A, %max3A_82 : vector<196x1xf32>
    %div3A = vector.broadcast %max3A_83 : vector<196x1xf32> to vector<196x192xf32>
    %div3A_84 = arith.divf %concatenate3A, %div3A : vector<196x192xf32>
    %mul3A_85 = vector.broadcast %get3A_80 : vector<1x192xf32> to vector<196x192xf32>
    %mul3A_86 = arith.mulf %div3A_84, %mul3A_85 : vector<196x192xf32>
    %mul3A_87 = arith.constant 13.8564062 : f32
    %mul3A_88 = vector.broadcast %mul3A_87 : f32 to vector<196x192xf32>
    %mul3A_89 = arith.mulf %mul3A_86, %mul3A_88 : vector<196x192xf32>
    %get3A_90 = arith.constant 0 : index
    %get3A_91 = arith.constant 0 : index
    %get3A_92 = vector.load %arg13[%get3A_90, %get3A_91] : memref<192x192xf32, #tpu.memory_space<vmem>>, vector<192x192xf32>
    %dot_general3A_93 = arith.constant dense<0.000000e+00> : vector<196x192xf32>
    %dot_general3A_94 = tpu.matmul %mul3A_89, %get3A_92, %dot_general3A_93 {dimension_numbers = #tpu.dot_dimension_numbers<[1], [0], [0], [1], [0, 0, 1, 1], [], []>, transpose_lhs_hint = false} : vector<196x192xf32>, vector<192x192xf32>, vector<196x192xf32> -> vector<196x192xf32>
    %swap3A_95 = arith.constant 0 : index
    %swap3A_96 = arith.constant 0 : index
    %swap3A_97 = arith.constant 0 : index
    %swap3A_98 = vector.load %arg15[%swap3A_95, %swap3A_96, %swap3A_97] : memref<2x196x192xf32, #tpu.memory_space<vmem>>, vector<1x196x192xf32>
    %swap3A_99 = vector.shape_cast %swap3A_98 : vector<1x196x192xf32> to vector<196x192xf32>
    %swap3A_100 = vector.shape_cast %dot_general3A_94 : vector<196x192xf32> to vector<1x196x192xf32>
    tpu.vector_store %arg15[%swap3A_95, %swap3A_96, %swap3A_97], %swap3A_100 {strides = array<i32>} : memref<2x196x192xf32, #tpu.memory_space<vmem>>, vector<1x196x192xf32>,
    %get3A_101 = arith.constant 0 : index
    %get3A_102 = arith.constant 0 : index
    %get3A_103 = vector.load %arg12[%get3A_101, %get3A_102] : memref<1x128xf32, #tpu.memory_space<vmem>>, vector<1x128xf32>
    %mul3A_104 = arith.mulf %concatenate3A_72, %concatenate3A_72 : vector<196x128xf32>
    %reduce_sum3A_105 = arith.constant dense<0.000000e+00> : vector<196xf32>
    %reduce_sum3A_106 = vector.multi_reduction <add>, %mul3A_104, %reduce_sum3A_105 [1] : vector<196x128xf32> to vector<196xf32>
    %broadcast_in_dim3A_107 = vector.shape_cast %reduce_sum3A_106 : vector<196xf32> to vector<196x1xf32>
    %sqrt3A_108 = math.sqrt %broadcast_in_dim3A_107 : vector<196x1xf32>
    %max3A_109 = arith.constant 9.99999996E-13 : f32
    %max3A_110 = vector.broadcast %max3A_109 : f32 to vector<196x1xf32>
    %max3A_111 = arith.maximumf %sqrt3A_108, %max3A_110 : vector<196x1xf32>
    %div3A_112 = vector.broadcast %max3A_111 : vector<196x1xf32> to vector<196x128xf32>
    %div3A_113 = arith.divf %concatenate3A_72, %div3A_112 : vector<196x128xf32>
    %mul3A_114 = vector.broadcast %get3A_103 : vector<1x128xf32> to vector<196x128xf32>
    %mul3A_115 = arith.mulf %div3A_113, %mul3A_114 : vector<196x128xf32>
    %mul3A_116 = arith.constant 11.3137083 : f32
    %mul3A_117 = vector.broadcast %mul3A_116 : f32 to vector<196x128xf32>
    %mul3A_118 = arith.mulf %mul3A_115, %mul3A_117 : vector<196x128xf32>
    %get3A_119 = arith.constant 0 : index
    %get3A_120 = arith.constant 0 : index
    %get3A_121 = vector.load %arg9[%get3A_119, %get3A_120] : memref<128x256xf32, #tpu.memory_space<vmem>>, vector<128x256xf32>
    %convert_element_type3A_122 = arith.truncf %mul3A_118 : vector<196x128xf32> to vector<196x128xbf16>
    %convert_element_type3A_123 = arith.truncf %get3A_121 : vector<128x256xf32> to vector<128x256xbf16>
    %dot_general3A_124 = arith.constant dense<0.000000e+00> : vector<196x256xf32>
    %dot_general3A_125 = tpu.matmul %convert_element_type3A_122, %convert_element_type3A_123, %dot_general3A_124 {dimension_numbers = #tpu.dot_dimension_numbers<[1], [0], [0], [1], [0, 0, 1, 1], [], []>, transpose_lhs_hint = false} : vector<196x128xbf16>, vector<128x256xbf16>, vector<196x256xf32> -> vector<196x256xf32>
    %iota3A = tpu.iota {dimensions = array<i32: 1>} : vector<196x40xi32>
    %iota3A_126 = tpu.iota {dimensions = array<i32: 1>} : vector<196x4xi32>
    %slice3A = vector.extract_strided_slice %dot_general3A_125 {offsets = [0, 0], sizes = [196, 64], strides = [1, 1]} : vector<196x256xf32> to vector<196x64xf32>
    %slice3A_127 = vector.extract_strided_slice %dot_general3A_125 {offsets = [0, 128], sizes = [196, 64], strides = [1, 1]} : vector<196x256xf32> to vector<196x64xf32>
    %get3A_128 = arith.constant 0 : index
    %get3A_129 = arith.constant 0 : index
    %get3A_130 = arith.constant 0 : index
    %get3A_131 = vector.load %arg10[%get3A_128, %get3A_129, %get3A_130] : memref<4x64x40xf32, #tpu.memory_space<vmem>>, vector<1x64x40xf32>
    %get3A_132 = vector.shape_cast %get3A_131 : vector<1x64x40xf32> to vector<64x40xf32>
    %convert_element_type3A_133 = arith.truncf %slice3A : vector<196x64xf32> to vector<196x64xbf16>
    %convert_element_type3A_134 = arith.truncf %get3A_132 : vector<64x40xf32> to vector<64x40xbf16>
    %dot_general3A_135 = arith.constant dense<0.000000e+00> : vector<196x40xf32>
    %dot_general3A_136 = tpu.matmul %convert_element_type3A_133, %convert_element_type3A_134, %dot_general3A_135 {dimension_numbers = #tpu.dot_dimension_numbers<[1], [0], [0], [1], [0, 0, 1, 1], [], []>, transpose_lhs_hint = false} : vector<196x64xbf16>, vector<64x40xbf16>, vector<196x40xf32> -> vector<196x40xf32>
    %get3A_137 = arith.constant 2 : index
    %get3A_138 = arith.constant 0 : index
    %get3A_139 = arith.constant 0 : index
    %get3A_140 = vector.load %arg10[%get3A_137, %get3A_138, %get3A_139] : memref<4x64x40xf32, #tpu.memory_space<vmem>>, vector<1x64x40xf32>
    %get3A_141 = vector.shape_cast %get3A_140 : vector<1x64x40xf32> to vector<64x40xf32>
    %convert_element_type3A_142 = arith.truncf %slice3A_127 : vector<196x64xf32> to vector<196x64xbf16>
    %convert_element_type3A_143 = arith.truncf %get3A_141 : vector<64x40xf32> to vector<64x40xbf16>
    %dot_general3A_144 = arith.constant dense<0.000000e+00> : vector<196x40xf32>
    %dot_general3A_145 = tpu.matmul %convert_element_type3A_142, %convert_element_type3A_143, %dot_general3A_144 {dimension_numbers = #tpu.dot_dimension_numbers<[1], [0], [0], [1], [0, 0, 1, 1], [], []>, transpose_lhs_hint = false} : vector<196x64xbf16>, vector<64x40xbf16>, vector<196x40xf32> -> vector<196x40xf32>
    %bitcast_convert_type3A = tpu.bitcast %dot_general3A_136 : vector<196x40xf32> -> vector<196x40xi32>
    %shift_right_arithmetic3A = arith.constant 31 : i32
    %shift_right_arithmetic3A_146 = vector.broadcast %shift_right_arithmetic3A : i32 to vector<196x40xi32>
    %shift_right_arithmetic3A_147 = arith.shrsi %bitcast_convert_type3A, %shift_right_arithmetic3A_146 : vector<196x40xi32>
    %and3A = arith.constant 2147483647 : i32
    %and3A_148 = vector.broadcast %and3A : i32 to vector<196x40xi32>
    %and3A_149 = arith.andi %shift_right_arithmetic3A_147, %and3A_148 : vector<196x40xi32>
    %xor3A = arith.xori %bitcast_convert_type3A, %and3A_149 : vector<196x40xi32>
    %and3A_150 = arith.constant -64 : i32
    %and3A_151 = vector.broadcast %and3A_150 : i32 to vector<196x40xi32>
    %and3A_152 = arith.andi %xor3A, %and3A_151 : vector<196x40xi32>
    %sub3A = arith.constant 63 : i32
    %sub3A_153 = vector.broadcast %sub3A : i32 to vector<196x40xi32>
    %sub3A_154 = arith.subi %sub3A_153, %iota3A : vector<196x40xi32>
    %or3A = arith.ori %and3A_152, %sub3A_154 : vector<196x40xi32>
    %reduce_max3A = arith.constant dense<-2147483648> : vector<196xi32>
    %reduce_max3A_155 = vector.multi_reduction <maxsi>, %or3A, %reduce_max3A [1] : vector<196x40xi32> to vector<196xi32>
    %broadcast_in_dim3A_156 = vector.shape_cast %reduce_max3A_155 : vector<196xi32> to vector<196x1xi32>
    %eq3A = vector.broadcast %broadcast_in_dim3A_156 : vector<196x1xi32> to vector<196x40xi32>
    %eq3A_157 = arith.cmpi eq, %or3A, %eq3A : vector<196x40xi32>
    %jit3A = arith.constant -2147483648 : i32
    %broadcast_in_dim3A_158 = vector.broadcast %jit3A : i32 to vector<196x40xi32>
    %select_n3A = arith.select %eq3A_157, %broadcast_in_dim3A_158, %or3A : vector<196x40xi1>, vector<196x40xi32>
    %reduce_max3A_159 = arith.constant dense<-2147483648> : vector<196xi32>
    %reduce_max3A_160 = vector.multi_reduction <maxsi>, %select_n3A, %reduce_max3A_159 [1] : vector<196x40xi32> to vector<196xi32>
    %broadcast_in_dim3A_161 = vector.shape_cast %reduce_max3A_160 : vector<196xi32> to vector<196x1xi32>
    %and3A_162 = arith.constant 63 : i32
    %and3A_163 = vector.broadcast %and3A_162 : i32 to vector<196x1xi32>
    %and3A_164 = arith.andi %broadcast_in_dim3A_156, %and3A_163 : vector<196x1xi32>
    %sub3A_165 = arith.constant 63 : i32
    %sub3A_166 = vector.broadcast %sub3A_165 : i32 to vector<196x1xi32>
    %sub3A_167 = arith.subi %sub3A_166, %and3A_164 : vector<196x1xi32>
    %and3A_168 = arith.constant 63 : i32
    %and3A_169 = vector.broadcast %and3A_168 : i32 to vector<196x1xi32>
    %and3A_170 = arith.andi %broadcast_in_dim3A_161, %and3A_169 : vector<196x1xi32>
    %sub3A_171 = arith.constant 63 : i32
    %sub3A_172 = vector.broadcast %sub3A_171 : i32 to vector<196x1xi32>
    %sub3A_173 = arith.subi %sub3A_172, %and3A_170 : vector<196x1xi32>
    %and3A_174 = arith.constant -64 : i32
    %and3A_175 = vector.broadcast %and3A_174 : i32 to vector<196x1xi32>
    %and3A_176 = arith.andi %broadcast_in_dim3A_156, %and3A_175 : vector<196x1xi32>
    %shift_right_arithmetic3A_177 = arith.constant 31 : i32
    %shift_right_arithmetic3A_178 = vector.broadcast %shift_right_arithmetic3A_177 : i32 to vector<196x1xi32>
    %shift_right_arithmetic3A_179 = arith.shrsi %and3A_176, %shift_right_arithmetic3A_178 : vector<196x1xi32>
    %and3A_180 = arith.constant 2147483647 : i32
    %and3A_181 = vector.broadcast %and3A_180 : i32 to vector<196x1xi32>
    %and3A_182 = arith.andi %shift_right_arithmetic3A_179, %and3A_181 : vector<196x1xi32>
    %xor3A_183 = arith.xori %and3A_176, %and3A_182 : vector<196x1xi32>
    %bitcast_convert_type3A_184 = tpu.bitcast %xor3A_183 : vector<196x1xi32> -> vector<196x1xf32>
    %and3A_185 = arith.constant -64 : i32
    %and3A_186 = vector.broadcast %and3A_185 : i32 to vector<196x1xi32>
    %and3A_187 = arith.andi %broadcast_in_dim3A_161, %and3A_186 : vector<196x1xi32>
    %shift_right_arithmetic3A_188 = arith.constant 31 : i32
    %shift_right_arithmetic3A_189 = vector.broadcast %shift_right_arithmetic3A_188 : i32 to vector<196x1xi32>
    %shift_right_arithmetic3A_190 = arith.shrsi %and3A_187, %shift_right_arithmetic3A_189 : vector<196x1xi32>
    %and3A_191 = arith.constant 2147483647 : i32
    %and3A_192 = vector.broadcast %and3A_191 : i32 to vector<196x1xi32>
    %and3A_193 = arith.andi %shift_right_arithmetic3A_190, %and3A_192 : vector<196x1xi32>
    %xor3A_194 = arith.xori %and3A_187, %and3A_193 : vector<196x1xi32>
    %bitcast_convert_type3A_195 = tpu.bitcast %xor3A_194 : vector<196x1xi32> -> vector<196x1xf32>
    %bitcast_convert_type3A_196 = tpu.bitcast %dot_general3A_145 : vector<196x40xf32> -> vector<196x40xi32>
    %shift_right_arithmetic3A_197 = arith.constant 31 : i32
    %shift_right_arithmetic3A_198 = vector.broadcast %shift_right_arithmetic3A_197 : i32 to vector<196x40xi32>
    %shift_right_arithmetic3A_199 = arith.shrsi %bitcast_convert_type3A_196, %shift_right_arithmetic3A_198 : vector<196x40xi32>
    %and3A_200 = arith.constant 2147483647 : i32
    %and3A_201 = vector.broadcast %and3A_200 : i32 to vector<196x40xi32>
    %and3A_202 = arith.andi %shift_right_arithmetic3A_199, %and3A_201 : vector<196x40xi32>
    %xor3A_203 = arith.xori %bitcast_convert_type3A_196, %and3A_202 : vector<196x40xi32>
    %and3A_204 = arith.constant -64 : i32
    %and3A_205 = vector.broadcast %and3A_204 : i32 to vector<196x40xi32>
    %and3A_206 = arith.andi %xor3A_203, %and3A_205 : vector<196x40xi32>
    %sub3A_207 = arith.constant 63 : i32
    %sub3A_208 = vector.broadcast %sub3A_207 : i32 to vector<196x40xi32>
    %sub3A_209 = arith.subi %sub3A_208, %iota3A : vector<196x40xi32>
    %or3A_210 = arith.ori %and3A_206, %sub3A_209 : vector<196x40xi32>
    %reduce_max3A_211 = arith.constant dense<-2147483648> : vector<196xi32>
    %reduce_max3A_212 = vector.multi_reduction <maxsi>, %or3A_210, %reduce_max3A_211 [1] : vector<196x40xi32> to vector<196xi32>
    %broadcast_in_dim3A_213 = vector.shape_cast %reduce_max3A_212 : vector<196xi32> to vector<196x1xi32>
    %eq3A_214 = vector.broadcast %broadcast_in_dim3A_213 : vector<196x1xi32> to vector<196x40xi32>
    %eq3A_215 = arith.cmpi eq, %or3A_210, %eq3A_214 : vector<196x40xi32>
    %jit3A_216 = arith.constant -2147483648 : i32
    %broadcast_in_dim3A_217 = vector.broadcast %jit3A_216 : i32 to vector<196x40xi32>
    %select_n3A_218 = arith.select %eq3A_215, %broadcast_in_dim3A_217, %or3A_210 : vector<196x40xi1>, vector<196x40xi32>
    %reduce_max3A_219 = arith.constant dense<-2147483648> : vector<196xi32>
    %reduce_max3A_220 = vector.multi_reduction <maxsi>, %select_n3A_218, %reduce_max3A_219 [1] : vector<196x40xi32> to vector<196xi32>
    %broadcast_in_dim3A_221 = vector.shape_cast %reduce_max3A_220 : vector<196xi32> to vector<196x1xi32>
    %and3A_222 = arith.constant 63 : i32
    %and3A_223 = vector.broadcast %and3A_222 : i32 to vector<196x1xi32>
    %and3A_224 = arith.andi %broadcast_in_dim3A_213, %and3A_223 : vector<196x1xi32>
    %sub3A_225 = arith.constant 63 : i32
    %sub3A_226 = vector.broadcast %sub3A_225 : i32 to vector<196x1xi32>
    %sub3A_227 = arith.subi %sub3A_226, %and3A_224 : vector<196x1xi32>
    %and3A_228 = arith.constant 63 : i32
    %and3A_229 = vector.broadcast %and3A_228 : i32 to vector<196x1xi32>
    %and3A_230 = arith.andi %broadcast_in_dim3A_221, %and3A_229 : vector<196x1xi32>
    %sub3A_231 = arith.constant 63 : i32
    %sub3A_232 = vector.broadcast %sub3A_231 : i32 to vector<196x1xi32>
    %sub3A_233 = arith.subi %sub3A_232, %and3A_230 : vector<196x1xi32>
    %and3A_234 = arith.constant -64 : i32
    %and3A_235 = vector.broadcast %and3A_234 : i32 to vector<196x1xi32>
    %and3A_236 = arith.andi %broadcast_in_dim3A_213, %and3A_235 : vector<196x1xi32>
    %shift_right_arithmetic3A_237 = arith.constant 31 : i32
    %shift_right_arithmetic3A_238 = vector.broadcast %shift_right_arithmetic3A_237 : i32 to vector<196x1xi32>
    %shift_right_arithmetic3A_239 = arith.shrsi %and3A_236, %shift_right_arithmetic3A_238 : vector<196x1xi32>
    %and3A_240 = arith.constant 2147483647 : i32
    %and3A_241 = vector.broadcast %and3A_240 : i32 to vector<196x1xi32>
    %and3A_242 = arith.andi %shift_right_arithmetic3A_239, %and3A_241 : vector<196x1xi32>
    %xor3A_243 = arith.xori %and3A_236, %and3A_242 : vector<196x1xi32>
    %bitcast_convert_type3A_244 = tpu.bitcast %xor3A_243 : vector<196x1xi32> -> vector<196x1xf32>
    %and3A_245 = arith.constant -64 : i32
    %and3A_246 = vector.broadcast %and3A_245 : i32 to vector<196x1xi32>
    %and3A_247 = arith.andi %broadcast_in_dim3A_221, %and3A_246 : vector<196x1xi32>
    %shift_right_arithmetic3A_248 = arith.constant 31 : i32
    %shift_right_arithmetic3A_249 = vector.broadcast %shift_right_arithmetic3A_248 : i32 to vector<196x1xi32>
    %shift_right_arithmetic3A_250 = arith.shrsi %and3A_247, %shift_right_arithmetic3A_249 : vector<196x1xi32>
    %and3A_251 = arith.constant 2147483647 : i32
    %and3A_252 = vector.broadcast %and3A_251 : i32 to vector<196x1xi32>
    %and3A_253 = arith.andi %shift_right_arithmetic3A_250, %and3A_252 : vector<196x1xi32>
    %xor3A_254 = arith.xori %and3A_247, %and3A_253 : vector<196x1xi32>
    %bitcast_convert_type3A_255 = tpu.bitcast %xor3A_254 : vector<196x1xi32> -> vector<196x1xf32>
    %add3A_256 = arith.addf %bitcast_convert_type3A_184, %bitcast_convert_type3A_244 : vector<196x1xf32>
    %add3A_257 = arith.addf %bitcast_convert_type3A_184, %bitcast_convert_type3A_255 : vector<196x1xf32>
    %add3A_258 = arith.addf %bitcast_convert_type3A_195, %bitcast_convert_type3A_244 : vector<196x1xf32>
    %add3A_259 = arith.addf %bitcast_convert_type3A_195, %bitcast_convert_type3A_255 : vector<196x1xf32>
    %concatenate3A_260 = tpu.concatenate %add3A_256, %add3A_257, %add3A_258, %add3A_259 in 1 : vector<196x1xf32>, vector<196x1xf32>, vector<196x1xf32>, vector<196x1xf32> -> vector<196x4xf32>
    %mul3A_261 = arith.constant 40 : i32
    %mul3A_262 = vector.broadcast %mul3A_261 : i32 to vector<196x1xi32>
    %mul3A_263 = arith.muli %sub3A_167, %mul3A_262 : vector<196x1xi32>
    %add3A_264 = arith.addi %mul3A_263, %sub3A_227 : vector<196x1xi32>
    %mul3A_265 = arith.constant 40 : i32
    %mul3A_266 = vector.broadcast %mul3A_265 : i32 to vector<196x1xi32>
    %mul3A_267 = arith.muli %sub3A_167, %mul3A_266 : vector<196x1xi32>
    %add3A_268 = arith.addi %mul3A_267, %sub3A_233 : vector<196x1xi32>
    %mul3A_269 = arith.constant 40 : i32
    %mul3A_270 = vector.broadcast %mul3A_269 : i32 to vector<196x1xi32>
    %mul3A_271 = arith.muli %sub3A_173, %mul3A_270 : vector<196x1xi32>
    %add3A_272 = arith.addi %mul3A_271, %sub3A_227 : vector<196x1xi32>
    %mul3A_273 = arith.constant 40 : i32
    %mul3A_274 = vector.broadcast %mul3A_273 : i32 to vector<196x1xi32>
    %mul3A_275 = arith.muli %sub3A_173, %mul3A_274 : vector<196x1xi32>
    %add3A_276 = arith.addi %mul3A_275, %sub3A_233 : vector<196x1xi32>
    %concatenate3A_277 = tpu.concatenate %add3A_264, %add3A_268, %add3A_272, %add3A_276 in 1 : vector<196x1xi32>, vector<196x1xi32>, vector<196x1xi32>, vector<196x1xi32> -> vector<196x4xi32>
    %reduce_max3A_278 = arith.constant dense<0xFF800000> : vector<196xf32>
    %reduce_max3A_279 = vector.multi_reduction <maximumf>, %concatenate3A_260, %reduce_max3A_278 [1] : vector<196x4xf32> to vector<196xf32>
    %broadcast_in_dim3A_280 = vector.shape_cast %reduce_max3A_279 : vector<196xf32> to vector<196x1xf32>
    %eq3A_281 = vector.broadcast %broadcast_in_dim3A_280 : vector<196x1xf32> to vector<196x4xf32>
    %eq3A_282 = arith.cmpf oeq, %concatenate3A_260, %eq3A_281 : vector<196x4xf32>
    %jit3A_283 = arith.constant 4 : i32
    %broadcast_in_dim3A_284 = vector.broadcast %jit3A_283 : i32 to vector<196x4xi32>
    %select_n3A_285 = arith.select %eq3A_282, %iota3A_126, %broadcast_in_dim3A_284 : vector<196x4xi1>, vector<196x4xi32>
    %reduce_min3A = arith.constant dense<2147483647> : vector<196xi32>
    %reduce_min3A_286 = vector.multi_reduction <minsi>, %select_n3A_285, %reduce_min3A [1] : vector<196x4xi32> to vector<196xi32>
    %broadcast_in_dim3A_287 = vector.shape_cast %reduce_min3A_286 : vector<196xi32> to vector<196x1xi32>
    %eq3A_288 = vector.broadcast %broadcast_in_dim3A_287 : vector<196x1xi32> to vector<196x4xi32>
    %eq3A_289 = arith.cmpi eq, %iota3A_126, %eq3A_288 : vector<196x4xi32>
    %jit3A_290 = arith.constant -1.000000e+30 : f32
    %broadcast_in_dim3A_291 = vector.broadcast %jit3A_290 : f32 to vector<196x4xf32>
    %select_n3A_292 = arith.select %eq3A_289, %broadcast_in_dim3A_291, %concatenate3A_260 : vector<196x4xi1>, vector<196x4xf32>
    %reduce_max3A_293 = arith.constant dense<0xFF800000> : vector<196xf32>
    %reduce_max3A_294 = vector.multi_reduction <maximumf>, %select_n3A_292, %reduce_max3A_293 [1] : vector<196x4xf32> to vector<196xf32>
    %broadcast_in_dim3A_295 = vector.shape_cast %reduce_max3A_294 : vector<196xf32> to vector<196x1xf32>
    %eq3A_296 = vector.broadcast %broadcast_in_dim3A_295 : vector<196x1xf32> to vector<196x4xf32>
    %eq3A_297 = arith.cmpf oeq, %select_n3A_292, %eq3A_296 : vector<196x4xf32>
    %jit3A_298 = arith.constant 4 : i32
    %broadcast_in_dim3A_299 = vector.broadcast %jit3A_298 : i32 to vector<196x4xi32>
    %select_n3A_300 = arith.select %eq3A_297, %iota3A_126, %broadcast_in_dim3A_299 : vector<196x4xi1>, vector<196x4xi32>
    %reduce_min3A_301 = arith.constant dense<2147483647> : vector<196xi32>
    %reduce_min3A_302 = vector.multi_reduction <minsi>, %select_n3A_300, %reduce_min3A_301 [1] : vector<196x4xi32> to vector<196xi32>
    %broadcast_in_dim3A_303 = vector.shape_cast %reduce_min3A_302 : vector<196xi32> to vector<196x1xi32>
    %eq3A_304 = vector.broadcast %broadcast_in_dim3A_287 : vector<196x1xi32> to vector<196x4xi32>
    %eq3A_305 = arith.cmpi eq, %iota3A_126, %eq3A_304 : vector<196x4xi32>
    %jit3A_306 = arith.constant 0 : i32
    %broadcast_in_dim3A_307 = vector.broadcast %jit3A_306 : i32 to vector<196x4xi32>
    %select_n3A_308 = arith.select %eq3A_305, %concatenate3A_277, %broadcast_in_dim3A_307 : vector<196x4xi1>, vector<196x4xi32>
    %reduce_sum3A_309 = arith.constant dense<0> : vector<196xi32>
    %reduce_sum3A_310 = vector.multi_reduction <add>, %select_n3A_308, %reduce_sum3A_309 [1] : vector<196x4xi32> to vector<196xi32>
    %broadcast_in_dim3A_311 = vector.shape_cast %reduce_sum3A_310 : vector<196xi32> to vector<196x1xi32>
    %eq3A_312 = vector.broadcast %broadcast_in_dim3A_303 : vector<196x1xi32> to vector<196x4xi32>
    %eq3A_313 = arith.cmpi eq, %iota3A_126, %eq3A_312 : vector<196x4xi32>
    %jit3A_314 = arith.constant 0 : i32
    %broadcast_in_dim3A_315 = vector.broadcast %jit3A_314 : i32 to vector<196x4xi32>
    %select_n3A_316 = arith.select %eq3A_313, %concatenate3A_277, %broadcast_in_dim3A_315 : vector<196x4xi1>, vector<196x4xi32>
    %reduce_sum3A_317 = arith.constant dense<0> : vector<196xi32>
    %reduce_sum3A_318 = vector.multi_reduction <add>, %select_n3A_316, %reduce_sum3A_317 [1] : vector<196x4xi32> to vector<196xi32>
    %broadcast_in_dim3A_319 = vector.shape_cast %reduce_sum3A_318 : vector<196xi32> to vector<196x1xi32>
    %sub3A_320 = arith.subf %broadcast_in_dim3A_280, %broadcast_in_dim3A_295 : vector<196x1xf32>
    %exp3A = math.exp %sub3A_320 : vector<196x1xf32>
    %add3A_321 = arith.constant 1.000000e+00 : f32
    %add3A_322 = vector.broadcast %add3A_321 : f32 to vector<196x1xf32>
    %add3A_323 = arith.addf %add3A_322, %exp3A : vector<196x1xf32>
    %div3A_324 = arith.constant 1.000000e+00 : f32
    %div3A_325 = vector.broadcast %div3A_324 : f32 to vector<196x1xf32>
    %div3A_326 = arith.divf %div3A_325, %add3A_323 : vector<196x1xf32>
    %sub3A_327 = arith.constant 1.000000e+00 : f32
    %sub3A_328 = vector.broadcast %sub3A_327 : f32 to vector<196x1xf32>
    %sub3A_329 = arith.subf %sub3A_328, %div3A_326 : vector<196x1xf32>
    %slice3A_330 = vector.extract_strided_slice %dot_general3A_125 {offsets = [0, 64], sizes = [196, 64], strides = [1, 1]} : vector<196x256xf32> to vector<196x64xf32>
    %slice3A_331 = vector.extract_strided_slice %dot_general3A_125 {offsets = [0, 192], sizes = [196, 64], strides = [1, 1]} : vector<196x256xf32> to vector<196x64xf32>
    %get3A_332 = arith.constant 1 : index
    %get3A_333 = arith.constant 0 : index
    %get3A_334 = arith.constant 0 : index
    %get3A_335 = vector.load %arg10[%get3A_332, %get3A_333, %get3A_334] : memref<4x64x40xf32, #tpu.memory_space<vmem>>, vector<1x64x40xf32>
    %get3A_336 = vector.shape_cast %get3A_335 : vector<1x64x40xf32> to vector<64x40xf32>
    %convert_element_type3A_337 = arith.truncf %slice3A_330 : vector<196x64xf32> to vector<196x64xbf16>
    %convert_element_type3A_338 = arith.truncf %get3A_336 : vector<64x40xf32> to vector<64x40xbf16>
    %dot_general3A_339 = arith.constant dense<0.000000e+00> : vector<196x40xf32>
    %dot_general3A_340 = tpu.matmul %convert_element_type3A_337, %convert_element_type3A_338, %dot_general3A_339 {dimension_numbers = #tpu.dot_dimension_numbers<[1], [0], [0], [1], [0, 0, 1, 1], [], []>, transpose_lhs_hint = false} : vector<196x64xbf16>, vector<64x40xbf16>, vector<196x40xf32> -> vector<196x40xf32>
    %get3A_341 = arith.constant 3 : index
    %get3A_342 = arith.constant 0 : index
    %get3A_343 = arith.constant 0 : index
    %get3A_344 = vector.load %arg10[%get3A_341, %get3A_342, %get3A_343] : memref<4x64x40xf32, #tpu.memory_space<vmem>>, vector<1x64x40xf32>
    %get3A_345 = vector.shape_cast %get3A_344 : vector<1x64x40xf32> to vector<64x40xf32>
    %convert_element_type3A_346 = arith.truncf %slice3A_331 : vector<196x64xf32> to vector<196x64xbf16>
    %convert_element_type3A_347 = arith.truncf %get3A_345 : vector<64x40xf32> to vector<64x40xbf16>
    %dot_general3A_348 = arith.constant dense<0.000000e+00> : vector<196x40xf32>
    %dot_general3A_349 = tpu.matmul %convert_element_type3A_346, %convert_element_type3A_347, %dot_general3A_348 {dimension_numbers = #tpu.dot_dimension_numbers<[1], [0], [0], [1], [0, 0, 1, 1], [], []>, transpose_lhs_hint = false} : vector<196x64xbf16>, vector<64x40xbf16>, vector<196x40xf32> -> vector<196x40xf32>
    %bitcast_convert_type3A_350 = tpu.bitcast %dot_general3A_340 : vector<196x40xf32> -> vector<196x40xi32>
    %shift_right_arithmetic3A_351 = arith.constant 31 : i32
    %shift_right_arithmetic3A_352 = vector.broadcast %shift_right_arithmetic3A_351 : i32 to vector<196x40xi32>
    %shift_right_arithmetic3A_353 = arith.shrsi %bitcast_convert_type3A_350, %shift_right_arithmetic3A_352 : vector<196x40xi32>
    %and3A_354 = arith.constant 2147483647 : i32
    %and3A_355 = vector.broadcast %and3A_354 : i32 to vector<196x40xi32>
    %and3A_356 = arith.andi %shift_right_arithmetic3A_353, %and3A_355 : vector<196x40xi32>
    %xor3A_357 = arith.xori %bitcast_convert_type3A_350, %and3A_356 : vector<196x40xi32>
    %and3A_358 = arith.constant -64 : i32
    %and3A_359 = vector.broadcast %and3A_358 : i32 to vector<196x40xi32>
    %and3A_360 = arith.andi %xor3A_357, %and3A_359 : vector<196x40xi32>
    %sub3A_361 = arith.constant 63 : i32
    %sub3A_362 = vector.broadcast %sub3A_361 : i32 to vector<196x40xi32>
    %sub3A_363 = arith.subi %sub3A_362, %iota3A : vector<196x40xi32>
    %or3A_364 = arith.ori %and3A_360, %sub3A_363 : vector<196x40xi32>
    %reduce_max3A_365 = arith.constant dense<-2147483648> : vector<196xi32>
    %reduce_max3A_366 = vector.multi_reduction <maxsi>, %or3A_364, %reduce_max3A_365 [1] : vector<196x40xi32> to vector<196xi32>
    %broadcast_in_dim3A_367 = vector.shape_cast %reduce_max3A_366 : vector<196xi32> to vector<196x1xi32>
    %eq3A_368 = vector.broadcast %broadcast_in_dim3A_367 : vector<196x1xi32> to vector<196x40xi32>
    %eq3A_369 = arith.cmpi eq, %or3A_364, %eq3A_368 : vector<196x40xi32>
    %jit3A_370 = arith.constant -2147483648 : i32
    %broadcast_in_dim3A_371 = vector.broadcast %jit3A_370 : i32 to vector<196x40xi32>
    %select_n3A_372 = arith.select %eq3A_369, %broadcast_in_dim3A_371, %or3A_364 : vector<196x40xi1>, vector<196x40xi32>
    %reduce_max3A_373 = arith.constant dense<-2147483648> : vector<196xi32>
    %reduce_max3A_374 = vector.multi_reduction <maxsi>, %select_n3A_372, %reduce_max3A_373 [1] : vector<196x40xi32> to vector<196xi32>
    %broadcast_in_dim3A_375 = vector.shape_cast %reduce_max3A_374 : vector<196xi32> to vector<196x1xi32>
    %and3A_376 = arith.constant 63 : i32
    %and3A_377 = vector.broadcast %and3A_376 : i32 to vector<196x1xi32>
    %and3A_378 = arith.andi %broadcast_in_dim3A_367, %and3A_377 : vector<196x1xi32>
    %sub3A_379 = arith.constant 63 : i32
    %sub3A_380 = vector.broadcast %sub3A_379 : i32 to vector<196x1xi32>
    %sub3A_381 = arith.subi %sub3A_380, %and3A_378 : vector<196x1xi32>
    %and3A_382 = arith.constant 63 : i32
    %and3A_383 = vector.broadcast %and3A_382 : i32 to vector<196x1xi32>
    %and3A_384 = arith.andi %broadcast_in_dim3A_375, %and3A_383 : vector<196x1xi32>
    %sub3A_385 = arith.constant 63 : i32
    %sub3A_386 = vector.broadcast %sub3A_385 : i32 to vector<196x1xi32>
    %sub3A_387 = arith.subi %sub3A_386, %and3A_384 : vector<196x1xi32>
    %and3A_388 = arith.constant -64 : i32
    %and3A_389 = vector.broadcast %and3A_388 : i32 to vector<196x1xi32>
    %and3A_390 = arith.andi %broadcast_in_dim3A_367, %and3A_389 : vector<196x1xi32>
    %shift_right_arithmetic3A_391 = arith.constant 31 : i32
    %shift_right_arithmetic3A_392 = vector.broadcast %shift_right_arithmetic3A_391 : i32 to vector<196x1xi32>
    %shift_right_arithmetic3A_393 = arith.shrsi %and3A_390, %shift_right_arithmetic3A_392 : vector<196x1xi32>
    %and3A_394 = arith.constant 2147483647 : i32
    %and3A_395 = vector.broadcast %and3A_394 : i32 to vector<196x1xi32>
    %and3A_396 = arith.andi %shift_right_arithmetic3A_393, %and3A_395 : vector<196x1xi32>
    %xor3A_397 = arith.xori %and3A_390, %and3A_396 : vector<196x1xi32>
    %bitcast_convert_type3A_398 = tpu.bitcast %xor3A_397 : vector<196x1xi32> -> vector<196x1xf32>
    %and3A_399 = arith.constant -64 : i32
    %and3A_400 = vector.broadcast %and3A_399 : i32 to vector<196x1xi32>
    %and3A_401 = arith.andi %broadcast_in_dim3A_375, %and3A_400 : vector<196x1xi32>
    %shift_right_arithmetic3A_402 = arith.constant 31 : i32
    %shift_right_arithmetic3A_403 = vector.broadcast %shift_right_arithmetic3A_402 : i32 to vector<196x1xi32>
    %shift_right_arithmetic3A_404 = arith.shrsi %and3A_401, %shift_right_arithmetic3A_403 : vector<196x1xi32>
    %and3A_405 = arith.constant 2147483647 : i32
    %and3A_406 = vector.broadcast %and3A_405 : i32 to vector<196x1xi32>
    %and3A_407 = arith.andi %shift_right_arithmetic3A_404, %and3A_406 : vector<196x1xi32>
    %xor3A_408 = arith.xori %and3A_401, %and3A_407 : vector<196x1xi32>
    %bitcast_convert_type3A_409 = tpu.bitcast %xor3A_408 : vector<196x1xi32> -> vector<196x1xf32>
    %bitcast_convert_type3A_410 = tpu.bitcast %dot_general3A_349 : vector<196x40xf32> -> vector<196x40xi32>
    %shift_right_arithmetic3A_411 = arith.constant 31 : i32
    %shift_right_arithmetic3A_412 = vector.broadcast %shift_right_arithmetic3A_411 : i32 to vector<196x40xi32>
    %shift_right_arithmetic3A_413 = arith.shrsi %bitcast_convert_type3A_410, %shift_right_arithmetic3A_412 : vector<196x40xi32>
    %and3A_414 = arith.constant 2147483647 : i32
    %and3A_415 = vector.broadcast %and3A_414 : i32 to vector<196x40xi32>
    %and3A_416 = arith.andi %shift_right_arithmetic3A_413, %and3A_415 : vector<196x40xi32>
    %xor3A_417 = arith.xori %bitcast_convert_type3A_410, %and3A_416 : vector<196x40xi32>
    %and3A_418 = arith.constant -64 : i32
    %and3A_419 = vector.broadcast %and3A_418 : i32 to vector<196x40xi32>
    %and3A_420 = arith.andi %xor3A_417, %and3A_419 : vector<196x40xi32>
    %sub3A_421 = arith.constant 63 : i32
    %sub3A_422 = vector.broadcast %sub3A_421 : i32 to vector<196x40xi32>
    %sub3A_423 = arith.subi %sub3A_422, %iota3A : vector<196x40xi32>
    %or3A_424 = arith.ori %and3A_420, %sub3A_423 : vector<196x40xi32>
    %reduce_max3A_425 = arith.constant dense<-2147483648> : vector<196xi32>
    %reduce_max3A_426 = vector.multi_reduction <maxsi>, %or3A_424, %reduce_max3A_425 [1] : vector<196x40xi32> to vector<196xi32>
    %broadcast_in_dim3A_427 = vector.shape_cast %reduce_max3A_426 : vector<196xi32> to vector<196x1xi32>
    %eq3A_428 = vector.broadcast %broadcast_in_dim3A_427 : vector<196x1xi32> to vector<196x40xi32>
    %eq3A_429 = arith.cmpi eq, %or3A_424, %eq3A_428 : vector<196x40xi32>
    %jit3A_430 = arith.constant -2147483648 : i32
    %broadcast_in_dim3A_431 = vector.broadcast %jit3A_430 : i32 to vector<196x40xi32>
    %select_n3A_432 = arith.select %eq3A_429, %broadcast_in_dim3A_431, %or3A_424 : vector<196x40xi1>, vector<196x40xi32>
    %reduce_max3A_433 = arith.constant dense<-2147483648> : vector<196xi32>
    %reduce_max3A_434 = vector.multi_reduction <maxsi>, %select_n3A_432, %reduce_max3A_433 [1] : vector<196x40xi32> to vector<196xi32>
    %broadcast_in_dim3A_435 = vector.shape_cast %reduce_max3A_434 : vector<196xi32> to vector<196x1xi32>
    %and3A_436 = arith.constant 63 : i32
    %and3A_437 = vector.broadcast %and3A_436 : i32 to vector<196x1xi32>
    %and3A_438 = arith.andi %broadcast_in_dim3A_427, %and3A_437 : vector<196x1xi32>
    %sub3A_439 = arith.constant 63 : i32
    %sub3A_440 = vector.broadcast %sub3A_439 : i32 to vector<196x1xi32>
    %sub3A_441 = arith.subi %sub3A_440, %and3A_438 : vector<196x1xi32>
    %and3A_442 = arith.constant 63 : i32
    %and3A_443 = vector.broadcast %and3A_442 : i32 to vector<196x1xi32>
    %and3A_444 = arith.andi %broadcast_in_dim3A_435, %and3A_443 : vector<196x1xi32>
    %sub3A_445 = arith.constant 63 : i32
    %sub3A_446 = vector.broadcast %sub3A_445 : i32 to vector<196x1xi32>
    %sub3A_447 = arith.subi %sub3A_446, %and3A_444 : vector<196x1xi32>
    %and3A_448 = arith.constant -64 : i32
    %and3A_449 = vector.broadcast %and3A_448 : i32 to vector<196x1xi32>
    %and3A_450 = arith.andi %broadcast_in_dim3A_427, %and3A_449 : vector<196x1xi32>
    %shift_right_arithmetic3A_451 = arith.constant 31 : i32
    %shift_right_arithmetic3A_452 = vector.broadcast %shift_right_arithmetic3A_451 : i32 to vector<196x1xi32>
    %shift_right_arithmetic3A_453 = arith.shrsi %and3A_450, %shift_right_arithmetic3A_452 : vector<196x1xi32>
    %and3A_454 = arith.constant 2147483647 : i32
    %and3A_455 = vector.broadcast %and3A_454 : i32 to vector<196x1xi32>
    %and3A_456 = arith.andi %shift_right_arithmetic3A_453, %and3A_455 : vector<196x1xi32>
    %xor3A_457 = arith.xori %and3A_450, %and3A_456 : vector<196x1xi32>
    %bitcast_convert_type3A_458 = tpu.bitcast %xor3A_457 : vector<196x1xi32> -> vector<196x1xf32>
    %and3A_459 = arith.constant -64 : i32
    %and3A_460 = vector.broadcast %and3A_459 : i32 to vector<196x1xi32>
    %and3A_461 = arith.andi %broadcast_in_dim3A_435, %and3A_460 : vector<196x1xi32>
    %shift_right_arithmetic3A_462 = arith.constant 31 : i32
    %shift_right_arithmetic3A_463 = vector.broadcast %shift_right_arithmetic3A_462 : i32 to vector<196x1xi32>
    %shift_right_arithmetic3A_464 = arith.shrsi %and3A_461, %shift_right_arithmetic3A_463 : vector<196x1xi32>
    %and3A_465 = arith.constant 2147483647 : i32
    %and3A_466 = vector.broadcast %and3A_465 : i32 to vector<196x1xi32>
    %and3A_467 = arith.andi %shift_right_arithmetic3A_464, %and3A_466 : vector<196x1xi32>
    %xor3A_468 = arith.xori %and3A_461, %and3A_467 : vector<196x1xi32>
    %bitcast_convert_type3A_469 = tpu.bitcast %xor3A_468 : vector<196x1xi32> -> vector<196x1xf32>
    %add3A_470 = arith.addf %bitcast_convert_type3A_398, %bitcast_convert_type3A_458 : vector<196x1xf32>
    %add3A_471 = arith.addf %bitcast_convert_type3A_398, %bitcast_convert_type3A_469 : vector<196x1xf32>
    %add3A_472 = arith.addf %bitcast_convert_type3A_409, %bitcast_convert_type3A_458 : vector<196x1xf32>
    %add3A_473 = arith.addf %bitcast_convert_type3A_409, %bitcast_convert_type3A_469 : vector<196x1xf32>
    %concatenate3A_474 = tpu.concatenate %add3A_470, %add3A_471, %add3A_472, %add3A_473 in 1 : vector<196x1xf32>, vector<196x1xf32>, vector<196x1xf32>, vector<196x1xf32> -> vector<196x4xf32>
    %mul3A_475 = arith.constant 40 : i32
    %mul3A_476 = vector.broadcast %mul3A_475 : i32 to vector<196x1xi32>
    %mul3A_477 = arith.muli %sub3A_381, %mul3A_476 : vector<196x1xi32>
    %add3A_478 = arith.addi %mul3A_477, %sub3A_441 : vector<196x1xi32>
    %mul3A_479 = arith.constant 40 : i32
    %mul3A_480 = vector.broadcast %mul3A_479 : i32 to vector<196x1xi32>
    %mul3A_481 = arith.muli %sub3A_381, %mul3A_480 : vector<196x1xi32>
    %add3A_482 = arith.addi %mul3A_481, %sub3A_447 : vector<196x1xi32>
    %mul3A_483 = arith.constant 40 : i32
    %mul3A_484 = vector.broadcast %mul3A_483 : i32 to vector<196x1xi32>
    %mul3A_485 = arith.muli %sub3A_387, %mul3A_484 : vector<196x1xi32>
    %add3A_486 = arith.addi %mul3A_485, %sub3A_441 : vector<196x1xi32>
    %mul3A_487 = arith.constant 40 : i32
    %mul3A_488 = vector.broadcast %mul3A_487 : i32 to vector<196x1xi32>
    %mul3A_489 = arith.muli %sub3A_387, %mul3A_488 : vector<196x1xi32>
    %add3A_490 = arith.addi %mul3A_489, %sub3A_447 : vector<196x1xi32>
    %concatenate3A_491 = tpu.concatenate %add3A_478, %add3A_482, %add3A_486, %add3A_490 in 1 : vector<196x1xi32>, vector<196x1xi32>, vector<196x1xi32>, vector<196x1xi32> -> vector<196x4xi32>
    %reduce_max3A_492 = arith.constant dense<0xFF800000> : vector<196xf32>
    %reduce_max3A_493 = vector.multi_reduction <maximumf>, %concatenate3A_474, %reduce_max3A_492 [1] : vector<196x4xf32> to vector<196xf32>
    %broadcast_in_dim3A_494 = vector.shape_cast %reduce_max3A_493 : vector<196xf32> to vector<196x1xf32>
    %eq3A_495 = vector.broadcast %broadcast_in_dim3A_494 : vector<196x1xf32> to vector<196x4xf32>
    %eq3A_496 = arith.cmpf oeq, %concatenate3A_474, %eq3A_495 : vector<196x4xf32>
    %jit3A_497 = arith.constant 4 : i32
    %broadcast_in_dim3A_498 = vector.broadcast %jit3A_497 : i32 to vector<196x4xi32>
    %select_n3A_499 = arith.select %eq3A_496, %iota3A_126, %broadcast_in_dim3A_498 : vector<196x4xi1>, vector<196x4xi32>
    %reduce_min3A_500 = arith.constant dense<2147483647> : vector<196xi32>
    %reduce_min3A_501 = vector.multi_reduction <minsi>, %select_n3A_499, %reduce_min3A_500 [1] : vector<196x4xi32> to vector<196xi32>
    %broadcast_in_dim3A_502 = vector.shape_cast %reduce_min3A_501 : vector<196xi32> to vector<196x1xi32>
    %eq3A_503 = vector.broadcast %broadcast_in_dim3A_502 : vector<196x1xi32> to vector<196x4xi32>
    %eq3A_504 = arith.cmpi eq, %iota3A_126, %eq3A_503 : vector<196x4xi32>
    %jit3A_505 = arith.constant -1.000000e+30 : f32
    %broadcast_in_dim3A_506 = vector.broadcast %jit3A_505 : f32 to vector<196x4xf32>
    %select_n3A_507 = arith.select %eq3A_504, %broadcast_in_dim3A_506, %concatenate3A_474 : vector<196x4xi1>, vector<196x4xf32>
    %reduce_max3A_508 = arith.constant dense<0xFF800000> : vector<196xf32>
    %reduce_max3A_509 = vector.multi_reduction <maximumf>, %select_n3A_507, %reduce_max3A_508 [1] : vector<196x4xf32> to vector<196xf32>
    %broadcast_in_dim3A_510 = vector.shape_cast %reduce_max3A_509 : vector<196xf32> to vector<196x1xf32>
    %eq3A_511 = vector.broadcast %broadcast_in_dim3A_510 : vector<196x1xf32> to vector<196x4xf32>
    %eq3A_512 = arith.cmpf oeq, %select_n3A_507, %eq3A_511 : vector<196x4xf32>
    %jit3A_513 = arith.constant 4 : i32
    %broadcast_in_dim3A_514 = vector.broadcast %jit3A_513 : i32 to vector<196x4xi32>
    %select_n3A_515 = arith.select %eq3A_512, %iota3A_126, %broadcast_in_dim3A_514 : vector<196x4xi1>, vector<196x4xi32>
    %reduce_min3A_516 = arith.constant dense<2147483647> : vector<196xi32>
    %reduce_min3A_517 = vector.multi_reduction <minsi>, %select_n3A_515, %reduce_min3A_516 [1] : vector<196x4xi32> to vector<196xi32>
    %broadcast_in_dim3A_518 = vector.shape_cast %reduce_min3A_517 : vector<196xi32> to vector<196x1xi32>
    %eq3A_519 = vector.broadcast %broadcast_in_dim3A_502 : vector<196x1xi32> to vector<196x4xi32>
    %eq3A_520 = arith.cmpi eq, %iota3A_126, %eq3A_519 : vector<196x4xi32>
    %jit3A_521 = arith.constant 0 : i32
    %broadcast_in_dim3A_522 = vector.broadcast %jit3A_521 : i32 to vector<196x4xi32>
    %select_n3A_523 = arith.select %eq3A_520, %concatenate3A_491, %broadcast_in_dim3A_522 : vector<196x4xi1>, vector<196x4xi32>
    %reduce_sum3A_524 = arith.constant dense<0> : vector<196xi32>
    %reduce_sum3A_525 = vector.multi_reduction <add>, %select_n3A_523, %reduce_sum3A_524 [1] : vector<196x4xi32> to vector<196xi32>
    %broadcast_in_dim3A_526 = vector.shape_cast %reduce_sum3A_525 : vector<196xi32> to vector<196x1xi32>
    %eq3A_527 = vector.broadcast %broadcast_in_dim3A_518 : vector<196x1xi32> to vector<196x4xi32>
    %eq3A_528 = arith.cmpi eq, %iota3A_126, %eq3A_527 : vector<196x4xi32>
    %jit3A_529 = arith.constant 0 : i32
    %broadcast_in_dim3A_530 = vector.broadcast %jit3A_529 : i32 to vector<196x4xi32>
    %select_n3A_531 = arith.select %eq3A_528, %concatenate3A_491, %broadcast_in_dim3A_530 : vector<196x4xi1>, vector<196x4xi32>
    %reduce_sum3A_532 = arith.constant dense<0> : vector<196xi32>
    %reduce_sum3A_533 = vector.multi_reduction <add>, %select_n3A_531, %reduce_sum3A_532 [1] : vector<196x4xi32> to vector<196xi32>
    %broadcast_in_dim3A_534 = vector.shape_cast %reduce_sum3A_533 : vector<196xi32> to vector<196x1xi32>
    %sub3A_535 = arith.subf %broadcast_in_dim3A_494, %broadcast_in_dim3A_510 : vector<196x1xf32>
    %exp3A_536 = math.exp %sub3A_535 : vector<196x1xf32>
    %add3A_537 = arith.constant 1.000000e+00 : f32
    %add3A_538 = vector.broadcast %add3A_537 : f32 to vector<196x1xf32>
    %add3A_539 = arith.addf %add3A_538, %exp3A_536 : vector<196x1xf32>
    %div3A_540 = arith.constant 1.000000e+00 : f32
    %div3A_541 = vector.broadcast %div3A_540 : f32 to vector<196x1xf32>
    %div3A_542 = arith.divf %div3A_541, %add3A_539 : vector<196x1xf32>
    %sub3A_543 = arith.constant 1.000000e+00 : f32
    %sub3A_544 = vector.broadcast %sub3A_543 : f32 to vector<196x1xf32>
    %sub3A_545 = arith.subf %sub3A_544, %div3A_542 : vector<196x1xf32>
    %concatenate3A_546 = tpu.concatenate %broadcast_in_dim3A_311, %broadcast_in_dim3A_319, %broadcast_in_dim3A_526, %broadcast_in_dim3A_534 in 1 : vector<196x1xi32>, vector<196x1xi32>, vector<196x1xi32>, vector<196x1xi32> -> vector<196x4xi32>
    %swap3A_547 = arith.constant 0 : index
    %swap3A_548 = arith.constant 0 : index
    %swap3A_549 = arith.constant 0 : index
    %swap3A_550 = vector.load %arg16[%swap3A_547, %swap3A_548, %swap3A_549] : memref<2x196x4xi32, #tpu.memory_space<vmem>>, vector<1x196x4xi32>
    %swap3A_551 = vector.shape_cast %swap3A_550 : vector<1x196x4xi32> to vector<196x4xi32>
    %swap3A_552 = vector.shape_cast %concatenate3A_546 : vector<196x4xi32> to vector<1x196x4xi32>
    tpu.vector_store %arg16[%swap3A_547, %swap3A_548, %swap3A_549], %swap3A_552 {strides = array<i32>} : memref<2x196x4xi32, #tpu.memory_space<vmem>>, vector<1x196x4xi32>,
    %concatenate3A_553 = tpu.concatenate %sub3A_329, %div3A_326, %sub3A_545, %div3A_542 in 1 : vector<196x1xf32>, vector<196x1xf32>, vector<196x1xf32>, vector<196x1xf32> -> vector<196x4xf32>
    %swap3A_554 = arith.constant 0 : index
    %swap3A_555 = arith.constant 0 : index
    %swap3A_556 = arith.constant 0 : index
    %swap3A_557 = vector.load %arg17[%swap3A_554, %swap3A_555, %swap3A_556] : memref<2x196x4xf32, #tpu.memory_space<vmem>>, vector<1x196x4xf32>
    %swap3A_558 = vector.shape_cast %swap3A_557 : vector<1x196x4xf32> to vector<196x4xf32>
    %swap3A_559 = vector.shape_cast %concatenate3A_553 : vector<196x4xf32> to vector<1x196x4xf32>
    tpu.vector_store %arg17[%swap3A_554, %swap3A_555, %swap3A_556], %swap3A_559 {strides = array<i32>} : memref<2x196x4xf32, #tpu.memory_space<vmem>>, vector<1x196x4xf32>,
    %get3A_560 = arith.constant 1 : index
    %get3A_561 = arith.constant 1 : index
    %get3A_562 = arith.constant 0 : index
    %get3A_563 = vector.load %arg1[%get3A_560, %get3A_561, %get3A_562] : memref<2x589x768xf32, #tpu.memory_space<vmem>>, vector<1x196x768xf32>
    %get3A_564 = vector.shape_cast %get3A_563 : vector<1x196x768xf32> to vector<196x768xf32>
    %get3A_565 = arith.constant 0 : index
    %get3A_566 = arith.constant 0 : index
    %get3A_567 = vector.load %arg3[%get3A_565, %get3A_566] : memref<768x64xf32, #tpu.memory_space<vmem>>, vector<768x64xf32>
    %convert_element_type3A_568 = arith.truncf %get3A_564 : vector<196x768xf32> to vector<196x768xbf16>
    %convert_element_type3A_569 = arith.truncf %get3A_567 : vector<768x64xf32> to vector<768x64xbf16>
    %dot_general3A_570 = arith.constant dense<0.000000e+00> : vector<196x64xf32>
    %dot_general3A_571 = tpu.matmul %convert_element_type3A_568, %convert_element_type3A_569, %dot_general3A_570 {dimension_numbers = #tpu.dot_dimension_numbers<[1], [0], [0], [1], [0, 0, 1, 1], [], []>, transpose_lhs_hint = false} : vector<196x768xbf16>, vector<768x64xbf16>, vector<196x64xf32> -> vector<196x64xf32>
    %get3A_572 = arith.constant 0 : index
    %get3A_573 = arith.constant 0 : index
    %get3A_574 = vector.load %arg4[%get3A_572, %get3A_573] : memref<1x64xf32, #tpu.memory_space<vmem>>, vector<1x64xf32>
    %add3A_575 = vector.broadcast %get3A_574 : vector<1x64xf32> to vector<196x64xf32>
    %add3A_576 = arith.addf %dot_general3A_571, %add3A_575 : vector<196x64xf32>
    %get3A_577 = arith.constant 1 : index
    %get3A_578 = arith.constant 197 : index
    %get3A_579 = arith.constant 0 : index
    %get3A_580 = vector.load %arg1[%get3A_577, %get3A_578, %get3A_579] : memref<2x589x768xf32, #tpu.memory_space<vmem>>, vector<1x196x768xf32>
    %get3A_581 = vector.shape_cast %get3A_580 : vector<1x196x768xf32> to vector<196x768xf32>
    %get3A_582 = arith.constant 0 : index
    %get3A_583 = arith.constant 0 : index
    %get3A_584 = vector.load %arg3[%get3A_582, %get3A_583] : memref<768x64xf32, #tpu.memory_space<vmem>>, vector<768x64xf32>
    %convert_element_type3A_585 = arith.truncf %get3A_581 : vector<196x768xf32> to vector<196x768xbf16>
    %convert_element_type3A_586 = arith.truncf %get3A_584 : vector<768x64xf32> to vector<768x64xbf16>
    %dot_general3A_587 = arith.constant dense<0.000000e+00> : vector<196x64xf32>
    %dot_general3A_588 = tpu.matmul %convert_element_type3A_585, %convert_element_type3A_586, %dot_general3A_587 {dimension_numbers = #tpu.dot_dimension_numbers<[1], [0], [0], [1], [0, 0, 1, 1], [], []>, transpose_lhs_hint = false} : vector<196x768xbf16>, vector<768x64xbf16>, vector<196x64xf32> -> vector<196x64xf32>
    %get3A_589 = arith.constant 0 : index
    %get3A_590 = arith.constant 0 : index
    %get3A_591 = vector.load %arg4[%get3A_589, %get3A_590] : memref<1x64xf32, #tpu.memory_space<vmem>>, vector<1x64xf32>
    %add3A_592 = vector.broadcast %get3A_591 : vector<1x64xf32> to vector<196x64xf32>
    %add3A_593 = arith.addf %dot_general3A_588, %add3A_592 : vector<196x64xf32>
    %get3A_594 = arith.constant 1 : index
    %get3A_595 = arith.constant 393 : index
    %get3A_596 = arith.constant 0 : index
    %get3A_597 = vector.load %arg1[%get3A_594, %get3A_595, %get3A_596] : memref<2x589x768xf32, #tpu.memory_space<vmem>>, vector<1x196x768xf32>
    %get3A_598 = vector.shape_cast %get3A_597 : vector<1x196x768xf32> to vector<196x768xf32>
    %get3A_599 = arith.constant 0 : index
    %get3A_600 = arith.constant 0 : index
    %get3A_601 = vector.load %arg3[%get3A_599, %get3A_600] : memref<768x64xf32, #tpu.memory_space<vmem>>, vector<768x64xf32>
    %convert_element_type3A_602 = arith.truncf %get3A_598 : vector<196x768xf32> to vector<196x768xbf16>
    %convert_element_type3A_603 = arith.truncf %get3A_601 : vector<768x64xf32> to vector<768x64xbf16>
    %dot_general3A_604 = arith.constant dense<0.000000e+00> : vector<196x64xf32>
    %dot_general3A_605 = tpu.matmul %convert_element_type3A_602, %convert_element_type3A_603, %dot_general3A_604 {dimension_numbers = #tpu.dot_dimension_numbers<[1], [0], [0], [1], [0, 0, 1, 1], [], []>, transpose_lhs_hint = false} : vector<196x768xbf16>, vector<768x64xbf16>, vector<196x64xf32> -> vector<196x64xf32>
    %get3A_606 = arith.constant 0 : index
    %get3A_607 = arith.constant 0 : index
    %get3A_608 = vector.load %arg4[%get3A_606, %get3A_607] : memref<1x64xf32, #tpu.memory_space<vmem>>, vector<1x64xf32>
    %add3A_609 = vector.broadcast %get3A_608 : vector<1x64xf32> to vector<196x64xf32>
    %add3A_610 = arith.addf %dot_general3A_605, %add3A_609 : vector<196x64xf32>
    %concatenate3A_611 = tpu.concatenate %add3A_576, %add3A_593, %add3A_610 in 1 : vector<196x64xf32>, vector<196x64xf32>, vector<196x64xf32> -> vector<196x192xf32>
    %get3A_612 = arith.constant 0 : index
    %get3A_613 = arith.constant 0 : index
    %get3A_614 = vector.load %arg5[%get3A_612, %get3A_613] : memref<192x64xf32, #tpu.memory_space<vmem>>, vector<192x64xf32>
    %dot_general3A_615 = arith.constant dense<0.000000e+00> : vector<196x64xf32>
    %dot_general3A_616 = tpu.matmul %concatenate3A_611, %get3A_614, %dot_general3A_615 {dimension_numbers = #tpu.dot_dimension_numbers<[1], [0], [0], [1], [0, 0, 1, 1], [], []>, transpose_lhs_hint = false} : vector<196x192xf32>, vector<192x64xf32>, vector<196x64xf32> -> vector<196x64xf32>
    %get3A_617 = arith.constant 0 : index
    %get3A_618 = arith.constant 0 : index
    %get3A_619 = vector.load %arg6[%get3A_617, %get3A_618] : memref<1x64xf32, #tpu.memory_space<vmem>>, vector<1x64xf32>
    %add3A_620 = vector.broadcast %get3A_619 : vector<1x64xf32> to vector<196x64xf32>
    %add3A_621 = arith.addf %dot_general3A_616, %add3A_620 : vector<196x64xf32>
    %get3A_622 = arith.constant 1 : index
    %get3A_623 = arith.constant 0 : index
    %get3A_624 = arith.constant 0 : index
    %get3A_625 = vector.load %arg2[%get3A_622, %get3A_623, %get3A_624] : memref<2x196x64xf32, #tpu.memory_space<vmem>>, vector<1x196x64xf32>
    %get3A_626 = vector.shape_cast %get3A_625 : vector<1x196x64xf32> to vector<196x64xf32>
    %get3A_627 = arith.constant 0 : index
    %get3A_628 = arith.constant 0 : index
    %get3A_629 = vector.load %arg7[%get3A_627, %get3A_628] : memref<64x64xf32, #tpu.memory_space<vmem>>, vector<64x64xf32>
    %dot_general3A_630 = arith.constant dense<0.000000e+00> : vector<196x64xf32>
    %dot_general3A_631 = tpu.matmul %get3A_626, %get3A_629, %dot_general3A_630 {dimension_numbers = #tpu.dot_dimension_numbers<[1], [0], [0], [1], [0, 0, 1, 1], [], []>, transpose_lhs_hint = false} : vector<196x64xf32>, vector<64x64xf32>, vector<196x64xf32> -> vector<196x64xf32>
    %get3A_632 = arith.constant 0 : index
    %get3A_633 = arith.constant 0 : index
    %get3A_634 = vector.load %arg8[%get3A_632, %get3A_633] : memref<1x64xf32, #tpu.memory_space<vmem>>, vector<1x64xf32>
    %add3A_635 = vector.broadcast %get3A_634 : vector<1x64xf32> to vector<196x64xf32>
    %add3A_636 = arith.addf %dot_general3A_631, %add3A_635 : vector<196x64xf32>
    %concatenate3A_637 = tpu.concatenate %add3A_621, %add3A_636 in 1 : vector<196x64xf32>, vector<196x64xf32> -> vector<196x128xf32>
    %swap3A_638 = arith.constant 1 : index
    %swap3A_639 = arith.constant 0 : index
    %swap3A_640 = arith.constant 0 : index
    %swap3A_641 = vector.load %arg14[%swap3A_638, %swap3A_639, %swap3A_640] : memref<2x196x128xf32, #tpu.memory_space<vmem>>, vector<1x196x128xf32>
    %swap3A_642 = vector.shape_cast %swap3A_641 : vector<1x196x128xf32> to vector<196x128xf32>
    %swap3A_643 = vector.shape_cast %concatenate3A_637 : vector<196x128xf32> to vector<1x196x128xf32>
    tpu.vector_store %arg14[%swap3A_638, %swap3A_639, %swap3A_640], %swap3A_643 {strides = array<i32>} : memref<2x196x128xf32, #tpu.memory_space<vmem>>, vector<1x196x128xf32>,
    %get3A_644 = arith.constant 0 : index
    %get3A_645 = arith.constant 0 : index
    %get3A_646 = vector.load %arg11[%get3A_644, %get3A_645] : memref<1x192xf32, #tpu.memory_space<vmem>>, vector<1x192xf32>
    %mul3A_647 = arith.mulf %concatenate3A_611, %concatenate3A_611 : vector<196x192xf32>
    %reduce_sum3A_648 = arith.constant dense<0.000000e+00> : vector<196xf32>
    %reduce_sum3A_649 = vector.multi_reduction <add>, %mul3A_647, %reduce_sum3A_648 [1] : vector<196x192xf32> to vector<196xf32>
    %broadcast_in_dim3A_650 = vector.shape_cast %reduce_sum3A_649 : vector<196xf32> to vector<196x1xf32>
    %sqrt3A_651 = math.sqrt %broadcast_in_dim3A_650 : vector<196x1xf32>
    %max3A_652 = arith.constant 9.99999996E-13 : f32
    %max3A_653 = vector.broadcast %max3A_652 : f32 to vector<196x1xf32>
    %max3A_654 = arith.maximumf %sqrt3A_651, %max3A_653 : vector<196x1xf32>
    %div3A_655 = vector.broadcast %max3A_654 : vector<196x1xf32> to vector<196x192xf32>
    %div3A_656 = arith.divf %concatenate3A_611, %div3A_655 : vector<196x192xf32>
    %mul3A_657 = vector.broadcast %get3A_646 : vector<1x192xf32> to vector<196x192xf32>
    %mul3A_658 = arith.mulf %div3A_656, %mul3A_657 : vector<196x192xf32>
    %mul3A_659 = arith.constant 13.8564062 : f32
    %mul3A_660 = vector.broadcast %mul3A_659 : f32 to vector<196x192xf32>
    %mul3A_661 = arith.mulf %mul3A_658, %mul3A_660 : vector<196x192xf32>
    %get3A_662 = arith.constant 0 : index
    %get3A_663 = arith.constant 0 : index
    %get3A_664 = vector.load %arg13[%get3A_662, %get3A_663] : memref<192x192xf32, #tpu.memory_space<vmem>>, vector<192x192xf32>
    %dot_general3A_665 = arith.constant dense<0.000000e+00> : vector<196x192xf32>
    %dot_general3A_666 = tpu.matmul %mul3A_661, %get3A_664, %dot_general3A_665 {dimension_numbers = #tpu.dot_dimension_numbers<[1], [0], [0], [1], [0, 0, 1, 1], [], []>, transpose_lhs_hint = false} : vector<196x192xf32>, vector<192x192xf32>, vector<196x192xf32> -> vector<196x192xf32>
    %swap3A_667 = arith.constant 1 : index
    %swap3A_668 = arith.constant 0 : index
    %swap3A_669 = arith.constant 0 : index
    %swap3A_670 = vector.load %arg15[%swap3A_667, %swap3A_668, %swap3A_669] : memref<2x196x192xf32, #tpu.memory_space<vmem>>, vector<1x196x192xf32>
    %swap3A_671 = vector.shape_cast %swap3A_670 : vector<1x196x192xf32> to vector<196x192xf32>
    %swap3A_672 = vector.shape_cast %dot_general3A_666 : vector<196x192xf32> to vector<1x196x192xf32>
    tpu.vector_store %arg15[%swap3A_667, %swap3A_668, %swap3A_669], %swap3A_672 {strides = array<i32>} : memref<2x196x192xf32, #tpu.memory_space<vmem>>, vector<1x196x192xf32>,
    %get3A_673 = arith.constant 0 : index
    %get3A_674 = arith.constant 0 : index
    %get3A_675 = vector.load %arg12[%get3A_673, %get3A_674] : memref<1x128xf32, #tpu.memory_space<vmem>>, vector<1x128xf32>
    %mul3A_676 = arith.mulf %concatenate3A_637, %concatenate3A_637 : vector<196x128xf32>
    %reduce_sum3A_677 = arith.constant dense<0.000000e+00> : vector<196xf32>
    %reduce_sum3A_678 = vector.multi_reduction <add>, %mul3A_676, %reduce_sum3A_677 [1] : vector<196x128xf32> to vector<196xf32>
    %broadcast_in_dim3A_679 = vector.shape_cast %reduce_sum3A_678 : vector<196xf32> to vector<196x1xf32>
    %sqrt3A_680 = math.sqrt %broadcast_in_dim3A_679 : vector<196x1xf32>
    %max3A_681 = arith.constant 9.99999996E-13 : f32
    %max3A_682 = vector.broadcast %max3A_681 : f32 to vector<196x1xf32>
    %max3A_683 = arith.maximumf %sqrt3A_680, %max3A_682 : vector<196x1xf32>
    %div3A_684 = vector.broadcast %max3A_683 : vector<196x1xf32> to vector<196x128xf32>
    %div3A_685 = arith.divf %concatenate3A_637, %div3A_684 : vector<196x128xf32>
    %mul3A_686 = vector.broadcast %get3A_675 : vector<1x128xf32> to vector<196x128xf32>
    %mul3A_687 = arith.mulf %div3A_685, %mul3A_686 : vector<196x128xf32>
    %mul3A_688 = arith.constant 11.3137083 : f32
    %mul3A_689 = vector.broadcast %mul3A_688 : f32 to vector<196x128xf32>
    %mul3A_690 = arith.mulf %mul3A_687, %mul3A_689 : vector<196x128xf32>
    %get3A_691 = arith.constant 0 : index
    %get3A_692 = arith.constant 0 : index
    %get3A_693 = vector.load %arg9[%get3A_691, %get3A_692] : memref<128x256xf32, #tpu.memory_space<vmem>>, vector<128x256xf32>
    %convert_element_type3A_694 = arith.truncf %mul3A_690 : vector<196x128xf32> to vector<196x128xbf16>
    %convert_element_type3A_695 = arith.truncf %get3A_693 : vector<128x256xf32> to vector<128x256xbf16>
    %dot_general3A_696 = arith.constant dense<0.000000e+00> : vector<196x256xf32>
    %dot_general3A_697 = tpu.matmul %convert_element_type3A_694, %convert_element_type3A_695, %dot_general3A_696 {dimension_numbers = #tpu.dot_dimension_numbers<[1], [0], [0], [1], [0, 0, 1, 1], [], []>, transpose_lhs_hint = false} : vector<196x128xbf16>, vector<128x256xbf16>, vector<196x256xf32> -> vector<196x256xf32>
    %iota3A_698 = tpu.iota {dimensions = array<i32: 1>} : vector<196x40xi32>
    %iota3A_699 = tpu.iota {dimensions = array<i32: 1>} : vector<196x4xi32>
    %slice3A_700 = vector.extract_strided_slice %dot_general3A_697 {offsets = [0, 0], sizes = [196, 64], strides = [1, 1]} : vector<196x256xf32> to vector<196x64xf32>
    %slice3A_701 = vector.extract_strided_slice %dot_general3A_697 {offsets = [0, 128], sizes = [196, 64], strides = [1, 1]} : vector<196x256xf32> to vector<196x64xf32>
    %get3A_702 = arith.constant 0 : index
    %get3A_703 = arith.constant 0 : index
    %get3A_704 = arith.constant 0 : index
    %get3A_705 = vector.load %arg10[%get3A_702, %get3A_703, %get3A_704] : memref<4x64x40xf32, #tpu.memory_space<vmem>>, vector<1x64x40xf32>
    %get3A_706 = vector.shape_cast %get3A_705 : vector<1x64x40xf32> to vector<64x40xf32>
    %convert_element_type3A_707 = arith.truncf %slice3A_700 : vector<196x64xf32> to vector<196x64xbf16>
    %convert_element_type3A_708 = arith.truncf %get3A_706 : vector<64x40xf32> to vector<64x40xbf16>
    %dot_general3A_709 = arith.constant dense<0.000000e+00> : vector<196x40xf32>
    %dot_general3A_710 = tpu.matmul %convert_element_type3A_707, %convert_element_type3A_708, %dot_general3A_709 {dimension_numbers = #tpu.dot_dimension_numbers<[1], [0], [0], [1], [0, 0, 1, 1], [], []>, transpose_lhs_hint = false} : vector<196x64xbf16>, vector<64x40xbf16>, vector<196x40xf32> -> vector<196x40xf32>
    %get3A_711 = arith.constant 2 : index
    %get3A_712 = arith.constant 0 : index
    %get3A_713 = arith.constant 0 : index
    %get3A_714 = vector.load %arg10[%get3A_711, %get3A_712, %get3A_713] : memref<4x64x40xf32, #tpu.memory_space<vmem>>, vector<1x64x40xf32>
    %get3A_715 = vector.shape_cast %get3A_714 : vector<1x64x40xf32> to vector<64x40xf32>
    %convert_element_type3A_716 = arith.truncf %slice3A_701 : vector<196x64xf32> to vector<196x64xbf16>
    %convert_element_type3A_717 = arith.truncf %get3A_715 : vector<64x40xf32> to vector<64x40xbf16>
    %dot_general3A_718 = arith.constant dense<0.000000e+00> : vector<196x40xf32>
    %dot_general3A_719 = tpu.matmul %convert_element_type3A_716, %convert_element_type3A_717, %dot_general3A_718 {dimension_numbers = #tpu.dot_dimension_numbers<[1], [0], [0], [1], [0, 0, 1, 1], [], []>, transpose_lhs_hint = false} : vector<196x64xbf16>, vector<64x40xbf16>, vector<196x40xf32> -> vector<196x40xf32>
    %bitcast_convert_type3A_720 = tpu.bitcast %dot_general3A_710 : vector<196x40xf32> -> vector<196x40xi32>
    %shift_right_arithmetic3A_721 = arith.constant 31 : i32
    %shift_right_arithmetic3A_722 = vector.broadcast %shift_right_arithmetic3A_721 : i32 to vector<196x40xi32>
    %shift_right_arithmetic3A_723 = arith.shrsi %bitcast_convert_type3A_720, %shift_right_arithmetic3A_722 : vector<196x40xi32>
    %and3A_724 = arith.constant 2147483647 : i32
    %and3A_725 = vector.broadcast %and3A_724 : i32 to vector<196x40xi32>
    %and3A_726 = arith.andi %shift_right_arithmetic3A_723, %and3A_725 : vector<196x40xi32>
    %xor3A_727 = arith.xori %bitcast_convert_type3A_720, %and3A_726 : vector<196x40xi32>
    %and3A_728 = arith.constant -64 : i32
    %and3A_729 = vector.broadcast %and3A_728 : i32 to vector<196x40xi32>
    %and3A_730 = arith.andi %xor3A_727, %and3A_729 : vector<196x40xi32>
    %sub3A_731 = arith.constant 63 : i32
    %sub3A_732 = vector.broadcast %sub3A_731 : i32 to vector<196x40xi32>
    %sub3A_733 = arith.subi %sub3A_732, %iota3A_698 : vector<196x40xi32>
    %or3A_734 = arith.ori %and3A_730, %sub3A_733 : vector<196x40xi32>
    %reduce_max3A_735 = arith.constant dense<-2147483648> : vector<196xi32>
    %reduce_max3A_736 = vector.multi_reduction <maxsi>, %or3A_734, %reduce_max3A_735 [1] : vector<196x40xi32> to vector<196xi32>
    %broadcast_in_dim3A_737 = vector.shape_cast %reduce_max3A_736 : vector<196xi32> to vector<196x1xi32>
    %eq3A_738 = vector.broadcast %broadcast_in_dim3A_737 : vector<196x1xi32> to vector<196x40xi32>
    %eq3A_739 = arith.cmpi eq, %or3A_734, %eq3A_738 : vector<196x40xi32>
    %jit3A_740 = arith.constant -2147483648 : i32
    %broadcast_in_dim3A_741 = vector.broadcast %jit3A_740 : i32 to vector<196x40xi32>
    %select_n3A_742 = arith.select %eq3A_739, %broadcast_in_dim3A_741, %or3A_734 : vector<196x40xi1>, vector<196x40xi32>
    %reduce_max3A_743 = arith.constant dense<-2147483648> : vector<196xi32>
    %reduce_max3A_744 = vector.multi_reduction <maxsi>, %select_n3A_742, %reduce_max3A_743 [1] : vector<196x40xi32> to vector<196xi32>
    %broadcast_in_dim3A_745 = vector.shape_cast %reduce_max3A_744 : vector<196xi32> to vector<196x1xi32>
    %and3A_746 = arith.constant 63 : i32
    %and3A_747 = vector.broadcast %and3A_746 : i32 to vector<196x1xi32>
    %and3A_748 = arith.andi %broadcast_in_dim3A_737, %and3A_747 : vector<196x1xi32>
    %sub3A_749 = arith.constant 63 : i32
    %sub3A_750 = vector.broadcast %sub3A_749 : i32 to vector<196x1xi32>
    %sub3A_751 = arith.subi %sub3A_750, %and3A_748 : vector<196x1xi32>
    %and3A_752 = arith.constant 63 : i32
    %and3A_753 = vector.broadcast %and3A_752 : i32 to vector<196x1xi32>
    %and3A_754 = arith.andi %broadcast_in_dim3A_745, %and3A_753 : vector<196x1xi32>
    %sub3A_755 = arith.constant 63 : i32
    %sub3A_756 = vector.broadcast %sub3A_755 : i32 to vector<196x1xi32>
    %sub3A_757 = arith.subi %sub3A_756, %and3A_754 : vector<196x1xi32>
    %and3A_758 = arith.constant -64 : i32
    %and3A_759 = vector.broadcast %and3A_758 : i32 to vector<196x1xi32>
    %and3A_760 = arith.andi %broadcast_in_dim3A_737, %and3A_759 : vector<196x1xi32>
    %shift_right_arithmetic3A_761 = arith.constant 31 : i32
    %shift_right_arithmetic3A_762 = vector.broadcast %shift_right_arithmetic3A_761 : i32 to vector<196x1xi32>
    %shift_right_arithmetic3A_763 = arith.shrsi %and3A_760, %shift_right_arithmetic3A_762 : vector<196x1xi32>
    %and3A_764 = arith.constant 2147483647 : i32
    %and3A_765 = vector.broadcast %and3A_764 : i32 to vector<196x1xi32>
    %and3A_766 = arith.andi %shift_right_arithmetic3A_763, %and3A_765 : vector<196x1xi32>
    %xor3A_767 = arith.xori %and3A_760, %and3A_766 : vector<196x1xi32>
    %bitcast_convert_type3A_768 = tpu.bitcast %xor3A_767 : vector<196x1xi32> -> vector<196x1xf32>
    %and3A_769 = arith.constant -64 : i32
    %and3A_770 = vector.broadcast %and3A_769 : i32 to vector<196x1xi32>
    %and3A_771 = arith.andi %broadcast_in_dim3A_745, %and3A_770 : vector<196x1xi32>
    %shift_right_arithmetic3A_772 = arith.constant 31 : i32
    %shift_right_arithmetic3A_773 = vector.broadcast %shift_right_arithmetic3A_772 : i32 to vector<196x1xi32>
    %shift_right_arithmetic3A_774 = arith.shrsi %and3A_771, %shift_right_arithmetic3A_773 : vector<196x1xi32>
    %and3A_775 = arith.constant 2147483647 : i32
    %and3A_776 = vector.broadcast %and3A_775 : i32 to vector<196x1xi32>
    %and3A_777 = arith.andi %shift_right_arithmetic3A_774, %and3A_776 : vector<196x1xi32>
    %xor3A_778 = arith.xori %and3A_771, %and3A_777 : vector<196x1xi32>
    %bitcast_convert_type3A_779 = tpu.bitcast %xor3A_778 : vector<196x1xi32> -> vector<196x1xf32>
    %bitcast_convert_type3A_780 = tpu.bitcast %dot_general3A_719 : vector<196x40xf32> -> vector<196x40xi32>
    %shift_right_arithmetic3A_781 = arith.constant 31 : i32
    %shift_right_arithmetic3A_782 = vector.broadcast %shift_right_arithmetic3A_781 : i32 to vector<196x40xi32>
    %shift_right_arithmetic3A_783 = arith.shrsi %bitcast_convert_type3A_780, %shift_right_arithmetic3A_782 : vector<196x40xi32>
    %and3A_784 = arith.constant 2147483647 : i32
    %and3A_785 = vector.broadcast %and3A_784 : i32 to vector<196x40xi32>
    %and3A_786 = arith.andi %shift_right_arithmetic3A_783, %and3A_785 : vector<196x40xi32>
    %xor3A_787 = arith.xori %bitcast_convert_type3A_780, %and3A_786 : vector<196x40xi32>
    %and3A_788 = arith.constant -64 : i32
    %and3A_789 = vector.broadcast %and3A_788 : i32 to vector<196x40xi32>
    %and3A_790 = arith.andi %xor3A_787, %and3A_789 : vector<196x40xi32>
    %sub3A_791 = arith.constant 63 : i32
    %sub3A_792 = vector.broadcast %sub3A_791 : i32 to vector<196x40xi32>
    %sub3A_793 = arith.subi %sub3A_792, %iota3A_698 : vector<196x40xi32>
    %or3A_794 = arith.ori %and3A_790, %sub3A_793 : vector<196x40xi32>
    %reduce_max3A_795 = arith.constant dense<-2147483648> : vector<196xi32>
    %reduce_max3A_796 = vector.multi_reduction <maxsi>, %or3A_794, %reduce_max3A_795 [1] : vector<196x40xi32> to vector<196xi32>
    %broadcast_in_dim3A_797 = vector.shape_cast %reduce_max3A_796 : vector<196xi32> to vector<196x1xi32>
    %eq3A_798 = vector.broadcast %broadcast_in_dim3A_797 : vector<196x1xi32> to vector<196x40xi32>
    %eq3A_799 = arith.cmpi eq, %or3A_794, %eq3A_798 : vector<196x40xi32>
    %jit3A_800 = arith.constant -2147483648 : i32
    %broadcast_in_dim3A_801 = vector.broadcast %jit3A_800 : i32 to vector<196x40xi32>
    %select_n3A_802 = arith.select %eq3A_799, %broadcast_in_dim3A_801, %or3A_794 : vector<196x40xi1>, vector<196x40xi32>
    %reduce_max3A_803 = arith.constant dense<-2147483648> : vector<196xi32>
    %reduce_max3A_804 = vector.multi_reduction <maxsi>, %select_n3A_802, %reduce_max3A_803 [1] : vector<196x40xi32> to vector<196xi32>
    %broadcast_in_dim3A_805 = vector.shape_cast %reduce_max3A_804 : vector<196xi32> to vector<196x1xi32>
    %and3A_806 = arith.constant 63 : i32
    %and3A_807 = vector.broadcast %and3A_806 : i32 to vector<196x1xi32>
    %and3A_808 = arith.andi %broadcast_in_dim3A_797, %and3A_807 : vector<196x1xi32>
    %sub3A_809 = arith.constant 63 : i32
    %sub3A_810 = vector.broadcast %sub3A_809 : i32 to vector<196x1xi32>
    %sub3A_811 = arith.subi %sub3A_810, %and3A_808 : vector<196x1xi32>
    %and3A_812 = arith.constant 63 : i32
    %and3A_813 = vector.broadcast %and3A_812 : i32 to vector<196x1xi32>
    %and3A_814 = arith.andi %broadcast_in_dim3A_805, %and3A_813 : vector<196x1xi32>
    %sub3A_815 = arith.constant 63 : i32
    %sub3A_816 = vector.broadcast %sub3A_815 : i32 to vector<196x1xi32>
    %sub3A_817 = arith.subi %sub3A_816, %and3A_814 : vector<196x1xi32>
    %and3A_818 = arith.constant -64 : i32
    %and3A_819 = vector.broadcast %and3A_818 : i32 to vector<196x1xi32>
    %and3A_820 = arith.andi %broadcast_in_dim3A_797, %and3A_819 : vector<196x1xi32>
    %shift_right_arithmetic3A_821 = arith.constant 31 : i32
    %shift_right_arithmetic3A_822 = vector.broadcast %shift_right_arithmetic3A_821 : i32 to vector<196x1xi32>
    %shift_right_arithmetic3A_823 = arith.shrsi %and3A_820, %shift_right_arithmetic3A_822 : vector<196x1xi32>
    %and3A_824 = arith.constant 2147483647 : i32
    %and3A_825 = vector.broadcast %and3A_824 : i32 to vector<196x1xi32>
    %and3A_826 = arith.andi %shift_right_arithmetic3A_823, %and3A_825 : vector<196x1xi32>
    %xor3A_827 = arith.xori %and3A_820, %and3A_826 : vector<196x1xi32>
    %bitcast_convert_type3A_828 = tpu.bitcast %xor3A_827 : vector<196x1xi32> -> vector<196x1xf32>
    %and3A_829 = arith.constant -64 : i32
    %and3A_830 = vector.broadcast %and3A_829 : i32 to vector<196x1xi32>
    %and3A_831 = arith.andi %broadcast_in_dim3A_805, %and3A_830 : vector<196x1xi32>
    %shift_right_arithmetic3A_832 = arith.constant 31 : i32
    %shift_right_arithmetic3A_833 = vector.broadcast %shift_right_arithmetic3A_832 : i32 to vector<196x1xi32>
    %shift_right_arithmetic3A_834 = arith.shrsi %and3A_831, %shift_right_arithmetic3A_833 : vector<196x1xi32>
    %and3A_835 = arith.constant 2147483647 : i32
    %and3A_836 = vector.broadcast %and3A_835 : i32 to vector<196x1xi32>
    %and3A_837 = arith.andi %shift_right_arithmetic3A_834, %and3A_836 : vector<196x1xi32>
    %xor3A_838 = arith.xori %and3A_831, %and3A_837 : vector<196x1xi32>
    %bitcast_convert_type3A_839 = tpu.bitcast %xor3A_838 : vector<196x1xi32> -> vector<196x1xf32>
    %add3A_840 = arith.addf %bitcast_convert_type3A_768, %bitcast_convert_type3A_828 : vector<196x1xf32>
    %add3A_841 = arith.addf %bitcast_convert_type3A_768, %bitcast_convert_type3A_839 : vector<196x1xf32>
    %add3A_842 = arith.addf %bitcast_convert_type3A_779, %bitcast_convert_type3A_828 : vector<196x1xf32>
    %add3A_843 = arith.addf %bitcast_convert_type3A_779, %bitcast_convert_type3A_839 : vector<196x1xf32>
    %concatenate3A_844 = tpu.concatenate %add3A_840, %add3A_841, %add3A_842, %add3A_843 in 1 : vector<196x1xf32>, vector<196x1xf32>, vector<196x1xf32>, vector<196x1xf32> -> vector<196x4xf32>
    %mul3A_845 = arith.constant 40 : i32
    %mul3A_846 = vector.broadcast %mul3A_845 : i32 to vector<196x1xi32>
    %mul3A_847 = arith.muli %sub3A_751, %mul3A_846 : vector<196x1xi32>
    %add3A_848 = arith.addi %mul3A_847, %sub3A_811 : vector<196x1xi32>
    %mul3A_849 = arith.constant 40 : i32
    %mul3A_850 = vector.broadcast %mul3A_849 : i32 to vector<196x1xi32>
    %mul3A_851 = arith.muli %sub3A_751, %mul3A_850 : vector<196x1xi32>
    %add3A_852 = arith.addi %mul3A_851, %sub3A_817 : vector<196x1xi32>
    %mul3A_853 = arith.constant 40 : i32
    %mul3A_854 = vector.broadcast %mul3A_853 : i32 to vector<196x1xi32>
    %mul3A_855 = arith.muli %sub3A_757, %mul3A_854 : vector<196x1xi32>
    %add3A_856 = arith.addi %mul3A_855, %sub3A_811 : vector<196x1xi32>
    %mul3A_857 = arith.constant 40 : i32
    %mul3A_858 = vector.broadcast %mul3A_857 : i32 to vector<196x1xi32>
    %mul3A_859 = arith.muli %sub3A_757, %mul3A_858 : vector<196x1xi32>
    %add3A_860 = arith.addi %mul3A_859, %sub3A_817 : vector<196x1xi32>
    %concatenate3A_861 = tpu.concatenate %add3A_848, %add3A_852, %add3A_856, %add3A_860 in 1 : vector<196x1xi32>, vector<196x1xi32>, vector<196x1xi32>, vector<196x1xi32> -> vector<196x4xi32>
    %reduce_max3A_862 = arith.constant dense<0xFF800000> : vector<196xf32>
    %reduce_max3A_863 = vector.multi_reduction <maximumf>, %concatenate3A_844, %reduce_max3A_862 [1] : vector<196x4xf32> to vector<196xf32>
    %broadcast_in_dim3A_864 = vector.shape_cast %reduce_max3A_863 : vector<196xf32> to vector<196x1xf32>
    %eq3A_865 = vector.broadcast %broadcast_in_dim3A_864 : vector<196x1xf32> to vector<196x4xf32>
    %eq3A_866 = arith.cmpf oeq, %concatenate3A_844, %eq3A_865 : vector<196x4xf32>
    %jit3A_867 = arith.constant 4 : i32
    %broadcast_in_dim3A_868 = vector.broadcast %jit3A_867 : i32 to vector<196x4xi32>
    %select_n3A_869 = arith.select %eq3A_866, %iota3A_699, %broadcast_in_dim3A_868 : vector<196x4xi1>, vector<196x4xi32>
    %reduce_min3A_870 = arith.constant dense<2147483647> : vector<196xi32>
    %reduce_min3A_871 = vector.multi_reduction <minsi>, %select_n3A_869, %reduce_min3A_870 [1] : vector<196x4xi32> to vector<196xi32>
    %broadcast_in_dim3A_872 = vector.shape_cast %reduce_min3A_871 : vector<196xi32> to vector<196x1xi32>
    %eq3A_873 = vector.broadcast %broadcast_in_dim3A_872 : vector<196x1xi32> to vector<196x4xi32>
    %eq3A_874 = arith.cmpi eq, %iota3A_699, %eq3A_873 : vector<196x4xi32>
    %jit3A_875 = arith.constant -1.000000e+30 : f32
    %broadcast_in_dim3A_876 = vector.broadcast %jit3A_875 : f32 to vector<196x4xf32>
    %select_n3A_877 = arith.select %eq3A_874, %broadcast_in_dim3A_876, %concatenate3A_844 : vector<196x4xi1>, vector<196x4xf32>
    %reduce_max3A_878 = arith.constant dense<0xFF800000> : vector<196xf32>
    %reduce_max3A_879 = vector.multi_reduction <maximumf>, %select_n3A_877, %reduce_max3A_878 [1] : vector<196x4xf32> to vector<196xf32>
    %broadcast_in_dim3A_880 = vector.shape_cast %reduce_max3A_879 : vector<196xf32> to vector<196x1xf32>
    %eq3A_881 = vector.broadcast %broadcast_in_dim3A_880 : vector<196x1xf32> to vector<196x4xf32>
    %eq3A_882 = arith.cmpf oeq, %select_n3A_877, %eq3A_881 : vector<196x4xf32>
    %jit3A_883 = arith.constant 4 : i32
    %broadcast_in_dim3A_884 = vector.broadcast %jit3A_883 : i32 to vector<196x4xi32>
    %select_n3A_885 = arith.select %eq3A_882, %iota3A_699, %broadcast_in_dim3A_884 : vector<196x4xi1>, vector<196x4xi32>
    %reduce_min3A_886 = arith.constant dense<2147483647> : vector<196xi32>
    %reduce_min3A_887 = vector.multi_reduction <minsi>, %select_n3A_885, %reduce_min3A_886 [1] : vector<196x4xi32> to vector<196xi32>
    %broadcast_in_dim3A_888 = vector.shape_cast %reduce_min3A_887 : vector<196xi32> to vector<196x1xi32>
    %eq3A_889 = vector.broadcast %broadcast_in_dim3A_872 : vector<196x1xi32> to vector<196x4xi32>
    %eq3A_890 = arith.cmpi eq, %iota3A_699, %eq3A_889 : vector<196x4xi32>
    %jit3A_891 = arith.constant 0 : i32
    %broadcast_in_dim3A_892 = vector.broadcast %jit3A_891 : i32 to vector<196x4xi32>
    %select_n3A_893 = arith.select %eq3A_890, %concatenate3A_861, %broadcast_in_dim3A_892 : vector<196x4xi1>, vector<196x4xi32>
    %reduce_sum3A_894 = arith.constant dense<0> : vector<196xi32>
    %reduce_sum3A_895 = vector.multi_reduction <add>, %select_n3A_893, %reduce_sum3A_894 [1] : vector<196x4xi32> to vector<196xi32>
    %broadcast_in_dim3A_896 = vector.shape_cast %reduce_sum3A_895 : vector<196xi32> to vector<196x1xi32>
    %eq3A_897 = vector.broadcast %broadcast_in_dim3A_888 : vector<196x1xi32> to vector<196x4xi32>
    %eq3A_898 = arith.cmpi eq, %iota3A_699, %eq3A_897 : vector<196x4xi32>
    %jit3A_899 = arith.constant 0 : i32
    %broadcast_in_dim3A_900 = vector.broadcast %jit3A_899 : i32 to vector<196x4xi32>
    %select_n3A_901 = arith.select %eq3A_898, %concatenate3A_861, %broadcast_in_dim3A_900 : vector<196x4xi1>, vector<196x4xi32>
    %reduce_sum3A_902 = arith.constant dense<0> : vector<196xi32>
    %reduce_sum3A_903 = vector.multi_reduction <add>, %select_n3A_901, %reduce_sum3A_902 [1] : vector<196x4xi32> to vector<196xi32>
    %broadcast_in_dim3A_904 = vector.shape_cast %reduce_sum3A_903 : vector<196xi32> to vector<196x1xi32>
    %sub3A_905 = arith.subf %broadcast_in_dim3A_864, %broadcast_in_dim3A_880 : vector<196x1xf32>
    %exp3A_906 = math.exp %sub3A_905 : vector<196x1xf32>
    %add3A_907 = arith.constant 1.000000e+00 : f32
    %add3A_908 = vector.broadcast %add3A_907 : f32 to vector<196x1xf32>
    %add3A_909 = arith.addf %add3A_908, %exp3A_906 : vector<196x1xf32>
    %div3A_910 = arith.constant 1.000000e+00 : f32
    %div3A_911 = vector.broadcast %div3A_910 : f32 to vector<196x1xf32>
    %div3A_912 = arith.divf %div3A_911, %add3A_909 : vector<196x1xf32>
    %sub3A_913 = arith.constant 1.000000e+00 : f32
    %sub3A_914 = vector.broadcast %sub3A_913 : f32 to vector<196x1xf32>
    %sub3A_915 = arith.subf %sub3A_914, %div3A_912 : vector<196x1xf32>
    %slice3A_916 = vector.extract_strided_slice %dot_general3A_697 {offsets = [0, 64], sizes = [196, 64], strides = [1, 1]} : vector<196x256xf32> to vector<196x64xf32>
    %slice3A_917 = vector.extract_strided_slice %dot_general3A_697 {offsets = [0, 192], sizes = [196, 64], strides = [1, 1]} : vector<196x256xf32> to vector<196x64xf32>
    %get3A_918 = arith.constant 1 : index
    %get3A_919 = arith.constant 0 : index
    %get3A_920 = arith.constant 0 : index
    %get3A_921 = vector.load %arg10[%get3A_918, %get3A_919, %get3A_920] : memref<4x64x40xf32, #tpu.memory_space<vmem>>, vector<1x64x40xf32>
    %get3A_922 = vector.shape_cast %get3A_921 : vector<1x64x40xf32> to vector<64x40xf32>
    %convert_element_type3A_923 = arith.truncf %slice3A_916 : vector<196x64xf32> to vector<196x64xbf16>
    %convert_element_type3A_924 = arith.truncf %get3A_922 : vector<64x40xf32> to vector<64x40xbf16>
    %dot_general3A_925 = arith.constant dense<0.000000e+00> : vector<196x40xf32>
    %dot_general3A_926 = tpu.matmul %convert_element_type3A_923, %convert_element_type3A_924, %dot_general3A_925 {dimension_numbers = #tpu.dot_dimension_numbers<[1], [0], [0], [1], [0, 0, 1, 1], [], []>, transpose_lhs_hint = false} : vector<196x64xbf16>, vector<64x40xbf16>, vector<196x40xf32> -> vector<196x40xf32>
    %get3A_927 = arith.constant 3 : index
    %get3A_928 = arith.constant 0 : index
    %get3A_929 = arith.constant 0 : index
    %get3A_930 = vector.load %arg10[%get3A_927, %get3A_928, %get3A_929] : memref<4x64x40xf32, #tpu.memory_space<vmem>>, vector<1x64x40xf32>
    %get3A_931 = vector.shape_cast %get3A_930 : vector<1x64x40xf32> to vector<64x40xf32>
    %convert_element_type3A_932 = arith.truncf %slice3A_917 : vector<196x64xf32> to vector<196x64xbf16>
    %convert_element_type3A_933 = arith.truncf %get3A_931 : vector<64x40xf32> to vector<64x40xbf16>
    %dot_general3A_934 = arith.constant dense<0.000000e+00> : vector<196x40xf32>
    %dot_general3A_935 = tpu.matmul %convert_element_type3A_932, %convert_element_type3A_933, %dot_general3A_934 {dimension_numbers = #tpu.dot_dimension_numbers<[1], [0], [0], [1], [0, 0, 1, 1], [], []>, transpose_lhs_hint = false} : vector<196x64xbf16>, vector<64x40xbf16>, vector<196x40xf32> -> vector<196x40xf32>
    %bitcast_convert_type3A_936 = tpu.bitcast %dot_general3A_926 : vector<196x40xf32> -> vector<196x40xi32>
    %shift_right_arithmetic3A_937 = arith.constant 31 : i32
    %shift_right_arithmetic3A_938 = vector.broadcast %shift_right_arithmetic3A_937 : i32 to vector<196x40xi32>
    %shift_right_arithmetic3A_939 = arith.shrsi %bitcast_convert_type3A_936, %shift_right_arithmetic3A_938 : vector<196x40xi32>
    %and3A_940 = arith.constant 2147483647 : i32
    %and3A_941 = vector.broadcast %and3A_940 : i32 to vector<196x40xi32>
    %and3A_942 = arith.andi %shift_right_arithmetic3A_939, %and3A_941 : vector<196x40xi32>
    %xor3A_943 = arith.xori %bitcast_convert_type3A_936, %and3A_942 : vector<196x40xi32>
    %and3A_944 = arith.constant -64 : i32
    %and3A_945 = vector.broadcast %and3A_944 : i32 to vector<196x40xi32>
    %and3A_946 = arith.andi %xor3A_943, %and3A_945 : vector<196x40xi32>
    %sub3A_947 = arith.constant 63 : i32
    %sub3A_948 = vector.broadcast %sub3A_947 : i32 to vector<196x40xi32>
    %sub3A_949 = arith.subi %sub3A_948, %iota3A_698 : vector<196x40xi32>
    %or3A_950 = arith.ori %and3A_946, %sub3A_949 : vector<196x40xi32>
    %reduce_max3A_951 = arith.constant dense<-2147483648> : vector<196xi32>
    %reduce_max3A_952 = vector.multi_reduction <maxsi>, %or3A_950, %reduce_max3A_951 [1] : vector<196x40xi32> to vector<196xi32>
    %broadcast_in_dim3A_953 = vector.shape_cast %reduce_max3A_952 : vector<196xi32> to vector<196x1xi32>
    %eq3A_954 = vector.broadcast %broadcast_in_dim3A_953 : vector<196x1xi32> to vector<196x40xi32>
    %eq3A_955 = arith.cmpi eq, %or3A_950, %eq3A_954 : vector<196x40xi32>
    %jit3A_956 = arith.constant -2147483648 : i32
    %broadcast_in_dim3A_957 = vector.broadcast %jit3A_956 : i32 to vector<196x40xi32>
    %select_n3A_958 = arith.select %eq3A_955, %broadcast_in_dim3A_957, %or3A_950 : vector<196x40xi1>, vector<196x40xi32>
    %reduce_max3A_959 = arith.constant dense<-2147483648> : vector<196xi32>
    %reduce_max3A_960 = vector.multi_reduction <maxsi>, %select_n3A_958, %reduce_max3A_959 [1] : vector<196x40xi32> to vector<196xi32>
    %broadcast_in_dim3A_961 = vector.shape_cast %reduce_max3A_960 : vector<196xi32> to vector<196x1xi32>
    %and3A_962 = arith.constant 63 : i32
    %and3A_963 = vector.broadcast %and3A_962 : i32 to vector<196x1xi32>
    %and3A_964 = arith.andi %broadcast_in_dim3A_953, %and3A_963 : vector<196x1xi32>
    %sub3A_965 = arith.constant 63 : i32
    %sub3A_966 = vector.broadcast %sub3A_965 : i32 to vector<196x1xi32>
    %sub3A_967 = arith.subi %sub3A_966, %and3A_964 : vector<196x1xi32>
    %and3A_968 = arith.constant 63 : i32
    %and3A_969 = vector.broadcast %and3A_968 : i32 to vector<196x1xi32>
    %and3A_970 = arith.andi %broadcast_in_dim3A_961, %and3A_969 : vector<196x1xi32>
    %sub3A_971 = arith.constant 63 : i32
    %sub3A_972 = vector.broadcast %sub3A_971 : i32 to vector<196x1xi32>
    %sub3A_973 = arith.subi %sub3A_972, %and3A_970 : vector<196x1xi32>
    %and3A_974 = arith.constant -64 : i32
    %and3A_975 = vector.broadcast %and3A_974 : i32 to vector<196x1xi32>
    %and3A_976 = arith.andi %broadcast_in_dim3A_953, %and3A_975 : vector<196x1xi32>
    %shift_right_arithmetic3A_977 = arith.constant 31 : i32
    %shift_right_arithmetic3A_978 = vector.broadcast %shift_right_arithmetic3A_977 : i32 to vector<196x1xi32>
    %shift_right_arithmetic3A_979 = arith.shrsi %and3A_976, %shift_right_arithmetic3A_978 : vector<196x1xi32>
    %and3A_980 = arith.constant 2147483647 : i32
    %and3A_981 = vector.broadcast %and3A_980 : i32 to vector<196x1xi32>
    %and3A_982 = arith.andi %shift_right_arithmetic3A_979, %and3A_981 : vector<196x1xi32>
    %xor3A_983 = arith.xori %and3A_976, %and3A_982 : vector<196x1xi32>
    %bitcast_convert_type3A_984 = tpu.bitcast %xor3A_983 : vector<196x1xi32> -> vector<196x1xf32>
    %and3A_985 = arith.constant -64 : i32
    %and3A_986 = vector.broadcast %and3A_985 : i32 to vector<196x1xi32>
    %and3A_987 = arith.andi %broadcast_in_dim3A_961, %and3A_986 : vector<196x1xi32>
    %shift_right_arithmetic3A_988 = arith.constant 31 : i32
    %shift_right_arithmetic3A_989 = vector.broadcast %shift_right_arithmetic3A_988 : i32 to vector<196x1xi32>
    %shift_right_arithmetic3A_990 = arith.shrsi %and3A_987, %shift_right_arithmetic3A_989 : vector<196x1xi32>
    %and3A_991 = arith.constant 2147483647 : i32
    %and3A_992 = vector.broadcast %and3A_991 : i32 to vector<196x1xi32>
    %and3A_993 = arith.andi %shift_right_arithmetic3A_990, %and3A_992 : vector<196x1xi32>
    %xor3A_994 = arith.xori %and3A_987, %and3A_993 : vector<196x1xi32>
    %bitcast_convert_type3A_995 = tpu.bitcast %xor3A_994 : vector<196x1xi32> -> vector<196x1xf32>
    %bitcast_convert_type3A_996 = tpu.bitcast %dot_general3A_935 : vector<196x40xf32> -> vector<196x40xi32>
    %shift_right_arithmetic3A_997 = arith.constant 31 : i32
    %shift_right_arithmetic3A_998 = vector.broadcast %shift_right_arithmetic3A_997 : i32 to vector<196x40xi32>
    %shift_right_arithmetic3A_999 = arith.shrsi %bitcast_convert_type3A_996, %shift_right_arithmetic3A_998 : vector<196x40xi32>
    %and3A_1000 = arith.constant 2147483647 : i32
    %and3A_1001 = vector.broadcast %and3A_1000 : i32 to vector<196x40xi32>
    %and3A_1002 = arith.andi %shift_right_arithmetic3A_999, %and3A_1001 : vector<196x40xi32>
    %xor3A_1003 = arith.xori %bitcast_convert_type3A_996, %and3A_1002 : vector<196x40xi32>
    %and3A_1004 = arith.constant -64 : i32
    %and3A_1005 = vector.broadcast %and3A_1004 : i32 to vector<196x40xi32>
    %and3A_1006 = arith.andi %xor3A_1003, %and3A_1005 : vector<196x40xi32>
    %sub3A_1007 = arith.constant 63 : i32
    %sub3A_1008 = vector.broadcast %sub3A_1007 : i32 to vector<196x40xi32>
    %sub3A_1009 = arith.subi %sub3A_1008, %iota3A_698 : vector<196x40xi32>
    %or3A_1010 = arith.ori %and3A_1006, %sub3A_1009 : vector<196x40xi32>
    %reduce_max3A_1011 = arith.constant dense<-2147483648> : vector<196xi32>
    %reduce_max3A_1012 = vector.multi_reduction <maxsi>, %or3A_1010, %reduce_max3A_1011 [1] : vector<196x40xi32> to vector<196xi32>
    %broadcast_in_dim3A_1013 = vector.shape_cast %reduce_max3A_1012 : vector<196xi32> to vector<196x1xi32>
    %eq3A_1014 = vector.broadcast %broadcast_in_dim3A_1013 : vector<196x1xi32> to vector<196x40xi32>
    %eq3A_1015 = arith.cmpi eq, %or3A_1010, %eq3A_1014 : vector<196x40xi32>
    %jit3A_1016 = arith.constant -2147483648 : i32
    %broadcast_in_dim3A_1017 = vector.broadcast %jit3A_1016 : i32 to vector<196x40xi32>
    %select_n3A_1018 = arith.select %eq3A_1015, %broadcast_in_dim3A_1017, %or3A_1010 : vector<196x40xi1>, vector<196x40xi32>
    %reduce_max3A_1019 = arith.constant dense<-2147483648> : vector<196xi32>
    %reduce_max3A_1020 = vector.multi_reduction <maxsi>, %select_n3A_1018, %reduce_max3A_1019 [1] : vector<196x40xi32> to vector<196xi32>
    %broadcast_in_dim3A_1021 = vector.shape_cast %reduce_max3A_1020 : vector<196xi32> to vector<196x1xi32>
    %and3A_1022 = arith.constant 63 : i32
    %and3A_1023 = vector.broadcast %and3A_1022 : i32 to vector<196x1xi32>
    %and3A_1024 = arith.andi %broadcast_in_dim3A_1013, %and3A_1023 : vector<196x1xi32>
    %sub3A_1025 = arith.constant 63 : i32
    %sub3A_1026 = vector.broadcast %sub3A_1025 : i32 to vector<196x1xi32>
    %sub3A_1027 = arith.subi %sub3A_1026, %and3A_1024 : vector<196x1xi32>
    %and3A_1028 = arith.constant 63 : i32
    %and3A_1029 = vector.broadcast %and3A_1028 : i32 to vector<196x1xi32>
    %and3A_1030 = arith.andi %broadcast_in_dim3A_1021, %and3A_1029 : vector<196x1xi32>
    %sub3A_1031 = arith.constant 63 : i32
    %sub3A_1032 = vector.broadcast %sub3A_1031 : i32 to vector<196x1xi32>
    %sub3A_1033 = arith.subi %sub3A_1032, %and3A_1030 : vector<196x1xi32>
    %and3A_1034 = arith.constant -64 : i32
    %and3A_1035 = vector.broadcast %and3A_1034 : i32 to vector<196x1xi32>
    %and3A_1036 = arith.andi %broadcast_in_dim3A_1013, %and3A_1035 : vector<196x1xi32>
    %shift_right_arithmetic3A_1037 = arith.constant 31 : i32
    %shift_right_arithmetic3A_1038 = vector.broadcast %shift_right_arithmetic3A_1037 : i32 to vector<196x1xi32>
    %shift_right_arithmetic3A_1039 = arith.shrsi %and3A_1036, %shift_right_arithmetic3A_1038 : vector<196x1xi32>
    %and3A_1040 = arith.constant 2147483647 : i32
    %and3A_1041 = vector.broadcast %and3A_1040 : i32 to vector<196x1xi32>
    %and3A_1042 = arith.andi %shift_right_arithmetic3A_1039, %and3A_1041 : vector<196x1xi32>
    %xor3A_1043 = arith.xori %and3A_1036, %and3A_1042 : vector<196x1xi32>
    %bitcast_convert_type3A_1044 = tpu.bitcast %xor3A_1043 : vector<196x1xi32> -> vector<196x1xf32>
    %and3A_1045 = arith.constant -64 : i32
    %and3A_1046 = vector.broadcast %and3A_1045 : i32 to vector<196x1xi32>
    %and3A_1047 = arith.andi %broadcast_in_dim3A_1021, %and3A_1046 : vector<196x1xi32>
    %shift_right_arithmetic3A_1048 = arith.constant 31 : i32
    %shift_right_arithmetic3A_1049 = vector.broadcast %shift_right_arithmetic3A_1048 : i32 to vector<196x1xi32>
    %shift_right_arithmetic3A_1050 = arith.shrsi %and3A_1047, %shift_right_arithmetic3A_1049 : vector<196x1xi32>
    %and3A_1051 = arith.constant 2147483647 : i32
    %and3A_1052 = vector.broadcast %and3A_1051 : i32 to vector<196x1xi32>
    %and3A_1053 = arith.andi %shift_right_arithmetic3A_1050, %and3A_1052 : vector<196x1xi32>
    %xor3A_1054 = arith.xori %and3A_1047, %and3A_1053 : vector<196x1xi32>
    %bitcast_convert_type3A_1055 = tpu.bitcast %xor3A_1054 : vector<196x1xi32> -> vector<196x1xf32>
    %add3A_1056 = arith.addf %bitcast_convert_type3A_984, %bitcast_convert_type3A_1044 : vector<196x1xf32>
    %add3A_1057 = arith.addf %bitcast_convert_type3A_984, %bitcast_convert_type3A_1055 : vector<196x1xf32>
    %add3A_1058 = arith.addf %bitcast_convert_type3A_995, %bitcast_convert_type3A_1044 : vector<196x1xf32>
    %add3A_1059 = arith.addf %bitcast_convert_type3A_995, %bitcast_convert_type3A_1055 : vector<196x1xf32>
    %concatenate3A_1060 = tpu.concatenate %add3A_1056, %add3A_1057, %add3A_1058, %add3A_1059 in 1 : vector<196x1xf32>, vector<196x1xf32>, vector<196x1xf32>, vector<196x1xf32> -> vector<196x4xf32>
    %mul3A_1061 = arith.constant 40 : i32
    %mul3A_1062 = vector.broadcast %mul3A_1061 : i32 to vector<196x1xi32>
    %mul3A_1063 = arith.muli %sub3A_967, %mul3A_1062 : vector<196x1xi32>
    %add3A_1064 = arith.addi %mul3A_1063, %sub3A_1027 : vector<196x1xi32>
    %mul3A_1065 = arith.constant 40 : i32
    %mul3A_1066 = vector.broadcast %mul3A_1065 : i32 to vector<196x1xi32>
    %mul3A_1067 = arith.muli %sub3A_967, %mul3A_1066 : vector<196x1xi32>
    %add3A_1068 = arith.addi %mul3A_1067, %sub3A_1033 : vector<196x1xi32>
    %mul3A_1069 = arith.constant 40 : i32
    %mul3A_1070 = vector.broadcast %mul3A_1069 : i32 to vector<196x1xi32>
    %mul3A_1071 = arith.muli %sub3A_973, %mul3A_1070 : vector<196x1xi32>
    %add3A_1072 = arith.addi %mul3A_1071, %sub3A_1027 : vector<196x1xi32>
    %mul3A_1073 = arith.constant 40 : i32
    %mul3A_1074 = vector.broadcast %mul3A_1073 : i32 to vector<196x1xi32>
    %mul3A_1075 = arith.muli %sub3A_973, %mul3A_1074 : vector<196x1xi32>
    %add3A_1076 = arith.addi %mul3A_1075, %sub3A_1033 : vector<196x1xi32>
    %concatenate3A_1077 = tpu.concatenate %add3A_1064, %add3A_1068, %add3A_1072, %add3A_1076 in 1 : vector<196x1xi32>, vector<196x1xi32>, vector<196x1xi32>, vector<196x1xi32> -> vector<196x4xi32>
    %reduce_max3A_1078 = arith.constant dense<0xFF800000> : vector<196xf32>
    %reduce_max3A_1079 = vector.multi_reduction <maximumf>, %concatenate3A_1060, %reduce_max3A_1078 [1] : vector<196x4xf32> to vector<196xf32>
    %broadcast_in_dim3A_1080 = vector.shape_cast %reduce_max3A_1079 : vector<196xf32> to vector<196x1xf32>
    %eq3A_1081 = vector.broadcast %broadcast_in_dim3A_1080 : vector<196x1xf32> to vector<196x4xf32>
    %eq3A_1082 = arith.cmpf oeq, %concatenate3A_1060, %eq3A_1081 : vector<196x4xf32>
    %jit3A_1083 = arith.constant 4 : i32
    %broadcast_in_dim3A_1084 = vector.broadcast %jit3A_1083 : i32 to vector<196x4xi32>
    %select_n3A_1085 = arith.select %eq3A_1082, %iota3A_699, %broadcast_in_dim3A_1084 : vector<196x4xi1>, vector<196x4xi32>
    %reduce_min3A_1086 = arith.constant dense<2147483647> : vector<196xi32>
    %reduce_min3A_1087 = vector.multi_reduction <minsi>, %select_n3A_1085, %reduce_min3A_1086 [1] : vector<196x4xi32> to vector<196xi32>
    %broadcast_in_dim3A_1088 = vector.shape_cast %reduce_min3A_1087 : vector<196xi32> to vector<196x1xi32>
    %eq3A_1089 = vector.broadcast %broadcast_in_dim3A_1088 : vector<196x1xi32> to vector<196x4xi32>
    %eq3A_1090 = arith.cmpi eq, %iota3A_699, %eq3A_1089 : vector<196x4xi32>
    %jit3A_1091 = arith.constant -1.000000e+30 : f32
    %broadcast_in_dim3A_1092 = vector.broadcast %jit3A_1091 : f32 to vector<196x4xf32>
    %select_n3A_1093 = arith.select %eq3A_1090, %broadcast_in_dim3A_1092, %concatenate3A_1060 : vector<196x4xi1>, vector<196x4xf32>
    %reduce_max3A_1094 = arith.constant dense<0xFF800000> : vector<196xf32>
    %reduce_max3A_1095 = vector.multi_reduction <maximumf>, %select_n3A_1093, %reduce_max3A_1094 [1] : vector<196x4xf32> to vector<196xf32>
    %broadcast_in_dim3A_1096 = vector.shape_cast %reduce_max3A_1095 : vector<196xf32> to vector<196x1xf32>
    %eq3A_1097 = vector.broadcast %broadcast_in_dim3A_1096 : vector<196x1xf32> to vector<196x4xf32>
    %eq3A_1098 = arith.cmpf oeq, %select_n3A_1093, %eq3A_1097 : vector<196x4xf32>
    %jit3A_1099 = arith.constant 4 : i32
    %broadcast_in_dim3A_1100 = vector.broadcast %jit3A_1099 : i32 to vector<196x4xi32>
    %select_n3A_1101 = arith.select %eq3A_1098, %iota3A_699, %broadcast_in_dim3A_1100 : vector<196x4xi1>, vector<196x4xi32>
    %reduce_min3A_1102 = arith.constant dense<2147483647> : vector<196xi32>
    %reduce_min3A_1103 = vector.multi_reduction <minsi>, %select_n3A_1101, %reduce_min3A_1102 [1] : vector<196x4xi32> to vector<196xi32>
    %broadcast_in_dim3A_1104 = vector.shape_cast %reduce_min3A_1103 : vector<196xi32> to vector<196x1xi32>
    %eq3A_1105 = vector.broadcast %broadcast_in_dim3A_1088 : vector<196x1xi32> to vector<196x4xi32>
    %eq3A_1106 = arith.cmpi eq, %iota3A_699, %eq3A_1105 : vector<196x4xi32>
    %jit3A_1107 = arith.constant 0 : i32
    %broadcast_in_dim3A_1108 = vector.broadcast %jit3A_1107 : i32 to vector<196x4xi32>
    %select_n3A_1109 = arith.select %eq3A_1106, %concatenate3A_1077, %broadcast_in_dim3A_1108 : vector<196x4xi1>, vector<196x4xi32>
    %reduce_sum3A_1110 = arith.constant dense<0> : vector<196xi32>
    %reduce_sum3A_1111 = vector.multi_reduction <add>, %select_n3A_1109, %reduce_sum3A_1110 [1] : vector<196x4xi32> to vector<196xi32>
    %broadcast_in_dim3A_1112 = vector.shape_cast %reduce_sum3A_1111 : vector<196xi32> to vector<196x1xi32>
    %eq3A_1113 = vector.broadcast %broadcast_in_dim3A_1104 : vector<196x1xi32> to vector<196x4xi32>
    %eq3A_1114 = arith.cmpi eq, %iota3A_699, %eq3A_1113 : vector<196x4xi32>
    %jit3A_1115 = arith.constant 0 : i32
    %broadcast_in_dim3A_1116 = vector.broadcast %jit3A_1115 : i32 to vector<196x4xi32>
    %select_n3A_1117 = arith.select %eq3A_1114, %concatenate3A_1077, %broadcast_in_dim3A_1116 : vector<196x4xi1>, vector<196x4xi32>
    %reduce_sum3A_1118 = arith.constant dense<0> : vector<196xi32>
    %reduce_sum3A_1119 = vector.multi_reduction <add>, %select_n3A_1117, %reduce_sum3A_1118 [1] : vector<196x4xi32> to vector<196xi32>
    %broadcast_in_dim3A_1120 = vector.shape_cast %reduce_sum3A_1119 : vector<196xi32> to vector<196x1xi32>
    %sub3A_1121 = arith.subf %broadcast_in_dim3A_1080, %broadcast_in_dim3A_1096 : vector<196x1xf32>
    %exp3A_1122 = math.exp %sub3A_1121 : vector<196x1xf32>
    %add3A_1123 = arith.constant 1.000000e+00 : f32
    %add3A_1124 = vector.broadcast %add3A_1123 : f32 to vector<196x1xf32>
    %add3A_1125 = arith.addf %add3A_1124, %exp3A_1122 : vector<196x1xf32>
    %div3A_1126 = arith.constant 1.000000e+00 : f32
    %div3A_1127 = vector.broadcast %div3A_1126 : f32 to vector<196x1xf32>
    %div3A_1128 = arith.divf %div3A_1127, %add3A_1125 : vector<196x1xf32>
    %sub3A_1129 = arith.constant 1.000000e+00 : f32
    %sub3A_1130 = vector.broadcast %sub3A_1129 : f32 to vector<196x1xf32>
    %sub3A_1131 = arith.subf %sub3A_1130, %div3A_1128 : vector<196x1xf32>
    %concatenate3A_1132 = tpu.concatenate %broadcast_in_dim3A_896, %broadcast_in_dim3A_904, %broadcast_in_dim3A_1112, %broadcast_in_dim3A_1120 in 1 : vector<196x1xi32>, vector<196x1xi32>, vector<196x1xi32>, vector<196x1xi32> -> vector<196x4xi32>
    %swap3A_1133 = arith.constant 1 : index
    %swap3A_1134 = arith.constant 0 : index
    %swap3A_1135 = arith.constant 0 : index
    %swap3A_1136 = vector.load %arg16[%swap3A_1133, %swap3A_1134, %swap3A_1135] : memref<2x196x4xi32, #tpu.memory_space<vmem>>, vector<1x196x4xi32>
    %swap3A_1137 = vector.shape_cast %swap3A_1136 : vector<1x196x4xi32> to vector<196x4xi32>
    %swap3A_1138 = vector.shape_cast %concatenate3A_1132 : vector<196x4xi32> to vector<1x196x4xi32>
    tpu.vector_store %arg16[%swap3A_1133, %swap3A_1134, %swap3A_1135], %swap3A_1138 {strides = array<i32>} : memref<2x196x4xi32, #tpu.memory_space<vmem>>, vector<1x196x4xi32>,
    %concatenate3A_1139 = tpu.concatenate %sub3A_915, %div3A_912, %sub3A_1131, %div3A_1128 in 1 : vector<196x1xf32>, vector<196x1xf32>, vector<196x1xf32>, vector<196x1xf32> -> vector<196x4xf32>
    %swap3A_1140 = arith.constant 1 : index
    %swap3A_1141 = arith.constant 0 : index
    %swap3A_1142 = arith.constant 0 : index
    %swap3A_1143 = vector.load %arg17[%swap3A_1140, %swap3A_1141, %swap3A_1142] : memref<2x196x4xf32, #tpu.memory_space<vmem>>, vector<1x196x4xf32>
    %swap3A_1144 = vector.shape_cast %swap3A_1143 : vector<1x196x4xf32> to vector<196x4xf32>
    %swap3A_1145 = vector.shape_cast %concatenate3A_1139 : vector<196x4xf32> to vector<1x196x4xf32>
    tpu.vector_store %arg17[%swap3A_1140, %swap3A_1141, %swap3A_1142], %swap3A_1145 {strides = array<i32>} : memref<2x196x4xf32, #tpu.memory_space<vmem>>, vector<1x196x4xf32>,
    return
  }
  func.func @transform_0(%arg0: i32) -> (i32, i32, i32) {
    %c0_i32 = arith.constant 0 : i32
    %c0_i32_0 = arith.constant 0 : i32
    %c0_i32_1 = arith.constant 0 : i32
    return %arg0, %c0_i32, %c0_i32_0 : i32, i32, i32
  }
  func.func @transform_1(%arg0: i32) -> (i32, i32, i32) {
    %c0_i32 = arith.constant 0 : i32
    %c0_i32_0 = arith.constant 0 : i32
    %c0_i32_1 = arith.constant 0 : i32
    return %arg0, %c0_i32, %c0_i32_0 : i32, i32, i32
  }
  func.func @transform_2(%arg0: i32) -> (i32, i32) {
    %c0_i32 = arith.constant 0 : i32
    %c0_i32_0 = arith.constant 0 : i32
    %c0_i32_1 = arith.constant 0 : i32
    return %c0_i32, %c0_i32_0 : i32, i32
  }
  func.func @transform_3(%arg0: i32) -> (i32, i32) {
    %c0_i32 = arith.constant 0 : i32
    %c0_i32_0 = arith.constant 0 : i32
    %c0_i32_1 = arith.constant 0 : i32
    return %c0_i32, %c0_i32_0 : i32, i32
  }
  func.func @transform_4(%arg0: i32) -> (i32, i32) {
    %c0_i32 = arith.constant 0 : i32
    %c0_i32_0 = arith.constant 0 : i32
    %c0_i32_1 = arith.constant 0 : i32
    return %c0_i32, %c0_i32_0 : i32, i32
  }
  func.func @transform_5(%arg0: i32) -> (i32, i32) {
    %c0_i32 = arith.constant 0 : i32
    %c0_i32_0 = arith.constant 0 : i32
    %c0_i32_1 = arith.constant 0 : i32
    return %c0_i32, %c0_i32_0 : i32, i32
  }
  func.func @transform_6(%arg0: i32) -> (i32, i32) {
    %c0_i32 = arith.constant 0 : i32
    %c0_i32_0 = arith.constant 0 : i32
    %c0_i32_1 = arith.constant 0 : i32
    return %c0_i32, %c0_i32_0 : i32, i32
  }
  func.func @transform_7(%arg0: i32) -> (i32, i32) {
    %c0_i32 = arith.constant 0 : i32
    %c0_i32_0 = arith.constant 0 : i32
    %c0_i32_1 = arith.constant 0 : i32
    return %c0_i32, %c0_i32_0 : i32, i32
  }
  func.func @transform_8(%arg0: i32) -> (i32, i32) {
    %c0_i32 = arith.constant 0 : i32
    %c0_i32_0 = arith.constant 0 : i32
    %c0_i32_1 = arith.constant 0 : i32
    return %c0_i32, %c0_i32_0 : i32, i32
  }
  func.func @transform_9(%arg0: i32) -> (i32, i32, i32) {
    %c0_i32 = arith.constant 0 : i32
    %c0_i32_0 = arith.constant 0 : i32
    %c0_i32_1 = arith.constant 0 : i32
    %c0_i32_2 = arith.constant 0 : i32
    return %c0_i32, %c0_i32_0, %c0_i32_1 : i32, i32, i32
  }
  func.func @transform_10(%arg0: i32) -> (i32, i32) {
    %c0_i32 = arith.constant 0 : i32
    %c0_i32_0 = arith.constant 0 : i32
    %c0_i32_1 = arith.constant 0 : i32
    return %c0_i32, %c0_i32_0 : i32, i32
  }
  func.func @transform_11(%arg0: i32) -> (i32, i32) {
    %c0_i32 = arith.constant 0 : i32
    %c0_i32_0 = arith.constant 0 : i32
    %c0_i32_1 = arith.constant 0 : i32
    return %c0_i32, %c0_i32_0 : i32, i32
  }
  func.func @transform_12(%arg0: i32) -> (i32, i32) {
    %c0_i32 = arith.constant 0 : i32
    %c0_i32_0 = arith.constant 0 : i32
    %c0_i32_1 = arith.constant 0 : i32
    return %c0_i32, %c0_i32_0 : i32, i32
  }
  func.func @transform_13(%arg0: i32) -> (i32, i32, i32) {
    %c0_i32 = arith.constant 0 : i32
    %c0_i32_0 = arith.constant 0 : i32
    %c0_i32_1 = arith.constant 0 : i32
    return %arg0, %c0_i32, %c0_i32_0 : i32, i32, i32
  }
  func.func @transform_14(%arg0: i32) -> (i32, i32, i32) {
    %c0_i32 = arith.constant 0 : i32
    %c0_i32_0 = arith.constant 0 : i32
    %c0_i32_1 = arith.constant 0 : i32
    return %arg0, %c0_i32, %c0_i32_0 : i32, i32, i32
  }
  func.func @transform_15(%arg0: i32) -> (i32, i32, i32) {
    %c0_i32 = arith.constant 0 : i32
    %c0_i32_0 = arith.constant 0 : i32
    %c0_i32_1 = arith.constant 0 : i32
    return %arg0, %c0_i32, %c0_i32_0 : i32, i32, i32
  }
  func.func @transform_16(%arg0: i32) -> (i32, i32, i32) {
    %c0_i32 = arith.constant 0 : i32
    %c0_i32_0 = arith.constant 0 : i32
    %c0_i32_1 = arith.constant 0 : i32
    return %arg0, %c0_i32, %c0_i32_0 : i32, i32, i32
  }
}

module attributes {stable_mosaic.version = 14 : i64} {
  func.func @_k2_body(%arg0: i32, %arg1: memref<2x196x128xf32, #tpu.memory_space<vmem>>, %arg2: memref<2x196x64xf32, #tpu.memory_space<vmem>>, %arg3: memref<9x128x64xf32, #tpu.memory_space<vmem>>, %arg4: memref<9x64x64xf32, #tpu.memory_space<vmem>>, %arg5: memref<9x128x64xf32, #tpu.memory_space<vmem>>, %arg6: memref<196x196xf32, #tpu.memory_space<vmem>>, %arg7: memref<196x16xf32, #tpu.memory_space<vmem>>, %arg8: memref<3xf32, #tpu.memory_space<smem>>, %arg9: memref<2x196x64xf32, #tpu.memory_space<vmem>>) attributes {dimension_semantics = [#tpu.dimension_semantics<arbitrary>], iteration_bounds = array<i64: 32>, scalar_prefetch = 0 : i64, scratch_operands = 0 : i64, tpu.core_type = #tpu.core_type<tc>, window_params = [{transform_indices = @transform_0, window_bounds = array<i64: 2, 196, 128>}, {transform_indices = @transform_1, window_bounds = array<i64: 2, 196, 64>}, {pipeline_mode = #tpu.pipeline_mode<synchronous>, transform_indices = @transform_2, window_bounds = array<i64: 9, 128, 64>}, {pipeline_mode = #tpu.pipeline_mode<synchronous>, transform_indices = @transform_3, window_bounds = array<i64: 9, 64, 64>}, {pipeline_mode = #tpu.pipeline_mode<synchronous>, transform_indices = @transform_4, window_bounds = array<i64: 9, 128, 64>}, {pipeline_mode = #tpu.pipeline_mode<synchronous>, transform_indices = @transform_5, window_bounds = array<i64: 196, 196>}, {pipeline_mode = #tpu.pipeline_mode<synchronous>, transform_indices = @transform_6, window_bounds = array<i64: 196, 16>}, {transform_indices = @transform_7, window_bounds = array<i64: 3>}, {transform_indices = @transform_8, window_bounds = array<i64: 2, 196, 64>}]} {
    %get3A = arith.constant 0 : index
    %get3A_0 = arith.constant 0 : index
    %get3A_1 = vector.load %arg6[%get3A, %get3A_0] : memref<196x196xf32, #tpu.memory_space<vmem>>, vector<196x196xf32>
    %get3A_2 = arith.constant 0 : index
    %get3A_3 = arith.constant 0 : index
    %get3A_4 = arith.constant 0 : index
    %get3A_5 = vector.load %arg1[%get3A_2, %get3A_3, %get3A_4] : memref<2x196x128xf32, #tpu.memory_space<vmem>>, vector<1x196x128xf32>
    %get3A_6 = vector.shape_cast %get3A_5 : vector<1x196x128xf32> to vector<196x128xf32>
    %convert_element_type3A = arith.truncf %get3A_1 : vector<196x196xf32> to vector<196x196xbf16>
    %convert_element_type3A_7 = arith.truncf %get3A_6 : vector<196x128xf32> to vector<196x128xbf16>
    %dot_general3A = arith.constant dense<0.000000e+00> : vector<196x128xf32>
    %dot_general3A_8 = tpu.matmul %convert_element_type3A, %convert_element_type3A_7, %dot_general3A {dimension_numbers = #tpu.dot_dimension_numbers<[1], [0], [0], [1], [0, 0, 1, 1], [], []>, transpose_lhs_hint = false} : vector<196x196xbf16>, vector<196x128xbf16>, vector<196x128xf32> -> vector<196x128xf32>
    %get3A_9 = arith.constant 0 : index
    %get3A_10 = arith.constant 0 : index
    %get3A_11 = vector.load %arg6[%get3A_9, %get3A_10] : memref<196x196xf32, #tpu.memory_space<vmem>>, vector<196x196xf32>
    %get3A_12 = arith.constant 0 : index
    %get3A_13 = arith.constant 0 : index
    %get3A_14 = arith.constant 0 : index
    %get3A_15 = vector.load %arg2[%get3A_12, %get3A_13, %get3A_14] : memref<2x196x64xf32, #tpu.memory_space<vmem>>, vector<1x196x64xf32>
    %get3A_16 = vector.shape_cast %get3A_15 : vector<1x196x64xf32> to vector<196x64xf32>
    %convert_element_type3A_17 = arith.truncf %get3A_11 : vector<196x196xf32> to vector<196x196xbf16>
    %convert_element_type3A_18 = arith.truncf %get3A_16 : vector<196x64xf32> to vector<196x64xbf16>
    %dot_general3A_19 = arith.constant dense<0.000000e+00> : vector<196x64xf32>
    %dot_general3A_20 = tpu.matmul %convert_element_type3A_17, %convert_element_type3A_18, %dot_general3A_19 {dimension_numbers = #tpu.dot_dimension_numbers<[1], [0], [0], [1], [0, 0, 1, 1], [], []>, transpose_lhs_hint = false} : vector<196x196xbf16>, vector<196x64xbf16>, vector<196x64xf32> -> vector<196x64xf32>
    %get3A_21 = arith.constant 0 : index
    %get3A_22 = arith.constant 0 : index
    %get3A_23 = arith.constant 0 : index
    %get3A_24 = vector.load %arg3[%get3A_21, %get3A_22, %get3A_23] : memref<9x128x64xf32, #tpu.memory_space<vmem>>, vector<1x128x64xf32>
    %get3A_25 = vector.shape_cast %get3A_24 : vector<1x128x64xf32> to vector<128x64xf32>
    %get3A_26 = arith.constant 1 : index
    %get3A_27 = arith.constant 0 : index
    %get3A_28 = arith.constant 0 : index
    %get3A_29 = vector.load %arg3[%get3A_26, %get3A_27, %get3A_28] : memref<9x128x64xf32, #tpu.memory_space<vmem>>, vector<1x128x64xf32>
    %get3A_30 = vector.shape_cast %get3A_29 : vector<1x128x64xf32> to vector<128x64xf32>
    %add3A = arith.addf %get3A_25, %get3A_30 : vector<128x64xf32>
    %get3A_31 = arith.constant 2 : index
    %get3A_32 = arith.constant 0 : index
    %get3A_33 = arith.constant 0 : index
    %get3A_34 = vector.load %arg3[%get3A_31, %get3A_32, %get3A_33] : memref<9x128x64xf32, #tpu.memory_space<vmem>>, vector<1x128x64xf32>
    %get3A_35 = vector.shape_cast %get3A_34 : vector<1x128x64xf32> to vector<128x64xf32>
    %add3A_36 = arith.addf %add3A, %get3A_35 : vector<128x64xf32>
    %get3A_37 = arith.constant 3 : index
    %get3A_38 = arith.constant 0 : index
    %get3A_39 = arith.constant 0 : index
    %get3A_40 = vector.load %arg3[%get3A_37, %get3A_38, %get3A_39] : memref<9x128x64xf32, #tpu.memory_space<vmem>>, vector<1x128x64xf32>
    %get3A_41 = vector.shape_cast %get3A_40 : vector<1x128x64xf32> to vector<128x64xf32>
    %add3A_42 = arith.addf %add3A_36, %get3A_41 : vector<128x64xf32>
    %get3A_43 = arith.constant 4 : index
    %get3A_44 = arith.constant 0 : index
    %get3A_45 = arith.constant 0 : index
    %get3A_46 = vector.load %arg3[%get3A_43, %get3A_44, %get3A_45] : memref<9x128x64xf32, #tpu.memory_space<vmem>>, vector<1x128x64xf32>
    %get3A_47 = vector.shape_cast %get3A_46 : vector<1x128x64xf32> to vector<128x64xf32>
    %add3A_48 = arith.addf %add3A_42, %get3A_47 : vector<128x64xf32>
    %get3A_49 = arith.constant 5 : index
    %get3A_50 = arith.constant 0 : index
    %get3A_51 = arith.constant 0 : index
    %get3A_52 = vector.load %arg3[%get3A_49, %get3A_50, %get3A_51] : memref<9x128x64xf32, #tpu.memory_space<vmem>>, vector<1x128x64xf32>
    %get3A_53 = vector.shape_cast %get3A_52 : vector<1x128x64xf32> to vector<128x64xf32>
    %add3A_54 = arith.addf %add3A_48, %get3A_53 : vector<128x64xf32>
    %get3A_55 = arith.constant 6 : index
    %get3A_56 = arith.constant 0 : index
    %get3A_57 = arith.constant 0 : index
    %get3A_58 = vector.load %arg3[%get3A_55, %get3A_56, %get3A_57] : memref<9x128x64xf32, #tpu.memory_space<vmem>>, vector<1x128x64xf32>
    %get3A_59 = vector.shape_cast %get3A_58 : vector<1x128x64xf32> to vector<128x64xf32>
    %add3A_60 = arith.addf %add3A_54, %get3A_59 : vector<128x64xf32>
    %get3A_61 = arith.constant 7 : index
    %get3A_62 = arith.constant 0 : index
    %get3A_63 = arith.constant 0 : index
    %get3A_64 = vector.load %arg3[%get3A_61, %get3A_62, %get3A_63] : memref<9x128x64xf32, #tpu.memory_space<vmem>>, vector<1x128x64xf32>
    %get3A_65 = vector.shape_cast %get3A_64 : vector<1x128x64xf32> to vector<128x64xf32>
    %add3A_66 = arith.addf %add3A_60, %get3A_65 : vector<128x64xf32>
    %get3A_67 = arith.constant 8 : index
    %get3A_68 = arith.constant 0 : index
    %get3A_69 = arith.constant 0 : index
    %get3A_70 = vector.load %arg3[%get3A_67, %get3A_68, %get3A_69] : memref<9x128x64xf32, #tpu.memory_space<vmem>>, vector<1x128x64xf32>
    %get3A_71 = vector.shape_cast %get3A_70 : vector<1x128x64xf32> to vector<128x64xf32>
    %add3A_72 = arith.addf %add3A_66, %get3A_71 : vector<128x64xf32>
    %convert_element_type3A_73 = arith.truncf %dot_general3A_8 : vector<196x128xf32> to vector<196x128xbf16>
    %convert_element_type3A_74 = arith.truncf %add3A_72 : vector<128x64xf32> to vector<128x64xbf16>
    %dot_general3A_75 = arith.constant dense<0.000000e+00> : vector<196x64xf32>
    %dot_general3A_76 = tpu.matmul %convert_element_type3A_73, %convert_element_type3A_74, %dot_general3A_75 {dimension_numbers = #tpu.dot_dimension_numbers<[1], [0], [0], [1], [0, 0, 1, 1], [], []>, transpose_lhs_hint = false} : vector<196x128xbf16>, vector<128x64xbf16>, vector<196x64xf32> -> vector<196x64xf32>
    %mul3A = arith.constant -0.699999988 : f32
    %mul3A_77 = vector.broadcast %mul3A : f32 to vector<196x64xf32>
    %mul3A_78 = arith.mulf %dot_general3A_76, %mul3A_77 : vector<196x64xf32>
    %broadcast_in_dim3A = arith.constant 0.000000e+00 : f32
    %broadcast_in_dim3A_79 = vector.broadcast %broadcast_in_dim3A : f32 to vector<15x128xf32>
    %slice3A = vector.extract_strided_slice %dot_general3A_8 {offsets = [0, 0], sizes = [181, 128], strides = [1, 1]} : vector<196x128xf32> to vector<181x128xf32>
    %concatenate3A = tpu.concatenate %broadcast_in_dim3A_79, %slice3A in 0 : vector<15x128xf32>, vector<181x128xf32> -> vector<196x128xf32>
    %get3A_80 = arith.constant 0 : index
    %get3A_81 = arith.constant 0 : index
    %get3A_82 = vector.load %arg7[%get3A_80, %get3A_81] : memref<196x16xf32, #tpu.memory_space<vmem>>, vector<196x1xf32>
    %get3A_83 = arith.constant 0 : index
    %get3A_84 = arith.constant 0 : index
    %get3A_85 = arith.constant 0 : index
    %get3A_86 = vector.load %arg3[%get3A_83, %get3A_84, %get3A_85] : memref<9x128x64xf32, #tpu.memory_space<vmem>>, vector<1x128x64xf32>
    %get3A_87 = vector.shape_cast %get3A_86 : vector<1x128x64xf32> to vector<128x64xf32>
    %convert_element_type3A_88 = arith.truncf %concatenate3A : vector<196x128xf32> to vector<196x128xbf16>
    %convert_element_type3A_89 = arith.truncf %get3A_87 : vector<128x64xf32> to vector<128x64xbf16>
    %dot_general3A_90 = arith.constant dense<0.000000e+00> : vector<196x64xf32>
    %dot_general3A_91 = tpu.matmul %convert_element_type3A_88, %convert_element_type3A_89, %dot_general3A_90 {dimension_numbers = #tpu.dot_dimension_numbers<[1], [0], [0], [1], [0, 0, 1, 1], [], []>, transpose_lhs_hint = false} : vector<196x128xbf16>, vector<128x64xbf16>, vector<196x64xf32> -> vector<196x64xf32>
    %mul3A_92 = vector.broadcast %get3A_82 : vector<196x1xf32> to vector<196x64xf32>
    %mul3A_93 = arith.mulf %mul3A_92, %dot_general3A_91 : vector<196x64xf32>
    %add3A_94 = arith.addf %mul3A_78, %mul3A_93 : vector<196x64xf32>
    %broadcast_in_dim3A_95 = arith.constant 0.000000e+00 : f32
    %broadcast_in_dim3A_96 = vector.broadcast %broadcast_in_dim3A_95 : f32 to vector<14x128xf32>
    %slice3A_97 = vector.extract_strided_slice %dot_general3A_8 {offsets = [0, 0], sizes = [182, 128], strides = [1, 1]} : vector<196x128xf32> to vector<182x128xf32>
    %concatenate3A_98 = tpu.concatenate %broadcast_in_dim3A_96, %slice3A_97 in 0 : vector<14x128xf32>, vector<182x128xf32> -> vector<196x128xf32>
    %get3A_99 = arith.constant 0 : index
    %get3A_100 = arith.constant 1 : index
    %get3A_101 = vector.load %arg7[%get3A_99, %get3A_100] : memref<196x16xf32, #tpu.memory_space<vmem>>, vector<196x1xf32>
    %get3A_102 = arith.constant 1 : index
    %get3A_103 = arith.constant 0 : index
    %get3A_104 = arith.constant 0 : index
    %get3A_105 = vector.load %arg3[%get3A_102, %get3A_103, %get3A_104] : memref<9x128x64xf32, #tpu.memory_space<vmem>>, vector<1x128x64xf32>
    %get3A_106 = vector.shape_cast %get3A_105 : vector<1x128x64xf32> to vector<128x64xf32>
    %convert_element_type3A_107 = arith.truncf %concatenate3A_98 : vector<196x128xf32> to vector<196x128xbf16>
    %convert_element_type3A_108 = arith.truncf %get3A_106 : vector<128x64xf32> to vector<128x64xbf16>
    %dot_general3A_109 = arith.constant dense<0.000000e+00> : vector<196x64xf32>
    %dot_general3A_110 = tpu.matmul %convert_element_type3A_107, %convert_element_type3A_108, %dot_general3A_109 {dimension_numbers = #tpu.dot_dimension_numbers<[1], [0], [0], [1], [0, 0, 1, 1], [], []>, transpose_lhs_hint = false} : vector<196x128xbf16>, vector<128x64xbf16>, vector<196x64xf32> -> vector<196x64xf32>
    %mul3A_111 = vector.broadcast %get3A_101 : vector<196x1xf32> to vector<196x64xf32>
    %mul3A_112 = arith.mulf %mul3A_111, %dot_general3A_110 : vector<196x64xf32>
    %add3A_113 = arith.addf %add3A_94, %mul3A_112 : vector<196x64xf32>
    %broadcast_in_dim3A_114 = arith.constant 0.000000e+00 : f32
    %broadcast_in_dim3A_115 = vector.broadcast %broadcast_in_dim3A_114 : f32 to vector<13x128xf32>
    %slice3A_116 = vector.extract_strided_slice %dot_general3A_8 {offsets = [0, 0], sizes = [183, 128], strides = [1, 1]} : vector<196x128xf32> to vector<183x128xf32>
    %concatenate3A_117 = tpu.concatenate %broadcast_in_dim3A_115, %slice3A_116 in 0 : vector<13x128xf32>, vector<183x128xf32> -> vector<196x128xf32>
    %get3A_118 = arith.constant 0 : index
    %get3A_119 = arith.constant 2 : index
    %get3A_120 = vector.load %arg7[%get3A_118, %get3A_119] : memref<196x16xf32, #tpu.memory_space<vmem>>, vector<196x1xf32>
    %get3A_121 = arith.constant 2 : index
    %get3A_122 = arith.constant 0 : index
    %get3A_123 = arith.constant 0 : index
    %get3A_124 = vector.load %arg3[%get3A_121, %get3A_122, %get3A_123] : memref<9x128x64xf32, #tpu.memory_space<vmem>>, vector<1x128x64xf32>
    %get3A_125 = vector.shape_cast %get3A_124 : vector<1x128x64xf32> to vector<128x64xf32>
    %convert_element_type3A_126 = arith.truncf %concatenate3A_117 : vector<196x128xf32> to vector<196x128xbf16>
    %convert_element_type3A_127 = arith.truncf %get3A_125 : vector<128x64xf32> to vector<128x64xbf16>
    %dot_general3A_128 = arith.constant dense<0.000000e+00> : vector<196x64xf32>
    %dot_general3A_129 = tpu.matmul %convert_element_type3A_126, %convert_element_type3A_127, %dot_general3A_128 {dimension_numbers = #tpu.dot_dimension_numbers<[1], [0], [0], [1], [0, 0, 1, 1], [], []>, transpose_lhs_hint = false} : vector<196x128xbf16>, vector<128x64xbf16>, vector<196x64xf32> -> vector<196x64xf32>
    %mul3A_130 = vector.broadcast %get3A_120 : vector<196x1xf32> to vector<196x64xf32>
    %mul3A_131 = arith.mulf %mul3A_130, %dot_general3A_129 : vector<196x64xf32>
    %add3A_132 = arith.addf %add3A_113, %mul3A_131 : vector<196x64xf32>
    %broadcast_in_dim3A_133 = arith.constant 0.000000e+00 : f32
    %broadcast_in_dim3A_134 = vector.broadcast %broadcast_in_dim3A_133 : f32 to vector<1x128xf32>
    %slice3A_135 = vector.extract_strided_slice %dot_general3A_8 {offsets = [0, 0], sizes = [195, 128], strides = [1, 1]} : vector<196x128xf32> to vector<195x128xf32>
    %concatenate3A_136 = tpu.concatenate %broadcast_in_dim3A_134, %slice3A_135 in 0 : vector<1x128xf32>, vector<195x128xf32> -> vector<196x128xf32>
    %get3A_137 = arith.constant 0 : index
    %get3A_138 = arith.constant 3 : index
    %get3A_139 = vector.load %arg7[%get3A_137, %get3A_138] : memref<196x16xf32, #tpu.memory_space<vmem>>, vector<196x1xf32>
    %get3A_140 = arith.constant 3 : index
    %get3A_141 = arith.constant 0 : index
    %get3A_142 = arith.constant 0 : index
    %get3A_143 = vector.load %arg3[%get3A_140, %get3A_141, %get3A_142] : memref<9x128x64xf32, #tpu.memory_space<vmem>>, vector<1x128x64xf32>
    %get3A_144 = vector.shape_cast %get3A_143 : vector<1x128x64xf32> to vector<128x64xf32>
    %convert_element_type3A_145 = arith.truncf %concatenate3A_136 : vector<196x128xf32> to vector<196x128xbf16>
    %convert_element_type3A_146 = arith.truncf %get3A_144 : vector<128x64xf32> to vector<128x64xbf16>
    %dot_general3A_147 = arith.constant dense<0.000000e+00> : vector<196x64xf32>
    %dot_general3A_148 = tpu.matmul %convert_element_type3A_145, %convert_element_type3A_146, %dot_general3A_147 {dimension_numbers = #tpu.dot_dimension_numbers<[1], [0], [0], [1], [0, 0, 1, 1], [], []>, transpose_lhs_hint = false} : vector<196x128xbf16>, vector<128x64xbf16>, vector<196x64xf32> -> vector<196x64xf32>
    %mul3A_149 = vector.broadcast %get3A_139 : vector<196x1xf32> to vector<196x64xf32>
    %mul3A_150 = arith.mulf %mul3A_149, %dot_general3A_148 : vector<196x64xf32>
    %add3A_151 = arith.addf %add3A_132, %mul3A_150 : vector<196x64xf32>
    %get3A_152 = arith.constant 0 : index
    %get3A_153 = arith.constant 4 : index
    %get3A_154 = vector.load %arg7[%get3A_152, %get3A_153] : memref<196x16xf32, #tpu.memory_space<vmem>>, vector<196x1xf32>
    %get3A_155 = arith.constant 4 : index
    %get3A_156 = arith.constant 0 : index
    %get3A_157 = arith.constant 0 : index
    %get3A_158 = vector.load %arg3[%get3A_155, %get3A_156, %get3A_157] : memref<9x128x64xf32, #tpu.memory_space<vmem>>, vector<1x128x64xf32>
    %get3A_159 = vector.shape_cast %get3A_158 : vector<1x128x64xf32> to vector<128x64xf32>
    %convert_element_type3A_160 = arith.truncf %dot_general3A_8 : vector<196x128xf32> to vector<196x128xbf16>
    %convert_element_type3A_161 = arith.truncf %get3A_159 : vector<128x64xf32> to vector<128x64xbf16>
    %dot_general3A_162 = arith.constant dense<0.000000e+00> : vector<196x64xf32>
    %dot_general3A_163 = tpu.matmul %convert_element_type3A_160, %convert_element_type3A_161, %dot_general3A_162 {dimension_numbers = #tpu.dot_dimension_numbers<[1], [0], [0], [1], [0, 0, 1, 1], [], []>, transpose_lhs_hint = false} : vector<196x128xbf16>, vector<128x64xbf16>, vector<196x64xf32> -> vector<196x64xf32>
    %mul3A_164 = vector.broadcast %get3A_154 : vector<196x1xf32> to vector<196x64xf32>
    %mul3A_165 = arith.mulf %mul3A_164, %dot_general3A_163 : vector<196x64xf32>
    %add3A_166 = arith.addf %add3A_151, %mul3A_165 : vector<196x64xf32>
    %slice3A_167 = vector.extract_strided_slice %dot_general3A_8 {offsets = [1, 0], sizes = [195, 128], strides = [1, 1]} : vector<196x128xf32> to vector<195x128xf32>
    %broadcast_in_dim3A_168 = arith.constant 0.000000e+00 : f32
    %broadcast_in_dim3A_169 = vector.broadcast %broadcast_in_dim3A_168 : f32 to vector<1x128xf32>
    %concatenate3A_170 = tpu.concatenate %slice3A_167, %broadcast_in_dim3A_169 in 0 : vector<195x128xf32>, vector<1x128xf32> -> vector<196x128xf32>
    %get3A_171 = arith.constant 0 : index
    %get3A_172 = arith.constant 5 : index
    %get3A_173 = vector.load %arg7[%get3A_171, %get3A_172] : memref<196x16xf32, #tpu.memory_space<vmem>>, vector<196x1xf32>
    %get3A_174 = arith.constant 5 : index
    %get3A_175 = arith.constant 0 : index
    %get3A_176 = arith.constant 0 : index
    %get3A_177 = vector.load %arg3[%get3A_174, %get3A_175, %get3A_176] : memref<9x128x64xf32, #tpu.memory_space<vmem>>, vector<1x128x64xf32>
    %get3A_178 = vector.shape_cast %get3A_177 : vector<1x128x64xf32> to vector<128x64xf32>
    %convert_element_type3A_179 = arith.truncf %concatenate3A_170 : vector<196x128xf32> to vector<196x128xbf16>
    %convert_element_type3A_180 = arith.truncf %get3A_178 : vector<128x64xf32> to vector<128x64xbf16>
    %dot_general3A_181 = arith.constant dense<0.000000e+00> : vector<196x64xf32>
    %dot_general3A_182 = tpu.matmul %convert_element_type3A_179, %convert_element_type3A_180, %dot_general3A_181 {dimension_numbers = #tpu.dot_dimension_numbers<[1], [0], [0], [1], [0, 0, 1, 1], [], []>, transpose_lhs_hint = false} : vector<196x128xbf16>, vector<128x64xbf16>, vector<196x64xf32> -> vector<196x64xf32>
    %mul3A_183 = vector.broadcast %get3A_173 : vector<196x1xf32> to vector<196x64xf32>
    %mul3A_184 = arith.mulf %mul3A_183, %dot_general3A_182 : vector<196x64xf32>
    %add3A_185 = arith.addf %add3A_166, %mul3A_184 : vector<196x64xf32>
    %slice3A_186 = vector.extract_strided_slice %dot_general3A_8 {offsets = [13, 0], sizes = [183, 128], strides = [1, 1]} : vector<196x128xf32> to vector<183x128xf32>
    %broadcast_in_dim3A_187 = arith.constant 0.000000e+00 : f32
    %broadcast_in_dim3A_188 = vector.broadcast %broadcast_in_dim3A_187 : f32 to vector<13x128xf32>
    %concatenate3A_189 = tpu.concatenate %slice3A_186, %broadcast_in_dim3A_188 in 0 : vector<183x128xf32>, vector<13x128xf32> -> vector<196x128xf32>
    %get3A_190 = arith.constant 0 : index
    %get3A_191 = arith.constant 6 : index
    %get3A_192 = vector.load %arg7[%get3A_190, %get3A_191] : memref<196x16xf32, #tpu.memory_space<vmem>>, vector<196x1xf32>
    %get3A_193 = arith.constant 6 : index
    %get3A_194 = arith.constant 0 : index
    %get3A_195 = arith.constant 0 : index
    %get3A_196 = vector.load %arg3[%get3A_193, %get3A_194, %get3A_195] : memref<9x128x64xf32, #tpu.memory_space<vmem>>, vector<1x128x64xf32>
    %get3A_197 = vector.shape_cast %get3A_196 : vector<1x128x64xf32> to vector<128x64xf32>
    %convert_element_type3A_198 = arith.truncf %concatenate3A_189 : vector<196x128xf32> to vector<196x128xbf16>
    %convert_element_type3A_199 = arith.truncf %get3A_197 : vector<128x64xf32> to vector<128x64xbf16>
    %dot_general3A_200 = arith.constant dense<0.000000e+00> : vector<196x64xf32>
    %dot_general3A_201 = tpu.matmul %convert_element_type3A_198, %convert_element_type3A_199, %dot_general3A_200 {dimension_numbers = #tpu.dot_dimension_numbers<[1], [0], [0], [1], [0, 0, 1, 1], [], []>, transpose_lhs_hint = false} : vector<196x128xbf16>, vector<128x64xbf16>, vector<196x64xf32> -> vector<196x64xf32>
    %mul3A_202 = vector.broadcast %get3A_192 : vector<196x1xf32> to vector<196x64xf32>
    %mul3A_203 = arith.mulf %mul3A_202, %dot_general3A_201 : vector<196x64xf32>
    %add3A_204 = arith.addf %add3A_185, %mul3A_203 : vector<196x64xf32>
    %slice3A_205 = vector.extract_strided_slice %dot_general3A_8 {offsets = [14, 0], sizes = [182, 128], strides = [1, 1]} : vector<196x128xf32> to vector<182x128xf32>
    %broadcast_in_dim3A_206 = arith.constant 0.000000e+00 : f32
    %broadcast_in_dim3A_207 = vector.broadcast %broadcast_in_dim3A_206 : f32 to vector<14x128xf32>
    %concatenate3A_208 = tpu.concatenate %slice3A_205, %broadcast_in_dim3A_207 in 0 : vector<182x128xf32>, vector<14x128xf32> -> vector<196x128xf32>
    %get3A_209 = arith.constant 0 : index
    %get3A_210 = arith.constant 7 : index
    %get3A_211 = vector.load %arg7[%get3A_209, %get3A_210] : memref<196x16xf32, #tpu.memory_space<vmem>>, vector<196x1xf32>
    %get3A_212 = arith.constant 7 : index
    %get3A_213 = arith.constant 0 : index
    %get3A_214 = arith.constant 0 : index
    %get3A_215 = vector.load %arg3[%get3A_212, %get3A_213, %get3A_214] : memref<9x128x64xf32, #tpu.memory_space<vmem>>, vector<1x128x64xf32>
    %get3A_216 = vector.shape_cast %get3A_215 : vector<1x128x64xf32> to vector<128x64xf32>
    %convert_element_type3A_217 = arith.truncf %concatenate3A_208 : vector<196x128xf32> to vector<196x128xbf16>
    %convert_element_type3A_218 = arith.truncf %get3A_216 : vector<128x64xf32> to vector<128x64xbf16>
    %dot_general3A_219 = arith.constant dense<0.000000e+00> : vector<196x64xf32>
    %dot_general3A_220 = tpu.matmul %convert_element_type3A_217, %convert_element_type3A_218, %dot_general3A_219 {dimension_numbers = #tpu.dot_dimension_numbers<[1], [0], [0], [1], [0, 0, 1, 1], [], []>, transpose_lhs_hint = false} : vector<196x128xbf16>, vector<128x64xbf16>, vector<196x64xf32> -> vector<196x64xf32>
    %mul3A_221 = vector.broadcast %get3A_211 : vector<196x1xf32> to vector<196x64xf32>
    %mul3A_222 = arith.mulf %mul3A_221, %dot_general3A_220 : vector<196x64xf32>
    %add3A_223 = arith.addf %add3A_204, %mul3A_222 : vector<196x64xf32>
    %slice3A_224 = vector.extract_strided_slice %dot_general3A_8 {offsets = [15, 0], sizes = [181, 128], strides = [1, 1]} : vector<196x128xf32> to vector<181x128xf32>
    %broadcast_in_dim3A_225 = arith.constant 0.000000e+00 : f32
    %broadcast_in_dim3A_226 = vector.broadcast %broadcast_in_dim3A_225 : f32 to vector<15x128xf32>
    %concatenate3A_227 = tpu.concatenate %slice3A_224, %broadcast_in_dim3A_226 in 0 : vector<181x128xf32>, vector<15x128xf32> -> vector<196x128xf32>
    %get3A_228 = arith.constant 0 : index
    %get3A_229 = arith.constant 8 : index
    %get3A_230 = vector.load %arg7[%get3A_228, %get3A_229] : memref<196x16xf32, #tpu.memory_space<vmem>>, vector<196x1xf32>
    %get3A_231 = arith.constant 8 : index
    %get3A_232 = arith.constant 0 : index
    %get3A_233 = arith.constant 0 : index
    %get3A_234 = vector.load %arg3[%get3A_231, %get3A_232, %get3A_233] : memref<9x128x64xf32, #tpu.memory_space<vmem>>, vector<1x128x64xf32>
    %get3A_235 = vector.shape_cast %get3A_234 : vector<1x128x64xf32> to vector<128x64xf32>
    %convert_element_type3A_236 = arith.truncf %concatenate3A_227 : vector<196x128xf32> to vector<196x128xbf16>
    %convert_element_type3A_237 = arith.truncf %get3A_235 : vector<128x64xf32> to vector<128x64xbf16>
    %dot_general3A_238 = arith.constant dense<0.000000e+00> : vector<196x64xf32>
    %dot_general3A_239 = tpu.matmul %convert_element_type3A_236, %convert_element_type3A_237, %dot_general3A_238 {dimension_numbers = #tpu.dot_dimension_numbers<[1], [0], [0], [1], [0, 0, 1, 1], [], []>, transpose_lhs_hint = false} : vector<196x128xbf16>, vector<128x64xbf16>, vector<196x64xf32> -> vector<196x64xf32>
    %mul3A_240 = vector.broadcast %get3A_230 : vector<196x1xf32> to vector<196x64xf32>
    %mul3A_241 = arith.mulf %mul3A_240, %dot_general3A_239 : vector<196x64xf32>
    %add3A_242 = arith.addf %add3A_223, %mul3A_241 : vector<196x64xf32>
    %mul3A_243 = arith.constant 1.702000e+00 : f32
    %mul3A_244 = vector.broadcast %mul3A_243 : f32 to vector<196x64xf32>
    %mul3A_245 = arith.mulf %mul3A_244, %add3A_242 : vector<196x64xf32>
    %logistic3A = arith.negf %mul3A_245 : vector<196x64xf32>
    %logistic3A_246 = math.exp %logistic3A : vector<196x64xf32>
    %logistic3A_247 = arith.constant 1.000000e+00 : f32
    %logistic3A_248 = vector.broadcast %logistic3A_247 : f32 to vector<196x64xf32>
    %logistic3A_249 = arith.addf %logistic3A_248, %logistic3A_246 : vector<196x64xf32>
    %logistic3A_250 = arith.divf %logistic3A_248, %logistic3A_249 : vector<196x64xf32>
    %mul3A_251 = arith.mulf %add3A_242, %logistic3A_250 : vector<196x64xf32>
    %get3A_252 = arith.constant 0 : index
    %get3A_253 = arith.constant 0 : index
    %get3A_254 = arith.constant 0 : index
    %get3A_255 = vector.load %arg4[%get3A_252, %get3A_253, %get3A_254] : memref<9x64x64xf32, #tpu.memory_space<vmem>>, vector<1x64x64xf32>
    %get3A_256 = vector.shape_cast %get3A_255 : vector<1x64x64xf32> to vector<64x64xf32>
    %get3A_257 = arith.constant 1 : index
    %get3A_258 = arith.constant 0 : index
    %get3A_259 = arith.constant 0 : index
    %get3A_260 = vector.load %arg4[%get3A_257, %get3A_258, %get3A_259] : memref<9x64x64xf32, #tpu.memory_space<vmem>>, vector<1x64x64xf32>
    %get3A_261 = vector.shape_cast %get3A_260 : vector<1x64x64xf32> to vector<64x64xf32>
    %add3A_262 = arith.addf %get3A_256, %get3A_261 : vector<64x64xf32>
    %get3A_263 = arith.constant 2 : index
    %get3A_264 = arith.constant 0 : index
    %get3A_265 = arith.constant 0 : index
    %get3A_266 = vector.load %arg4[%get3A_263, %get3A_264, %get3A_265] : memref<9x64x64xf32, #tpu.memory_space<vmem>>, vector<1x64x64xf32>
    %get3A_267 = vector.shape_cast %get3A_266 : vector<1x64x64xf32> to vector<64x64xf32>
    %add3A_268 = arith.addf %add3A_262, %get3A_267 : vector<64x64xf32>
    %get3A_269 = arith.constant 3 : index
    %get3A_270 = arith.constant 0 : index
    %get3A_271 = arith.constant 0 : index
    %get3A_272 = vector.load %arg4[%get3A_269, %get3A_270, %get3A_271] : memref<9x64x64xf32, #tpu.memory_space<vmem>>, vector<1x64x64xf32>
    %get3A_273 = vector.shape_cast %get3A_272 : vector<1x64x64xf32> to vector<64x64xf32>
    %add3A_274 = arith.addf %add3A_268, %get3A_273 : vector<64x64xf32>
    %get3A_275 = arith.constant 4 : index
    %get3A_276 = arith.constant 0 : index
    %get3A_277 = arith.constant 0 : index
    %get3A_278 = vector.load %arg4[%get3A_275, %get3A_276, %get3A_277] : memref<9x64x64xf32, #tpu.memory_space<vmem>>, vector<1x64x64xf32>
    %get3A_279 = vector.shape_cast %get3A_278 : vector<1x64x64xf32> to vector<64x64xf32>
    %add3A_280 = arith.addf %add3A_274, %get3A_279 : vector<64x64xf32>
    %get3A_281 = arith.constant 5 : index
    %get3A_282 = arith.constant 0 : index
    %get3A_283 = arith.constant 0 : index
    %get3A_284 = vector.load %arg4[%get3A_281, %get3A_282, %get3A_283] : memref<9x64x64xf32, #tpu.memory_space<vmem>>, vector<1x64x64xf32>
    %get3A_285 = vector.shape_cast %get3A_284 : vector<1x64x64xf32> to vector<64x64xf32>
    %add3A_286 = arith.addf %add3A_280, %get3A_285 : vector<64x64xf32>
    %get3A_287 = arith.constant 6 : index
    %get3A_288 = arith.constant 0 : index
    %get3A_289 = arith.constant 0 : index
    %get3A_290 = vector.load %arg4[%get3A_287, %get3A_288, %get3A_289] : memref<9x64x64xf32, #tpu.memory_space<vmem>>, vector<1x64x64xf32>
    %get3A_291 = vector.shape_cast %get3A_290 : vector<1x64x64xf32> to vector<64x64xf32>
    %add3A_292 = arith.addf %add3A_286, %get3A_291 : vector<64x64xf32>
    %get3A_293 = arith.constant 7 : index
    %get3A_294 = arith.constant 0 : index
    %get3A_295 = arith.constant 0 : index
    %get3A_296 = vector.load %arg4[%get3A_293, %get3A_294, %get3A_295] : memref<9x64x64xf32, #tpu.memory_space<vmem>>, vector<1x64x64xf32>
    %get3A_297 = vector.shape_cast %get3A_296 : vector<1x64x64xf32> to vector<64x64xf32>
    %add3A_298 = arith.addf %add3A_292, %get3A_297 : vector<64x64xf32>
    %get3A_299 = arith.constant 8 : index
    %get3A_300 = arith.constant 0 : index
    %get3A_301 = arith.constant 0 : index
    %get3A_302 = vector.load %arg4[%get3A_299, %get3A_300, %get3A_301] : memref<9x64x64xf32, #tpu.memory_space<vmem>>, vector<1x64x64xf32>
    %get3A_303 = vector.shape_cast %get3A_302 : vector<1x64x64xf32> to vector<64x64xf32>
    %add3A_304 = arith.addf %add3A_298, %get3A_303 : vector<64x64xf32>
    %convert_element_type3A_305 = arith.truncf %dot_general3A_20 : vector<196x64xf32> to vector<196x64xbf16>
    %convert_element_type3A_306 = arith.truncf %add3A_304 : vector<64x64xf32> to vector<64x64xbf16>
    %dot_general3A_307 = arith.constant dense<0.000000e+00> : vector<196x64xf32>
    %dot_general3A_308 = tpu.matmul %convert_element_type3A_305, %convert_element_type3A_306, %dot_general3A_307 {dimension_numbers = #tpu.dot_dimension_numbers<[1], [0], [0], [1], [0, 0, 1, 1], [], []>, transpose_lhs_hint = false} : vector<196x64xbf16>, vector<64x64xbf16>, vector<196x64xf32> -> vector<196x64xf32>
    %mul3A_309 = arith.constant -0.699999988 : f32
    %mul3A_310 = vector.broadcast %mul3A_309 : f32 to vector<196x64xf32>
    %mul3A_311 = arith.mulf %dot_general3A_308, %mul3A_310 : vector<196x64xf32>
    %broadcast_in_dim3A_312 = arith.constant 0.000000e+00 : f32
    %broadcast_in_dim3A_313 = vector.broadcast %broadcast_in_dim3A_312 : f32 to vector<15x64xf32>
    %slice3A_314 = vector.extract_strided_slice %dot_general3A_20 {offsets = [0, 0], sizes = [181, 64], strides = [1, 1]} : vector<196x64xf32> to vector<181x64xf32>
    %concatenate3A_315 = tpu.concatenate %broadcast_in_dim3A_313, %slice3A_314 in 0 : vector<15x64xf32>, vector<181x64xf32> -> vector<196x64xf32>
    %get3A_316 = arith.constant 0 : index
    %get3A_317 = arith.constant 0 : index
    %get3A_318 = vector.load %arg7[%get3A_316, %get3A_317] : memref<196x16xf32, #tpu.memory_space<vmem>>, vector<196x1xf32>
    %get3A_319 = arith.constant 0 : index
    %get3A_320 = arith.constant 0 : index
    %get3A_321 = arith.constant 0 : index
    %get3A_322 = vector.load %arg4[%get3A_319, %get3A_320, %get3A_321] : memref<9x64x64xf32, #tpu.memory_space<vmem>>, vector<1x64x64xf32>
    %get3A_323 = vector.shape_cast %get3A_322 : vector<1x64x64xf32> to vector<64x64xf32>
    %convert_element_type3A_324 = arith.truncf %concatenate3A_315 : vector<196x64xf32> to vector<196x64xbf16>
    %convert_element_type3A_325 = arith.truncf %get3A_323 : vector<64x64xf32> to vector<64x64xbf16>
    %dot_general3A_326 = arith.constant dense<0.000000e+00> : vector<196x64xf32>
    %dot_general3A_327 = tpu.matmul %convert_element_type3A_324, %convert_element_type3A_325, %dot_general3A_326 {dimension_numbers = #tpu.dot_dimension_numbers<[1], [0], [0], [1], [0, 0, 1, 1], [], []>, transpose_lhs_hint = false} : vector<196x64xbf16>, vector<64x64xbf16>, vector<196x64xf32> -> vector<196x64xf32>
    %mul3A_328 = vector.broadcast %get3A_318 : vector<196x1xf32> to vector<196x64xf32>
    %mul3A_329 = arith.mulf %mul3A_328, %dot_general3A_327 : vector<196x64xf32>
    %add3A_330 = arith.addf %mul3A_311, %mul3A_329 : vector<196x64xf32>
    %broadcast_in_dim3A_331 = arith.constant 0.000000e+00 : f32
    %broadcast_in_dim3A_332 = vector.broadcast %broadcast_in_dim3A_331 : f32 to vector<14x64xf32>
    %slice3A_333 = vector.extract_strided_slice %dot_general3A_20 {offsets = [0, 0], sizes = [182, 64], strides = [1, 1]} : vector<196x64xf32> to vector<182x64xf32>
    %concatenate3A_334 = tpu.concatenate %broadcast_in_dim3A_332, %slice3A_333 in 0 : vector<14x64xf32>, vector<182x64xf32> -> vector<196x64xf32>
    %get3A_335 = arith.constant 0 : index
    %get3A_336 = arith.constant 1 : index
    %get3A_337 = vector.load %arg7[%get3A_335, %get3A_336] : memref<196x16xf32, #tpu.memory_space<vmem>>, vector<196x1xf32>
    %get3A_338 = arith.constant 1 : index
    %get3A_339 = arith.constant 0 : index
    %get3A_340 = arith.constant 0 : index
    %get3A_341 = vector.load %arg4[%get3A_338, %get3A_339, %get3A_340] : memref<9x64x64xf32, #tpu.memory_space<vmem>>, vector<1x64x64xf32>
    %get3A_342 = vector.shape_cast %get3A_341 : vector<1x64x64xf32> to vector<64x64xf32>
    %convert_element_type3A_343 = arith.truncf %concatenate3A_334 : vector<196x64xf32> to vector<196x64xbf16>
    %convert_element_type3A_344 = arith.truncf %get3A_342 : vector<64x64xf32> to vector<64x64xbf16>
    %dot_general3A_345 = arith.constant dense<0.000000e+00> : vector<196x64xf32>
    %dot_general3A_346 = tpu.matmul %convert_element_type3A_343, %convert_element_type3A_344, %dot_general3A_345 {dimension_numbers = #tpu.dot_dimension_numbers<[1], [0], [0], [1], [0, 0, 1, 1], [], []>, transpose_lhs_hint = false} : vector<196x64xbf16>, vector<64x64xbf16>, vector<196x64xf32> -> vector<196x64xf32>
    %mul3A_347 = vector.broadcast %get3A_337 : vector<196x1xf32> to vector<196x64xf32>
    %mul3A_348 = arith.mulf %mul3A_347, %dot_general3A_346 : vector<196x64xf32>
    %add3A_349 = arith.addf %add3A_330, %mul3A_348 : vector<196x64xf32>
    %broadcast_in_dim3A_350 = arith.constant 0.000000e+00 : f32
    %broadcast_in_dim3A_351 = vector.broadcast %broadcast_in_dim3A_350 : f32 to vector<13x64xf32>
    %slice3A_352 = vector.extract_strided_slice %dot_general3A_20 {offsets = [0, 0], sizes = [183, 64], strides = [1, 1]} : vector<196x64xf32> to vector<183x64xf32>
    %concatenate3A_353 = tpu.concatenate %broadcast_in_dim3A_351, %slice3A_352 in 0 : vector<13x64xf32>, vector<183x64xf32> -> vector<196x64xf32>
    %get3A_354 = arith.constant 0 : index
    %get3A_355 = arith.constant 2 : index
    %get3A_356 = vector.load %arg7[%get3A_354, %get3A_355] : memref<196x16xf32, #tpu.memory_space<vmem>>, vector<196x1xf32>
    %get3A_357 = arith.constant 2 : index
    %get3A_358 = arith.constant 0 : index
    %get3A_359 = arith.constant 0 : index
    %get3A_360 = vector.load %arg4[%get3A_357, %get3A_358, %get3A_359] : memref<9x64x64xf32, #tpu.memory_space<vmem>>, vector<1x64x64xf32>
    %get3A_361 = vector.shape_cast %get3A_360 : vector<1x64x64xf32> to vector<64x64xf32>
    %convert_element_type3A_362 = arith.truncf %concatenate3A_353 : vector<196x64xf32> to vector<196x64xbf16>
    %convert_element_type3A_363 = arith.truncf %get3A_361 : vector<64x64xf32> to vector<64x64xbf16>
    %dot_general3A_364 = arith.constant dense<0.000000e+00> : vector<196x64xf32>
    %dot_general3A_365 = tpu.matmul %convert_element_type3A_362, %convert_element_type3A_363, %dot_general3A_364 {dimension_numbers = #tpu.dot_dimension_numbers<[1], [0], [0], [1], [0, 0, 1, 1], [], []>, transpose_lhs_hint = false} : vector<196x64xbf16>, vector<64x64xbf16>, vector<196x64xf32> -> vector<196x64xf32>
    %mul3A_366 = vector.broadcast %get3A_356 : vector<196x1xf32> to vector<196x64xf32>
    %mul3A_367 = arith.mulf %mul3A_366, %dot_general3A_365 : vector<196x64xf32>
    %add3A_368 = arith.addf %add3A_349, %mul3A_367 : vector<196x64xf32>
    %broadcast_in_dim3A_369 = arith.constant 0.000000e+00 : f32
    %broadcast_in_dim3A_370 = vector.broadcast %broadcast_in_dim3A_369 : f32 to vector<1x64xf32>
    %slice3A_371 = vector.extract_strided_slice %dot_general3A_20 {offsets = [0, 0], sizes = [195, 64], strides = [1, 1]} : vector<196x64xf32> to vector<195x64xf32>
    %concatenate3A_372 = tpu.concatenate %broadcast_in_dim3A_370, %slice3A_371 in 0 : vector<1x64xf32>, vector<195x64xf32> -> vector<196x64xf32>
    %get3A_373 = arith.constant 0 : index
    %get3A_374 = arith.constant 3 : index
    %get3A_375 = vector.load %arg7[%get3A_373, %get3A_374] : memref<196x16xf32, #tpu.memory_space<vmem>>, vector<196x1xf32>
    %get3A_376 = arith.constant 3 : index
    %get3A_377 = arith.constant 0 : index
    %get3A_378 = arith.constant 0 : index
    %get3A_379 = vector.load %arg4[%get3A_376, %get3A_377, %get3A_378] : memref<9x64x64xf32, #tpu.memory_space<vmem>>, vector<1x64x64xf32>
    %get3A_380 = vector.shape_cast %get3A_379 : vector<1x64x64xf32> to vector<64x64xf32>
    %convert_element_type3A_381 = arith.truncf %concatenate3A_372 : vector<196x64xf32> to vector<196x64xbf16>
    %convert_element_type3A_382 = arith.truncf %get3A_380 : vector<64x64xf32> to vector<64x64xbf16>
    %dot_general3A_383 = arith.constant dense<0.000000e+00> : vector<196x64xf32>
    %dot_general3A_384 = tpu.matmul %convert_element_type3A_381, %convert_element_type3A_382, %dot_general3A_383 {dimension_numbers = #tpu.dot_dimension_numbers<[1], [0], [0], [1], [0, 0, 1, 1], [], []>, transpose_lhs_hint = false} : vector<196x64xbf16>, vector<64x64xbf16>, vector<196x64xf32> -> vector<196x64xf32>
    %mul3A_385 = vector.broadcast %get3A_375 : vector<196x1xf32> to vector<196x64xf32>
    %mul3A_386 = arith.mulf %mul3A_385, %dot_general3A_384 : vector<196x64xf32>
    %add3A_387 = arith.addf %add3A_368, %mul3A_386 : vector<196x64xf32>
    %get3A_388 = arith.constant 0 : index
    %get3A_389 = arith.constant 4 : index
    %get3A_390 = vector.load %arg7[%get3A_388, %get3A_389] : memref<196x16xf32, #tpu.memory_space<vmem>>, vector<196x1xf32>
    %get3A_391 = arith.constant 4 : index
    %get3A_392 = arith.constant 0 : index
    %get3A_393 = arith.constant 0 : index
    %get3A_394 = vector.load %arg4[%get3A_391, %get3A_392, %get3A_393] : memref<9x64x64xf32, #tpu.memory_space<vmem>>, vector<1x64x64xf32>
    %get3A_395 = vector.shape_cast %get3A_394 : vector<1x64x64xf32> to vector<64x64xf32>
    %convert_element_type3A_396 = arith.truncf %dot_general3A_20 : vector<196x64xf32> to vector<196x64xbf16>
    %convert_element_type3A_397 = arith.truncf %get3A_395 : vector<64x64xf32> to vector<64x64xbf16>
    %dot_general3A_398 = arith.constant dense<0.000000e+00> : vector<196x64xf32>
    %dot_general3A_399 = tpu.matmul %convert_element_type3A_396, %convert_element_type3A_397, %dot_general3A_398 {dimension_numbers = #tpu.dot_dimension_numbers<[1], [0], [0], [1], [0, 0, 1, 1], [], []>, transpose_lhs_hint = false} : vector<196x64xbf16>, vector<64x64xbf16>, vector<196x64xf32> -> vector<196x64xf32>
    %mul3A_400 = vector.broadcast %get3A_390 : vector<196x1xf32> to vector<196x64xf32>
    %mul3A_401 = arith.mulf %mul3A_400, %dot_general3A_399 : vector<196x64xf32>
    %add3A_402 = arith.addf %add3A_387, %mul3A_401 : vector<196x64xf32>
    %slice3A_403 = vector.extract_strided_slice %dot_general3A_20 {offsets = [1, 0], sizes = [195, 64], strides = [1, 1]} : vector<196x64xf32> to vector<195x64xf32>
    %broadcast_in_dim3A_404 = arith.constant 0.000000e+00 : f32
    %broadcast_in_dim3A_405 = vector.broadcast %broadcast_in_dim3A_404 : f32 to vector<1x64xf32>
    %concatenate3A_406 = tpu.concatenate %slice3A_403, %broadcast_in_dim3A_405 in 0 : vector<195x64xf32>, vector<1x64xf32> -> vector<196x64xf32>
    %get3A_407 = arith.constant 0 : index
    %get3A_408 = arith.constant 5 : index
    %get3A_409 = vector.load %arg7[%get3A_407, %get3A_408] : memref<196x16xf32, #tpu.memory_space<vmem>>, vector<196x1xf32>
    %get3A_410 = arith.constant 5 : index
    %get3A_411 = arith.constant 0 : index
    %get3A_412 = arith.constant 0 : index
    %get3A_413 = vector.load %arg4[%get3A_410, %get3A_411, %get3A_412] : memref<9x64x64xf32, #tpu.memory_space<vmem>>, vector<1x64x64xf32>
    %get3A_414 = vector.shape_cast %get3A_413 : vector<1x64x64xf32> to vector<64x64xf32>
    %convert_element_type3A_415 = arith.truncf %concatenate3A_406 : vector<196x64xf32> to vector<196x64xbf16>
    %convert_element_type3A_416 = arith.truncf %get3A_414 : vector<64x64xf32> to vector<64x64xbf16>
    %dot_general3A_417 = arith.constant dense<0.000000e+00> : vector<196x64xf32>
    %dot_general3A_418 = tpu.matmul %convert_element_type3A_415, %convert_element_type3A_416, %dot_general3A_417 {dimension_numbers = #tpu.dot_dimension_numbers<[1], [0], [0], [1], [0, 0, 1, 1], [], []>, transpose_lhs_hint = false} : vector<196x64xbf16>, vector<64x64xbf16>, vector<196x64xf32> -> vector<196x64xf32>
    %mul3A_419 = vector.broadcast %get3A_409 : vector<196x1xf32> to vector<196x64xf32>
    %mul3A_420 = arith.mulf %mul3A_419, %dot_general3A_418 : vector<196x64xf32>
    %add3A_421 = arith.addf %add3A_402, %mul3A_420 : vector<196x64xf32>
    %slice3A_422 = vector.extract_strided_slice %dot_general3A_20 {offsets = [13, 0], sizes = [183, 64], strides = [1, 1]} : vector<196x64xf32> to vector<183x64xf32>
    %broadcast_in_dim3A_423 = arith.constant 0.000000e+00 : f32
    %broadcast_in_dim3A_424 = vector.broadcast %broadcast_in_dim3A_423 : f32 to vector<13x64xf32>
    %concatenate3A_425 = tpu.concatenate %slice3A_422, %broadcast_in_dim3A_424 in 0 : vector<183x64xf32>, vector<13x64xf32> -> vector<196x64xf32>
    %get3A_426 = arith.constant 0 : index
    %get3A_427 = arith.constant 6 : index
    %get3A_428 = vector.load %arg7[%get3A_426, %get3A_427] : memref<196x16xf32, #tpu.memory_space<vmem>>, vector<196x1xf32>
    %get3A_429 = arith.constant 6 : index
    %get3A_430 = arith.constant 0 : index
    %get3A_431 = arith.constant 0 : index
    %get3A_432 = vector.load %arg4[%get3A_429, %get3A_430, %get3A_431] : memref<9x64x64xf32, #tpu.memory_space<vmem>>, vector<1x64x64xf32>
    %get3A_433 = vector.shape_cast %get3A_432 : vector<1x64x64xf32> to vector<64x64xf32>
    %convert_element_type3A_434 = arith.truncf %concatenate3A_425 : vector<196x64xf32> to vector<196x64xbf16>
    %convert_element_type3A_435 = arith.truncf %get3A_433 : vector<64x64xf32> to vector<64x64xbf16>
    %dot_general3A_436 = arith.constant dense<0.000000e+00> : vector<196x64xf32>
    %dot_general3A_437 = tpu.matmul %convert_element_type3A_434, %convert_element_type3A_435, %dot_general3A_436 {dimension_numbers = #tpu.dot_dimension_numbers<[1], [0], [0], [1], [0, 0, 1, 1], [], []>, transpose_lhs_hint = false} : vector<196x64xbf16>, vector<64x64xbf16>, vector<196x64xf32> -> vector<196x64xf32>
    %mul3A_438 = vector.broadcast %get3A_428 : vector<196x1xf32> to vector<196x64xf32>
    %mul3A_439 = arith.mulf %mul3A_438, %dot_general3A_437 : vector<196x64xf32>
    %add3A_440 = arith.addf %add3A_421, %mul3A_439 : vector<196x64xf32>
    %slice3A_441 = vector.extract_strided_slice %dot_general3A_20 {offsets = [14, 0], sizes = [182, 64], strides = [1, 1]} : vector<196x64xf32> to vector<182x64xf32>
    %broadcast_in_dim3A_442 = arith.constant 0.000000e+00 : f32
    %broadcast_in_dim3A_443 = vector.broadcast %broadcast_in_dim3A_442 : f32 to vector<14x64xf32>
    %concatenate3A_444 = tpu.concatenate %slice3A_441, %broadcast_in_dim3A_443 in 0 : vector<182x64xf32>, vector<14x64xf32> -> vector<196x64xf32>
    %get3A_445 = arith.constant 0 : index
    %get3A_446 = arith.constant 7 : index
    %get3A_447 = vector.load %arg7[%get3A_445, %get3A_446] : memref<196x16xf32, #tpu.memory_space<vmem>>, vector<196x1xf32>
    %get3A_448 = arith.constant 7 : index
    %get3A_449 = arith.constant 0 : index
    %get3A_450 = arith.constant 0 : index
    %get3A_451 = vector.load %arg4[%get3A_448, %get3A_449, %get3A_450] : memref<9x64x64xf32, #tpu.memory_space<vmem>>, vector<1x64x64xf32>
    %get3A_452 = vector.shape_cast %get3A_451 : vector<1x64x64xf32> to vector<64x64xf32>
    %convert_element_type3A_453 = arith.truncf %concatenate3A_444 : vector<196x64xf32> to vector<196x64xbf16>
    %convert_element_type3A_454 = arith.truncf %get3A_452 : vector<64x64xf32> to vector<64x64xbf16>
    %dot_general3A_455 = arith.constant dense<0.000000e+00> : vector<196x64xf32>
    %dot_general3A_456 = tpu.matmul %convert_element_type3A_453, %convert_element_type3A_454, %dot_general3A_455 {dimension_numbers = #tpu.dot_dimension_numbers<[1], [0], [0], [1], [0, 0, 1, 1], [], []>, transpose_lhs_hint = false} : vector<196x64xbf16>, vector<64x64xbf16>, vector<196x64xf32> -> vector<196x64xf32>
    %mul3A_457 = vector.broadcast %get3A_447 : vector<196x1xf32> to vector<196x64xf32>
    %mul3A_458 = arith.mulf %mul3A_457, %dot_general3A_456 : vector<196x64xf32>
    %add3A_459 = arith.addf %add3A_440, %mul3A_458 : vector<196x64xf32>
    %slice3A_460 = vector.extract_strided_slice %dot_general3A_20 {offsets = [15, 0], sizes = [181, 64], strides = [1, 1]} : vector<196x64xf32> to vector<181x64xf32>
    %broadcast_in_dim3A_461 = arith.constant 0.000000e+00 : f32
    %broadcast_in_dim3A_462 = vector.broadcast %broadcast_in_dim3A_461 : f32 to vector<15x64xf32>
    %concatenate3A_463 = tpu.concatenate %slice3A_460, %broadcast_in_dim3A_462 in 0 : vector<181x64xf32>, vector<15x64xf32> -> vector<196x64xf32>
    %get3A_464 = arith.constant 0 : index
    %get3A_465 = arith.constant 8 : index
    %get3A_466 = vector.load %arg7[%get3A_464, %get3A_465] : memref<196x16xf32, #tpu.memory_space<vmem>>, vector<196x1xf32>
    %get3A_467 = arith.constant 8 : index
    %get3A_468 = arith.constant 0 : index
    %get3A_469 = arith.constant 0 : index
    %get3A_470 = vector.load %arg4[%get3A_467, %get3A_468, %get3A_469] : memref<9x64x64xf32, #tpu.memory_space<vmem>>, vector<1x64x64xf32>
    %get3A_471 = vector.shape_cast %get3A_470 : vector<1x64x64xf32> to vector<64x64xf32>
    %convert_element_type3A_472 = arith.truncf %concatenate3A_463 : vector<196x64xf32> to vector<196x64xbf16>
    %convert_element_type3A_473 = arith.truncf %get3A_471 : vector<64x64xf32> to vector<64x64xbf16>
    %dot_general3A_474 = arith.constant dense<0.000000e+00> : vector<196x64xf32>
    %dot_general3A_475 = tpu.matmul %convert_element_type3A_472, %convert_element_type3A_473, %dot_general3A_474 {dimension_numbers = #tpu.dot_dimension_numbers<[1], [0], [0], [1], [0, 0, 1, 1], [], []>, transpose_lhs_hint = false} : vector<196x64xbf16>, vector<64x64xbf16>, vector<196x64xf32> -> vector<196x64xf32>
    %mul3A_476 = vector.broadcast %get3A_466 : vector<196x1xf32> to vector<196x64xf32>
    %mul3A_477 = arith.mulf %mul3A_476, %dot_general3A_475 : vector<196x64xf32>
    %add3A_478 = arith.addf %add3A_459, %mul3A_477 : vector<196x64xf32>
    %mul3A_479 = arith.constant 1.702000e+00 : f32
    %mul3A_480 = vector.broadcast %mul3A_479 : f32 to vector<196x64xf32>
    %mul3A_481 = arith.mulf %mul3A_480, %add3A_478 : vector<196x64xf32>
    %logistic3A_482 = arith.negf %mul3A_481 : vector<196x64xf32>
    %logistic3A_483 = math.exp %logistic3A_482 : vector<196x64xf32>
    %logistic3A_484 = arith.constant 1.000000e+00 : f32
    %logistic3A_485 = vector.broadcast %logistic3A_484 : f32 to vector<196x64xf32>
    %logistic3A_486 = arith.addf %logistic3A_485, %logistic3A_483 : vector<196x64xf32>
    %logistic3A_487 = arith.divf %logistic3A_485, %logistic3A_486 : vector<196x64xf32>
    %mul3A_488 = arith.mulf %add3A_478, %logistic3A_487 : vector<196x64xf32>
    %concatenate3A_489 = tpu.concatenate %mul3A_488, %mul3A_251 in 1 : vector<196x64xf32>, vector<196x64xf32> -> vector<196x128xf32>
    %reduce_sum3A = arith.constant dense<0.000000e+00> : vector<128xf32>
    %reduce_sum3A_490 = vector.multi_reduction <add>, %concatenate3A_489, %reduce_sum3A [0] : vector<196x128xf32> to vector<128xf32>
    %broadcast_in_dim3A_491 = vector.shape_cast %reduce_sum3A_490 : vector<128xf32> to vector<1x128xf32>
    %div3A = arith.constant 1.960000e+02 : f32
    %div3A_492 = vector.broadcast %div3A : f32 to vector<1x128xf32>
    %div3A_493 = arith.divf %broadcast_in_dim3A_491, %div3A_492 : vector<1x128xf32>
    %broadcast_in_dim3A_494 = arith.constant 0.000000e+00 : f32
    %broadcast_in_dim3A_495 = vector.broadcast %broadcast_in_dim3A_494 : f32 to vector<1x1xf32>
    %slice3A_496 = vector.extract_strided_slice %div3A_493 {offsets = [0, 0], sizes = [1, 127], strides = [1, 1]} : vector<1x128xf32> to vector<1x127xf32>
    %concatenate3A_497 = tpu.concatenate %broadcast_in_dim3A_495, %slice3A_496 in 1 : vector<1x1xf32>, vector<1x127xf32> -> vector<1x128xf32>
    %slice3A_498 = vector.extract_strided_slice %div3A_493 {offsets = [0, 1], sizes = [1, 127], strides = [1, 1]} : vector<1x128xf32> to vector<1x127xf32>
    %broadcast_in_dim3A_499 = arith.constant 0.000000e+00 : f32
    %broadcast_in_dim3A_500 = vector.broadcast %broadcast_in_dim3A_499 : f32 to vector<1x1xf32>
    %concatenate3A_501 = tpu.concatenate %slice3A_498, %broadcast_in_dim3A_500 in 1 : vector<1x127xf32>, vector<1x1xf32> -> vector<1x128xf32>
    %get3A_502 = arith.constant 0 : index
    %get3A_503 = memref.load %arg8[%get3A_502] : memref<3xf32, #tpu.memory_space<smem>>
    %mul3A_504 = vector.broadcast %get3A_503 : f32 to vector<1x128xf32>
    %mul3A_505 = arith.mulf %mul3A_504, %concatenate3A_497 : vector<1x128xf32>
    %get3A_506 = arith.constant 1 : index
    %get3A_507 = memref.load %arg8[%get3A_506] : memref<3xf32, #tpu.memory_space<smem>>
    %mul3A_508 = vector.broadcast %get3A_507 : f32 to vector<1x128xf32>
    %mul3A_509 = arith.mulf %mul3A_508, %div3A_493 : vector<1x128xf32>
    %add3A_510 = arith.addf %mul3A_505, %mul3A_509 : vector<1x128xf32>
    %get3A_511 = arith.constant 2 : index
    %get3A_512 = memref.load %arg8[%get3A_511] : memref<3xf32, #tpu.memory_space<smem>>
    %mul3A_513 = vector.broadcast %get3A_512 : f32 to vector<1x128xf32>
    %mul3A_514 = arith.mulf %mul3A_513, %concatenate3A_501 : vector<1x128xf32>
    %add3A_515 = arith.addf %add3A_510, %mul3A_514 : vector<1x128xf32>
    %neg3A = arith.constant 0.000000e+00 : f32
    %neg3A_516 = vector.broadcast %neg3A : f32 to vector<1x128xf32>
    %neg3A_517 = arith.subf %neg3A_516, %add3A_515 : vector<1x128xf32>
    %exp3A = math.exp %neg3A_517 : vector<1x128xf32>
    %add3A_518 = arith.constant 1.000000e+00 : f32
    %add3A_519 = vector.broadcast %add3A_518 : f32 to vector<1x128xf32>
    %add3A_520 = arith.addf %add3A_519, %exp3A : vector<1x128xf32>
    %div3A_521 = arith.constant 1.000000e+00 : f32
    %div3A_522 = vector.broadcast %div3A_521 : f32 to vector<1x128xf32>
    %div3A_523 = arith.divf %div3A_522, %add3A_520 : vector<1x128xf32>
    %mul3A_524 = vector.broadcast %div3A_523 : vector<1x128xf32> to vector<196x128xf32>
    %mul3A_525 = arith.mulf %concatenate3A_489, %mul3A_524 : vector<196x128xf32>
    %get3A_526 = arith.constant 0 : index
    %get3A_527 = arith.constant 0 : index
    %get3A_528 = arith.constant 0 : index
    %get3A_529 = vector.load %arg5[%get3A_526, %get3A_527, %get3A_528] : memref<9x128x64xf32, #tpu.memory_space<vmem>>, vector<1x128x64xf32>
    %get3A_530 = vector.shape_cast %get3A_529 : vector<1x128x64xf32> to vector<128x64xf32>
    %get3A_531 = arith.constant 1 : index
    %get3A_532 = arith.constant 0 : index
    %get3A_533 = arith.constant 0 : index
    %get3A_534 = vector.load %arg5[%get3A_531, %get3A_532, %get3A_533] : memref<9x128x64xf32, #tpu.memory_space<vmem>>, vector<1x128x64xf32>
    %get3A_535 = vector.shape_cast %get3A_534 : vector<1x128x64xf32> to vector<128x64xf32>
    %add3A_536 = arith.addf %get3A_530, %get3A_535 : vector<128x64xf32>
    %get3A_537 = arith.constant 2 : index
    %get3A_538 = arith.constant 0 : index
    %get3A_539 = arith.constant 0 : index
    %get3A_540 = vector.load %arg5[%get3A_537, %get3A_538, %get3A_539] : memref<9x128x64xf32, #tpu.memory_space<vmem>>, vector<1x128x64xf32>
    %get3A_541 = vector.shape_cast %get3A_540 : vector<1x128x64xf32> to vector<128x64xf32>
    %add3A_542 = arith.addf %add3A_536, %get3A_541 : vector<128x64xf32>
    %get3A_543 = arith.constant 3 : index
    %get3A_544 = arith.constant 0 : index
    %get3A_545 = arith.constant 0 : index
    %get3A_546 = vector.load %arg5[%get3A_543, %get3A_544, %get3A_545] : memref<9x128x64xf32, #tpu.memory_space<vmem>>, vector<1x128x64xf32>
    %get3A_547 = vector.shape_cast %get3A_546 : vector<1x128x64xf32> to vector<128x64xf32>
    %add3A_548 = arith.addf %add3A_542, %get3A_547 : vector<128x64xf32>
    %get3A_549 = arith.constant 4 : index
    %get3A_550 = arith.constant 0 : index
    %get3A_551 = arith.constant 0 : index
    %get3A_552 = vector.load %arg5[%get3A_549, %get3A_550, %get3A_551] : memref<9x128x64xf32, #tpu.memory_space<vmem>>, vector<1x128x64xf32>
    %get3A_553 = vector.shape_cast %get3A_552 : vector<1x128x64xf32> to vector<128x64xf32>
    %add3A_554 = arith.addf %add3A_548, %get3A_553 : vector<128x64xf32>
    %get3A_555 = arith.constant 5 : index
    %get3A_556 = arith.constant 0 : index
    %get3A_557 = arith.constant 0 : index
    %get3A_558 = vector.load %arg5[%get3A_555, %get3A_556, %get3A_557] : memref<9x128x64xf32, #tpu.memory_space<vmem>>, vector<1x128x64xf32>
    %get3A_559 = vector.shape_cast %get3A_558 : vector<1x128x64xf32> to vector<128x64xf32>
    %add3A_560 = arith.addf %add3A_554, %get3A_559 : vector<128x64xf32>
    %get3A_561 = arith.constant 6 : index
    %get3A_562 = arith.constant 0 : index
    %get3A_563 = arith.constant 0 : index
    %get3A_564 = vector.load %arg5[%get3A_561, %get3A_562, %get3A_563] : memref<9x128x64xf32, #tpu.memory_space<vmem>>, vector<1x128x64xf32>
    %get3A_565 = vector.shape_cast %get3A_564 : vector<1x128x64xf32> to vector<128x64xf32>
    %add3A_566 = arith.addf %add3A_560, %get3A_565 : vector<128x64xf32>
    %get3A_567 = arith.constant 7 : index
    %get3A_568 = arith.constant 0 : index
    %get3A_569 = arith.constant 0 : index
    %get3A_570 = vector.load %arg5[%get3A_567, %get3A_568, %get3A_569] : memref<9x128x64xf32, #tpu.memory_space<vmem>>, vector<1x128x64xf32>
    %get3A_571 = vector.shape_cast %get3A_570 : vector<1x128x64xf32> to vector<128x64xf32>
    %add3A_572 = arith.addf %add3A_566, %get3A_571 : vector<128x64xf32>
    %get3A_573 = arith.constant 8 : index
    %get3A_574 = arith.constant 0 : index
    %get3A_575 = arith.constant 0 : index
    %get3A_576 = vector.load %arg5[%get3A_573, %get3A_574, %get3A_575] : memref<9x128x64xf32, #tpu.memory_space<vmem>>, vector<1x128x64xf32>
    %get3A_577 = vector.shape_cast %get3A_576 : vector<1x128x64xf32> to vector<128x64xf32>
    %add3A_578 = arith.addf %add3A_572, %get3A_577 : vector<128x64xf32>
    %convert_element_type3A_579 = arith.truncf %mul3A_525 : vector<196x128xf32> to vector<196x128xbf16>
    %convert_element_type3A_580 = arith.truncf %add3A_578 : vector<128x64xf32> to vector<128x64xbf16>
    %dot_general3A_581 = arith.constant dense<0.000000e+00> : vector<196x64xf32>
    %dot_general3A_582 = tpu.matmul %convert_element_type3A_579, %convert_element_type3A_580, %dot_general3A_581 {dimension_numbers = #tpu.dot_dimension_numbers<[1], [0], [0], [1], [0, 0, 1, 1], [], []>, transpose_lhs_hint = false} : vector<196x128xbf16>, vector<128x64xbf16>, vector<196x64xf32> -> vector<196x64xf32>
    %mul3A_583 = arith.constant -0.699999988 : f32
    %mul3A_584 = vector.broadcast %mul3A_583 : f32 to vector<196x64xf32>
    %mul3A_585 = arith.mulf %dot_general3A_582, %mul3A_584 : vector<196x64xf32>
    %broadcast_in_dim3A_586 = arith.constant 0.000000e+00 : f32
    %broadcast_in_dim3A_587 = vector.broadcast %broadcast_in_dim3A_586 : f32 to vector<15x128xf32>
    %slice3A_588 = vector.extract_strided_slice %mul3A_525 {offsets = [0, 0], sizes = [181, 128], strides = [1, 1]} : vector<196x128xf32> to vector<181x128xf32>
    %concatenate3A_589 = tpu.concatenate %broadcast_in_dim3A_587, %slice3A_588 in 0 : vector<15x128xf32>, vector<181x128xf32> -> vector<196x128xf32>
    %get3A_590 = arith.constant 0 : index
    %get3A_591 = arith.constant 0 : index
    %get3A_592 = vector.load %arg7[%get3A_590, %get3A_591] : memref<196x16xf32, #tpu.memory_space<vmem>>, vector<196x1xf32>
    %get3A_593 = arith.constant 0 : index
    %get3A_594 = arith.constant 0 : index
    %get3A_595 = arith.constant 0 : index
    %get3A_596 = vector.load %arg5[%get3A_593, %get3A_594, %get3A_595] : memref<9x128x64xf32, #tpu.memory_space<vmem>>, vector<1x128x64xf32>
    %get3A_597 = vector.shape_cast %get3A_596 : vector<1x128x64xf32> to vector<128x64xf32>
    %convert_element_type3A_598 = arith.truncf %concatenate3A_589 : vector<196x128xf32> to vector<196x128xbf16>
    %convert_element_type3A_599 = arith.truncf %get3A_597 : vector<128x64xf32> to vector<128x64xbf16>
    %dot_general3A_600 = arith.constant dense<0.000000e+00> : vector<196x64xf32>
    %dot_general3A_601 = tpu.matmul %convert_element_type3A_598, %convert_element_type3A_599, %dot_general3A_600 {dimension_numbers = #tpu.dot_dimension_numbers<[1], [0], [0], [1], [0, 0, 1, 1], [], []>, transpose_lhs_hint = false} : vector<196x128xbf16>, vector<128x64xbf16>, vector<196x64xf32> -> vector<196x64xf32>
    %mul3A_602 = vector.broadcast %get3A_592 : vector<196x1xf32> to vector<196x64xf32>
    %mul3A_603 = arith.mulf %mul3A_602, %dot_general3A_601 : vector<196x64xf32>
    %add3A_604 = arith.addf %mul3A_585, %mul3A_603 : vector<196x64xf32>
    %broadcast_in_dim3A_605 = arith.constant 0.000000e+00 : f32
    %broadcast_in_dim3A_606 = vector.broadcast %broadcast_in_dim3A_605 : f32 to vector<14x128xf32>
    %slice3A_607 = vector.extract_strided_slice %mul3A_525 {offsets = [0, 0], sizes = [182, 128], strides = [1, 1]} : vector<196x128xf32> to vector<182x128xf32>
    %concatenate3A_608 = tpu.concatenate %broadcast_in_dim3A_606, %slice3A_607 in 0 : vector<14x128xf32>, vector<182x128xf32> -> vector<196x128xf32>
    %get3A_609 = arith.constant 0 : index
    %get3A_610 = arith.constant 1 : index
    %get3A_611 = vector.load %arg7[%get3A_609, %get3A_610] : memref<196x16xf32, #tpu.memory_space<vmem>>, vector<196x1xf32>
    %get3A_612 = arith.constant 1 : index
    %get3A_613 = arith.constant 0 : index
    %get3A_614 = arith.constant 0 : index
    %get3A_615 = vector.load %arg5[%get3A_612, %get3A_613, %get3A_614] : memref<9x128x64xf32, #tpu.memory_space<vmem>>, vector<1x128x64xf32>
    %get3A_616 = vector.shape_cast %get3A_615 : vector<1x128x64xf32> to vector<128x64xf32>
    %convert_element_type3A_617 = arith.truncf %concatenate3A_608 : vector<196x128xf32> to vector<196x128xbf16>
    %convert_element_type3A_618 = arith.truncf %get3A_616 : vector<128x64xf32> to vector<128x64xbf16>
    %dot_general3A_619 = arith.constant dense<0.000000e+00> : vector<196x64xf32>
    %dot_general3A_620 = tpu.matmul %convert_element_type3A_617, %convert_element_type3A_618, %dot_general3A_619 {dimension_numbers = #tpu.dot_dimension_numbers<[1], [0], [0], [1], [0, 0, 1, 1], [], []>, transpose_lhs_hint = false} : vector<196x128xbf16>, vector<128x64xbf16>, vector<196x64xf32> -> vector<196x64xf32>
    %mul3A_621 = vector.broadcast %get3A_611 : vector<196x1xf32> to vector<196x64xf32>
    %mul3A_622 = arith.mulf %mul3A_621, %dot_general3A_620 : vector<196x64xf32>
    %add3A_623 = arith.addf %add3A_604, %mul3A_622 : vector<196x64xf32>
    %broadcast_in_dim3A_624 = arith.constant 0.000000e+00 : f32
    %broadcast_in_dim3A_625 = vector.broadcast %broadcast_in_dim3A_624 : f32 to vector<13x128xf32>
    %slice3A_626 = vector.extract_strided_slice %mul3A_525 {offsets = [0, 0], sizes = [183, 128], strides = [1, 1]} : vector<196x128xf32> to vector<183x128xf32>
    %concatenate3A_627 = tpu.concatenate %broadcast_in_dim3A_625, %slice3A_626 in 0 : vector<13x128xf32>, vector<183x128xf32> -> vector<196x128xf32>
    %get3A_628 = arith.constant 0 : index
    %get3A_629 = arith.constant 2 : index
    %get3A_630 = vector.load %arg7[%get3A_628, %get3A_629] : memref<196x16xf32, #tpu.memory_space<vmem>>, vector<196x1xf32>
    %get3A_631 = arith.constant 2 : index
    %get3A_632 = arith.constant 0 : index
    %get3A_633 = arith.constant 0 : index
    %get3A_634 = vector.load %arg5[%get3A_631, %get3A_632, %get3A_633] : memref<9x128x64xf32, #tpu.memory_space<vmem>>, vector<1x128x64xf32>
    %get3A_635 = vector.shape_cast %get3A_634 : vector<1x128x64xf32> to vector<128x64xf32>
    %convert_element_type3A_636 = arith.truncf %concatenate3A_627 : vector<196x128xf32> to vector<196x128xbf16>
    %convert_element_type3A_637 = arith.truncf %get3A_635 : vector<128x64xf32> to vector<128x64xbf16>
    %dot_general3A_638 = arith.constant dense<0.000000e+00> : vector<196x64xf32>
    %dot_general3A_639 = tpu.matmul %convert_element_type3A_636, %convert_element_type3A_637, %dot_general3A_638 {dimension_numbers = #tpu.dot_dimension_numbers<[1], [0], [0], [1], [0, 0, 1, 1], [], []>, transpose_lhs_hint = false} : vector<196x128xbf16>, vector<128x64xbf16>, vector<196x64xf32> -> vector<196x64xf32>
    %mul3A_640 = vector.broadcast %get3A_630 : vector<196x1xf32> to vector<196x64xf32>
    %mul3A_641 = arith.mulf %mul3A_640, %dot_general3A_639 : vector<196x64xf32>
    %add3A_642 = arith.addf %add3A_623, %mul3A_641 : vector<196x64xf32>
    %broadcast_in_dim3A_643 = arith.constant 0.000000e+00 : f32
    %broadcast_in_dim3A_644 = vector.broadcast %broadcast_in_dim3A_643 : f32 to vector<1x128xf32>
    %slice3A_645 = vector.extract_strided_slice %mul3A_525 {offsets = [0, 0], sizes = [195, 128], strides = [1, 1]} : vector<196x128xf32> to vector<195x128xf32>
    %concatenate3A_646 = tpu.concatenate %broadcast_in_dim3A_644, %slice3A_645 in 0 : vector<1x128xf32>, vector<195x128xf32> -> vector<196x128xf32>
    %get3A_647 = arith.constant 0 : index
    %get3A_648 = arith.constant 3 : index
    %get3A_649 = vector.load %arg7[%get3A_647, %get3A_648] : memref<196x16xf32, #tpu.memory_space<vmem>>, vector<196x1xf32>
    %get3A_650 = arith.constant 3 : index
    %get3A_651 = arith.constant 0 : index
    %get3A_652 = arith.constant 0 : index
    %get3A_653 = vector.load %arg5[%get3A_650, %get3A_651, %get3A_652] : memref<9x128x64xf32, #tpu.memory_space<vmem>>, vector<1x128x64xf32>
    %get3A_654 = vector.shape_cast %get3A_653 : vector<1x128x64xf32> to vector<128x64xf32>
    %convert_element_type3A_655 = arith.truncf %concatenate3A_646 : vector<196x128xf32> to vector<196x128xbf16>
    %convert_element_type3A_656 = arith.truncf %get3A_654 : vector<128x64xf32> to vector<128x64xbf16>
    %dot_general3A_657 = arith.constant dense<0.000000e+00> : vector<196x64xf32>
    %dot_general3A_658 = tpu.matmul %convert_element_type3A_655, %convert_element_type3A_656, %dot_general3A_657 {dimension_numbers = #tpu.dot_dimension_numbers<[1], [0], [0], [1], [0, 0, 1, 1], [], []>, transpose_lhs_hint = false} : vector<196x128xbf16>, vector<128x64xbf16>, vector<196x64xf32> -> vector<196x64xf32>
    %mul3A_659 = vector.broadcast %get3A_649 : vector<196x1xf32> to vector<196x64xf32>
    %mul3A_660 = arith.mulf %mul3A_659, %dot_general3A_658 : vector<196x64xf32>
    %add3A_661 = arith.addf %add3A_642, %mul3A_660 : vector<196x64xf32>
    %get3A_662 = arith.constant 0 : index
    %get3A_663 = arith.constant 4 : index
    %get3A_664 = vector.load %arg7[%get3A_662, %get3A_663] : memref<196x16xf32, #tpu.memory_space<vmem>>, vector<196x1xf32>
    %get3A_665 = arith.constant 4 : index
    %get3A_666 = arith.constant 0 : index
    %get3A_667 = arith.constant 0 : index
    %get3A_668 = vector.load %arg5[%get3A_665, %get3A_666, %get3A_667] : memref<9x128x64xf32, #tpu.memory_space<vmem>>, vector<1x128x64xf32>
    %get3A_669 = vector.shape_cast %get3A_668 : vector<1x128x64xf32> to vector<128x64xf32>
    %convert_element_type3A_670 = arith.truncf %mul3A_525 : vector<196x128xf32> to vector<196x128xbf16>
    %convert_element_type3A_671 = arith.truncf %get3A_669 : vector<128x64xf32> to vector<128x64xbf16>
    %dot_general3A_672 = arith.constant dense<0.000000e+00> : vector<196x64xf32>
    %dot_general3A_673 = tpu.matmul %convert_element_type3A_670, %convert_element_type3A_671, %dot_general3A_672 {dimension_numbers = #tpu.dot_dimension_numbers<[1], [0], [0], [1], [0, 0, 1, 1], [], []>, transpose_lhs_hint = false} : vector<196x128xbf16>, vector<128x64xbf16>, vector<196x64xf32> -> vector<196x64xf32>
    %mul3A_674 = vector.broadcast %get3A_664 : vector<196x1xf32> to vector<196x64xf32>
    %mul3A_675 = arith.mulf %mul3A_674, %dot_general3A_673 : vector<196x64xf32>
    %add3A_676 = arith.addf %add3A_661, %mul3A_675 : vector<196x64xf32>
    %slice3A_677 = vector.extract_strided_slice %mul3A_525 {offsets = [1, 0], sizes = [195, 128], strides = [1, 1]} : vector<196x128xf32> to vector<195x128xf32>
    %broadcast_in_dim3A_678 = arith.constant 0.000000e+00 : f32
    %broadcast_in_dim3A_679 = vector.broadcast %broadcast_in_dim3A_678 : f32 to vector<1x128xf32>
    %concatenate3A_680 = tpu.concatenate %slice3A_677, %broadcast_in_dim3A_679 in 0 : vector<195x128xf32>, vector<1x128xf32> -> vector<196x128xf32>
    %get3A_681 = arith.constant 0 : index
    %get3A_682 = arith.constant 5 : index
    %get3A_683 = vector.load %arg7[%get3A_681, %get3A_682] : memref<196x16xf32, #tpu.memory_space<vmem>>, vector<196x1xf32>
    %get3A_684 = arith.constant 5 : index
    %get3A_685 = arith.constant 0 : index
    %get3A_686 = arith.constant 0 : index
    %get3A_687 = vector.load %arg5[%get3A_684, %get3A_685, %get3A_686] : memref<9x128x64xf32, #tpu.memory_space<vmem>>, vector<1x128x64xf32>
    %get3A_688 = vector.shape_cast %get3A_687 : vector<1x128x64xf32> to vector<128x64xf32>
    %convert_element_type3A_689 = arith.truncf %concatenate3A_680 : vector<196x128xf32> to vector<196x128xbf16>
    %convert_element_type3A_690 = arith.truncf %get3A_688 : vector<128x64xf32> to vector<128x64xbf16>
    %dot_general3A_691 = arith.constant dense<0.000000e+00> : vector<196x64xf32>
    %dot_general3A_692 = tpu.matmul %convert_element_type3A_689, %convert_element_type3A_690, %dot_general3A_691 {dimension_numbers = #tpu.dot_dimension_numbers<[1], [0], [0], [1], [0, 0, 1, 1], [], []>, transpose_lhs_hint = false} : vector<196x128xbf16>, vector<128x64xbf16>, vector<196x64xf32> -> vector<196x64xf32>
    %mul3A_693 = vector.broadcast %get3A_683 : vector<196x1xf32> to vector<196x64xf32>
    %mul3A_694 = arith.mulf %mul3A_693, %dot_general3A_692 : vector<196x64xf32>
    %add3A_695 = arith.addf %add3A_676, %mul3A_694 : vector<196x64xf32>
    %slice3A_696 = vector.extract_strided_slice %mul3A_525 {offsets = [13, 0], sizes = [183, 128], strides = [1, 1]} : vector<196x128xf32> to vector<183x128xf32>
    %broadcast_in_dim3A_697 = arith.constant 0.000000e+00 : f32
    %broadcast_in_dim3A_698 = vector.broadcast %broadcast_in_dim3A_697 : f32 to vector<13x128xf32>
    %concatenate3A_699 = tpu.concatenate %slice3A_696, %broadcast_in_dim3A_698 in 0 : vector<183x128xf32>, vector<13x128xf32> -> vector<196x128xf32>
    %get3A_700 = arith.constant 0 : index
    %get3A_701 = arith.constant 6 : index
    %get3A_702 = vector.load %arg7[%get3A_700, %get3A_701] : memref<196x16xf32, #tpu.memory_space<vmem>>, vector<196x1xf32>
    %get3A_703 = arith.constant 6 : index
    %get3A_704 = arith.constant 0 : index
    %get3A_705 = arith.constant 0 : index
    %get3A_706 = vector.load %arg5[%get3A_703, %get3A_704, %get3A_705] : memref<9x128x64xf32, #tpu.memory_space<vmem>>, vector<1x128x64xf32>
    %get3A_707 = vector.shape_cast %get3A_706 : vector<1x128x64xf32> to vector<128x64xf32>
    %convert_element_type3A_708 = arith.truncf %concatenate3A_699 : vector<196x128xf32> to vector<196x128xbf16>
    %convert_element_type3A_709 = arith.truncf %get3A_707 : vector<128x64xf32> to vector<128x64xbf16>
    %dot_general3A_710 = arith.constant dense<0.000000e+00> : vector<196x64xf32>
    %dot_general3A_711 = tpu.matmul %convert_element_type3A_708, %convert_element_type3A_709, %dot_general3A_710 {dimension_numbers = #tpu.dot_dimension_numbers<[1], [0], [0], [1], [0, 0, 1, 1], [], []>, transpose_lhs_hint = false} : vector<196x128xbf16>, vector<128x64xbf16>, vector<196x64xf32> -> vector<196x64xf32>
    %mul3A_712 = vector.broadcast %get3A_702 : vector<196x1xf32> to vector<196x64xf32>
    %mul3A_713 = arith.mulf %mul3A_712, %dot_general3A_711 : vector<196x64xf32>
    %add3A_714 = arith.addf %add3A_695, %mul3A_713 : vector<196x64xf32>
    %slice3A_715 = vector.extract_strided_slice %mul3A_525 {offsets = [14, 0], sizes = [182, 128], strides = [1, 1]} : vector<196x128xf32> to vector<182x128xf32>
    %broadcast_in_dim3A_716 = arith.constant 0.000000e+00 : f32
    %broadcast_in_dim3A_717 = vector.broadcast %broadcast_in_dim3A_716 : f32 to vector<14x128xf32>
    %concatenate3A_718 = tpu.concatenate %slice3A_715, %broadcast_in_dim3A_717 in 0 : vector<182x128xf32>, vector<14x128xf32> -> vector<196x128xf32>
    %get3A_719 = arith.constant 0 : index
    %get3A_720 = arith.constant 7 : index
    %get3A_721 = vector.load %arg7[%get3A_719, %get3A_720] : memref<196x16xf32, #tpu.memory_space<vmem>>, vector<196x1xf32>
    %get3A_722 = arith.constant 7 : index
    %get3A_723 = arith.constant 0 : index
    %get3A_724 = arith.constant 0 : index
    %get3A_725 = vector.load %arg5[%get3A_722, %get3A_723, %get3A_724] : memref<9x128x64xf32, #tpu.memory_space<vmem>>, vector<1x128x64xf32>
    %get3A_726 = vector.shape_cast %get3A_725 : vector<1x128x64xf32> to vector<128x64xf32>
    %convert_element_type3A_727 = arith.truncf %concatenate3A_718 : vector<196x128xf32> to vector<196x128xbf16>
    %convert_element_type3A_728 = arith.truncf %get3A_726 : vector<128x64xf32> to vector<128x64xbf16>
    %dot_general3A_729 = arith.constant dense<0.000000e+00> : vector<196x64xf32>
    %dot_general3A_730 = tpu.matmul %convert_element_type3A_727, %convert_element_type3A_728, %dot_general3A_729 {dimension_numbers = #tpu.dot_dimension_numbers<[1], [0], [0], [1], [0, 0, 1, 1], [], []>, transpose_lhs_hint = false} : vector<196x128xbf16>, vector<128x64xbf16>, vector<196x64xf32> -> vector<196x64xf32>
    %mul3A_731 = vector.broadcast %get3A_721 : vector<196x1xf32> to vector<196x64xf32>
    %mul3A_732 = arith.mulf %mul3A_731, %dot_general3A_730 : vector<196x64xf32>
    %add3A_733 = arith.addf %add3A_714, %mul3A_732 : vector<196x64xf32>
    %slice3A_734 = vector.extract_strided_slice %mul3A_525 {offsets = [15, 0], sizes = [181, 128], strides = [1, 1]} : vector<196x128xf32> to vector<181x128xf32>
    %broadcast_in_dim3A_735 = arith.constant 0.000000e+00 : f32
    %broadcast_in_dim3A_736 = vector.broadcast %broadcast_in_dim3A_735 : f32 to vector<15x128xf32>
    %concatenate3A_737 = tpu.concatenate %slice3A_734, %broadcast_in_dim3A_736 in 0 : vector<181x128xf32>, vector<15x128xf32> -> vector<196x128xf32>
    %get3A_738 = arith.constant 0 : index
    %get3A_739 = arith.constant 8 : index
    %get3A_740 = vector.load %arg7[%get3A_738, %get3A_739] : memref<196x16xf32, #tpu.memory_space<vmem>>, vector<196x1xf32>
    %get3A_741 = arith.constant 8 : index
    %get3A_742 = arith.constant 0 : index
    %get3A_743 = arith.constant 0 : index
    %get3A_744 = vector.load %arg5[%get3A_741, %get3A_742, %get3A_743] : memref<9x128x64xf32, #tpu.memory_space<vmem>>, vector<1x128x64xf32>
    %get3A_745 = vector.shape_cast %get3A_744 : vector<1x128x64xf32> to vector<128x64xf32>
    %convert_element_type3A_746 = arith.truncf %concatenate3A_737 : vector<196x128xf32> to vector<196x128xbf16>
    %convert_element_type3A_747 = arith.truncf %get3A_745 : vector<128x64xf32> to vector<128x64xbf16>
    %dot_general3A_748 = arith.constant dense<0.000000e+00> : vector<196x64xf32>
    %dot_general3A_749 = tpu.matmul %convert_element_type3A_746, %convert_element_type3A_747, %dot_general3A_748 {dimension_numbers = #tpu.dot_dimension_numbers<[1], [0], [0], [1], [0, 0, 1, 1], [], []>, transpose_lhs_hint = false} : vector<196x128xbf16>, vector<128x64xbf16>, vector<196x64xf32> -> vector<196x64xf32>
    %mul3A_750 = vector.broadcast %get3A_740 : vector<196x1xf32> to vector<196x64xf32>
    %mul3A_751 = arith.mulf %mul3A_750, %dot_general3A_749 : vector<196x64xf32>
    %add3A_752 = arith.addf %add3A_733, %mul3A_751 : vector<196x64xf32>
    %mul3A_753 = arith.constant 1.702000e+00 : f32
    %mul3A_754 = vector.broadcast %mul3A_753 : f32 to vector<196x64xf32>
    %mul3A_755 = arith.mulf %mul3A_754, %add3A_752 : vector<196x64xf32>
    %logistic3A_756 = arith.negf %mul3A_755 : vector<196x64xf32>
    %logistic3A_757 = math.exp %logistic3A_756 : vector<196x64xf32>
    %logistic3A_758 = arith.constant 1.000000e+00 : f32
    %logistic3A_759 = vector.broadcast %logistic3A_758 : f32 to vector<196x64xf32>
    %logistic3A_760 = arith.addf %logistic3A_759, %logistic3A_757 : vector<196x64xf32>
    %logistic3A_761 = arith.divf %logistic3A_759, %logistic3A_760 : vector<196x64xf32>
    %mul3A_762 = arith.mulf %add3A_752, %logistic3A_761 : vector<196x64xf32>
    %swap3A = arith.constant 0 : index
    %swap3A_763 = arith.constant 0 : index
    %swap3A_764 = arith.constant 0 : index
    %swap3A_765 = vector.load %arg9[%swap3A, %swap3A_763, %swap3A_764] : memref<2x196x64xf32, #tpu.memory_space<vmem>>, vector<1x196x64xf32>
    %swap3A_766 = vector.shape_cast %swap3A_765 : vector<1x196x64xf32> to vector<196x64xf32>
    %swap3A_767 = vector.shape_cast %mul3A_762 : vector<196x64xf32> to vector<1x196x64xf32>
    tpu.vector_store %arg9[%swap3A, %swap3A_763, %swap3A_764], %swap3A_767 {strides = array<i32>} : memref<2x196x64xf32, #tpu.memory_space<vmem>>, vector<1x196x64xf32>,
    %get3A_768 = arith.constant 0 : index
    %get3A_769 = arith.constant 0 : index
    %get3A_770 = vector.load %arg6[%get3A_768, %get3A_769] : memref<196x196xf32, #tpu.memory_space<vmem>>, vector<196x196xf32>
    %get3A_771 = arith.constant 1 : index
    %get3A_772 = arith.constant 0 : index
    %get3A_773 = arith.constant 0 : index
    %get3A_774 = vector.load %arg1[%get3A_771, %get3A_772, %get3A_773] : memref<2x196x128xf32, #tpu.memory_space<vmem>>, vector<1x196x128xf32>
    %get3A_775 = vector.shape_cast %get3A_774 : vector<1x196x128xf32> to vector<196x128xf32>
    %convert_element_type3A_776 = arith.truncf %get3A_770 : vector<196x196xf32> to vector<196x196xbf16>
    %convert_element_type3A_777 = arith.truncf %get3A_775 : vector<196x128xf32> to vector<196x128xbf16>
    %dot_general3A_778 = arith.constant dense<0.000000e+00> : vector<196x128xf32>
    %dot_general3A_779 = tpu.matmul %convert_element_type3A_776, %convert_element_type3A_777, %dot_general3A_778 {dimension_numbers = #tpu.dot_dimension_numbers<[1], [0], [0], [1], [0, 0, 1, 1], [], []>, transpose_lhs_hint = false} : vector<196x196xbf16>, vector<196x128xbf16>, vector<196x128xf32> -> vector<196x128xf32>
    %get3A_780 = arith.constant 0 : index
    %get3A_781 = arith.constant 0 : index
    %get3A_782 = vector.load %arg6[%get3A_780, %get3A_781] : memref<196x196xf32, #tpu.memory_space<vmem>>, vector<196x196xf32>
    %get3A_783 = arith.constant 1 : index
    %get3A_784 = arith.constant 0 : index
    %get3A_785 = arith.constant 0 : index
    %get3A_786 = vector.load %arg2[%get3A_783, %get3A_784, %get3A_785] : memref<2x196x64xf32, #tpu.memory_space<vmem>>, vector<1x196x64xf32>
    %get3A_787 = vector.shape_cast %get3A_786 : vector<1x196x64xf32> to vector<196x64xf32>
    %convert_element_type3A_788 = arith.truncf %get3A_782 : vector<196x196xf32> to vector<196x196xbf16>
    %convert_element_type3A_789 = arith.truncf %get3A_787 : vector<196x64xf32> to vector<196x64xbf16>
    %dot_general3A_790 = arith.constant dense<0.000000e+00> : vector<196x64xf32>
    %dot_general3A_791 = tpu.matmul %convert_element_type3A_788, %convert_element_type3A_789, %dot_general3A_790 {dimension_numbers = #tpu.dot_dimension_numbers<[1], [0], [0], [1], [0, 0, 1, 1], [], []>, transpose_lhs_hint = false} : vector<196x196xbf16>, vector<196x64xbf16>, vector<196x64xf32> -> vector<196x64xf32>
    %get3A_792 = arith.constant 0 : index
    %get3A_793 = arith.constant 0 : index
    %get3A_794 = arith.constant 0 : index
    %get3A_795 = vector.load %arg3[%get3A_792, %get3A_793, %get3A_794] : memref<9x128x64xf32, #tpu.memory_space<vmem>>, vector<1x128x64xf32>
    %get3A_796 = vector.shape_cast %get3A_795 : vector<1x128x64xf32> to vector<128x64xf32>
    %get3A_797 = arith.constant 1 : index
    %get3A_798 = arith.constant 0 : index
    %get3A_799 = arith.constant 0 : index
    %get3A_800 = vector.load %arg3[%get3A_797, %get3A_798, %get3A_799] : memref<9x128x64xf32, #tpu.memory_space<vmem>>, vector<1x128x64xf32>
    %get3A_801 = vector.shape_cast %get3A_800 : vector<1x128x64xf32> to vector<128x64xf32>
    %add3A_802 = arith.addf %get3A_796, %get3A_801 : vector<128x64xf32>
    %get3A_803 = arith.constant 2 : index
    %get3A_804 = arith.constant 0 : index
    %get3A_805 = arith.constant 0 : index
    %get3A_806 = vector.load %arg3[%get3A_803, %get3A_804, %get3A_805] : memref<9x128x64xf32, #tpu.memory_space<vmem>>, vector<1x128x64xf32>
    %get3A_807 = vector.shape_cast %get3A_806 : vector<1x128x64xf32> to vector<128x64xf32>
    %add3A_808 = arith.addf %add3A_802, %get3A_807 : vector<128x64xf32>
    %get3A_809 = arith.constant 3 : index
    %get3A_810 = arith.constant 0 : index
    %get3A_811 = arith.constant 0 : index
    %get3A_812 = vector.load %arg3[%get3A_809, %get3A_810, %get3A_811] : memref<9x128x64xf32, #tpu.memory_space<vmem>>, vector<1x128x64xf32>
    %get3A_813 = vector.shape_cast %get3A_812 : vector<1x128x64xf32> to vector<128x64xf32>
    %add3A_814 = arith.addf %add3A_808, %get3A_813 : vector<128x64xf32>
    %get3A_815 = arith.constant 4 : index
    %get3A_816 = arith.constant 0 : index
    %get3A_817 = arith.constant 0 : index
    %get3A_818 = vector.load %arg3[%get3A_815, %get3A_816, %get3A_817] : memref<9x128x64xf32, #tpu.memory_space<vmem>>, vector<1x128x64xf32>
    %get3A_819 = vector.shape_cast %get3A_818 : vector<1x128x64xf32> to vector<128x64xf32>
    %add3A_820 = arith.addf %add3A_814, %get3A_819 : vector<128x64xf32>
    %get3A_821 = arith.constant 5 : index
    %get3A_822 = arith.constant 0 : index
    %get3A_823 = arith.constant 0 : index
    %get3A_824 = vector.load %arg3[%get3A_821, %get3A_822, %get3A_823] : memref<9x128x64xf32, #tpu.memory_space<vmem>>, vector<1x128x64xf32>
    %get3A_825 = vector.shape_cast %get3A_824 : vector<1x128x64xf32> to vector<128x64xf32>
    %add3A_826 = arith.addf %add3A_820, %get3A_825 : vector<128x64xf32>
    %get3A_827 = arith.constant 6 : index
    %get3A_828 = arith.constant 0 : index
    %get3A_829 = arith.constant 0 : index
    %get3A_830 = vector.load %arg3[%get3A_827, %get3A_828, %get3A_829] : memref<9x128x64xf32, #tpu.memory_space<vmem>>, vector<1x128x64xf32>
    %get3A_831 = vector.shape_cast %get3A_830 : vector<1x128x64xf32> to vector<128x64xf32>
    %add3A_832 = arith.addf %add3A_826, %get3A_831 : vector<128x64xf32>
    %get3A_833 = arith.constant 7 : index
    %get3A_834 = arith.constant 0 : index
    %get3A_835 = arith.constant 0 : index
    %get3A_836 = vector.load %arg3[%get3A_833, %get3A_834, %get3A_835] : memref<9x128x64xf32, #tpu.memory_space<vmem>>, vector<1x128x64xf32>
    %get3A_837 = vector.shape_cast %get3A_836 : vector<1x128x64xf32> to vector<128x64xf32>
    %add3A_838 = arith.addf %add3A_832, %get3A_837 : vector<128x64xf32>
    %get3A_839 = arith.constant 8 : index
    %get3A_840 = arith.constant 0 : index
    %get3A_841 = arith.constant 0 : index
    %get3A_842 = vector.load %arg3[%get3A_839, %get3A_840, %get3A_841] : memref<9x128x64xf32, #tpu.memory_space<vmem>>, vector<1x128x64xf32>
    %get3A_843 = vector.shape_cast %get3A_842 : vector<1x128x64xf32> to vector<128x64xf32>
    %add3A_844 = arith.addf %add3A_838, %get3A_843 : vector<128x64xf32>
    %convert_element_type3A_845 = arith.truncf %dot_general3A_779 : vector<196x128xf32> to vector<196x128xbf16>
    %convert_element_type3A_846 = arith.truncf %add3A_844 : vector<128x64xf32> to vector<128x64xbf16>
    %dot_general3A_847 = arith.constant dense<0.000000e+00> : vector<196x64xf32>
    %dot_general3A_848 = tpu.matmul %convert_element_type3A_845, %convert_element_type3A_846, %dot_general3A_847 {dimension_numbers = #tpu.dot_dimension_numbers<[1], [0], [0], [1], [0, 0, 1, 1], [], []>, transpose_lhs_hint = false} : vector<196x128xbf16>, vector<128x64xbf16>, vector<196x64xf32> -> vector<196x64xf32>
    %mul3A_849 = arith.constant -0.699999988 : f32
    %mul3A_850 = vector.broadcast %mul3A_849 : f32 to vector<196x64xf32>
    %mul3A_851 = arith.mulf %dot_general3A_848, %mul3A_850 : vector<196x64xf32>
    %broadcast_in_dim3A_852 = arith.constant 0.000000e+00 : f32
    %broadcast_in_dim3A_853 = vector.broadcast %broadcast_in_dim3A_852 : f32 to vector<15x128xf32>
    %slice3A_854 = vector.extract_strided_slice %dot_general3A_779 {offsets = [0, 0], sizes = [181, 128], strides = [1, 1]} : vector<196x128xf32> to vector<181x128xf32>
    %concatenate3A_855 = tpu.concatenate %broadcast_in_dim3A_853, %slice3A_854 in 0 : vector<15x128xf32>, vector<181x128xf32> -> vector<196x128xf32>
    %get3A_856 = arith.constant 0 : index
    %get3A_857 = arith.constant 0 : index
    %get3A_858 = vector.load %arg7[%get3A_856, %get3A_857] : memref<196x16xf32, #tpu.memory_space<vmem>>, vector<196x1xf32>
    %get3A_859 = arith.constant 0 : index
    %get3A_860 = arith.constant 0 : index
    %get3A_861 = arith.constant 0 : index
    %get3A_862 = vector.load %arg3[%get3A_859, %get3A_860, %get3A_861] : memref<9x128x64xf32, #tpu.memory_space<vmem>>, vector<1x128x64xf32>
    %get3A_863 = vector.shape_cast %get3A_862 : vector<1x128x64xf32> to vector<128x64xf32>
    %convert_element_type3A_864 = arith.truncf %concatenate3A_855 : vector<196x128xf32> to vector<196x128xbf16>
    %convert_element_type3A_865 = arith.truncf %get3A_863 : vector<128x64xf32> to vector<128x64xbf16>
    %dot_general3A_866 = arith.constant dense<0.000000e+00> : vector<196x64xf32>
    %dot_general3A_867 = tpu.matmul %convert_element_type3A_864, %convert_element_type3A_865, %dot_general3A_866 {dimension_numbers = #tpu.dot_dimension_numbers<[1], [0], [0], [1], [0, 0, 1, 1], [], []>, transpose_lhs_hint = false} : vector<196x128xbf16>, vector<128x64xbf16>, vector<196x64xf32> -> vector<196x64xf32>
    %mul3A_868 = vector.broadcast %get3A_858 : vector<196x1xf32> to vector<196x64xf32>
    %mul3A_869 = arith.mulf %mul3A_868, %dot_general3A_867 : vector<196x64xf32>
    %add3A_870 = arith.addf %mul3A_851, %mul3A_869 : vector<196x64xf32>
    %broadcast_in_dim3A_871 = arith.constant 0.000000e+00 : f32
    %broadcast_in_dim3A_872 = vector.broadcast %broadcast_in_dim3A_871 : f32 to vector<14x128xf32>
    %slice3A_873 = vector.extract_strided_slice %dot_general3A_779 {offsets = [0, 0], sizes = [182, 128], strides = [1, 1]} : vector<196x128xf32> to vector<182x128xf32>
    %concatenate3A_874 = tpu.concatenate %broadcast_in_dim3A_872, %slice3A_873 in 0 : vector<14x128xf32>, vector<182x128xf32> -> vector<196x128xf32>
    %get3A_875 = arith.constant 0 : index
    %get3A_876 = arith.constant 1 : index
    %get3A_877 = vector.load %arg7[%get3A_875, %get3A_876] : memref<196x16xf32, #tpu.memory_space<vmem>>, vector<196x1xf32>
    %get3A_878 = arith.constant 1 : index
    %get3A_879 = arith.constant 0 : index
    %get3A_880 = arith.constant 0 : index
    %get3A_881 = vector.load %arg3[%get3A_878, %get3A_879, %get3A_880] : memref<9x128x64xf32, #tpu.memory_space<vmem>>, vector<1x128x64xf32>
    %get3A_882 = vector.shape_cast %get3A_881 : vector<1x128x64xf32> to vector<128x64xf32>
    %convert_element_type3A_883 = arith.truncf %concatenate3A_874 : vector<196x128xf32> to vector<196x128xbf16>
    %convert_element_type3A_884 = arith.truncf %get3A_882 : vector<128x64xf32> to vector<128x64xbf16>
    %dot_general3A_885 = arith.constant dense<0.000000e+00> : vector<196x64xf32>
    %dot_general3A_886 = tpu.matmul %convert_element_type3A_883, %convert_element_type3A_884, %dot_general3A_885 {dimension_numbers = #tpu.dot_dimension_numbers<[1], [0], [0], [1], [0, 0, 1, 1], [], []>, transpose_lhs_hint = false} : vector<196x128xbf16>, vector<128x64xbf16>, vector<196x64xf32> -> vector<196x64xf32>
    %mul3A_887 = vector.broadcast %get3A_877 : vector<196x1xf32> to vector<196x64xf32>
    %mul3A_888 = arith.mulf %mul3A_887, %dot_general3A_886 : vector<196x64xf32>
    %add3A_889 = arith.addf %add3A_870, %mul3A_888 : vector<196x64xf32>
    %broadcast_in_dim3A_890 = arith.constant 0.000000e+00 : f32
    %broadcast_in_dim3A_891 = vector.broadcast %broadcast_in_dim3A_890 : f32 to vector<13x128xf32>
    %slice3A_892 = vector.extract_strided_slice %dot_general3A_779 {offsets = [0, 0], sizes = [183, 128], strides = [1, 1]} : vector<196x128xf32> to vector<183x128xf32>
    %concatenate3A_893 = tpu.concatenate %broadcast_in_dim3A_891, %slice3A_892 in 0 : vector<13x128xf32>, vector<183x128xf32> -> vector<196x128xf32>
    %get3A_894 = arith.constant 0 : index
    %get3A_895 = arith.constant 2 : index
    %get3A_896 = vector.load %arg7[%get3A_894, %get3A_895] : memref<196x16xf32, #tpu.memory_space<vmem>>, vector<196x1xf32>
    %get3A_897 = arith.constant 2 : index
    %get3A_898 = arith.constant 0 : index
    %get3A_899 = arith.constant 0 : index
    %get3A_900 = vector.load %arg3[%get3A_897, %get3A_898, %get3A_899] : memref<9x128x64xf32, #tpu.memory_space<vmem>>, vector<1x128x64xf32>
    %get3A_901 = vector.shape_cast %get3A_900 : vector<1x128x64xf32> to vector<128x64xf32>
    %convert_element_type3A_902 = arith.truncf %concatenate3A_893 : vector<196x128xf32> to vector<196x128xbf16>
    %convert_element_type3A_903 = arith.truncf %get3A_901 : vector<128x64xf32> to vector<128x64xbf16>
    %dot_general3A_904 = arith.constant dense<0.000000e+00> : vector<196x64xf32>
    %dot_general3A_905 = tpu.matmul %convert_element_type3A_902, %convert_element_type3A_903, %dot_general3A_904 {dimension_numbers = #tpu.dot_dimension_numbers<[1], [0], [0], [1], [0, 0, 1, 1], [], []>, transpose_lhs_hint = false} : vector<196x128xbf16>, vector<128x64xbf16>, vector<196x64xf32> -> vector<196x64xf32>
    %mul3A_906 = vector.broadcast %get3A_896 : vector<196x1xf32> to vector<196x64xf32>
    %mul3A_907 = arith.mulf %mul3A_906, %dot_general3A_905 : vector<196x64xf32>
    %add3A_908 = arith.addf %add3A_889, %mul3A_907 : vector<196x64xf32>
    %broadcast_in_dim3A_909 = arith.constant 0.000000e+00 : f32
    %broadcast_in_dim3A_910 = vector.broadcast %broadcast_in_dim3A_909 : f32 to vector<1x128xf32>
    %slice3A_911 = vector.extract_strided_slice %dot_general3A_779 {offsets = [0, 0], sizes = [195, 128], strides = [1, 1]} : vector<196x128xf32> to vector<195x128xf32>
    %concatenate3A_912 = tpu.concatenate %broadcast_in_dim3A_910, %slice3A_911 in 0 : vector<1x128xf32>, vector<195x128xf32> -> vector<196x128xf32>
    %get3A_913 = arith.constant 0 : index
    %get3A_914 = arith.constant 3 : index
    %get3A_915 = vector.load %arg7[%get3A_913, %get3A_914] : memref<196x16xf32, #tpu.memory_space<vmem>>, vector<196x1xf32>
    %get3A_916 = arith.constant 3 : index
    %get3A_917 = arith.constant 0 : index
    %get3A_918 = arith.constant 0 : index
    %get3A_919 = vector.load %arg3[%get3A_916, %get3A_917, %get3A_918] : memref<9x128x64xf32, #tpu.memory_space<vmem>>, vector<1x128x64xf32>
    %get3A_920 = vector.shape_cast %get3A_919 : vector<1x128x64xf32> to vector<128x64xf32>
    %convert_element_type3A_921 = arith.truncf %concatenate3A_912 : vector<196x128xf32> to vector<196x128xbf16>
    %convert_element_type3A_922 = arith.truncf %get3A_920 : vector<128x64xf32> to vector<128x64xbf16>
    %dot_general3A_923 = arith.constant dense<0.000000e+00> : vector<196x64xf32>
    %dot_general3A_924 = tpu.matmul %convert_element_type3A_921, %convert_element_type3A_922, %dot_general3A_923 {dimension_numbers = #tpu.dot_dimension_numbers<[1], [0], [0], [1], [0, 0, 1, 1], [], []>, transpose_lhs_hint = false} : vector<196x128xbf16>, vector<128x64xbf16>, vector<196x64xf32> -> vector<196x64xf32>
    %mul3A_925 = vector.broadcast %get3A_915 : vector<196x1xf32> to vector<196x64xf32>
    %mul3A_926 = arith.mulf %mul3A_925, %dot_general3A_924 : vector<196x64xf32>
    %add3A_927 = arith.addf %add3A_908, %mul3A_926 : vector<196x64xf32>
    %get3A_928 = arith.constant 0 : index
    %get3A_929 = arith.constant 4 : index
    %get3A_930 = vector.load %arg7[%get3A_928, %get3A_929] : memref<196x16xf32, #tpu.memory_space<vmem>>, vector<196x1xf32>
    %get3A_931 = arith.constant 4 : index
    %get3A_932 = arith.constant 0 : index
    %get3A_933 = arith.constant 0 : index
    %get3A_934 = vector.load %arg3[%get3A_931, %get3A_932, %get3A_933] : memref<9x128x64xf32, #tpu.memory_space<vmem>>, vector<1x128x64xf32>
    %get3A_935 = vector.shape_cast %get3A_934 : vector<1x128x64xf32> to vector<128x64xf32>
    %convert_element_type3A_936 = arith.truncf %dot_general3A_779 : vector<196x128xf32> to vector<196x128xbf16>
    %convert_element_type3A_937 = arith.truncf %get3A_935 : vector<128x64xf32> to vector<128x64xbf16>
    %dot_general3A_938 = arith.constant dense<0.000000e+00> : vector<196x64xf32>
    %dot_general3A_939 = tpu.matmul %convert_element_type3A_936, %convert_element_type3A_937, %dot_general3A_938 {dimension_numbers = #tpu.dot_dimension_numbers<[1], [0], [0], [1], [0, 0, 1, 1], [], []>, transpose_lhs_hint = false} : vector<196x128xbf16>, vector<128x64xbf16>, vector<196x64xf32> -> vector<196x64xf32>
    %mul3A_940 = vector.broadcast %get3A_930 : vector<196x1xf32> to vector<196x64xf32>
    %mul3A_941 = arith.mulf %mul3A_940, %dot_general3A_939 : vector<196x64xf32>
    %add3A_942 = arith.addf %add3A_927, %mul3A_941 : vector<196x64xf32>
    %slice3A_943 = vector.extract_strided_slice %dot_general3A_779 {offsets = [1, 0], sizes = [195, 128], strides = [1, 1]} : vector<196x128xf32> to vector<195x128xf32>
    %broadcast_in_dim3A_944 = arith.constant 0.000000e+00 : f32
    %broadcast_in_dim3A_945 = vector.broadcast %broadcast_in_dim3A_944 : f32 to vector<1x128xf32>
    %concatenate3A_946 = tpu.concatenate %slice3A_943, %broadcast_in_dim3A_945 in 0 : vector<195x128xf32>, vector<1x128xf32> -> vector<196x128xf32>
    %get3A_947 = arith.constant 0 : index
    %get3A_948 = arith.constant 5 : index
    %get3A_949 = vector.load %arg7[%get3A_947, %get3A_948] : memref<196x16xf32, #tpu.memory_space<vmem>>, vector<196x1xf32>
    %get3A_950 = arith.constant 5 : index
    %get3A_951 = arith.constant 0 : index
    %get3A_952 = arith.constant 0 : index
    %get3A_953 = vector.load %arg3[%get3A_950, %get3A_951, %get3A_952] : memref<9x128x64xf32, #tpu.memory_space<vmem>>, vector<1x128x64xf32>
    %get3A_954 = vector.shape_cast %get3A_953 : vector<1x128x64xf32> to vector<128x64xf32>
    %convert_element_type3A_955 = arith.truncf %concatenate3A_946 : vector<196x128xf32> to vector<196x128xbf16>
    %convert_element_type3A_956 = arith.truncf %get3A_954 : vector<128x64xf32> to vector<128x64xbf16>
    %dot_general3A_957 = arith.constant dense<0.000000e+00> : vector<196x64xf32>
    %dot_general3A_958 = tpu.matmul %convert_element_type3A_955, %convert_element_type3A_956, %dot_general3A_957 {dimension_numbers = #tpu.dot_dimension_numbers<[1], [0], [0], [1], [0, 0, 1, 1], [], []>, transpose_lhs_hint = false} : vector<196x128xbf16>, vector<128x64xbf16>, vector<196x64xf32> -> vector<196x64xf32>
    %mul3A_959 = vector.broadcast %get3A_949 : vector<196x1xf32> to vector<196x64xf32>
    %mul3A_960 = arith.mulf %mul3A_959, %dot_general3A_958 : vector<196x64xf32>
    %add3A_961 = arith.addf %add3A_942, %mul3A_960 : vector<196x64xf32>
    %slice3A_962 = vector.extract_strided_slice %dot_general3A_779 {offsets = [13, 0], sizes = [183, 128], strides = [1, 1]} : vector<196x128xf32> to vector<183x128xf32>
    %broadcast_in_dim3A_963 = arith.constant 0.000000e+00 : f32
    %broadcast_in_dim3A_964 = vector.broadcast %broadcast_in_dim3A_963 : f32 to vector<13x128xf32>
    %concatenate3A_965 = tpu.concatenate %slice3A_962, %broadcast_in_dim3A_964 in 0 : vector<183x128xf32>, vector<13x128xf32> -> vector<196x128xf32>
    %get3A_966 = arith.constant 0 : index
    %get3A_967 = arith.constant 6 : index
    %get3A_968 = vector.load %arg7[%get3A_966, %get3A_967] : memref<196x16xf32, #tpu.memory_space<vmem>>, vector<196x1xf32>
    %get3A_969 = arith.constant 6 : index
    %get3A_970 = arith.constant 0 : index
    %get3A_971 = arith.constant 0 : index
    %get3A_972 = vector.load %arg3[%get3A_969, %get3A_970, %get3A_971] : memref<9x128x64xf32, #tpu.memory_space<vmem>>, vector<1x128x64xf32>
    %get3A_973 = vector.shape_cast %get3A_972 : vector<1x128x64xf32> to vector<128x64xf32>
    %convert_element_type3A_974 = arith.truncf %concatenate3A_965 : vector<196x128xf32> to vector<196x128xbf16>
    %convert_element_type3A_975 = arith.truncf %get3A_973 : vector<128x64xf32> to vector<128x64xbf16>
    %dot_general3A_976 = arith.constant dense<0.000000e+00> : vector<196x64xf32>
    %dot_general3A_977 = tpu.matmul %convert_element_type3A_974, %convert_element_type3A_975, %dot_general3A_976 {dimension_numbers = #tpu.dot_dimension_numbers<[1], [0], [0], [1], [0, 0, 1, 1], [], []>, transpose_lhs_hint = false} : vector<196x128xbf16>, vector<128x64xbf16>, vector<196x64xf32> -> vector<196x64xf32>
    %mul3A_978 = vector.broadcast %get3A_968 : vector<196x1xf32> to vector<196x64xf32>
    %mul3A_979 = arith.mulf %mul3A_978, %dot_general3A_977 : vector<196x64xf32>
    %add3A_980 = arith.addf %add3A_961, %mul3A_979 : vector<196x64xf32>
    %slice3A_981 = vector.extract_strided_slice %dot_general3A_779 {offsets = [14, 0], sizes = [182, 128], strides = [1, 1]} : vector<196x128xf32> to vector<182x128xf32>
    %broadcast_in_dim3A_982 = arith.constant 0.000000e+00 : f32
    %broadcast_in_dim3A_983 = vector.broadcast %broadcast_in_dim3A_982 : f32 to vector<14x128xf32>
    %concatenate3A_984 = tpu.concatenate %slice3A_981, %broadcast_in_dim3A_983 in 0 : vector<182x128xf32>, vector<14x128xf32> -> vector<196x128xf32>
    %get3A_985 = arith.constant 0 : index
    %get3A_986 = arith.constant 7 : index
    %get3A_987 = vector.load %arg7[%get3A_985, %get3A_986] : memref<196x16xf32, #tpu.memory_space<vmem>>, vector<196x1xf32>
    %get3A_988 = arith.constant 7 : index
    %get3A_989 = arith.constant 0 : index
    %get3A_990 = arith.constant 0 : index
    %get3A_991 = vector.load %arg3[%get3A_988, %get3A_989, %get3A_990] : memref<9x128x64xf32, #tpu.memory_space<vmem>>, vector<1x128x64xf32>
    %get3A_992 = vector.shape_cast %get3A_991 : vector<1x128x64xf32> to vector<128x64xf32>
    %convert_element_type3A_993 = arith.truncf %concatenate3A_984 : vector<196x128xf32> to vector<196x128xbf16>
    %convert_element_type3A_994 = arith.truncf %get3A_992 : vector<128x64xf32> to vector<128x64xbf16>
    %dot_general3A_995 = arith.constant dense<0.000000e+00> : vector<196x64xf32>
    %dot_general3A_996 = tpu.matmul %convert_element_type3A_993, %convert_element_type3A_994, %dot_general3A_995 {dimension_numbers = #tpu.dot_dimension_numbers<[1], [0], [0], [1], [0, 0, 1, 1], [], []>, transpose_lhs_hint = false} : vector<196x128xbf16>, vector<128x64xbf16>, vector<196x64xf32> -> vector<196x64xf32>
    %mul3A_997 = vector.broadcast %get3A_987 : vector<196x1xf32> to vector<196x64xf32>
    %mul3A_998 = arith.mulf %mul3A_997, %dot_general3A_996 : vector<196x64xf32>
    %add3A_999 = arith.addf %add3A_980, %mul3A_998 : vector<196x64xf32>
    %slice3A_1000 = vector.extract_strided_slice %dot_general3A_779 {offsets = [15, 0], sizes = [181, 128], strides = [1, 1]} : vector<196x128xf32> to vector<181x128xf32>
    %broadcast_in_dim3A_1001 = arith.constant 0.000000e+00 : f32
    %broadcast_in_dim3A_1002 = vector.broadcast %broadcast_in_dim3A_1001 : f32 to vector<15x128xf32>
    %concatenate3A_1003 = tpu.concatenate %slice3A_1000, %broadcast_in_dim3A_1002 in 0 : vector<181x128xf32>, vector<15x128xf32> -> vector<196x128xf32>
    %get3A_1004 = arith.constant 0 : index
    %get3A_1005 = arith.constant 8 : index
    %get3A_1006 = vector.load %arg7[%get3A_1004, %get3A_1005] : memref<196x16xf32, #tpu.memory_space<vmem>>, vector<196x1xf32>
    %get3A_1007 = arith.constant 8 : index
    %get3A_1008 = arith.constant 0 : index
    %get3A_1009 = arith.constant 0 : index
    %get3A_1010 = vector.load %arg3[%get3A_1007, %get3A_1008, %get3A_1009] : memref<9x128x64xf32, #tpu.memory_space<vmem>>, vector<1x128x64xf32>
    %get3A_1011 = vector.shape_cast %get3A_1010 : vector<1x128x64xf32> to vector<128x64xf32>
    %convert_element_type3A_1012 = arith.truncf %concatenate3A_1003 : vector<196x128xf32> to vector<196x128xbf16>
    %convert_element_type3A_1013 = arith.truncf %get3A_1011 : vector<128x64xf32> to vector<128x64xbf16>
    %dot_general3A_1014 = arith.constant dense<0.000000e+00> : vector<196x64xf32>
    %dot_general3A_1015 = tpu.matmul %convert_element_type3A_1012, %convert_element_type3A_1013, %dot_general3A_1014 {dimension_numbers = #tpu.dot_dimension_numbers<[1], [0], [0], [1], [0, 0, 1, 1], [], []>, transpose_lhs_hint = false} : vector<196x128xbf16>, vector<128x64xbf16>, vector<196x64xf32> -> vector<196x64xf32>
    %mul3A_1016 = vector.broadcast %get3A_1006 : vector<196x1xf32> to vector<196x64xf32>
    %mul3A_1017 = arith.mulf %mul3A_1016, %dot_general3A_1015 : vector<196x64xf32>
    %add3A_1018 = arith.addf %add3A_999, %mul3A_1017 : vector<196x64xf32>
    %mul3A_1019 = arith.constant 1.702000e+00 : f32
    %mul3A_1020 = vector.broadcast %mul3A_1019 : f32 to vector<196x64xf32>
    %mul3A_1021 = arith.mulf %mul3A_1020, %add3A_1018 : vector<196x64xf32>
    %logistic3A_1022 = arith.negf %mul3A_1021 : vector<196x64xf32>
    %logistic3A_1023 = math.exp %logistic3A_1022 : vector<196x64xf32>
    %logistic3A_1024 = arith.constant 1.000000e+00 : f32
    %logistic3A_1025 = vector.broadcast %logistic3A_1024 : f32 to vector<196x64xf32>
    %logistic3A_1026 = arith.addf %logistic3A_1025, %logistic3A_1023 : vector<196x64xf32>
    %logistic3A_1027 = arith.divf %logistic3A_1025, %logistic3A_1026 : vector<196x64xf32>
    %mul3A_1028 = arith.mulf %add3A_1018, %logistic3A_1027 : vector<196x64xf32>
    %get3A_1029 = arith.constant 0 : index
    %get3A_1030 = arith.constant 0 : index
    %get3A_1031 = arith.constant 0 : index
    %get3A_1032 = vector.load %arg4[%get3A_1029, %get3A_1030, %get3A_1031] : memref<9x64x64xf32, #tpu.memory_space<vmem>>, vector<1x64x64xf32>
    %get3A_1033 = vector.shape_cast %get3A_1032 : vector<1x64x64xf32> to vector<64x64xf32>
    %get3A_1034 = arith.constant 1 : index
    %get3A_1035 = arith.constant 0 : index
    %get3A_1036 = arith.constant 0 : index
    %get3A_1037 = vector.load %arg4[%get3A_1034, %get3A_1035, %get3A_1036] : memref<9x64x64xf32, #tpu.memory_space<vmem>>, vector<1x64x64xf32>
    %get3A_1038 = vector.shape_cast %get3A_1037 : vector<1x64x64xf32> to vector<64x64xf32>
    %add3A_1039 = arith.addf %get3A_1033, %get3A_1038 : vector<64x64xf32>
    %get3A_1040 = arith.constant 2 : index
    %get3A_1041 = arith.constant 0 : index
    %get3A_1042 = arith.constant 0 : index
    %get3A_1043 = vector.load %arg4[%get3A_1040, %get3A_1041, %get3A_1042] : memref<9x64x64xf32, #tpu.memory_space<vmem>>, vector<1x64x64xf32>
    %get3A_1044 = vector.shape_cast %get3A_1043 : vector<1x64x64xf32> to vector<64x64xf32>
    %add3A_1045 = arith.addf %add3A_1039, %get3A_1044 : vector<64x64xf32>
    %get3A_1046 = arith.constant 3 : index
    %get3A_1047 = arith.constant 0 : index
    %get3A_1048 = arith.constant 0 : index
    %get3A_1049 = vector.load %arg4[%get3A_1046, %get3A_1047, %get3A_1048] : memref<9x64x64xf32, #tpu.memory_space<vmem>>, vector<1x64x64xf32>
    %get3A_1050 = vector.shape_cast %get3A_1049 : vector<1x64x64xf32> to vector<64x64xf32>
    %add3A_1051 = arith.addf %add3A_1045, %get3A_1050 : vector<64x64xf32>
    %get3A_1052 = arith.constant 4 : index
    %get3A_1053 = arith.constant 0 : index
    %get3A_1054 = arith.constant 0 : index
    %get3A_1055 = vector.load %arg4[%get3A_1052, %get3A_1053, %get3A_1054] : memref<9x64x64xf32, #tpu.memory_space<vmem>>, vector<1x64x64xf32>
    %get3A_1056 = vector.shape_cast %get3A_1055 : vector<1x64x64xf32> to vector<64x64xf32>
    %add3A_1057 = arith.addf %add3A_1051, %get3A_1056 : vector<64x64xf32>
    %get3A_1058 = arith.constant 5 : index
    %get3A_1059 = arith.constant 0 : index
    %get3A_1060 = arith.constant 0 : index
    %get3A_1061 = vector.load %arg4[%get3A_1058, %get3A_1059, %get3A_1060] : memref<9x64x64xf32, #tpu.memory_space<vmem>>, vector<1x64x64xf32>
    %get3A_1062 = vector.shape_cast %get3A_1061 : vector<1x64x64xf32> to vector<64x64xf32>
    %add3A_1063 = arith.addf %add3A_1057, %get3A_1062 : vector<64x64xf32>
    %get3A_1064 = arith.constant 6 : index
    %get3A_1065 = arith.constant 0 : index
    %get3A_1066 = arith.constant 0 : index
    %get3A_1067 = vector.load %arg4[%get3A_1064, %get3A_1065, %get3A_1066] : memref<9x64x64xf32, #tpu.memory_space<vmem>>, vector<1x64x64xf32>
    %get3A_1068 = vector.shape_cast %get3A_1067 : vector<1x64x64xf32> to vector<64x64xf32>
    %add3A_1069 = arith.addf %add3A_1063, %get3A_1068 : vector<64x64xf32>
    %get3A_1070 = arith.constant 7 : index
    %get3A_1071 = arith.constant 0 : index
    %get3A_1072 = arith.constant 0 : index
    %get3A_1073 = vector.load %arg4[%get3A_1070, %get3A_1071, %get3A_1072] : memref<9x64x64xf32, #tpu.memory_space<vmem>>, vector<1x64x64xf32>
    %get3A_1074 = vector.shape_cast %get3A_1073 : vector<1x64x64xf32> to vector<64x64xf32>
    %add3A_1075 = arith.addf %add3A_1069, %get3A_1074 : vector<64x64xf32>
    %get3A_1076 = arith.constant 8 : index
    %get3A_1077 = arith.constant 0 : index
    %get3A_1078 = arith.constant 0 : index
    %get3A_1079 = vector.load %arg4[%get3A_1076, %get3A_1077, %get3A_1078] : memref<9x64x64xf32, #tpu.memory_space<vmem>>, vector<1x64x64xf32>
    %get3A_1080 = vector.shape_cast %get3A_1079 : vector<1x64x64xf32> to vector<64x64xf32>
    %add3A_1081 = arith.addf %add3A_1075, %get3A_1080 : vector<64x64xf32>
    %convert_element_type3A_1082 = arith.truncf %dot_general3A_791 : vector<196x64xf32> to vector<196x64xbf16>
    %convert_element_type3A_1083 = arith.truncf %add3A_1081 : vector<64x64xf32> to vector<64x64xbf16>
    %dot_general3A_1084 = arith.constant dense<0.000000e+00> : vector<196x64xf32>
    %dot_general3A_1085 = tpu.matmul %convert_element_type3A_1082, %convert_element_type3A_1083, %dot_general3A_1084 {dimension_numbers = #tpu.dot_dimension_numbers<[1], [0], [0], [1], [0, 0, 1, 1], [], []>, transpose_lhs_hint = false} : vector<196x64xbf16>, vector<64x64xbf16>, vector<196x64xf32> -> vector<196x64xf32>
    %mul3A_1086 = arith.constant -0.699999988 : f32
    %mul3A_1087 = vector.broadcast %mul3A_1086 : f32 to vector<196x64xf32>
    %mul3A_1088 = arith.mulf %dot_general3A_1085, %mul3A_1087 : vector<196x64xf32>
    %broadcast_in_dim3A_1089 = arith.constant 0.000000e+00 : f32
    %broadcast_in_dim3A_1090 = vector.broadcast %broadcast_in_dim3A_1089 : f32 to vector<15x64xf32>
    %slice3A_1091 = vector.extract_strided_slice %dot_general3A_791 {offsets = [0, 0], sizes = [181, 64], strides = [1, 1]} : vector<196x64xf32> to vector<181x64xf32>
    %concatenate3A_1092 = tpu.concatenate %broadcast_in_dim3A_1090, %slice3A_1091 in 0 : vector<15x64xf32>, vector<181x64xf32> -> vector<196x64xf32>
    %get3A_1093 = arith.constant 0 : index
    %get3A_1094 = arith.constant 0 : index
    %get3A_1095 = vector.load %arg7[%get3A_1093, %get3A_1094] : memref<196x16xf32, #tpu.memory_space<vmem>>, vector<196x1xf32>
    %get3A_1096 = arith.constant 0 : index
    %get3A_1097 = arith.constant 0 : index
    %get3A_1098 = arith.constant 0 : index
    %get3A_1099 = vector.load %arg4[%get3A_1096, %get3A_1097, %get3A_1098] : memref<9x64x64xf32, #tpu.memory_space<vmem>>, vector<1x64x64xf32>
    %get3A_1100 = vector.shape_cast %get3A_1099 : vector<1x64x64xf32> to vector<64x64xf32>
    %convert_element_type3A_1101 = arith.truncf %concatenate3A_1092 : vector<196x64xf32> to vector<196x64xbf16>
    %convert_element_type3A_1102 = arith.truncf %get3A_1100 : vector<64x64xf32> to vector<64x64xbf16>
    %dot_general3A_1103 = arith.constant dense<0.000000e+00> : vector<196x64xf32>
    %dot_general3A_1104 = tpu.matmul %convert_element_type3A_1101, %convert_element_type3A_1102, %dot_general3A_1103 {dimension_numbers = #tpu.dot_dimension_numbers<[1], [0], [0], [1], [0, 0, 1, 1], [], []>, transpose_lhs_hint = false} : vector<196x64xbf16>, vector<64x64xbf16>, vector<196x64xf32> -> vector<196x64xf32>
    %mul3A_1105 = vector.broadcast %get3A_1095 : vector<196x1xf32> to vector<196x64xf32>
    %mul3A_1106 = arith.mulf %mul3A_1105, %dot_general3A_1104 : vector<196x64xf32>
    %add3A_1107 = arith.addf %mul3A_1088, %mul3A_1106 : vector<196x64xf32>
    %broadcast_in_dim3A_1108 = arith.constant 0.000000e+00 : f32
    %broadcast_in_dim3A_1109 = vector.broadcast %broadcast_in_dim3A_1108 : f32 to vector<14x64xf32>
    %slice3A_1110 = vector.extract_strided_slice %dot_general3A_791 {offsets = [0, 0], sizes = [182, 64], strides = [1, 1]} : vector<196x64xf32> to vector<182x64xf32>
    %concatenate3A_1111 = tpu.concatenate %broadcast_in_dim3A_1109, %slice3A_1110 in 0 : vector<14x64xf32>, vector<182x64xf32> -> vector<196x64xf32>
    %get3A_1112 = arith.constant 0 : index
    %get3A_1113 = arith.constant 1 : index
    %get3A_1114 = vector.load %arg7[%get3A_1112, %get3A_1113] : memref<196x16xf32, #tpu.memory_space<vmem>>, vector<196x1xf32>
    %get3A_1115 = arith.constant 1 : index
    %get3A_1116 = arith.constant 0 : index
    %get3A_1117 = arith.constant 0 : index
    %get3A_1118 = vector.load %arg4[%get3A_1115, %get3A_1116, %get3A_1117] : memref<9x64x64xf32, #tpu.memory_space<vmem>>, vector<1x64x64xf32>
    %get3A_1119 = vector.shape_cast %get3A_1118 : vector<1x64x64xf32> to vector<64x64xf32>
    %convert_element_type3A_1120 = arith.truncf %concatenate3A_1111 : vector<196x64xf32> to vector<196x64xbf16>
    %convert_element_type3A_1121 = arith.truncf %get3A_1119 : vector<64x64xf32> to vector<64x64xbf16>
    %dot_general3A_1122 = arith.constant dense<0.000000e+00> : vector<196x64xf32>
    %dot_general3A_1123 = tpu.matmul %convert_element_type3A_1120, %convert_element_type3A_1121, %dot_general3A_1122 {dimension_numbers = #tpu.dot_dimension_numbers<[1], [0], [0], [1], [0, 0, 1, 1], [], []>, transpose_lhs_hint = false} : vector<196x64xbf16>, vector<64x64xbf16>, vector<196x64xf32> -> vector<196x64xf32>
    %mul3A_1124 = vector.broadcast %get3A_1114 : vector<196x1xf32> to vector<196x64xf32>
    %mul3A_1125 = arith.mulf %mul3A_1124, %dot_general3A_1123 : vector<196x64xf32>
    %add3A_1126 = arith.addf %add3A_1107, %mul3A_1125 : vector<196x64xf32>
    %broadcast_in_dim3A_1127 = arith.constant 0.000000e+00 : f32
    %broadcast_in_dim3A_1128 = vector.broadcast %broadcast_in_dim3A_1127 : f32 to vector<13x64xf32>
    %slice3A_1129 = vector.extract_strided_slice %dot_general3A_791 {offsets = [0, 0], sizes = [183, 64], strides = [1, 1]} : vector<196x64xf32> to vector<183x64xf32>
    %concatenate3A_1130 = tpu.concatenate %broadcast_in_dim3A_1128, %slice3A_1129 in 0 : vector<13x64xf32>, vector<183x64xf32> -> vector<196x64xf32>
    %get3A_1131 = arith.constant 0 : index
    %get3A_1132 = arith.constant 2 : index
    %get3A_1133 = vector.load %arg7[%get3A_1131, %get3A_1132] : memref<196x16xf32, #tpu.memory_space<vmem>>, vector<196x1xf32>
    %get3A_1134 = arith.constant 2 : index
    %get3A_1135 = arith.constant 0 : index
    %get3A_1136 = arith.constant 0 : index
    %get3A_1137 = vector.load %arg4[%get3A_1134, %get3A_1135, %get3A_1136] : memref<9x64x64xf32, #tpu.memory_space<vmem>>, vector<1x64x64xf32>
    %get3A_1138 = vector.shape_cast %get3A_1137 : vector<1x64x64xf32> to vector<64x64xf32>
    %convert_element_type3A_1139 = arith.truncf %concatenate3A_1130 : vector<196x64xf32> to vector<196x64xbf16>
    %convert_element_type3A_1140 = arith.truncf %get3A_1138 : vector<64x64xf32> to vector<64x64xbf16>
    %dot_general3A_1141 = arith.constant dense<0.000000e+00> : vector<196x64xf32>
    %dot_general3A_1142 = tpu.matmul %convert_element_type3A_1139, %convert_element_type3A_1140, %dot_general3A_1141 {dimension_numbers = #tpu.dot_dimension_numbers<[1], [0], [0], [1], [0, 0, 1, 1], [], []>, transpose_lhs_hint = false} : vector<196x64xbf16>, vector<64x64xbf16>, vector<196x64xf32> -> vector<196x64xf32>
    %mul3A_1143 = vector.broadcast %get3A_1133 : vector<196x1xf32> to vector<196x64xf32>
    %mul3A_1144 = arith.mulf %mul3A_1143, %dot_general3A_1142 : vector<196x64xf32>
    %add3A_1145 = arith.addf %add3A_1126, %mul3A_1144 : vector<196x64xf32>
    %broadcast_in_dim3A_1146 = arith.constant 0.000000e+00 : f32
    %broadcast_in_dim3A_1147 = vector.broadcast %broadcast_in_dim3A_1146 : f32 to vector<1x64xf32>
    %slice3A_1148 = vector.extract_strided_slice %dot_general3A_791 {offsets = [0, 0], sizes = [195, 64], strides = [1, 1]} : vector<196x64xf32> to vector<195x64xf32>
    %concatenate3A_1149 = tpu.concatenate %broadcast_in_dim3A_1147, %slice3A_1148 in 0 : vector<1x64xf32>, vector<195x64xf32> -> vector<196x64xf32>
    %get3A_1150 = arith.constant 0 : index
    %get3A_1151 = arith.constant 3 : index
    %get3A_1152 = vector.load %arg7[%get3A_1150, %get3A_1151] : memref<196x16xf32, #tpu.memory_space<vmem>>, vector<196x1xf32>
    %get3A_1153 = arith.constant 3 : index
    %get3A_1154 = arith.constant 0 : index
    %get3A_1155 = arith.constant 0 : index
    %get3A_1156 = vector.load %arg4[%get3A_1153, %get3A_1154, %get3A_1155] : memref<9x64x64xf32, #tpu.memory_space<vmem>>, vector<1x64x64xf32>
    %get3A_1157 = vector.shape_cast %get3A_1156 : vector<1x64x64xf32> to vector<64x64xf32>
    %convert_element_type3A_1158 = arith.truncf %concatenate3A_1149 : vector<196x64xf32> to vector<196x64xbf16>
    %convert_element_type3A_1159 = arith.truncf %get3A_1157 : vector<64x64xf32> to vector<64x64xbf16>
    %dot_general3A_1160 = arith.constant dense<0.000000e+00> : vector<196x64xf32>
    %dot_general3A_1161 = tpu.matmul %convert_element_type3A_1158, %convert_element_type3A_1159, %dot_general3A_1160 {dimension_numbers = #tpu.dot_dimension_numbers<[1], [0], [0], [1], [0, 0, 1, 1], [], []>, transpose_lhs_hint = false} : vector<196x64xbf16>, vector<64x64xbf16>, vector<196x64xf32> -> vector<196x64xf32>
    %mul3A_1162 = vector.broadcast %get3A_1152 : vector<196x1xf32> to vector<196x64xf32>
    %mul3A_1163 = arith.mulf %mul3A_1162, %dot_general3A_1161 : vector<196x64xf32>
    %add3A_1164 = arith.addf %add3A_1145, %mul3A_1163 : vector<196x64xf32>
    %get3A_1165 = arith.constant 0 : index
    %get3A_1166 = arith.constant 4 : index
    %get3A_1167 = vector.load %arg7[%get3A_1165, %get3A_1166] : memref<196x16xf32, #tpu.memory_space<vmem>>, vector<196x1xf32>
    %get3A_1168 = arith.constant 4 : index
    %get3A_1169 = arith.constant 0 : index
    %get3A_1170 = arith.constant 0 : index
    %get3A_1171 = vector.load %arg4[%get3A_1168, %get3A_1169, %get3A_1170] : memref<9x64x64xf32, #tpu.memory_space<vmem>>, vector<1x64x64xf32>
    %get3A_1172 = vector.shape_cast %get3A_1171 : vector<1x64x64xf32> to vector<64x64xf32>
    %convert_element_type3A_1173 = arith.truncf %dot_general3A_791 : vector<196x64xf32> to vector<196x64xbf16>
    %convert_element_type3A_1174 = arith.truncf %get3A_1172 : vector<64x64xf32> to vector<64x64xbf16>
    %dot_general3A_1175 = arith.constant dense<0.000000e+00> : vector<196x64xf32>
    %dot_general3A_1176 = tpu.matmul %convert_element_type3A_1173, %convert_element_type3A_1174, %dot_general3A_1175 {dimension_numbers = #tpu.dot_dimension_numbers<[1], [0], [0], [1], [0, 0, 1, 1], [], []>, transpose_lhs_hint = false} : vector<196x64xbf16>, vector<64x64xbf16>, vector<196x64xf32> -> vector<196x64xf32>
    %mul3A_1177 = vector.broadcast %get3A_1167 : vector<196x1xf32> to vector<196x64xf32>
    %mul3A_1178 = arith.mulf %mul3A_1177, %dot_general3A_1176 : vector<196x64xf32>
    %add3A_1179 = arith.addf %add3A_1164, %mul3A_1178 : vector<196x64xf32>
    %slice3A_1180 = vector.extract_strided_slice %dot_general3A_791 {offsets = [1, 0], sizes = [195, 64], strides = [1, 1]} : vector<196x64xf32> to vector<195x64xf32>
    %broadcast_in_dim3A_1181 = arith.constant 0.000000e+00 : f32
    %broadcast_in_dim3A_1182 = vector.broadcast %broadcast_in_dim3A_1181 : f32 to vector<1x64xf32>
    %concatenate3A_1183 = tpu.concatenate %slice3A_1180, %broadcast_in_dim3A_1182 in 0 : vector<195x64xf32>, vector<1x64xf32> -> vector<196x64xf32>
    %get3A_1184 = arith.constant 0 : index
    %get3A_1185 = arith.constant 5 : index
    %get3A_1186 = vector.load %arg7[%get3A_1184, %get3A_1185] : memref<196x16xf32, #tpu.memory_space<vmem>>, vector<196x1xf32>
    %get3A_1187 = arith.constant 5 : index
    %get3A_1188 = arith.constant 0 : index
    %get3A_1189 = arith.constant 0 : index
    %get3A_1190 = vector.load %arg4[%get3A_1187, %get3A_1188, %get3A_1189] : memref<9x64x64xf32, #tpu.memory_space<vmem>>, vector<1x64x64xf32>
    %get3A_1191 = vector.shape_cast %get3A_1190 : vector<1x64x64xf32> to vector<64x64xf32>
    %convert_element_type3A_1192 = arith.truncf %concatenate3A_1183 : vector<196x64xf32> to vector<196x64xbf16>
    %convert_element_type3A_1193 = arith.truncf %get3A_1191 : vector<64x64xf32> to vector<64x64xbf16>
    %dot_general3A_1194 = arith.constant dense<0.000000e+00> : vector<196x64xf32>
    %dot_general3A_1195 = tpu.matmul %convert_element_type3A_1192, %convert_element_type3A_1193, %dot_general3A_1194 {dimension_numbers = #tpu.dot_dimension_numbers<[1], [0], [0], [1], [0, 0, 1, 1], [], []>, transpose_lhs_hint = false} : vector<196x64xbf16>, vector<64x64xbf16>, vector<196x64xf32> -> vector<196x64xf32>
    %mul3A_1196 = vector.broadcast %get3A_1186 : vector<196x1xf32> to vector<196x64xf32>
    %mul3A_1197 = arith.mulf %mul3A_1196, %dot_general3A_1195 : vector<196x64xf32>
    %add3A_1198 = arith.addf %add3A_1179, %mul3A_1197 : vector<196x64xf32>
    %slice3A_1199 = vector.extract_strided_slice %dot_general3A_791 {offsets = [13, 0], sizes = [183, 64], strides = [1, 1]} : vector<196x64xf32> to vector<183x64xf32>
    %broadcast_in_dim3A_1200 = arith.constant 0.000000e+00 : f32
    %broadcast_in_dim3A_1201 = vector.broadcast %broadcast_in_dim3A_1200 : f32 to vector<13x64xf32>
    %concatenate3A_1202 = tpu.concatenate %slice3A_1199, %broadcast_in_dim3A_1201 in 0 : vector<183x64xf32>, vector<13x64xf32> -> vector<196x64xf32>
    %get3A_1203 = arith.constant 0 : index
    %get3A_1204 = arith.constant 6 : index
    %get3A_1205 = vector.load %arg7[%get3A_1203, %get3A_1204] : memref<196x16xf32, #tpu.memory_space<vmem>>, vector<196x1xf32>
    %get3A_1206 = arith.constant 6 : index
    %get3A_1207 = arith.constant 0 : index
    %get3A_1208 = arith.constant 0 : index
    %get3A_1209 = vector.load %arg4[%get3A_1206, %get3A_1207, %get3A_1208] : memref<9x64x64xf32, #tpu.memory_space<vmem>>, vector<1x64x64xf32>
    %get3A_1210 = vector.shape_cast %get3A_1209 : vector<1x64x64xf32> to vector<64x64xf32>
    %convert_element_type3A_1211 = arith.truncf %concatenate3A_1202 : vector<196x64xf32> to vector<196x64xbf16>
    %convert_element_type3A_1212 = arith.truncf %get3A_1210 : vector<64x64xf32> to vector<64x64xbf16>
    %dot_general3A_1213 = arith.constant dense<0.000000e+00> : vector<196x64xf32>
    %dot_general3A_1214 = tpu.matmul %convert_element_type3A_1211, %convert_element_type3A_1212, %dot_general3A_1213 {dimension_numbers = #tpu.dot_dimension_numbers<[1], [0], [0], [1], [0, 0, 1, 1], [], []>, transpose_lhs_hint = false} : vector<196x64xbf16>, vector<64x64xbf16>, vector<196x64xf32> -> vector<196x64xf32>
    %mul3A_1215 = vector.broadcast %get3A_1205 : vector<196x1xf32> to vector<196x64xf32>
    %mul3A_1216 = arith.mulf %mul3A_1215, %dot_general3A_1214 : vector<196x64xf32>
    %add3A_1217 = arith.addf %add3A_1198, %mul3A_1216 : vector<196x64xf32>
    %slice3A_1218 = vector.extract_strided_slice %dot_general3A_791 {offsets = [14, 0], sizes = [182, 64], strides = [1, 1]} : vector<196x64xf32> to vector<182x64xf32>
    %broadcast_in_dim3A_1219 = arith.constant 0.000000e+00 : f32
    %broadcast_in_dim3A_1220 = vector.broadcast %broadcast_in_dim3A_1219 : f32 to vector<14x64xf32>
    %concatenate3A_1221 = tpu.concatenate %slice3A_1218, %broadcast_in_dim3A_1220 in 0 : vector<182x64xf32>, vector<14x64xf32> -> vector<196x64xf32>
    %get3A_1222 = arith.constant 0 : index
    %get3A_1223 = arith.constant 7 : index
    %get3A_1224 = vector.load %arg7[%get3A_1222, %get3A_1223] : memref<196x16xf32, #tpu.memory_space<vmem>>, vector<196x1xf32>
    %get3A_1225 = arith.constant 7 : index
    %get3A_1226 = arith.constant 0 : index
    %get3A_1227 = arith.constant 0 : index
    %get3A_1228 = vector.load %arg4[%get3A_1225, %get3A_1226, %get3A_1227] : memref<9x64x64xf32, #tpu.memory_space<vmem>>, vector<1x64x64xf32>
    %get3A_1229 = vector.shape_cast %get3A_1228 : vector<1x64x64xf32> to vector<64x64xf32>
    %convert_element_type3A_1230 = arith.truncf %concatenate3A_1221 : vector<196x64xf32> to vector<196x64xbf16>
    %convert_element_type3A_1231 = arith.truncf %get3A_1229 : vector<64x64xf32> to vector<64x64xbf16>
    %dot_general3A_1232 = arith.constant dense<0.000000e+00> : vector<196x64xf32>
    %dot_general3A_1233 = tpu.matmul %convert_element_type3A_1230, %convert_element_type3A_1231, %dot_general3A_1232 {dimension_numbers = #tpu.dot_dimension_numbers<[1], [0], [0], [1], [0, 0, 1, 1], [], []>, transpose_lhs_hint = false} : vector<196x64xbf16>, vector<64x64xbf16>, vector<196x64xf32> -> vector<196x64xf32>
    %mul3A_1234 = vector.broadcast %get3A_1224 : vector<196x1xf32> to vector<196x64xf32>
    %mul3A_1235 = arith.mulf %mul3A_1234, %dot_general3A_1233 : vector<196x64xf32>
    %add3A_1236 = arith.addf %add3A_1217, %mul3A_1235 : vector<196x64xf32>
    %slice3A_1237 = vector.extract_strided_slice %dot_general3A_791 {offsets = [15, 0], sizes = [181, 64], strides = [1, 1]} : vector<196x64xf32> to vector<181x64xf32>
    %broadcast_in_dim3A_1238 = arith.constant 0.000000e+00 : f32
    %broadcast_in_dim3A_1239 = vector.broadcast %broadcast_in_dim3A_1238 : f32 to vector<15x64xf32>
    %concatenate3A_1240 = tpu.concatenate %slice3A_1237, %broadcast_in_dim3A_1239 in 0 : vector<181x64xf32>, vector<15x64xf32> -> vector<196x64xf32>
    %get3A_1241 = arith.constant 0 : index
    %get3A_1242 = arith.constant 8 : index
    %get3A_1243 = vector.load %arg7[%get3A_1241, %get3A_1242] : memref<196x16xf32, #tpu.memory_space<vmem>>, vector<196x1xf32>
    %get3A_1244 = arith.constant 8 : index
    %get3A_1245 = arith.constant 0 : index
    %get3A_1246 = arith.constant 0 : index
    %get3A_1247 = vector.load %arg4[%get3A_1244, %get3A_1245, %get3A_1246] : memref<9x64x64xf32, #tpu.memory_space<vmem>>, vector<1x64x64xf32>
    %get3A_1248 = vector.shape_cast %get3A_1247 : vector<1x64x64xf32> to vector<64x64xf32>
    %convert_element_type3A_1249 = arith.truncf %concatenate3A_1240 : vector<196x64xf32> to vector<196x64xbf16>
    %convert_element_type3A_1250 = arith.truncf %get3A_1248 : vector<64x64xf32> to vector<64x64xbf16>
    %dot_general3A_1251 = arith.constant dense<0.000000e+00> : vector<196x64xf32>
    %dot_general3A_1252 = tpu.matmul %convert_element_type3A_1249, %convert_element_type3A_1250, %dot_general3A_1251 {dimension_numbers = #tpu.dot_dimension_numbers<[1], [0], [0], [1], [0, 0, 1, 1], [], []>, transpose_lhs_hint = false} : vector<196x64xbf16>, vector<64x64xbf16>, vector<196x64xf32> -> vector<196x64xf32>
    %mul3A_1253 = vector.broadcast %get3A_1243 : vector<196x1xf32> to vector<196x64xf32>
    %mul3A_1254 = arith.mulf %mul3A_1253, %dot_general3A_1252 : vector<196x64xf32>
    %add3A_1255 = arith.addf %add3A_1236, %mul3A_1254 : vector<196x64xf32>
    %mul3A_1256 = arith.constant 1.702000e+00 : f32
    %mul3A_1257 = vector.broadcast %mul3A_1256 : f32 to vector<196x64xf32>
    %mul3A_1258 = arith.mulf %mul3A_1257, %add3A_1255 : vector<196x64xf32>
    %logistic3A_1259 = arith.negf %mul3A_1258 : vector<196x64xf32>
    %logistic3A_1260 = math.exp %logistic3A_1259 : vector<196x64xf32>
    %logistic3A_1261 = arith.constant 1.000000e+00 : f32
    %logistic3A_1262 = vector.broadcast %logistic3A_1261 : f32 to vector<196x64xf32>
    %logistic3A_1263 = arith.addf %logistic3A_1262, %logistic3A_1260 : vector<196x64xf32>
    %logistic3A_1264 = arith.divf %logistic3A_1262, %logistic3A_1263 : vector<196x64xf32>
    %mul3A_1265 = arith.mulf %add3A_1255, %logistic3A_1264 : vector<196x64xf32>
    %concatenate3A_1266 = tpu.concatenate %mul3A_1265, %mul3A_1028 in 1 : vector<196x64xf32>, vector<196x64xf32> -> vector<196x128xf32>
    %reduce_sum3A_1267 = arith.constant dense<0.000000e+00> : vector<128xf32>
    %reduce_sum3A_1268 = vector.multi_reduction <add>, %concatenate3A_1266, %reduce_sum3A_1267 [0] : vector<196x128xf32> to vector<128xf32>
    %broadcast_in_dim3A_1269 = vector.shape_cast %reduce_sum3A_1268 : vector<128xf32> to vector<1x128xf32>
    %div3A_1270 = arith.constant 1.960000e+02 : f32
    %div3A_1271 = vector.broadcast %div3A_1270 : f32 to vector<1x128xf32>
    %div3A_1272 = arith.divf %broadcast_in_dim3A_1269, %div3A_1271 : vector<1x128xf32>
    %broadcast_in_dim3A_1273 = arith.constant 0.000000e+00 : f32
    %broadcast_in_dim3A_1274 = vector.broadcast %broadcast_in_dim3A_1273 : f32 to vector<1x1xf32>
    %slice3A_1275 = vector.extract_strided_slice %div3A_1272 {offsets = [0, 0], sizes = [1, 127], strides = [1, 1]} : vector<1x128xf32> to vector<1x127xf32>
    %concatenate3A_1276 = tpu.concatenate %broadcast_in_dim3A_1274, %slice3A_1275 in 1 : vector<1x1xf32>, vector<1x127xf32> -> vector<1x128xf32>
    %slice3A_1277 = vector.extract_strided_slice %div3A_1272 {offsets = [0, 1], sizes = [1, 127], strides = [1, 1]} : vector<1x128xf32> to vector<1x127xf32>
    %broadcast_in_dim3A_1278 = arith.constant 0.000000e+00 : f32
    %broadcast_in_dim3A_1279 = vector.broadcast %broadcast_in_dim3A_1278 : f32 to vector<1x1xf32>
    %concatenate3A_1280 = tpu.concatenate %slice3A_1277, %broadcast_in_dim3A_1279 in 1 : vector<1x127xf32>, vector<1x1xf32> -> vector<1x128xf32>
    %get3A_1281 = arith.constant 0 : index
    %get3A_1282 = memref.load %arg8[%get3A_1281] : memref<3xf32, #tpu.memory_space<smem>>
    %mul3A_1283 = vector.broadcast %get3A_1282 : f32 to vector<1x128xf32>
    %mul3A_1284 = arith.mulf %mul3A_1283, %concatenate3A_1276 : vector<1x128xf32>
    %get3A_1285 = arith.constant 1 : index
    %get3A_1286 = memref.load %arg8[%get3A_1285] : memref<3xf32, #tpu.memory_space<smem>>
    %mul3A_1287 = vector.broadcast %get3A_1286 : f32 to vector<1x128xf32>
    %mul3A_1288 = arith.mulf %mul3A_1287, %div3A_1272 : vector<1x128xf32>
    %add3A_1289 = arith.addf %mul3A_1284, %mul3A_1288 : vector<1x128xf32>
    %get3A_1290 = arith.constant 2 : index
    %get3A_1291 = memref.load %arg8[%get3A_1290] : memref<3xf32, #tpu.memory_space<smem>>
    %mul3A_1292 = vector.broadcast %get3A_1291 : f32 to vector<1x128xf32>
    %mul3A_1293 = arith.mulf %mul3A_1292, %concatenate3A_1280 : vector<1x128xf32>
    %add3A_1294 = arith.addf %add3A_1289, %mul3A_1293 : vector<1x128xf32>
    %neg3A_1295 = arith.constant 0.000000e+00 : f32
    %neg3A_1296 = vector.broadcast %neg3A_1295 : f32 to vector<1x128xf32>
    %neg3A_1297 = arith.subf %neg3A_1296, %add3A_1294 : vector<1x128xf32>
    %exp3A_1298 = math.exp %neg3A_1297 : vector<1x128xf32>
    %add3A_1299 = arith.constant 1.000000e+00 : f32
    %add3A_1300 = vector.broadcast %add3A_1299 : f32 to vector<1x128xf32>
    %add3A_1301 = arith.addf %add3A_1300, %exp3A_1298 : vector<1x128xf32>
    %div3A_1302 = arith.constant 1.000000e+00 : f32
    %div3A_1303 = vector.broadcast %div3A_1302 : f32 to vector<1x128xf32>
    %div3A_1304 = arith.divf %div3A_1303, %add3A_1301 : vector<1x128xf32>
    %mul3A_1305 = vector.broadcast %div3A_1304 : vector<1x128xf32> to vector<196x128xf32>
    %mul3A_1306 = arith.mulf %concatenate3A_1266, %mul3A_1305 : vector<196x128xf32>
    %get3A_1307 = arith.constant 0 : index
    %get3A_1308 = arith.constant 0 : index
    %get3A_1309 = arith.constant 0 : index
    %get3A_1310 = vector.load %arg5[%get3A_1307, %get3A_1308, %get3A_1309] : memref<9x128x64xf32, #tpu.memory_space<vmem>>, vector<1x128x64xf32>
    %get3A_1311 = vector.shape_cast %get3A_1310 : vector<1x128x64xf32> to vector<128x64xf32>
    %get3A_1312 = arith.constant 1 : index
    %get3A_1313 = arith.constant 0 : index
    %get3A_1314 = arith.constant 0 : index
    %get3A_1315 = vector.load %arg5[%get3A_1312, %get3A_1313, %get3A_1314] : memref<9x128x64xf32, #tpu.memory_space<vmem>>, vector<1x128x64xf32>
    %get3A_1316 = vector.shape_cast %get3A_1315 : vector<1x128x64xf32> to vector<128x64xf32>
    %add3A_1317 = arith.addf %get3A_1311, %get3A_1316 : vector<128x64xf32>
    %get3A_1318 = arith.constant 2 : index
    %get3A_1319 = arith.constant 0 : index
    %get3A_1320 = arith.constant 0 : index
    %get3A_1321 = vector.load %arg5[%get3A_1318, %get3A_1319, %get3A_1320] : memref<9x128x64xf32, #tpu.memory_space<vmem>>, vector<1x128x64xf32>
    %get3A_1322 = vector.shape_cast %get3A_1321 : vector<1x128x64xf32> to vector<128x64xf32>
    %add3A_1323 = arith.addf %add3A_1317, %get3A_1322 : vector<128x64xf32>
    %get3A_1324 = arith.constant 3 : index
    %get3A_1325 = arith.constant 0 : index
    %get3A_1326 = arith.constant 0 : index
    %get3A_1327 = vector.load %arg5[%get3A_1324, %get3A_1325, %get3A_1326] : memref<9x128x64xf32, #tpu.memory_space<vmem>>, vector<1x128x64xf32>
    %get3A_1328 = vector.shape_cast %get3A_1327 : vector<1x128x64xf32> to vector<128x64xf32>
    %add3A_1329 = arith.addf %add3A_1323, %get3A_1328 : vector<128x64xf32>
    %get3A_1330 = arith.constant 4 : index
    %get3A_1331 = arith.constant 0 : index
    %get3A_1332 = arith.constant 0 : index
    %get3A_1333 = vector.load %arg5[%get3A_1330, %get3A_1331, %get3A_1332] : memref<9x128x64xf32, #tpu.memory_space<vmem>>, vector<1x128x64xf32>
    %get3A_1334 = vector.shape_cast %get3A_1333 : vector<1x128x64xf32> to vector<128x64xf32>
    %add3A_1335 = arith.addf %add3A_1329, %get3A_1334 : vector<128x64xf32>
    %get3A_1336 = arith.constant 5 : index
    %get3A_1337 = arith.constant 0 : index
    %get3A_1338 = arith.constant 0 : index
    %get3A_1339 = vector.load %arg5[%get3A_1336, %get3A_1337, %get3A_1338] : memref<9x128x64xf32, #tpu.memory_space<vmem>>, vector<1x128x64xf32>
    %get3A_1340 = vector.shape_cast %get3A_1339 : vector<1x128x64xf32> to vector<128x64xf32>
    %add3A_1341 = arith.addf %add3A_1335, %get3A_1340 : vector<128x64xf32>
    %get3A_1342 = arith.constant 6 : index
    %get3A_1343 = arith.constant 0 : index
    %get3A_1344 = arith.constant 0 : index
    %get3A_1345 = vector.load %arg5[%get3A_1342, %get3A_1343, %get3A_1344] : memref<9x128x64xf32, #tpu.memory_space<vmem>>, vector<1x128x64xf32>
    %get3A_1346 = vector.shape_cast %get3A_1345 : vector<1x128x64xf32> to vector<128x64xf32>
    %add3A_1347 = arith.addf %add3A_1341, %get3A_1346 : vector<128x64xf32>
    %get3A_1348 = arith.constant 7 : index
    %get3A_1349 = arith.constant 0 : index
    %get3A_1350 = arith.constant 0 : index
    %get3A_1351 = vector.load %arg5[%get3A_1348, %get3A_1349, %get3A_1350] : memref<9x128x64xf32, #tpu.memory_space<vmem>>, vector<1x128x64xf32>
    %get3A_1352 = vector.shape_cast %get3A_1351 : vector<1x128x64xf32> to vector<128x64xf32>
    %add3A_1353 = arith.addf %add3A_1347, %get3A_1352 : vector<128x64xf32>
    %get3A_1354 = arith.constant 8 : index
    %get3A_1355 = arith.constant 0 : index
    %get3A_1356 = arith.constant 0 : index
    %get3A_1357 = vector.load %arg5[%get3A_1354, %get3A_1355, %get3A_1356] : memref<9x128x64xf32, #tpu.memory_space<vmem>>, vector<1x128x64xf32>
    %get3A_1358 = vector.shape_cast %get3A_1357 : vector<1x128x64xf32> to vector<128x64xf32>
    %add3A_1359 = arith.addf %add3A_1353, %get3A_1358 : vector<128x64xf32>
    %convert_element_type3A_1360 = arith.truncf %mul3A_1306 : vector<196x128xf32> to vector<196x128xbf16>
    %convert_element_type3A_1361 = arith.truncf %add3A_1359 : vector<128x64xf32> to vector<128x64xbf16>
    %dot_general3A_1362 = arith.constant dense<0.000000e+00> : vector<196x64xf32>
    %dot_general3A_1363 = tpu.matmul %convert_element_type3A_1360, %convert_element_type3A_1361, %dot_general3A_1362 {dimension_numbers = #tpu.dot_dimension_numbers<[1], [0], [0], [1], [0, 0, 1, 1], [], []>, transpose_lhs_hint = false} : vector<196x128xbf16>, vector<128x64xbf16>, vector<196x64xf32> -> vector<196x64xf32>
    %mul3A_1364 = arith.constant -0.699999988 : f32
    %mul3A_1365 = vector.broadcast %mul3A_1364 : f32 to vector<196x64xf32>
    %mul3A_1366 = arith.mulf %dot_general3A_1363, %mul3A_1365 : vector<196x64xf32>
    %broadcast_in_dim3A_1367 = arith.constant 0.000000e+00 : f32
    %broadcast_in_dim3A_1368 = vector.broadcast %broadcast_in_dim3A_1367 : f32 to vector<15x128xf32>
    %slice3A_1369 = vector.extract_strided_slice %mul3A_1306 {offsets = [0, 0], sizes = [181, 128], strides = [1, 1]} : vector<196x128xf32> to vector<181x128xf32>
    %concatenate3A_1370 = tpu.concatenate %broadcast_in_dim3A_1368, %slice3A_1369 in 0 : vector<15x128xf32>, vector<181x128xf32> -> vector<196x128xf32>
    %get3A_1371 = arith.constant 0 : index
    %get3A_1372 = arith.constant 0 : index
    %get3A_1373 = vector.load %arg7[%get3A_1371, %get3A_1372] : memref<196x16xf32, #tpu.memory_space<vmem>>, vector<196x1xf32>
    %get3A_1374 = arith.constant 0 : index
    %get3A_1375 = arith.constant 0 : index
    %get3A_1376 = arith.constant 0 : index
    %get3A_1377 = vector.load %arg5[%get3A_1374, %get3A_1375, %get3A_1376] : memref<9x128x64xf32, #tpu.memory_space<vmem>>, vector<1x128x64xf32>
    %get3A_1378 = vector.shape_cast %get3A_1377 : vector<1x128x64xf32> to vector<128x64xf32>
    %convert_element_type3A_1379 = arith.truncf %concatenate3A_1370 : vector<196x128xf32> to vector<196x128xbf16>
    %convert_element_type3A_1380 = arith.truncf %get3A_1378 : vector<128x64xf32> to vector<128x64xbf16>
    %dot_general3A_1381 = arith.constant dense<0.000000e+00> : vector<196x64xf32>
    %dot_general3A_1382 = tpu.matmul %convert_element_type3A_1379, %convert_element_type3A_1380, %dot_general3A_1381 {dimension_numbers = #tpu.dot_dimension_numbers<[1], [0], [0], [1], [0, 0, 1, 1], [], []>, transpose_lhs_hint = false} : vector<196x128xbf16>, vector<128x64xbf16>, vector<196x64xf32> -> vector<196x64xf32>
    %mul3A_1383 = vector.broadcast %get3A_1373 : vector<196x1xf32> to vector<196x64xf32>
    %mul3A_1384 = arith.mulf %mul3A_1383, %dot_general3A_1382 : vector<196x64xf32>
    %add3A_1385 = arith.addf %mul3A_1366, %mul3A_1384 : vector<196x64xf32>
    %broadcast_in_dim3A_1386 = arith.constant 0.000000e+00 : f32
    %broadcast_in_dim3A_1387 = vector.broadcast %broadcast_in_dim3A_1386 : f32 to vector<14x128xf32>
    %slice3A_1388 = vector.extract_strided_slice %mul3A_1306 {offsets = [0, 0], sizes = [182, 128], strides = [1, 1]} : vector<196x128xf32> to vector<182x128xf32>
    %concatenate3A_1389 = tpu.concatenate %broadcast_in_dim3A_1387, %slice3A_1388 in 0 : vector<14x128xf32>, vector<182x128xf32> -> vector<196x128xf32>
    %get3A_1390 = arith.constant 0 : index
    %get3A_1391 = arith.constant 1 : index
    %get3A_1392 = vector.load %arg7[%get3A_1390, %get3A_1391] : memref<196x16xf32, #tpu.memory_space<vmem>>, vector<196x1xf32>
    %get3A_1393 = arith.constant 1 : index
    %get3A_1394 = arith.constant 0 : index
    %get3A_1395 = arith.constant 0 : index
    %get3A_1396 = vector.load %arg5[%get3A_1393, %get3A_1394, %get3A_1395] : memref<9x128x64xf32, #tpu.memory_space<vmem>>, vector<1x128x64xf32>
    %get3A_1397 = vector.shape_cast %get3A_1396 : vector<1x128x64xf32> to vector<128x64xf32>
    %convert_element_type3A_1398 = arith.truncf %concatenate3A_1389 : vector<196x128xf32> to vector<196x128xbf16>
    %convert_element_type3A_1399 = arith.truncf %get3A_1397 : vector<128x64xf32> to vector<128x64xbf16>
    %dot_general3A_1400 = arith.constant dense<0.000000e+00> : vector<196x64xf32>
    %dot_general3A_1401 = tpu.matmul %convert_element_type3A_1398, %convert_element_type3A_1399, %dot_general3A_1400 {dimension_numbers = #tpu.dot_dimension_numbers<[1], [0], [0], [1], [0, 0, 1, 1], [], []>, transpose_lhs_hint = false} : vector<196x128xbf16>, vector<128x64xbf16>, vector<196x64xf32> -> vector<196x64xf32>
    %mul3A_1402 = vector.broadcast %get3A_1392 : vector<196x1xf32> to vector<196x64xf32>
    %mul3A_1403 = arith.mulf %mul3A_1402, %dot_general3A_1401 : vector<196x64xf32>
    %add3A_1404 = arith.addf %add3A_1385, %mul3A_1403 : vector<196x64xf32>
    %broadcast_in_dim3A_1405 = arith.constant 0.000000e+00 : f32
    %broadcast_in_dim3A_1406 = vector.broadcast %broadcast_in_dim3A_1405 : f32 to vector<13x128xf32>
    %slice3A_1407 = vector.extract_strided_slice %mul3A_1306 {offsets = [0, 0], sizes = [183, 128], strides = [1, 1]} : vector<196x128xf32> to vector<183x128xf32>
    %concatenate3A_1408 = tpu.concatenate %broadcast_in_dim3A_1406, %slice3A_1407 in 0 : vector<13x128xf32>, vector<183x128xf32> -> vector<196x128xf32>
    %get3A_1409 = arith.constant 0 : index
    %get3A_1410 = arith.constant 2 : index
    %get3A_1411 = vector.load %arg7[%get3A_1409, %get3A_1410] : memref<196x16xf32, #tpu.memory_space<vmem>>, vector<196x1xf32>
    %get3A_1412 = arith.constant 2 : index
    %get3A_1413 = arith.constant 0 : index
    %get3A_1414 = arith.constant 0 : index
    %get3A_1415 = vector.load %arg5[%get3A_1412, %get3A_1413, %get3A_1414] : memref<9x128x64xf32, #tpu.memory_space<vmem>>, vector<1x128x64xf32>
    %get3A_1416 = vector.shape_cast %get3A_1415 : vector<1x128x64xf32> to vector<128x64xf32>
    %convert_element_type3A_1417 = arith.truncf %concatenate3A_1408 : vector<196x128xf32> to vector<196x128xbf16>
    %convert_element_type3A_1418 = arith.truncf %get3A_1416 : vector<128x64xf32> to vector<128x64xbf16>
    %dot_general3A_1419 = arith.constant dense<0.000000e+00> : vector<196x64xf32>
    %dot_general3A_1420 = tpu.matmul %convert_element_type3A_1417, %convert_element_type3A_1418, %dot_general3A_1419 {dimension_numbers = #tpu.dot_dimension_numbers<[1], [0], [0], [1], [0, 0, 1, 1], [], []>, transpose_lhs_hint = false} : vector<196x128xbf16>, vector<128x64xbf16>, vector<196x64xf32> -> vector<196x64xf32>
    %mul3A_1421 = vector.broadcast %get3A_1411 : vector<196x1xf32> to vector<196x64xf32>
    %mul3A_1422 = arith.mulf %mul3A_1421, %dot_general3A_1420 : vector<196x64xf32>
    %add3A_1423 = arith.addf %add3A_1404, %mul3A_1422 : vector<196x64xf32>
    %broadcast_in_dim3A_1424 = arith.constant 0.000000e+00 : f32
    %broadcast_in_dim3A_1425 = vector.broadcast %broadcast_in_dim3A_1424 : f32 to vector<1x128xf32>
    %slice3A_1426 = vector.extract_strided_slice %mul3A_1306 {offsets = [0, 0], sizes = [195, 128], strides = [1, 1]} : vector<196x128xf32> to vector<195x128xf32>
    %concatenate3A_1427 = tpu.concatenate %broadcast_in_dim3A_1425, %slice3A_1426 in 0 : vector<1x128xf32>, vector<195x128xf32> -> vector<196x128xf32>
    %get3A_1428 = arith.constant 0 : index
    %get3A_1429 = arith.constant 3 : index
    %get3A_1430 = vector.load %arg7[%get3A_1428, %get3A_1429] : memref<196x16xf32, #tpu.memory_space<vmem>>, vector<196x1xf32>
    %get3A_1431 = arith.constant 3 : index
    %get3A_1432 = arith.constant 0 : index
    %get3A_1433 = arith.constant 0 : index
    %get3A_1434 = vector.load %arg5[%get3A_1431, %get3A_1432, %get3A_1433] : memref<9x128x64xf32, #tpu.memory_space<vmem>>, vector<1x128x64xf32>
    %get3A_1435 = vector.shape_cast %get3A_1434 : vector<1x128x64xf32> to vector<128x64xf32>
    %convert_element_type3A_1436 = arith.truncf %concatenate3A_1427 : vector<196x128xf32> to vector<196x128xbf16>
    %convert_element_type3A_1437 = arith.truncf %get3A_1435 : vector<128x64xf32> to vector<128x64xbf16>
    %dot_general3A_1438 = arith.constant dense<0.000000e+00> : vector<196x64xf32>
    %dot_general3A_1439 = tpu.matmul %convert_element_type3A_1436, %convert_element_type3A_1437, %dot_general3A_1438 {dimension_numbers = #tpu.dot_dimension_numbers<[1], [0], [0], [1], [0, 0, 1, 1], [], []>, transpose_lhs_hint = false} : vector<196x128xbf16>, vector<128x64xbf16>, vector<196x64xf32> -> vector<196x64xf32>
    %mul3A_1440 = vector.broadcast %get3A_1430 : vector<196x1xf32> to vector<196x64xf32>
    %mul3A_1441 = arith.mulf %mul3A_1440, %dot_general3A_1439 : vector<196x64xf32>
    %add3A_1442 = arith.addf %add3A_1423, %mul3A_1441 : vector<196x64xf32>
    %get3A_1443 = arith.constant 0 : index
    %get3A_1444 = arith.constant 4 : index
    %get3A_1445 = vector.load %arg7[%get3A_1443, %get3A_1444] : memref<196x16xf32, #tpu.memory_space<vmem>>, vector<196x1xf32>
    %get3A_1446 = arith.constant 4 : index
    %get3A_1447 = arith.constant 0 : index
    %get3A_1448 = arith.constant 0 : index
    %get3A_1449 = vector.load %arg5[%get3A_1446, %get3A_1447, %get3A_1448] : memref<9x128x64xf32, #tpu.memory_space<vmem>>, vector<1x128x64xf32>
    %get3A_1450 = vector.shape_cast %get3A_1449 : vector<1x128x64xf32> to vector<128x64xf32>
    %convert_element_type3A_1451 = arith.truncf %mul3A_1306 : vector<196x128xf32> to vector<196x128xbf16>
    %convert_element_type3A_1452 = arith.truncf %get3A_1450 : vector<128x64xf32> to vector<128x64xbf16>
    %dot_general3A_1453 = arith.constant dense<0.000000e+00> : vector<196x64xf32>
    %dot_general3A_1454 = tpu.matmul %convert_element_type3A_1451, %convert_element_type3A_1452, %dot_general3A_1453 {dimension_numbers = #tpu.dot_dimension_numbers<[1], [0], [0], [1], [0, 0, 1, 1], [], []>, transpose_lhs_hint = false} : vector<196x128xbf16>, vector<128x64xbf16>, vector<196x64xf32> -> vector<196x64xf32>
    %mul3A_1455 = vector.broadcast %get3A_1445 : vector<196x1xf32> to vector<196x64xf32>
    %mul3A_1456 = arith.mulf %mul3A_1455, %dot_general3A_1454 : vector<196x64xf32>
    %add3A_1457 = arith.addf %add3A_1442, %mul3A_1456 : vector<196x64xf32>
    %slice3A_1458 = vector.extract_strided_slice %mul3A_1306 {offsets = [1, 0], sizes = [195, 128], strides = [1, 1]} : vector<196x128xf32> to vector<195x128xf32>
    %broadcast_in_dim3A_1459 = arith.constant 0.000000e+00 : f32
    %broadcast_in_dim3A_1460 = vector.broadcast %broadcast_in_dim3A_1459 : f32 to vector<1x128xf32>
    %concatenate3A_1461 = tpu.concatenate %slice3A_1458, %broadcast_in_dim3A_1460 in 0 : vector<195x128xf32>, vector<1x128xf32> -> vector<196x128xf32>
    %get3A_1462 = arith.constant 0 : index
    %get3A_1463 = arith.constant 5 : index
    %get3A_1464 = vector.load %arg7[%get3A_1462, %get3A_1463] : memref<196x16xf32, #tpu.memory_space<vmem>>, vector<196x1xf32>
    %get3A_1465 = arith.constant 5 : index
    %get3A_1466 = arith.constant 0 : index
    %get3A_1467 = arith.constant 0 : index
    %get3A_1468 = vector.load %arg5[%get3A_1465, %get3A_1466, %get3A_1467] : memref<9x128x64xf32, #tpu.memory_space<vmem>>, vector<1x128x64xf32>
    %get3A_1469 = vector.shape_cast %get3A_1468 : vector<1x128x64xf32> to vector<128x64xf32>
    %convert_element_type3A_1470 = arith.truncf %concatenate3A_1461 : vector<196x128xf32> to vector<196x128xbf16>
    %convert_element_type3A_1471 = arith.truncf %get3A_1469 : vector<128x64xf32> to vector<128x64xbf16>
    %dot_general3A_1472 = arith.constant dense<0.000000e+00> : vector<196x64xf32>
    %dot_general3A_1473 = tpu.matmul %convert_element_type3A_1470, %convert_element_type3A_1471, %dot_general3A_1472 {dimension_numbers = #tpu.dot_dimension_numbers<[1], [0], [0], [1], [0, 0, 1, 1], [], []>, transpose_lhs_hint = false} : vector<196x128xbf16>, vector<128x64xbf16>, vector<196x64xf32> -> vector<196x64xf32>
    %mul3A_1474 = vector.broadcast %get3A_1464 : vector<196x1xf32> to vector<196x64xf32>
    %mul3A_1475 = arith.mulf %mul3A_1474, %dot_general3A_1473 : vector<196x64xf32>
    %add3A_1476 = arith.addf %add3A_1457, %mul3A_1475 : vector<196x64xf32>
    %slice3A_1477 = vector.extract_strided_slice %mul3A_1306 {offsets = [13, 0], sizes = [183, 128], strides = [1, 1]} : vector<196x128xf32> to vector<183x128xf32>
    %broadcast_in_dim3A_1478 = arith.constant 0.000000e+00 : f32
    %broadcast_in_dim3A_1479 = vector.broadcast %broadcast_in_dim3A_1478 : f32 to vector<13x128xf32>
    %concatenate3A_1480 = tpu.concatenate %slice3A_1477, %broadcast_in_dim3A_1479 in 0 : vector<183x128xf32>, vector<13x128xf32> -> vector<196x128xf32>
    %get3A_1481 = arith.constant 0 : index
    %get3A_1482 = arith.constant 6 : index
    %get3A_1483 = vector.load %arg7[%get3A_1481, %get3A_1482] : memref<196x16xf32, #tpu.memory_space<vmem>>, vector<196x1xf32>
    %get3A_1484 = arith.constant 6 : index
    %get3A_1485 = arith.constant 0 : index
    %get3A_1486 = arith.constant 0 : index
    %get3A_1487 = vector.load %arg5[%get3A_1484, %get3A_1485, %get3A_1486] : memref<9x128x64xf32, #tpu.memory_space<vmem>>, vector<1x128x64xf32>
    %get3A_1488 = vector.shape_cast %get3A_1487 : vector<1x128x64xf32> to vector<128x64xf32>
    %convert_element_type3A_1489 = arith.truncf %concatenate3A_1480 : vector<196x128xf32> to vector<196x128xbf16>
    %convert_element_type3A_1490 = arith.truncf %get3A_1488 : vector<128x64xf32> to vector<128x64xbf16>
    %dot_general3A_1491 = arith.constant dense<0.000000e+00> : vector<196x64xf32>
    %dot_general3A_1492 = tpu.matmul %convert_element_type3A_1489, %convert_element_type3A_1490, %dot_general3A_1491 {dimension_numbers = #tpu.dot_dimension_numbers<[1], [0], [0], [1], [0, 0, 1, 1], [], []>, transpose_lhs_hint = false} : vector<196x128xbf16>, vector<128x64xbf16>, vector<196x64xf32> -> vector<196x64xf32>
    %mul3A_1493 = vector.broadcast %get3A_1483 : vector<196x1xf32> to vector<196x64xf32>
    %mul3A_1494 = arith.mulf %mul3A_1493, %dot_general3A_1492 : vector<196x64xf32>
    %add3A_1495 = arith.addf %add3A_1476, %mul3A_1494 : vector<196x64xf32>
    %slice3A_1496 = vector.extract_strided_slice %mul3A_1306 {offsets = [14, 0], sizes = [182, 128], strides = [1, 1]} : vector<196x128xf32> to vector<182x128xf32>
    %broadcast_in_dim3A_1497 = arith.constant 0.000000e+00 : f32
    %broadcast_in_dim3A_1498 = vector.broadcast %broadcast_in_dim3A_1497 : f32 to vector<14x128xf32>
    %concatenate3A_1499 = tpu.concatenate %slice3A_1496, %broadcast_in_dim3A_1498 in 0 : vector<182x128xf32>, vector<14x128xf32> -> vector<196x128xf32>
    %get3A_1500 = arith.constant 0 : index
    %get3A_1501 = arith.constant 7 : index
    %get3A_1502 = vector.load %arg7[%get3A_1500, %get3A_1501] : memref<196x16xf32, #tpu.memory_space<vmem>>, vector<196x1xf32>
    %get3A_1503 = arith.constant 7 : index
    %get3A_1504 = arith.constant 0 : index
    %get3A_1505 = arith.constant 0 : index
    %get3A_1506 = vector.load %arg5[%get3A_1503, %get3A_1504, %get3A_1505] : memref<9x128x64xf32, #tpu.memory_space<vmem>>, vector<1x128x64xf32>
    %get3A_1507 = vector.shape_cast %get3A_1506 : vector<1x128x64xf32> to vector<128x64xf32>
    %convert_element_type3A_1508 = arith.truncf %concatenate3A_1499 : vector<196x128xf32> to vector<196x128xbf16>
    %convert_element_type3A_1509 = arith.truncf %get3A_1507 : vector<128x64xf32> to vector<128x64xbf16>
    %dot_general3A_1510 = arith.constant dense<0.000000e+00> : vector<196x64xf32>
    %dot_general3A_1511 = tpu.matmul %convert_element_type3A_1508, %convert_element_type3A_1509, %dot_general3A_1510 {dimension_numbers = #tpu.dot_dimension_numbers<[1], [0], [0], [1], [0, 0, 1, 1], [], []>, transpose_lhs_hint = false} : vector<196x128xbf16>, vector<128x64xbf16>, vector<196x64xf32> -> vector<196x64xf32>
    %mul3A_1512 = vector.broadcast %get3A_1502 : vector<196x1xf32> to vector<196x64xf32>
    %mul3A_1513 = arith.mulf %mul3A_1512, %dot_general3A_1511 : vector<196x64xf32>
    %add3A_1514 = arith.addf %add3A_1495, %mul3A_1513 : vector<196x64xf32>
    %slice3A_1515 = vector.extract_strided_slice %mul3A_1306 {offsets = [15, 0], sizes = [181, 128], strides = [1, 1]} : vector<196x128xf32> to vector<181x128xf32>
    %broadcast_in_dim3A_1516 = arith.constant 0.000000e+00 : f32
    %broadcast_in_dim3A_1517 = vector.broadcast %broadcast_in_dim3A_1516 : f32 to vector<15x128xf32>
    %concatenate3A_1518 = tpu.concatenate %slice3A_1515, %broadcast_in_dim3A_1517 in 0 : vector<181x128xf32>, vector<15x128xf32> -> vector<196x128xf32>
    %get3A_1519 = arith.constant 0 : index
    %get3A_1520 = arith.constant 8 : index
    %get3A_1521 = vector.load %arg7[%get3A_1519, %get3A_1520] : memref<196x16xf32, #tpu.memory_space<vmem>>, vector<196x1xf32>
    %get3A_1522 = arith.constant 8 : index
    %get3A_1523 = arith.constant 0 : index
    %get3A_1524 = arith.constant 0 : index
    %get3A_1525 = vector.load %arg5[%get3A_1522, %get3A_1523, %get3A_1524] : memref<9x128x64xf32, #tpu.memory_space<vmem>>, vector<1x128x64xf32>
    %get3A_1526 = vector.shape_cast %get3A_1525 : vector<1x128x64xf32> to vector<128x64xf32>
    %convert_element_type3A_1527 = arith.truncf %concatenate3A_1518 : vector<196x128xf32> to vector<196x128xbf16>
    %convert_element_type3A_1528 = arith.truncf %get3A_1526 : vector<128x64xf32> to vector<128x64xbf16>
    %dot_general3A_1529 = arith.constant dense<0.000000e+00> : vector<196x64xf32>
    %dot_general3A_1530 = tpu.matmul %convert_element_type3A_1527, %convert_element_type3A_1528, %dot_general3A_1529 {dimension_numbers = #tpu.dot_dimension_numbers<[1], [0], [0], [1], [0, 0, 1, 1], [], []>, transpose_lhs_hint = false} : vector<196x128xbf16>, vector<128x64xbf16>, vector<196x64xf32> -> vector<196x64xf32>
    %mul3A_1531 = vector.broadcast %get3A_1521 : vector<196x1xf32> to vector<196x64xf32>
    %mul3A_1532 = arith.mulf %mul3A_1531, %dot_general3A_1530 : vector<196x64xf32>
    %add3A_1533 = arith.addf %add3A_1514, %mul3A_1532 : vector<196x64xf32>
    %mul3A_1534 = arith.constant 1.702000e+00 : f32
    %mul3A_1535 = vector.broadcast %mul3A_1534 : f32 to vector<196x64xf32>
    %mul3A_1536 = arith.mulf %mul3A_1535, %add3A_1533 : vector<196x64xf32>
    %logistic3A_1537 = arith.negf %mul3A_1536 : vector<196x64xf32>
    %logistic3A_1538 = math.exp %logistic3A_1537 : vector<196x64xf32>
    %logistic3A_1539 = arith.constant 1.000000e+00 : f32
    %logistic3A_1540 = vector.broadcast %logistic3A_1539 : f32 to vector<196x64xf32>
    %logistic3A_1541 = arith.addf %logistic3A_1540, %logistic3A_1538 : vector<196x64xf32>
    %logistic3A_1542 = arith.divf %logistic3A_1540, %logistic3A_1541 : vector<196x64xf32>
    %mul3A_1543 = arith.mulf %add3A_1533, %logistic3A_1542 : vector<196x64xf32>
    %swap3A_1544 = arith.constant 1 : index
    %swap3A_1545 = arith.constant 0 : index
    %swap3A_1546 = arith.constant 0 : index
    %swap3A_1547 = vector.load %arg9[%swap3A_1544, %swap3A_1545, %swap3A_1546] : memref<2x196x64xf32, #tpu.memory_space<vmem>>, vector<1x196x64xf32>
    %swap3A_1548 = vector.shape_cast %swap3A_1547 : vector<1x196x64xf32> to vector<196x64xf32>
    %swap3A_1549 = vector.shape_cast %mul3A_1543 : vector<196x64xf32> to vector<1x196x64xf32>
    tpu.vector_store %arg9[%swap3A_1544, %swap3A_1545, %swap3A_1546], %swap3A_1549 {strides = array<i32>} : memref<2x196x64xf32, #tpu.memory_space<vmem>>, vector<1x196x64xf32>,
    return
  }
  func.func @transform_0(%arg0: i32) -> (i32, i32, i32) {
    %c0_i32 = arith.constant 0 : i32
    %c0_i32_0 = arith.constant 0 : i32
    %c0_i32_1 = arith.constant 0 : i32
    return %arg0, %c0_i32, %c0_i32_0 : i32, i32, i32
  }
  func.func @transform_1(%arg0: i32) -> (i32, i32, i32) {
    %c0_i32 = arith.constant 0 : i32
    %c0_i32_0 = arith.constant 0 : i32
    %c0_i32_1 = arith.constant 0 : i32
    return %arg0, %c0_i32, %c0_i32_0 : i32, i32, i32
  }
  func.func @transform_2(%arg0: i32) -> (i32, i32, i32) {
    %c0_i32 = arith.constant 0 : i32
    %c0_i32_0 = arith.constant 0 : i32
    %c0_i32_1 = arith.constant 0 : i32
    %c0_i32_2 = arith.constant 0 : i32
    return %c0_i32, %c0_i32_0, %c0_i32_1 : i32, i32, i32
  }
  func.func @transform_3(%arg0: i32) -> (i32, i32, i32) {
    %c0_i32 = arith.constant 0 : i32
    %c0_i32_0 = arith.constant 0 : i32
    %c0_i32_1 = arith.constant 0 : i32
    %c0_i32_2 = arith.constant 0 : i32
    return %c0_i32, %c0_i32_0, %c0_i32_1 : i32, i32, i32
  }
  func.func @transform_4(%arg0: i32) -> (i32, i32, i32) {
    %c0_i32 = arith.constant 0 : i32
    %c0_i32_0 = arith.constant 0 : i32
    %c0_i32_1 = arith.constant 0 : i32
    %c0_i32_2 = arith.constant 0 : i32
    return %c0_i32, %c0_i32_0, %c0_i32_1 : i32, i32, i32
  }
  func.func @transform_5(%arg0: i32) -> (i32, i32) {
    %c0_i32 = arith.constant 0 : i32
    %c0_i32_0 = arith.constant 0 : i32
    %c0_i32_1 = arith.constant 0 : i32
    return %c0_i32, %c0_i32_0 : i32, i32
  }
  func.func @transform_6(%arg0: i32) -> (i32, i32) {
    %c0_i32 = arith.constant 0 : i32
    %c0_i32_0 = arith.constant 0 : i32
    %c0_i32_1 = arith.constant 0 : i32
    return %c0_i32, %c0_i32_0 : i32, i32
  }
  func.func @transform_7(%arg0: i32) -> i32 {
    %c0_i32 = arith.constant 0 : i32
    %c0_i32_0 = arith.constant 0 : i32
    return %c0_i32 : i32
  }
  func.func @transform_8(%arg0: i32) -> (i32, i32, i32) {
    %c0_i32 = arith.constant 0 : i32
    %c0_i32_0 = arith.constant 0 : i32
    %c0_i32_1 = arith.constant 0 : i32
    return %arg0, %c0_i32, %c0_i32_0 : i32, i32, i32
  }
}

module attributes {stable_mosaic.version = 14 : i64} {
  func.func @_k3_body(%arg0: i32, %arg1: memref<2x589x768xf32, #tpu.memory_space<vmem>>, %arg2: memref<4x2x196x256xi32, #tpu.memory_space<vmem>>, %arg3: memref<2x196x192xf32, #tpu.memory_space<vmem>>, %arg4: memref<2x196x4xf32, #tpu.memory_space<vmem>>, %arg5: memref<64x768xf32, #tpu.memory_space<vmem>>, %arg6: memref<1x768xf32, #tpu.memory_space<vmem>>, %arg7: memref<192x192xf32, #tpu.memory_space<vmem>>, %arg8: memref<2x589x768xf32, #tpu.memory_space<vmem>>) attributes {dimension_semantics = [#tpu.dimension_semantics<arbitrary>], iteration_bounds = array<i64: 32>, scalar_prefetch = 0 : i64, scratch_operands = 0 : i64, tpu.core_type = #tpu.core_type<tc>, window_params = [{transform_indices = @transform_0, window_bounds = array<i64: 2, 589, 768>}, {transform_indices = @transform_1, window_bounds = array<i64: 4, 2, 196, 256>}, {transform_indices = @transform_2, window_bounds = array<i64: 2, 196, 192>}, {transform_indices = @transform_3, window_bounds = array<i64: 2, 196, 4>}, {pipeline_mode = #tpu.pipeline_mode<synchronous>, transform_indices = @transform_4, window_bounds = array<i64: 64, 768>}, {pipeline_mode = #tpu.pipeline_mode<synchronous>, transform_indices = @transform_5, window_bounds = array<i64: 1, 768>}, {pipeline_mode = #tpu.pipeline_mode<synchronous>, transform_indices = @transform_6, window_bounds = array<i64: 192, 192>}, {transform_indices = @transform_7, window_bounds = array<i64: 2, 589, 768>}]} {
    %get3A = arith.constant 0 : index
    %get3A_0 = arith.constant 0 : index
    %get3A_1 = arith.constant 0 : index
    %get3A_2 = vector.load %arg3[%get3A, %get3A_0, %get3A_1] : memref<2x196x192xf32, #tpu.memory_space<vmem>>, vector<1x196x192xf32>
    %get3A_3 = vector.shape_cast %get3A_2 : vector<1x196x192xf32> to vector<196x192xf32>
    %slice3A = vector.extract_strided_slice %get3A_3 {offsets = [0, 0], sizes = [196, 96], strides = [1, 1]} : vector<196x192xf32> to vector<196x96xf32>
    %get3A_4 = arith.constant 0 : index
    %get3A_5 = arith.constant 0 : index
    %get3A_6 = arith.constant 0 : index
    %get3A_7 = vector.load %arg3[%get3A_4, %get3A_5, %get3A_6] : memref<2x196x192xf32, #tpu.memory_space<vmem>>, vector<1x196x192xf32>
    %get3A_8 = vector.shape_cast %get3A_7 : vector<1x196x192xf32> to vector<196x192xf32>
    %slice3A_9 = vector.extract_strided_slice %get3A_8 {offsets = [0, 96], sizes = [196, 96], strides = [1, 1]} : vector<196x192xf32> to vector<196x96xf32>
    %get3A_10 = arith.constant 0 : index
    %get3A_11 = arith.constant 0 : index
    %get3A_12 = arith.constant 0 : index
    %get3A_13 = arith.constant 0 : index
    %get3A_14 = vector.load %arg2[%get3A_10, %get3A_11, %get3A_12, %get3A_13] : memref<4x2x196x256xi32, #tpu.memory_space<vmem>>, vector<1x1x196x256xi32>
    %get3A_15 = vector.shape_cast %get3A_14 : vector<1x1x196x256xi32> to vector<196x256xi32>
    %slice3A_16 = vector.extract_strided_slice %get3A_15 {offsets = [0, 0], sizes = [196, 96], strides = [1, 1]} : vector<196x256xi32> to vector<196x96xi32>
    %shift_left3A = arith.constant 16 : i32
    %shift_left3A_17 = vector.broadcast %shift_left3A : i32 to vector<196x96xi32>
    %shift_left3A_18 = arith.shli %slice3A_16, %shift_left3A_17 : vector<196x96xi32>
    %bitcast_convert_type3A = tpu.bitcast %shift_left3A_18 : vector<196x96xi32> -> vector<196x96xf32>
    %and3A = arith.constant -65536 : i32
    %and3A_19 = vector.broadcast %and3A : i32 to vector<196x96xi32>
    %and3A_20 = arith.andi %slice3A_16, %and3A_19 : vector<196x96xi32>
    %bitcast_convert_type3A_21 = tpu.bitcast %and3A_20 : vector<196x96xi32> -> vector<196x96xf32>
    %mul3A = arith.mulf %slice3A, %bitcast_convert_type3A : vector<196x96xf32>
    %mul3A_22 = arith.mulf %slice3A_9, %bitcast_convert_type3A_21 : vector<196x96xf32>
    %add3A = arith.addf %mul3A, %mul3A_22 : vector<196x96xf32>
    %reduce_sum3A = arith.constant dense<0.000000e+00> : vector<196xf32>
    %reduce_sum3A_23 = vector.multi_reduction <add>, %add3A, %reduce_sum3A [1] : vector<196x96xf32> to vector<196xf32>
    %broadcast_in_dim3A = vector.shape_cast %reduce_sum3A_23 : vector<196xf32> to vector<196x1xf32>
    %mul3A_24 = arith.constant 5.000000e-01 : f32
    %mul3A_25 = vector.broadcast %mul3A_24 : f32 to vector<196x1xf32>
    %mul3A_26 = arith.mulf %mul3A_25, %broadcast_in_dim3A : vector<196x1xf32>
    %mul3A_27 = arith.constant 4.471500e-02 : f32
    %mul3A_28 = vector.broadcast %mul3A_27 : f32 to vector<196x1xf32>
    %mul3A_29 = arith.mulf %mul3A_28, %broadcast_in_dim3A : vector<196x1xf32>
    %mul3A_30 = arith.mulf %mul3A_29, %broadcast_in_dim3A : vector<196x1xf32>
    %mul3A_31 = arith.mulf %mul3A_30, %broadcast_in_dim3A : vector<196x1xf32>
    %add3A_32 = arith.addf %broadcast_in_dim3A, %mul3A_31 : vector<196x1xf32>
    %mul3A_33 = arith.constant 0.797884583 : f32
    %mul3A_34 = vector.broadcast %mul3A_33 : f32 to vector<196x1xf32>
    %mul3A_35 = arith.mulf %mul3A_34, %add3A_32 : vector<196x1xf32>
    %tanh3A = math.tanh %mul3A_35 : vector<196x1xf32>
    %add3A_36 = arith.constant 1.000000e+00 : f32
    %add3A_37 = vector.broadcast %add3A_36 : f32 to vector<196x1xf32>
    %add3A_38 = arith.addf %add3A_37, %tanh3A : vector<196x1xf32>
    %mul3A_39 = arith.mulf %mul3A_26, %add3A_38 : vector<196x1xf32>
    %get3A_40 = arith.constant 0 : index
    %get3A_41 = arith.constant 0 : index
    %get3A_42 = arith.constant 0 : index
    %get3A_43 = vector.load %arg4[%get3A_40, %get3A_41, %get3A_42] : memref<2x196x4xf32, #tpu.memory_space<vmem>>, vector<1x196x1xf32>
    %get3A_44 = vector.shape_cast %get3A_43 : vector<1x196x1xf32> to vector<196x1xf32>
    %mul3A_45 = arith.mulf %mul3A_39, %get3A_44 : vector<196x1xf32>
    %slice3A_46 = vector.extract_strided_slice %get3A_15 {offsets = [0, 96], sizes = [196, 96], strides = [1, 1]} : vector<196x256xi32> to vector<196x96xi32>
    %shift_left3A_47 = arith.constant 16 : i32
    %shift_left3A_48 = vector.broadcast %shift_left3A_47 : i32 to vector<196x96xi32>
    %shift_left3A_49 = arith.shli %slice3A_46, %shift_left3A_48 : vector<196x96xi32>
    %bitcast_convert_type3A_50 = tpu.bitcast %shift_left3A_49 : vector<196x96xi32> -> vector<196x96xf32>
    %and3A_51 = arith.constant -65536 : i32
    %and3A_52 = vector.broadcast %and3A_51 : i32 to vector<196x96xi32>
    %and3A_53 = arith.andi %slice3A_46, %and3A_52 : vector<196x96xi32>
    %bitcast_convert_type3A_54 = tpu.bitcast %and3A_53 : vector<196x96xi32> -> vector<196x96xf32>
    %mul3A_55 = vector.broadcast %mul3A_45 : vector<196x1xf32> to vector<196x96xf32>
    %mul3A_56 = arith.mulf %mul3A_55, %bitcast_convert_type3A_50 : vector<196x96xf32>
    %mul3A_57 = vector.broadcast %mul3A_45 : vector<196x1xf32> to vector<196x96xf32>
    %mul3A_58 = arith.mulf %mul3A_57, %bitcast_convert_type3A_54 : vector<196x96xf32>
    %get3A_59 = arith.constant 1 : index
    %get3A_60 = arith.constant 0 : index
    %get3A_61 = arith.constant 0 : index
    %get3A_62 = arith.constant 0 : index
    %get3A_63 = vector.load %arg2[%get3A_59, %get3A_60, %get3A_61, %get3A_62] : memref<4x2x196x256xi32, #tpu.memory_space<vmem>>, vector<1x1x196x256xi32>
    %get3A_64 = vector.shape_cast %get3A_63 : vector<1x1x196x256xi32> to vector<196x256xi32>
    %slice3A_65 = vector.extract_strided_slice %get3A_64 {offsets = [0, 0], sizes = [196, 96], strides = [1, 1]} : vector<196x256xi32> to vector<196x96xi32>
    %shift_left3A_66 = arith.constant 16 : i32
    %shift_left3A_67 = vector.broadcast %shift_left3A_66 : i32 to vector<196x96xi32>
    %shift_left3A_68 = arith.shli %slice3A_65, %shift_left3A_67 : vector<196x96xi32>
    %bitcast_convert_type3A_69 = tpu.bitcast %shift_left3A_68 : vector<196x96xi32> -> vector<196x96xf32>
    %and3A_70 = arith.constant -65536 : i32
    %and3A_71 = vector.broadcast %and3A_70 : i32 to vector<196x96xi32>
    %and3A_72 = arith.andi %slice3A_65, %and3A_71 : vector<196x96xi32>
    %bitcast_convert_type3A_73 = tpu.bitcast %and3A_72 : vector<196x96xi32> -> vector<196x96xf32>
    %mul3A_74 = arith.mulf %slice3A, %bitcast_convert_type3A_69 : vector<196x96xf32>
    %mul3A_75 = arith.mulf %slice3A_9, %bitcast_convert_type3A_73 : vector<196x96xf32>
    %add3A_76 = arith.addf %mul3A_74, %mul3A_75 : vector<196x96xf32>
    %reduce_sum3A_77 = arith.constant dense<0.000000e+00> : vector<196xf32>
    %reduce_sum3A_78 = vector.multi_reduction <add>, %add3A_76, %reduce_sum3A_77 [1] : vector<196x96xf32> to vector<196xf32>
    %broadcast_in_dim3A_79 = vector.shape_cast %reduce_sum3A_78 : vector<196xf32> to vector<196x1xf32>
    %mul3A_80 = arith.constant 5.000000e-01 : f32
    %mul3A_81 = vector.broadcast %mul3A_80 : f32 to vector<196x1xf32>
    %mul3A_82 = arith.mulf %mul3A_81, %broadcast_in_dim3A_79 : vector<196x1xf32>
    %mul3A_83 = arith.constant 4.471500e-02 : f32
    %mul3A_84 = vector.broadcast %mul3A_83 : f32 to vector<196x1xf32>
    %mul3A_85 = arith.mulf %mul3A_84, %broadcast_in_dim3A_79 : vector<196x1xf32>
    %mul3A_86 = arith.mulf %mul3A_85, %broadcast_in_dim3A_79 : vector<196x1xf32>
    %mul3A_87 = arith.mulf %mul3A_86, %broadcast_in_dim3A_79 : vector<196x1xf32>
    %add3A_88 = arith.addf %broadcast_in_dim3A_79, %mul3A_87 : vector<196x1xf32>
    %mul3A_89 = arith.constant 0.797884583 : f32
    %mul3A_90 = vector.broadcast %mul3A_89 : f32 to vector<196x1xf32>
    %mul3A_91 = arith.mulf %mul3A_90, %add3A_88 : vector<196x1xf32>
    %tanh3A_92 = math.tanh %mul3A_91 : vector<196x1xf32>
    %add3A_93 = arith.constant 1.000000e+00 : f32
    %add3A_94 = vector.broadcast %add3A_93 : f32 to vector<196x1xf32>
    %add3A_95 = arith.addf %add3A_94, %tanh3A_92 : vector<196x1xf32>
    %mul3A_96 = arith.mulf %mul3A_82, %add3A_95 : vector<196x1xf32>
    %get3A_97 = arith.constant 0 : index
    %get3A_98 = arith.constant 0 : index
    %get3A_99 = arith.constant 1 : index
    %get3A_100 = vector.load %arg4[%get3A_97, %get3A_98, %get3A_99] : memref<2x196x4xf32, #tpu.memory_space<vmem>>, vector<1x196x1xf32>
    %get3A_101 = vector.shape_cast %get3A_100 : vector<1x196x1xf32> to vector<196x1xf32>
    %mul3A_102 = arith.mulf %mul3A_96, %get3A_101 : vector<196x1xf32>
    %slice3A_103 = vector.extract_strided_slice %get3A_64 {offsets = [0, 96], sizes = [196, 96], strides = [1, 1]} : vector<196x256xi32> to vector<196x96xi32>
    %shift_left3A_104 = arith.constant 16 : i32
    %shift_left3A_105 = vector.broadcast %shift_left3A_104 : i32 to vector<196x96xi32>
    %shift_left3A_106 = arith.shli %slice3A_103, %shift_left3A_105 : vector<196x96xi32>
    %bitcast_convert_type3A_107 = tpu.bitcast %shift_left3A_106 : vector<196x96xi32> -> vector<196x96xf32>
    %and3A_108 = arith.constant -65536 : i32
    %and3A_109 = vector.broadcast %and3A_108 : i32 to vector<196x96xi32>
    %and3A_110 = arith.andi %slice3A_103, %and3A_109 : vector<196x96xi32>
    %bitcast_convert_type3A_111 = tpu.bitcast %and3A_110 : vector<196x96xi32> -> vector<196x96xf32>
    %mul3A_112 = vector.broadcast %mul3A_102 : vector<196x1xf32> to vector<196x96xf32>
    %mul3A_113 = arith.mulf %mul3A_112, %bitcast_convert_type3A_107 : vector<196x96xf32>
    %mul3A_114 = vector.broadcast %mul3A_102 : vector<196x1xf32> to vector<196x96xf32>
    %mul3A_115 = arith.mulf %mul3A_114, %bitcast_convert_type3A_111 : vector<196x96xf32>
    %add3A_116 = arith.addf %mul3A_56, %mul3A_113 : vector<196x96xf32>
    %add3A_117 = arith.addf %mul3A_58, %mul3A_115 : vector<196x96xf32>
    %get3A_118 = arith.constant 2 : index
    %get3A_119 = arith.constant 0 : index
    %get3A_120 = arith.constant 0 : index
    %get3A_121 = arith.constant 0 : index
    %get3A_122 = vector.load %arg2[%get3A_118, %get3A_119, %get3A_120, %get3A_121] : memref<4x2x196x256xi32, #tpu.memory_space<vmem>>, vector<1x1x196x256xi32>
    %get3A_123 = vector.shape_cast %get3A_122 : vector<1x1x196x256xi32> to vector<196x256xi32>
    %slice3A_124 = vector.extract_strided_slice %get3A_123 {offsets = [0, 0], sizes = [196, 96], strides = [1, 1]} : vector<196x256xi32> to vector<196x96xi32>
    %shift_left3A_125 = arith.constant 16 : i32
    %shift_left3A_126 = vector.broadcast %shift_left3A_125 : i32 to vector<196x96xi32>
    %shift_left3A_127 = arith.shli %slice3A_124, %shift_left3A_126 : vector<196x96xi32>
    %bitcast_convert_type3A_128 = tpu.bitcast %shift_left3A_127 : vector<196x96xi32> -> vector<196x96xf32>
    %and3A_129 = arith.constant -65536 : i32
    %and3A_130 = vector.broadcast %and3A_129 : i32 to vector<196x96xi32>
    %and3A_131 = arith.andi %slice3A_124, %and3A_130 : vector<196x96xi32>
    %bitcast_convert_type3A_132 = tpu.bitcast %and3A_131 : vector<196x96xi32> -> vector<196x96xf32>
    %mul3A_133 = arith.mulf %slice3A, %bitcast_convert_type3A_128 : vector<196x96xf32>
    %mul3A_134 = arith.mulf %slice3A_9, %bitcast_convert_type3A_132 : vector<196x96xf32>
    %add3A_135 = arith.addf %mul3A_133, %mul3A_134 : vector<196x96xf32>
    %reduce_sum3A_136 = arith.constant dense<0.000000e+00> : vector<196xf32>
    %reduce_sum3A_137 = vector.multi_reduction <add>, %add3A_135, %reduce_sum3A_136 [1] : vector<196x96xf32> to vector<196xf32>
    %broadcast_in_dim3A_138 = vector.shape_cast %reduce_sum3A_137 : vector<196xf32> to vector<196x1xf32>
    %mul3A_139 = arith.constant 5.000000e-01 : f32
    %mul3A_140 = vector.broadcast %mul3A_139 : f32 to vector<196x1xf32>
    %mul3A_141 = arith.mulf %mul3A_140, %broadcast_in_dim3A_138 : vector<196x1xf32>
    %mul3A_142 = arith.constant 4.471500e-02 : f32
    %mul3A_143 = vector.broadcast %mul3A_142 : f32 to vector<196x1xf32>
    %mul3A_144 = arith.mulf %mul3A_143, %broadcast_in_dim3A_138 : vector<196x1xf32>
    %mul3A_145 = arith.mulf %mul3A_144, %broadcast_in_dim3A_138 : vector<196x1xf32>
    %mul3A_146 = arith.mulf %mul3A_145, %broadcast_in_dim3A_138 : vector<196x1xf32>
    %add3A_147 = arith.addf %broadcast_in_dim3A_138, %mul3A_146 : vector<196x1xf32>
    %mul3A_148 = arith.constant 0.797884583 : f32
    %mul3A_149 = vector.broadcast %mul3A_148 : f32 to vector<196x1xf32>
    %mul3A_150 = arith.mulf %mul3A_149, %add3A_147 : vector<196x1xf32>
    %tanh3A_151 = math.tanh %mul3A_150 : vector<196x1xf32>
    %add3A_152 = arith.constant 1.000000e+00 : f32
    %add3A_153 = vector.broadcast %add3A_152 : f32 to vector<196x1xf32>
    %add3A_154 = arith.addf %add3A_153, %tanh3A_151 : vector<196x1xf32>
    %mul3A_155 = arith.mulf %mul3A_141, %add3A_154 : vector<196x1xf32>
    %get3A_156 = arith.constant 0 : index
    %get3A_157 = arith.constant 0 : index
    %get3A_158 = arith.constant 2 : index
    %get3A_159 = vector.load %arg4[%get3A_156, %get3A_157, %get3A_158] : memref<2x196x4xf32, #tpu.memory_space<vmem>>, vector<1x196x1xf32>
    %get3A_160 = vector.shape_cast %get3A_159 : vector<1x196x1xf32> to vector<196x1xf32>
    %mul3A_161 = arith.mulf %mul3A_155, %get3A_160 : vector<196x1xf32>
    %slice3A_162 = vector.extract_strided_slice %get3A_123 {offsets = [0, 96], sizes = [196, 96], strides = [1, 1]} : vector<196x256xi32> to vector<196x96xi32>
    %shift_left3A_163 = arith.constant 16 : i32
    %shift_left3A_164 = vector.broadcast %shift_left3A_163 : i32 to vector<196x96xi32>
    %shift_left3A_165 = arith.shli %slice3A_162, %shift_left3A_164 : vector<196x96xi32>
    %bitcast_convert_type3A_166 = tpu.bitcast %shift_left3A_165 : vector<196x96xi32> -> vector<196x96xf32>
    %and3A_167 = arith.constant -65536 : i32
    %and3A_168 = vector.broadcast %and3A_167 : i32 to vector<196x96xi32>
    %and3A_169 = arith.andi %slice3A_162, %and3A_168 : vector<196x96xi32>
    %bitcast_convert_type3A_170 = tpu.bitcast %and3A_169 : vector<196x96xi32> -> vector<196x96xf32>
    %mul3A_171 = vector.broadcast %mul3A_161 : vector<196x1xf32> to vector<196x96xf32>
    %mul3A_172 = arith.mulf %mul3A_171, %bitcast_convert_type3A_166 : vector<196x96xf32>
    %mul3A_173 = vector.broadcast %mul3A_161 : vector<196x1xf32> to vector<196x96xf32>
    %mul3A_174 = arith.mulf %mul3A_173, %bitcast_convert_type3A_170 : vector<196x96xf32>
    %add3A_175 = arith.addf %add3A_116, %mul3A_172 : vector<196x96xf32>
    %add3A_176 = arith.addf %add3A_117, %mul3A_174 : vector<196x96xf32>
    %get3A_177 = arith.constant 3 : index
    %get3A_178 = arith.constant 0 : index
    %get3A_179 = arith.constant 0 : index
    %get3A_180 = arith.constant 0 : index
    %get3A_181 = vector.load %arg2[%get3A_177, %get3A_178, %get3A_179, %get3A_180] : memref<4x2x196x256xi32, #tpu.memory_space<vmem>>, vector<1x1x196x256xi32>
    %get3A_182 = vector.shape_cast %get3A_181 : vector<1x1x196x256xi32> to vector<196x256xi32>
    %slice3A_183 = vector.extract_strided_slice %get3A_182 {offsets = [0, 0], sizes = [196, 96], strides = [1, 1]} : vector<196x256xi32> to vector<196x96xi32>
    %shift_left3A_184 = arith.constant 16 : i32
    %shift_left3A_185 = vector.broadcast %shift_left3A_184 : i32 to vector<196x96xi32>
    %shift_left3A_186 = arith.shli %slice3A_183, %shift_left3A_185 : vector<196x96xi32>
    %bitcast_convert_type3A_187 = tpu.bitcast %shift_left3A_186 : vector<196x96xi32> -> vector<196x96xf32>
    %and3A_188 = arith.constant -65536 : i32
    %and3A_189 = vector.broadcast %and3A_188 : i32 to vector<196x96xi32>
    %and3A_190 = arith.andi %slice3A_183, %and3A_189 : vector<196x96xi32>
    %bitcast_convert_type3A_191 = tpu.bitcast %and3A_190 : vector<196x96xi32> -> vector<196x96xf32>
    %mul3A_192 = arith.mulf %slice3A, %bitcast_convert_type3A_187 : vector<196x96xf32>
    %mul3A_193 = arith.mulf %slice3A_9, %bitcast_convert_type3A_191 : vector<196x96xf32>
    %add3A_194 = arith.addf %mul3A_192, %mul3A_193 : vector<196x96xf32>
    %reduce_sum3A_195 = arith.constant dense<0.000000e+00> : vector<196xf32>
    %reduce_sum3A_196 = vector.multi_reduction <add>, %add3A_194, %reduce_sum3A_195 [1] : vector<196x96xf32> to vector<196xf32>
    %broadcast_in_dim3A_197 = vector.shape_cast %reduce_sum3A_196 : vector<196xf32> to vector<196x1xf32>
    %mul3A_198 = arith.constant 5.000000e-01 : f32
    %mul3A_199 = vector.broadcast %mul3A_198 : f32 to vector<196x1xf32>
    %mul3A_200 = arith.mulf %mul3A_199, %broadcast_in_dim3A_197 : vector<196x1xf32>
    %mul3A_201 = arith.constant 4.471500e-02 : f32
    %mul3A_202 = vector.broadcast %mul3A_201 : f32 to vector<196x1xf32>
    %mul3A_203 = arith.mulf %mul3A_202, %broadcast_in_dim3A_197 : vector<196x1xf32>
    %mul3A_204 = arith.mulf %mul3A_203, %broadcast_in_dim3A_197 : vector<196x1xf32>
    %mul3A_205 = arith.mulf %mul3A_204, %broadcast_in_dim3A_197 : vector<196x1xf32>
    %add3A_206 = arith.addf %broadcast_in_dim3A_197, %mul3A_205 : vector<196x1xf32>
    %mul3A_207 = arith.constant 0.797884583 : f32
    %mul3A_208 = vector.broadcast %mul3A_207 : f32 to vector<196x1xf32>
    %mul3A_209 = arith.mulf %mul3A_208, %add3A_206 : vector<196x1xf32>
    %tanh3A_210 = math.tanh %mul3A_209 : vector<196x1xf32>
    %add3A_211 = arith.constant 1.000000e+00 : f32
    %add3A_212 = vector.broadcast %add3A_211 : f32 to vector<196x1xf32>
    %add3A_213 = arith.addf %add3A_212, %tanh3A_210 : vector<196x1xf32>
    %mul3A_214 = arith.mulf %mul3A_200, %add3A_213 : vector<196x1xf32>
    %get3A_215 = arith.constant 0 : index
    %get3A_216 = arith.constant 0 : index
    %get3A_217 = arith.constant 3 : index
    %get3A_218 = vector.load %arg4[%get3A_215, %get3A_216, %get3A_217] : memref<2x196x4xf32, #tpu.memory_space<vmem>>, vector<1x196x1xf32>
    %get3A_219 = vector.shape_cast %get3A_218 : vector<1x196x1xf32> to vector<196x1xf32>
    %mul3A_220 = arith.mulf %mul3A_214, %get3A_219 : vector<196x1xf32>
    %slice3A_221 = vector.extract_strided_slice %get3A_182 {offsets = [0, 96], sizes = [196, 96], strides = [1, 1]} : vector<196x256xi32> to vector<196x96xi32>
    %shift_left3A_222 = arith.constant 16 : i32
    %shift_left3A_223 = vector.broadcast %shift_left3A_222 : i32 to vector<196x96xi32>
    %shift_left3A_224 = arith.shli %slice3A_221, %shift_left3A_223 : vector<196x96xi32>
    %bitcast_convert_type3A_225 = tpu.bitcast %shift_left3A_224 : vector<196x96xi32> -> vector<196x96xf32>
    %and3A_226 = arith.constant -65536 : i32
    %and3A_227 = vector.broadcast %and3A_226 : i32 to vector<196x96xi32>
    %and3A_228 = arith.andi %slice3A_221, %and3A_227 : vector<196x96xi32>
    %bitcast_convert_type3A_229 = tpu.bitcast %and3A_228 : vector<196x96xi32> -> vector<196x96xf32>
    %mul3A_230 = vector.broadcast %mul3A_220 : vector<196x1xf32> to vector<196x96xf32>
    %mul3A_231 = arith.mulf %mul3A_230, %bitcast_convert_type3A_225 : vector<196x96xf32>
    %mul3A_232 = vector.broadcast %mul3A_220 : vector<196x1xf32> to vector<196x96xf32>
    %mul3A_233 = arith.mulf %mul3A_232, %bitcast_convert_type3A_229 : vector<196x96xf32>
    %add3A_234 = arith.addf %add3A_175, %mul3A_231 : vector<196x96xf32>
    %add3A_235 = arith.addf %add3A_176, %mul3A_233 : vector<196x96xf32>
    %concatenate3A = tpu.concatenate %add3A_234, %add3A_235 in 1 : vector<196x96xf32>, vector<196x96xf32> -> vector<196x192xf32>
    %mul3A_236 = arith.constant 1.702000e+00 : f32
    %mul3A_237 = vector.broadcast %mul3A_236 : f32 to vector<196x192xf32>
    %mul3A_238 = arith.mulf %mul3A_237, %concatenate3A : vector<196x192xf32>
    %logistic3A = arith.negf %mul3A_238 : vector<196x192xf32>
    %logistic3A_239 = math.exp %logistic3A : vector<196x192xf32>
    %logistic3A_240 = arith.constant 1.000000e+00 : f32
    %logistic3A_241 = vector.broadcast %logistic3A_240 : f32 to vector<196x192xf32>
    %logistic3A_242 = arith.addf %logistic3A_241, %logistic3A_239 : vector<196x192xf32>
    %logistic3A_243 = arith.divf %logistic3A_241, %logistic3A_242 : vector<196x192xf32>
    %mul3A_244 = arith.mulf %concatenate3A, %logistic3A_243 : vector<196x192xf32>
    %get3A_245 = arith.constant 0 : index
    %get3A_246 = arith.constant 0 : index
    %get3A_247 = vector.load %arg7[%get3A_245, %get3A_246] : memref<192x192xf32, #tpu.memory_space<vmem>>, vector<192x192xf32>
    %dot_general3A = arith.constant dense<0.000000e+00> : vector<196x192xf32>
    %dot_general3A_248 = tpu.matmul %mul3A_244, %get3A_247, %dot_general3A {dimension_numbers = #tpu.dot_dimension_numbers<[1], [0], [0], [1], [0, 0, 1, 1], [], []>, transpose_lhs_hint = false} : vector<196x192xf32>, vector<192x192xf32>, vector<196x192xf32> -> vector<196x192xf32>
    %slice3A_249 = vector.extract_strided_slice %dot_general3A_248 {offsets = [0, 0], sizes = [196, 64], strides = [1, 1]} : vector<196x192xf32> to vector<196x64xf32>
    %slice3A_250 = vector.extract_strided_slice %dot_general3A_248 {offsets = [0, 64], sizes = [196, 64], strides = [1, 1]} : vector<196x192xf32> to vector<196x64xf32>
    %slice3A_251 = vector.extract_strided_slice %dot_general3A_248 {offsets = [0, 128], sizes = [196, 64], strides = [1, 1]} : vector<196x192xf32> to vector<196x64xf32>
    %concatenate3A_252 = tpu.concatenate %slice3A_249, %slice3A_250, %slice3A_251 in 0 : vector<196x64xf32>, vector<196x64xf32>, vector<196x64xf32> -> vector<588x64xf32>
    %get3A_253 = arith.constant 0 : index
    %get3A_254 = arith.constant 0 : index
    %get3A_255 = vector.load %arg5[%get3A_253, %get3A_254] : memref<64x768xf32, #tpu.memory_space<vmem>>, vector<64x768xf32>
    %convert_element_type3A = arith.truncf %concatenate3A_252 : vector<588x64xf32> to vector<588x64xbf16>
    %convert_element_type3A_256 = arith.truncf %get3A_255 : vector<64x768xf32> to vector<64x768xbf16>
    %dot_general3A_257 = arith.constant dense<0.000000e+00> : vector<588x768xf32>
    %dot_general3A_258 = tpu.matmul %convert_element_type3A, %convert_element_type3A_256, %dot_general3A_257 {dimension_numbers = #tpu.dot_dimension_numbers<[1], [0], [0], [1], [0, 0, 1, 1], [], []>, transpose_lhs_hint = false} : vector<588x64xbf16>, vector<64x768xbf16>, vector<588x768xf32> -> vector<588x768xf32>
    %get3A_259 = arith.constant 0 : index
    %get3A_260 = arith.constant 0 : index
    %get3A_261 = vector.load %arg6[%get3A_259, %get3A_260] : memref<1x768xf32, #tpu.memory_space<vmem>>, vector<1x768xf32>
    %add3A_262 = vector.broadcast %get3A_261 : vector<1x768xf32> to vector<588x768xf32>
    %add3A_263 = arith.addf %dot_general3A_258, %add3A_262 : vector<588x768xf32>
    %get3A_264 = arith.constant 0 : index
    %get3A_265 = arith.constant 0 : index
    %get3A_266 = arith.constant 0 : index
    %get3A_267 = vector.load %arg1[%get3A_264, %get3A_265, %get3A_266] : memref<2x589x768xf32, #tpu.memory_space<vmem>>, vector<1x1x768xf32>
    %get3A_268 = vector.shape_cast %get3A_267 : vector<1x1x768xf32> to vector<1x768xf32>
    %get3A_269 = arith.constant 0 : index
    %get3A_270 = arith.constant 1 : index
    %get3A_271 = arith.constant 0 : index
    %get3A_272 = vector.load %arg1[%get3A_269, %get3A_270, %get3A_271] : memref<2x589x768xf32, #tpu.memory_space<vmem>>, vector<1x588x768xf32>
    %get3A_273 = vector.shape_cast %get3A_272 : vector<1x588x768xf32> to vector<588x768xf32>
    %add3A_274 = arith.addf %get3A_273, %add3A_263 : vector<588x768xf32>
    %concatenate3A_275 = tpu.concatenate %get3A_268, %add3A_274 in 0 : vector<1x768xf32>, vector<588x768xf32> -> vector<589x768xf32>
    %swap3A = arith.constant 0 : index
    %swap3A_276 = arith.constant 0 : index
    %swap3A_277 = arith.constant 0 : index
    %swap3A_278 = vector.load %arg8[%swap3A, %swap3A_276, %swap3A_277] : memref<2x589x768xf32, #tpu.memory_space<vmem>>, vector<1x589x768xf32>
    %swap3A_279 = vector.shape_cast %swap3A_278 : vector<1x589x768xf32> to vector<589x768xf32>
    %swap3A_280 = vector.shape_cast %concatenate3A_275 : vector<589x768xf32> to vector<1x589x768xf32>
    tpu.vector_store %arg8[%swap3A, %swap3A_276, %swap3A_277], %swap3A_280 {strides = array<i32>} : memref<2x589x768xf32, #tpu.memory_space<vmem>>, vector<1x589x768xf32>,
    %get3A_281 = arith.constant 1 : index
    %get3A_282 = arith.constant 0 : index
    %get3A_283 = arith.constant 0 : index
    %get3A_284 = vector.load %arg3[%get3A_281, %get3A_282, %get3A_283] : memref<2x196x192xf32, #tpu.memory_space<vmem>>, vector<1x196x192xf32>
    %get3A_285 = vector.shape_cast %get3A_284 : vector<1x196x192xf32> to vector<196x192xf32>
    %slice3A_286 = vector.extract_strided_slice %get3A_285 {offsets = [0, 0], sizes = [196, 96], strides = [1, 1]} : vector<196x192xf32> to vector<196x96xf32>
    %get3A_287 = arith.constant 1 : index
    %get3A_288 = arith.constant 0 : index
    %get3A_289 = arith.constant 0 : index
    %get3A_290 = vector.load %arg3[%get3A_287, %get3A_288, %get3A_289] : memref<2x196x192xf32, #tpu.memory_space<vmem>>, vector<1x196x192xf32>
    %get3A_291 = vector.shape_cast %get3A_290 : vector<1x196x192xf32> to vector<196x192xf32>
    %slice3A_292 = vector.extract_strided_slice %get3A_291 {offsets = [0, 96], sizes = [196, 96], strides = [1, 1]} : vector<196x192xf32> to vector<196x96xf32>
    %get3A_293 = arith.constant 0 : index
    %get3A_294 = arith.constant 1 : index
    %get3A_295 = arith.constant 0 : index
    %get3A_296 = arith.constant 0 : index
    %get3A_297 = vector.load %arg2[%get3A_293, %get3A_294, %get3A_295, %get3A_296] : memref<4x2x196x256xi32, #tpu.memory_space<vmem>>, vector<1x1x196x256xi32>
    %get3A_298 = vector.shape_cast %get3A_297 : vector<1x1x196x256xi32> to vector<196x256xi32>
    %slice3A_299 = vector.extract_strided_slice %get3A_298 {offsets = [0, 0], sizes = [196, 96], strides = [1, 1]} : vector<196x256xi32> to vector<196x96xi32>
    %shift_left3A_300 = arith.constant 16 : i32
    %shift_left3A_301 = vector.broadcast %shift_left3A_300 : i32 to vector<196x96xi32>
    %shift_left3A_302 = arith.shli %slice3A_299, %shift_left3A_301 : vector<196x96xi32>
    %bitcast_convert_type3A_303 = tpu.bitcast %shift_left3A_302 : vector<196x96xi32> -> vector<196x96xf32>
    %and3A_304 = arith.constant -65536 : i32
    %and3A_305 = vector.broadcast %and3A_304 : i32 to vector<196x96xi32>
    %and3A_306 = arith.andi %slice3A_299, %and3A_305 : vector<196x96xi32>
    %bitcast_convert_type3A_307 = tpu.bitcast %and3A_306 : vector<196x96xi32> -> vector<196x96xf32>
    %mul3A_308 = arith.mulf %slice3A_286, %bitcast_convert_type3A_303 : vector<196x96xf32>
    %mul3A_309 = arith.mulf %slice3A_292, %bitcast_convert_type3A_307 : vector<196x96xf32>
    %add3A_310 = arith.addf %mul3A_308, %mul3A_309 : vector<196x96xf32>
    %reduce_sum3A_311 = arith.constant dense<0.000000e+00> : vector<196xf32>
    %reduce_sum3A_312 = vector.multi_reduction <add>, %add3A_310, %reduce_sum3A_311 [1] : vector<196x96xf32> to vector<196xf32>
    %broadcast_in_dim3A_313 = vector.shape_cast %reduce_sum3A_312 : vector<196xf32> to vector<196x1xf32>
    %mul3A_314 = arith.constant 5.000000e-01 : f32
    %mul3A_315 = vector.broadcast %mul3A_314 : f32 to vector<196x1xf32>
    %mul3A_316 = arith.mulf %mul3A_315, %broadcast_in_dim3A_313 : vector<196x1xf32>
    %mul3A_317 = arith.constant 4.471500e-02 : f32
    %mul3A_318 = vector.broadcast %mul3A_317 : f32 to vector<196x1xf32>
    %mul3A_319 = arith.mulf %mul3A_318, %broadcast_in_dim3A_313 : vector<196x1xf32>
    %mul3A_320 = arith.mulf %mul3A_319, %broadcast_in_dim3A_313 : vector<196x1xf32>
    %mul3A_321 = arith.mulf %mul3A_320, %broadcast_in_dim3A_313 : vector<196x1xf32>
    %add3A_322 = arith.addf %broadcast_in_dim3A_313, %mul3A_321 : vector<196x1xf32>
    %mul3A_323 = arith.constant 0.797884583 : f32
    %mul3A_324 = vector.broadcast %mul3A_323 : f32 to vector<196x1xf32>
    %mul3A_325 = arith.mulf %mul3A_324, %add3A_322 : vector<196x1xf32>
    %tanh3A_326 = math.tanh %mul3A_325 : vector<196x1xf32>
    %add3A_327 = arith.constant 1.000000e+00 : f32
    %add3A_328 = vector.broadcast %add3A_327 : f32 to vector<196x1xf32>
    %add3A_329 = arith.addf %add3A_328, %tanh3A_326 : vector<196x1xf32>
    %mul3A_330 = arith.mulf %mul3A_316, %add3A_329 : vector<196x1xf32>
    %get3A_331 = arith.constant 1 : index
    %get3A_332 = arith.constant 0 : index
    %get3A_333 = arith.constant 0 : index
    %get3A_334 = vector.load %arg4[%get3A_331, %get3A_332, %get3A_333] : memref<2x196x4xf32, #tpu.memory_space<vmem>>, vector<1x196x1xf32>
    %get3A_335 = vector.shape_cast %get3A_334 : vector<1x196x1xf32> to vector<196x1xf32>
    %mul3A_336 = arith.mulf %mul3A_330, %get3A_335 : vector<196x1xf32>
    %slice3A_337 = vector.extract_strided_slice %get3A_298 {offsets = [0, 96], sizes = [196, 96], strides = [1, 1]} : vector<196x256xi32> to vector<196x96xi32>
    %shift_left3A_338 = arith.constant 16 : i32
    %shift_left3A_339 = vector.broadcast %shift_left3A_338 : i32 to vector<196x96xi32>
    %shift_left3A_340 = arith.shli %slice3A_337, %shift_left3A_339 : vector<196x96xi32>
    %bitcast_convert_type3A_341 = tpu.bitcast %shift_left3A_340 : vector<196x96xi32> -> vector<196x96xf32>
    %and3A_342 = arith.constant -65536 : i32
    %and3A_343 = vector.broadcast %and3A_342 : i32 to vector<196x96xi32>
    %and3A_344 = arith.andi %slice3A_337, %and3A_343 : vector<196x96xi32>
    %bitcast_convert_type3A_345 = tpu.bitcast %and3A_344 : vector<196x96xi32> -> vector<196x96xf32>
    %mul3A_346 = vector.broadcast %mul3A_336 : vector<196x1xf32> to vector<196x96xf32>
    %mul3A_347 = arith.mulf %mul3A_346, %bitcast_convert_type3A_341 : vector<196x96xf32>
    %mul3A_348 = vector.broadcast %mul3A_336 : vector<196x1xf32> to vector<196x96xf32>
    %mul3A_349 = arith.mulf %mul3A_348, %bitcast_convert_type3A_345 : vector<196x96xf32>
    %get3A_350 = arith.constant 1 : index
    %get3A_351 = arith.constant 1 : index
    %get3A_352 = arith.constant 0 : index
    %get3A_353 = arith.constant 0 : index
    %get3A_354 = vector.load %arg2[%get3A_350, %get3A_351, %get3A_352, %get3A_353] : memref<4x2x196x256xi32, #tpu.memory_space<vmem>>, vector<1x1x196x256xi32>
    %get3A_355 = vector.shape_cast %get3A_354 : vector<1x1x196x256xi32> to vector<196x256xi32>
    %slice3A_356 = vector.extract_strided_slice %get3A_355 {offsets = [0, 0], sizes = [196, 96], strides = [1, 1]} : vector<196x256xi32> to vector<196x96xi32>
    %shift_left3A_357 = arith.constant 16 : i32
    %shift_left3A_358 = vector.broadcast %shift_left3A_357 : i32 to vector<196x96xi32>
    %shift_left3A_359 = arith.shli %slice3A_356, %shift_left3A_358 : vector<196x96xi32>
    %bitcast_convert_type3A_360 = tpu.bitcast %shift_left3A_359 : vector<196x96xi32> -> vector<196x96xf32>
    %and3A_361 = arith.constant -65536 : i32
    %and3A_362 = vector.broadcast %and3A_361 : i32 to vector<196x96xi32>
    %and3A_363 = arith.andi %slice3A_356, %and3A_362 : vector<196x96xi32>
    %bitcast_convert_type3A_364 = tpu.bitcast %and3A_363 : vector<196x96xi32> -> vector<196x96xf32>
    %mul3A_365 = arith.mulf %slice3A_286, %bitcast_convert_type3A_360 : vector<196x96xf32>
    %mul3A_366 = arith.mulf %slice3A_292, %bitcast_convert_type3A_364 : vector<196x96xf32>
    %add3A_367 = arith.addf %mul3A_365, %mul3A_366 : vector<196x96xf32>
    %reduce_sum3A_368 = arith.constant dense<0.000000e+00> : vector<196xf32>
    %reduce_sum3A_369 = vector.multi_reduction <add>, %add3A_367, %reduce_sum3A_368 [1] : vector<196x96xf32> to vector<196xf32>
    %broadcast_in_dim3A_370 = vector.shape_cast %reduce_sum3A_369 : vector<196xf32> to vector<196x1xf32>
    %mul3A_371 = arith.constant 5.000000e-01 : f32
    %mul3A_372 = vector.broadcast %mul3A_371 : f32 to vector<196x1xf32>
    %mul3A_373 = arith.mulf %mul3A_372, %broadcast_in_dim3A_370 : vector<196x1xf32>
    %mul3A_374 = arith.constant 4.471500e-02 : f32
    %mul3A_375 = vector.broadcast %mul3A_374 : f32 to vector<196x1xf32>
    %mul3A_376 = arith.mulf %mul3A_375, %broadcast_in_dim3A_370 : vector<196x1xf32>
    %mul3A_377 = arith.mulf %mul3A_376, %broadcast_in_dim3A_370 : vector<196x1xf32>
    %mul3A_378 = arith.mulf %mul3A_377, %broadcast_in_dim3A_370 : vector<196x1xf32>
    %add3A_379 = arith.addf %broadcast_in_dim3A_370, %mul3A_378 : vector<196x1xf32>
    %mul3A_380 = arith.constant 0.797884583 : f32
    %mul3A_381 = vector.broadcast %mul3A_380 : f32 to vector<196x1xf32>
    %mul3A_382 = arith.mulf %mul3A_381, %add3A_379 : vector<196x1xf32>
    %tanh3A_383 = math.tanh %mul3A_382 : vector<196x1xf32>
    %add3A_384 = arith.constant 1.000000e+00 : f32
    %add3A_385 = vector.broadcast %add3A_384 : f32 to vector<196x1xf32>
    %add3A_386 = arith.addf %add3A_385, %tanh3A_383 : vector<196x1xf32>
    %mul3A_387 = arith.mulf %mul3A_373, %add3A_386 : vector<196x1xf32>
    %get3A_388 = arith.constant 1 : index
    %get3A_389 = arith.constant 0 : index
    %get3A_390 = arith.constant 1 : index
    %get3A_391 = vector.load %arg4[%get3A_388, %get3A_389, %get3A_390] : memref<2x196x4xf32, #tpu.memory_space<vmem>>, vector<1x196x1xf32>
    %get3A_392 = vector.shape_cast %get3A_391 : vector<1x196x1xf32> to vector<196x1xf32>
    %mul3A_393 = arith.mulf %mul3A_387, %get3A_392 : vector<196x1xf32>
    %slice3A_394 = vector.extract_strided_slice %get3A_355 {offsets = [0, 96], sizes = [196, 96], strides = [1, 1]} : vector<196x256xi32> to vector<196x96xi32>
    %shift_left3A_395 = arith.constant 16 : i32
    %shift_left3A_396 = vector.broadcast %shift_left3A_395 : i32 to vector<196x96xi32>
    %shift_left3A_397 = arith.shli %slice3A_394, %shift_left3A_396 : vector<196x96xi32>
    %bitcast_convert_type3A_398 = tpu.bitcast %shift_left3A_397 : vector<196x96xi32> -> vector<196x96xf32>
    %and3A_399 = arith.constant -65536 : i32
    %and3A_400 = vector.broadcast %and3A_399 : i32 to vector<196x96xi32>
    %and3A_401 = arith.andi %slice3A_394, %and3A_400 : vector<196x96xi32>
    %bitcast_convert_type3A_402 = tpu.bitcast %and3A_401 : vector<196x96xi32> -> vector<196x96xf32>
    %mul3A_403 = vector.broadcast %mul3A_393 : vector<196x1xf32> to vector<196x96xf32>
    %mul3A_404 = arith.mulf %mul3A_403, %bitcast_convert_type3A_398 : vector<196x96xf32>
    %mul3A_405 = vector.broadcast %mul3A_393 : vector<196x1xf32> to vector<196x96xf32>
    %mul3A_406 = arith.mulf %mul3A_405, %bitcast_convert_type3A_402 : vector<196x96xf32>
    %add3A_407 = arith.addf %mul3A_347, %mul3A_404 : vector<196x96xf32>
    %add3A_408 = arith.addf %mul3A_349, %mul3A_406 : vector<196x96xf32>
    %get3A_409 = arith.constant 2 : index
    %get3A_410 = arith.constant 1 : index
    %get3A_411 = arith.constant 0 : index
    %get3A_412 = arith.constant 0 : index
    %get3A_413 = vector.load %arg2[%get3A_409, %get3A_410, %get3A_411, %get3A_412] : memref<4x2x196x256xi32, #tpu.memory_space<vmem>>, vector<1x1x196x256xi32>
    %get3A_414 = vector.shape_cast %get3A_413 : vector<1x1x196x256xi32> to vector<196x256xi32>
    %slice3A_415 = vector.extract_strided_slice %get3A_414 {offsets = [0, 0], sizes = [196, 96], strides = [1, 1]} : vector<196x256xi32> to vector<196x96xi32>
    %shift_left3A_416 = arith.constant 16 : i32
    %shift_left3A_417 = vector.broadcast %shift_left3A_416 : i32 to vector<196x96xi32>
    %shift_left3A_418 = arith.shli %slice3A_415, %shift_left3A_417 : vector<196x96xi32>
    %bitcast_convert_type3A_419 = tpu.bitcast %shift_left3A_418 : vector<196x96xi32> -> vector<196x96xf32>
    %and3A_420 = arith.constant -65536 : i32
    %and3A_421 = vector.broadcast %and3A_420 : i32 to vector<196x96xi32>
    %and3A_422 = arith.andi %slice3A_415, %and3A_421 : vector<196x96xi32>
    %bitcast_convert_type3A_423 = tpu.bitcast %and3A_422 : vector<196x96xi32> -> vector<196x96xf32>
    %mul3A_424 = arith.mulf %slice3A_286, %bitcast_convert_type3A_419 : vector<196x96xf32>
    %mul3A_425 = arith.mulf %slice3A_292, %bitcast_convert_type3A_423 : vector<196x96xf32>
    %add3A_426 = arith.addf %mul3A_424, %mul3A_425 : vector<196x96xf32>
    %reduce_sum3A_427 = arith.constant dense<0.000000e+00> : vector<196xf32>
    %reduce_sum3A_428 = vector.multi_reduction <add>, %add3A_426, %reduce_sum3A_427 [1] : vector<196x96xf32> to vector<196xf32>
    %broadcast_in_dim3A_429 = vector.shape_cast %reduce_sum3A_428 : vector<196xf32> to vector<196x1xf32>
    %mul3A_430 = arith.constant 5.000000e-01 : f32
    %mul3A_431 = vector.broadcast %mul3A_430 : f32 to vector<196x1xf32>
    %mul3A_432 = arith.mulf %mul3A_431, %broadcast_in_dim3A_429 : vector<196x1xf32>
    %mul3A_433 = arith.constant 4.471500e-02 : f32
    %mul3A_434 = vector.broadcast %mul3A_433 : f32 to vector<196x1xf32>
    %mul3A_435 = arith.mulf %mul3A_434, %broadcast_in_dim3A_429 : vector<196x1xf32>
    %mul3A_436 = arith.mulf %mul3A_435, %broadcast_in_dim3A_429 : vector<196x1xf32>
    %mul3A_437 = arith.mulf %mul3A_436, %broadcast_in_dim3A_429 : vector<196x1xf32>
    %add3A_438 = arith.addf %broadcast_in_dim3A_429, %mul3A_437 : vector<196x1xf32>
    %mul3A_439 = arith.constant 0.797884583 : f32
    %mul3A_440 = vector.broadcast %mul3A_439 : f32 to vector<196x1xf32>
    %mul3A_441 = arith.mulf %mul3A_440, %add3A_438 : vector<196x1xf32>
    %tanh3A_442 = math.tanh %mul3A_441 : vector<196x1xf32>
    %add3A_443 = arith.constant 1.000000e+00 : f32
    %add3A_444 = vector.broadcast %add3A_443 : f32 to vector<196x1xf32>
    %add3A_445 = arith.addf %add3A_444, %tanh3A_442 : vector<196x1xf32>
    %mul3A_446 = arith.mulf %mul3A_432, %add3A_445 : vector<196x1xf32>
    %get3A_447 = arith.constant 1 : index
    %get3A_448 = arith.constant 0 : index
    %get3A_449 = arith.constant 2 : index
    %get3A_450 = vector.load %arg4[%get3A_447, %get3A_448, %get3A_449] : memref<2x196x4xf32, #tpu.memory_space<vmem>>, vector<1x196x1xf32>
    %get3A_451 = vector.shape_cast %get3A_450 : vector<1x196x1xf32> to vector<196x1xf32>
    %mul3A_452 = arith.mulf %mul3A_446, %get3A_451 : vector<196x1xf32>
    %slice3A_453 = vector.extract_strided_slice %get3A_414 {offsets = [0, 96], sizes = [196, 96], strides = [1, 1]} : vector<196x256xi32> to vector<196x96xi32>
    %shift_left3A_454 = arith.constant 16 : i32
    %shift_left3A_455 = vector.broadcast %shift_left3A_454 : i32 to vector<196x96xi32>
    %shift_left3A_456 = arith.shli %slice3A_453, %shift_left3A_455 : vector<196x96xi32>
    %bitcast_convert_type3A_457 = tpu.bitcast %shift_left3A_456 : vector<196x96xi32> -> vector<196x96xf32>
    %and3A_458 = arith.constant -65536 : i32
    %and3A_459 = vector.broadcast %and3A_458 : i32 to vector<196x96xi32>
    %and3A_460 = arith.andi %slice3A_453, %and3A_459 : vector<196x96xi32>
    %bitcast_convert_type3A_461 = tpu.bitcast %and3A_460 : vector<196x96xi32> -> vector<196x96xf32>
    %mul3A_462 = vector.broadcast %mul3A_452 : vector<196x1xf32> to vector<196x96xf32>
    %mul3A_463 = arith.mulf %mul3A_462, %bitcast_convert_type3A_457 : vector<196x96xf32>
    %mul3A_464 = vector.broadcast %mul3A_452 : vector<196x1xf32> to vector<196x96xf32>
    %mul3A_465 = arith.mulf %mul3A_464, %bitcast_convert_type3A_461 : vector<196x96xf32>
    %add3A_466 = arith.addf %add3A_407, %mul3A_463 : vector<196x96xf32>
    %add3A_467 = arith.addf %add3A_408, %mul3A_465 : vector<196x96xf32>
    %get3A_468 = arith.constant 3 : index
    %get3A_469 = arith.constant 1 : index
    %get3A_470 = arith.constant 0 : index
    %get3A_471 = arith.constant 0 : index
    %get3A_472 = vector.load %arg2[%get3A_468, %get3A_469, %get3A_470, %get3A_471] : memref<4x2x196x256xi32, #tpu.memory_space<vmem>>, vector<1x1x196x256xi32>
    %get3A_473 = vector.shape_cast %get3A_472 : vector<1x1x196x256xi32> to vector<196x256xi32>
    %slice3A_474 = vector.extract_strided_slice %get3A_473 {offsets = [0, 0], sizes = [196, 96], strides = [1, 1]} : vector<196x256xi32> to vector<196x96xi32>
    %shift_left3A_475 = arith.constant 16 : i32
    %shift_left3A_476 = vector.broadcast %shift_left3A_475 : i32 to vector<196x96xi32>
    %shift_left3A_477 = arith.shli %slice3A_474, %shift_left3A_476 : vector<196x96xi32>
    %bitcast_convert_type3A_478 = tpu.bitcast %shift_left3A_477 : vector<196x96xi32> -> vector<196x96xf32>
    %and3A_479 = arith.constant -65536 : i32
    %and3A_480 = vector.broadcast %and3A_479 : i32 to vector<196x96xi32>
    %and3A_481 = arith.andi %slice3A_474, %and3A_480 : vector<196x96xi32>
    %bitcast_convert_type3A_482 = tpu.bitcast %and3A_481 : vector<196x96xi32> -> vector<196x96xf32>
    %mul3A_483 = arith.mulf %slice3A_286, %bitcast_convert_type3A_478 : vector<196x96xf32>
    %mul3A_484 = arith.mulf %slice3A_292, %bitcast_convert_type3A_482 : vector<196x96xf32>
    %add3A_485 = arith.addf %mul3A_483, %mul3A_484 : vector<196x96xf32>
    %reduce_sum3A_486 = arith.constant dense<0.000000e+00> : vector<196xf32>
    %reduce_sum3A_487 = vector.multi_reduction <add>, %add3A_485, %reduce_sum3A_486 [1] : vector<196x96xf32> to vector<196xf32>
    %broadcast_in_dim3A_488 = vector.shape_cast %reduce_sum3A_487 : vector<196xf32> to vector<196x1xf32>
    %mul3A_489 = arith.constant 5.000000e-01 : f32
    %mul3A_490 = vector.broadcast %mul3A_489 : f32 to vector<196x1xf32>
    %mul3A_491 = arith.mulf %mul3A_490, %broadcast_in_dim3A_488 : vector<196x1xf32>
    %mul3A_492 = arith.constant 4.471500e-02 : f32
    %mul3A_493 = vector.broadcast %mul3A_492 : f32 to vector<196x1xf32>
    %mul3A_494 = arith.mulf %mul3A_493, %broadcast_in_dim3A_488 : vector<196x1xf32>
    %mul3A_495 = arith.mulf %mul3A_494, %broadcast_in_dim3A_488 : vector<196x1xf32>
    %mul3A_496 = arith.mulf %mul3A_495, %broadcast_in_dim3A_488 : vector<196x1xf32>
    %add3A_497 = arith.addf %broadcast_in_dim3A_488, %mul3A_496 : vector<196x1xf32>
    %mul3A_498 = arith.constant 0.797884583 : f32
    %mul3A_499 = vector.broadcast %mul3A_498 : f32 to vector<196x1xf32>
    %mul3A_500 = arith.mulf %mul3A_499, %add3A_497 : vector<196x1xf32>
    %tanh3A_501 = math.tanh %mul3A_500 : vector<196x1xf32>
    %add3A_502 = arith.constant 1.000000e+00 : f32
    %add3A_503 = vector.broadcast %add3A_502 : f32 to vector<196x1xf32>
    %add3A_504 = arith.addf %add3A_503, %tanh3A_501 : vector<196x1xf32>
    %mul3A_505 = arith.mulf %mul3A_491, %add3A_504 : vector<196x1xf32>
    %get3A_506 = arith.constant 1 : index
    %get3A_507 = arith.constant 0 : index
    %get3A_508 = arith.constant 3 : index
    %get3A_509 = vector.load %arg4[%get3A_506, %get3A_507, %get3A_508] : memref<2x196x4xf32, #tpu.memory_space<vmem>>, vector<1x196x1xf32>
    %get3A_510 = vector.shape_cast %get3A_509 : vector<1x196x1xf32> to vector<196x1xf32>
    %mul3A_511 = arith.mulf %mul3A_505, %get3A_510 : vector<196x1xf32>
    %slice3A_512 = vector.extract_strided_slice %get3A_473 {offsets = [0, 96], sizes = [196, 96], strides = [1, 1]} : vector<196x256xi32> to vector<196x96xi32>
    %shift_left3A_513 = arith.constant 16 : i32
    %shift_left3A_514 = vector.broadcast %shift_left3A_513 : i32 to vector<196x96xi32>
    %shift_left3A_515 = arith.shli %slice3A_512, %shift_left3A_514 : vector<196x96xi32>
    %bitcast_convert_type3A_516 = tpu.bitcast %shift_left3A_515 : vector<196x96xi32> -> vector<196x96xf32>
    %and3A_517 = arith.constant -65536 : i32
    %and3A_518 = vector.broadcast %and3A_517 : i32 to vector<196x96xi32>
    %and3A_519 = arith.andi %slice3A_512, %and3A_518 : vector<196x96xi32>
    %bitcast_convert_type3A_520 = tpu.bitcast %and3A_519 : vector<196x96xi32> -> vector<196x96xf32>
    %mul3A_521 = vector.broadcast %mul3A_511 : vector<196x1xf32> to vector<196x96xf32>
    %mul3A_522 = arith.mulf %mul3A_521, %bitcast_convert_type3A_516 : vector<196x96xf32>
    %mul3A_523 = vector.broadcast %mul3A_511 : vector<196x1xf32> to vector<196x96xf32>
    %mul3A_524 = arith.mulf %mul3A_523, %bitcast_convert_type3A_520 : vector<196x96xf32>
    %add3A_525 = arith.addf %add3A_466, %mul3A_522 : vector<196x96xf32>
    %add3A_526 = arith.addf %add3A_467, %mul3A_524 : vector<196x96xf32>
    %concatenate3A_527 = tpu.concatenate %add3A_525, %add3A_526 in 1 : vector<196x96xf32>, vector<196x96xf32> -> vector<196x192xf32>
    %mul3A_528 = arith.constant 1.702000e+00 : f32
    %mul3A_529 = vector.broadcast %mul3A_528 : f32 to vector<196x192xf32>
    %mul3A_530 = arith.mulf %mul3A_529, %concatenate3A_527 : vector<196x192xf32>
    %logistic3A_531 = arith.negf %mul3A_530 : vector<196x192xf32>
    %logistic3A_532 = math.exp %logistic3A_531 : vector<196x192xf32>
    %logistic3A_533 = arith.constant 1.000000e+00 : f32
    %logistic3A_534 = vector.broadcast %logistic3A_533 : f32 to vector<196x192xf32>
    %logistic3A_535 = arith.addf %logistic3A_534, %logistic3A_532 : vector<196x192xf32>
    %logistic3A_536 = arith.divf %logistic3A_534, %logistic3A_535 : vector<196x192xf32>
    %mul3A_537 = arith.mulf %concatenate3A_527, %logistic3A_536 : vector<196x192xf32>
    %get3A_538 = arith.constant 0 : index
    %get3A_539 = arith.constant 0 : index
    %get3A_540 = vector.load %arg7[%get3A_538, %get3A_539] : memref<192x192xf32, #tpu.memory_space<vmem>>, vector<192x192xf32>
    %dot_general3A_541 = arith.constant dense<0.000000e+00> : vector<196x192xf32>
    %dot_general3A_542 = tpu.matmul %mul3A_537, %get3A_540, %dot_general3A_541 {dimension_numbers = #tpu.dot_dimension_numbers<[1], [0], [0], [1], [0, 0, 1, 1], [], []>, transpose_lhs_hint = false} : vector<196x192xf32>, vector<192x192xf32>, vector<196x192xf32> -> vector<196x192xf32>
    %slice3A_543 = vector.extract_strided_slice %dot_general3A_542 {offsets = [0, 0], sizes = [196, 64], strides = [1, 1]} : vector<196x192xf32> to vector<196x64xf32>
    %slice3A_544 = vector.extract_strided_slice %dot_general3A_542 {offsets = [0, 64], sizes = [196, 64], strides = [1, 1]} : vector<196x192xf32> to vector<196x64xf32>
    %slice3A_545 = vector.extract_strided_slice %dot_general3A_542 {offsets = [0, 128], sizes = [196, 64], strides = [1, 1]} : vector<196x192xf32> to vector<196x64xf32>
    %concatenate3A_546 = tpu.concatenate %slice3A_543, %slice3A_544, %slice3A_545 in 0 : vector<196x64xf32>, vector<196x64xf32>, vector<196x64xf32> -> vector<588x64xf32>
    %get3A_547 = arith.constant 0 : index
    %get3A_548 = arith.constant 0 : index
    %get3A_549 = vector.load %arg5[%get3A_547, %get3A_548] : memref<64x768xf32, #tpu.memory_space<vmem>>, vector<64x768xf32>
    %convert_element_type3A_550 = arith.truncf %concatenate3A_546 : vector<588x64xf32> to vector<588x64xbf16>
    %convert_element_type3A_551 = arith.truncf %get3A_549 : vector<64x768xf32> to vector<64x768xbf16>
    %dot_general3A_552 = arith.constant dense<0.000000e+00> : vector<588x768xf32>
    %dot_general3A_553 = tpu.matmul %convert_element_type3A_550, %convert_element_type3A_551, %dot_general3A_552 {dimension_numbers = #tpu.dot_dimension_numbers<[1], [0], [0], [1], [0, 0, 1, 1], [], []>, transpose_lhs_hint = false} : vector<588x64xbf16>, vector<64x768xbf16>, vector<588x768xf32> -> vector<588x768xf32>
    %get3A_554 = arith.constant 0 : index
    %get3A_555 = arith.constant 0 : index
    %get3A_556 = vector.load %arg6[%get3A_554, %get3A_555] : memref<1x768xf32, #tpu.memory_space<vmem>>, vector<1x768xf32>
    %add3A_557 = vector.broadcast %get3A_556 : vector<1x768xf32> to vector<588x768xf32>
    %add3A_558 = arith.addf %dot_general3A_553, %add3A_557 : vector<588x768xf32>
    %get3A_559 = arith.constant 1 : index
    %get3A_560 = arith.constant 0 : index
    %get3A_561 = arith.constant 0 : index
    %get3A_562 = vector.load %arg1[%get3A_559, %get3A_560, %get3A_561] : memref<2x589x768xf32, #tpu.memory_space<vmem>>, vector<1x1x768xf32>
    %get3A_563 = vector.shape_cast %get3A_562 : vector<1x1x768xf32> to vector<1x768xf32>
    %get3A_564 = arith.constant 1 : index
    %get3A_565 = arith.constant 1 : index
    %get3A_566 = arith.constant 0 : index
    %get3A_567 = vector.load %arg1[%get3A_564, %get3A_565, %get3A_566] : memref<2x589x768xf32, #tpu.memory_space<vmem>>, vector<1x588x768xf32>
    %get3A_568 = vector.shape_cast %get3A_567 : vector<1x588x768xf32> to vector<588x768xf32>
    %add3A_569 = arith.addf %get3A_568, %add3A_558 : vector<588x768xf32>
    %concatenate3A_570 = tpu.concatenate %get3A_563, %add3A_569 in 0 : vector<1x768xf32>, vector<588x768xf32> -> vector<589x768xf32>
    %swap3A_571 = arith.constant 1 : index
    %swap3A_572 = arith.constant 0 : index
    %swap3A_573 = arith.constant 0 : index
    %swap3A_574 = vector.load %arg8[%swap3A_571, %swap3A_572, %swap3A_573] : memref<2x589x768xf32, #tpu.memory_space<vmem>>, vector<1x589x768xf32>
    %swap3A_575 = vector.shape_cast %swap3A_574 : vector<1x589x768xf32> to vector<589x768xf32>
    %swap3A_576 = vector.shape_cast %concatenate3A_570 : vector<589x768xf32> to vector<1x589x768xf32>
    tpu.vector_store %arg8[%swap3A_571, %swap3A_572, %swap3A_573], %swap3A_576 {strides = array<i32>} : memref<2x589x768xf32, #tpu.memory_space<vmem>>, vector<1x589x768xf32>,
    return
  }
  func.func @transform_0(%arg0: i32) -> (i32, i32, i32) {
    %c0_i32 = arith.constant 0 : i32
    %c0_i32_0 = arith.constant 0 : i32
    %c0_i32_1 = arith.constant 0 : i32
    return %arg0, %c0_i32, %c0_i32_0 : i32, i32, i32
  }
  func.func @transform_1(%arg0: i32) -> (i32, i32, i32, i32) {
    %c0_i32 = arith.constant 0 : i32
    %c0_i32_0 = arith.constant 0 : i32
    %c0_i32_1 = arith.constant 0 : i32
    %c0_i32_2 = arith.constant 0 : i32
    return %c0_i32, %arg0, %c0_i32_0, %c0_i32_1 : i32, i32, i32, i32
  }
  func.func @transform_2(%arg0: i32) -> (i32, i32, i32) {
    %c0_i32 = arith.constant 0 : i32
    %c0_i32_0 = arith.constant 0 : i32
    %c0_i32_1 = arith.constant 0 : i32
    return %arg0, %c0_i32, %c0_i32_0 : i32, i32, i32
  }
  func.func @transform_3(%arg0: i32) -> (i32, i32, i32) {
    %c0_i32 = arith.constant 0 : i32
    %c0_i32_0 = arith.constant 0 : i32
    %c0_i32_1 = arith.constant 0 : i32
    return %arg0, %c0_i32, %c0_i32_0 : i32, i32, i32
  }
  func.func @transform_4(%arg0: i32) -> (i32, i32) {
    %c0_i32 = arith.constant 0 : i32
    %c0_i32_0 = arith.constant 0 : i32
    %c0_i32_1 = arith.constant 0 : i32
    return %c0_i32, %c0_i32_0 : i32, i32
  }
  func.func @transform_5(%arg0: i32) -> (i32, i32) {
    %c0_i32 = arith.constant 0 : i32
    %c0_i32_0 = arith.constant 0 : i32
    %c0_i32_1 = arith.constant 0 : i32
    return %c0_i32, %c0_i32_0 : i32, i32
  }
  func.func @transform_6(%arg0: i32) -> (i32, i32) {
    %c0_i32 = arith.constant 0 : i32
    %c0_i32_0 = arith.constant 0 : i32
    %c0_i32_1 = arith.constant 0 : i32
    return %c0_i32, %c0_i32_0 : i32, i32
  }
  func.func @transform_7(%arg0: i32) -> (i32, i32, i32) {
    %c0_i32 = arith.constant 0 : i32
    %c0_i32_0 = arith.constant 0 : i32
    %c0_i32_1 = arith.constant 0 : i32
    return %arg0, %c0_i32, %c0_i32_0 : i32, i32, i32
  }
}

</mosaic_0001>

<sc_bundles>
// kernel: kernel.6.cloned.1.call-start
scs
__scs_entry_jumppad:
0x0: {  	(pc) =	sbr.rel $0x88, $3  }
0x1: {  	(tag) =	ssettag $0x0;
	lr =	simm.s32 $0x1  }
0x2: {  	[smem:$0x3F8D] =	sst lr;
	_ =	strace $0xD0000000  }
0x3: {  	_ = 	snop  }
0x4: {  	_ = 	snop  }
0x5: {  	_ = 	snop  }
0x6: {  	_ = 	snop  }
0x7: {  	_ = 	snop  }
__scs_overlays_trampoline_lowered:
0x8: {  	[smem:$0x3F9C] =	sst s0  }
0x9: {  	[smem:$0x3F9D] =	sst s1  }
0xa: {  	[smem:$0x3F9E] =	sst s2  }
0xb: {  	[smem:$0x3F9F] =	sst s3  }
0xc: {  	[smem:$0x3FA0] =	sst s4  }
0xd: {  	[smem:$0x3FA1] =	sst s5  }
0xe: {  	[smem:$0x3FA2] =	sst s6  }
0xf: {  	[smem:$0x3FA3] =	sst s7  }
0x10: {  	[smem:$0x3FA4] =	sst s8  }
0x11: {  	[smem:$0x3FA5] =	sst s9;
	s0 =	simm.s32 @!p0 $0x0  }
0x12: {  	s1 =	sld [smem:$0x3F8B];
	s0 =	simm.s32 @p0 $0x1  }
0x13: {  	[smem:$0x3FA6] =	sst s0;
	s0 =	simm.s32 @!p1 $0x0  }
0x14: {  	s2 =	sld [smem:$0x3F8A];
	s0 =	simm.s32 @p1 $0x1  }
0x15: {  	[smem:$0x3FA7] =	sst s0;
	s0 =	simm.s32 @!p2 $0x0  }
0x16: {  	s3 =	sld [smem:$0x3FDB];
	s0 =	simm.s32 @p2 $0x1  }
0x17: {  	s4 =	simm.s32 $0x1BF5;
	[smem:$0x3FA9] =	sst s0  }
0x18: {  	s0 =	sld [smem:$0x3F8C];
	_ =	swait.ge [sflag:s4], $0x0  }
0x19: {  	s7 =	sld [smem:$0x3F8D]  }
0x1a: {  	s8 =	sadd.s32 $0xFFFFE003, lr  }
0x1b: {  	s9 =	sadd.s32 $0xFFFFFEF7, lr;
	s5 =	simm.s32 $0xFFFFFFFF;
	p2 =	slt.u32 s8, $0xFFFFF086  }
0x1c: {  	p1 =	slt.u32 s9, $0xF7A;
	s5 =	simm.s32 @!p2 $0x0  }
0x1d: {  	s5 =	simm.s32 @p1 $0x1;
	p0 =	seq.s32 s7, s2  }
0x1e: {  	s7 =	smul.u32 @!p0 $0xF7A, s2;
	p2 =	seq.s32 @!p0 s5, $0x0  }
0x1f: {  	s9 =	smul.u32 $0xF7A, s1;
	s8 =	simm.s32 @!p0 $0x1BF5;
	p2 =	por !p2, p0  }
0x20: {  	[sflag:s8] =	ssyncset.s32 @!p0 $0xFFFFF086;
	s6 =	sadd.s32 @!p0 s3, s7;
	s7 =	simm.s32 @!p0 $0x108  }
0x21: {  	s3 =	sadd.s32 s3, s9;
	s6 =	sadd.s32 @!p0 $0x88, s6;
	s7 =	simm.s32 @p2 $0x1082  }
0x22: {  	[simem:s7], [sflag:s8] =	dma.local @!p0 [hbm:s6], $0xF7A  }
0x23: {  	s9 =	sor.u32 $0xD0000000, s2;
	s6 =	simm.s32 $0x108;
	_ =	swait.ge @!p0 [sflag:s8], $0x0  }
0x24: {  	s3 =	sadd.s32 $0x88, s3;
	s6 =	simm.s32 @!p1 $0x1082;
	[sflag:s4] =	ssyncset.s32 $0xFFFFF086  }
0x25: {  	[simem:s6], [sflag:s4] =	dma.local [hbm:s3], $0xF7A  }
0x26: {  	[smem:$0x3F8D] =	sst s1;
	(tag) =	ssettag s2;
	_ =	strace s9  }
0x27: {  	s1 =	sld [smem:$0x3F9D]  }
0x28: {  	s2 =	sld [smem:$0x3F9E]  }
0x29: {  	s4 =	sld [smem:$0x3FA0]  }
0x2a: {  	p0 =	seq.s32 s5, $0x0;
	s5 =	sld [smem:$0x3FA1]  }
0x2b: {  	s6 =	sld [smem:$0x3FA2]  }
0x2c: {  	s7 =	sld [smem:$0x3FA3]  }
0x2d: {  	s3 =	simm.s32 $0x108;
	s8 =	sld [smem:$0x3FA4]  }
0x2e: {  	s3 =	simm.s32 @!p0 $0x1082;
	s9 =	sld [smem:$0x3FA5]  }
0x2f: {  	lr =	sadd.s32 s0, s3;
	s0 =	sld [smem:$0x3F9C]  }
0x30: {  	s3 =	sld [smem:$0x3F9F]  }
0x31: {  	[smem:$0x3FA8] =	sst s10  }
0x32: {  	s10 =	sld [smem:$0x3FA6];
	_ =	sdelay $0x3  }
0x33: {  	p0 =	seq.s32 s10, $0x1;
	s10 =	sld [smem:$0x3FA8];
	_ =	sdelay $0x3  }
0x34: {  	[smem:$0x3FA8] =	sst s10  }
0x35: {  	s10 =	sld [smem:$0x3FA7];
	_ =	sdelay $0x3  }
0x36: {  	p1 =	seq.s32 s10, $0x1;
	s10 =	sld [smem:$0x3FA8];
	_ =	sdelay $0x3  }
0x37: {  	[smem:$0x3FA8] =	sst s10  }
0x38: {  	s10 =	sld [smem:$0x3FA9]  }
0x39: {  	_ = 	snop;
	(pc) =	sbr.ind lr, $3  }
0x3a: {  	_ = 	snop  }
0x3b: {  	_ = 	snop  }
0x3c: {  	p2 =	seq.s32 s10, $0x1;
	s10 =	sld [smem:$0x3FA8]  }
0x3d: {  	_ =	shalt  }
0x3e: {  	_ =	shalt  }
0x3f: {  	_ =	shalt  }
0x40: {  	_ =	shalt  }
0x41: {  	_ =	shalt  }
0x42: {  	_ =	shalt  }
0x43: {  	_ =	shalt  }
0x44: {  	_ =	shalt  }
0x45: {  	_ =	shalt  }
0x46: {  	_ =	shalt  }
0x47: {  	_ =	shalt  }
0x48: {  	_ =	shalt  }
0x49: {  	_ =	shalt  }
0x4a: {  	_ =	shalt  }
0x4b: {  	_ =	shalt  }
0x4c: {  	_ =	shalt  }
0x4d: {  	_ =	shalt  }
0x4e: {  	_ =	shalt  }
0x4f: {  	_ =	shalt  }
0x50: {  	_ =	shalt  }
0x51: {  	_ =	shalt  }
0x52: {  	_ =	shalt  }
0x53: {  	_ =	shalt  }
0x54: {  	_ =	shalt  }
0x55: {  	_ =	shalt  }
0x56: {  	_ =	shalt  }
0x57: {  	_ =	shalt  }
0x58: {  	_ =	shalt  }
0x59: {  	_ =	shalt  }
0x5a: {  	_ =	shalt  }
0x5b: {  	_ =	shalt  }
0x5c: {  	_ =	shalt  }
0x5d: {  	_ =	shalt  }
0x5e: {  	_ =	shalt  }
0x5f: {  	_ =	shalt  }
0x60: {  	_ =	shalt  }
0x61: {  	_ =	shalt  }
0x62: {  	_ =	shalt  }
0x63: {  	_ =	shalt  }
0x64: {  	_ =	shalt  }
0x65: {  	_ =	shalt  }
0x66: {  	_ =	shalt  }
0x67: {  	_ =	shalt  }
0x68: {  	_ =	shalt  }
0x69: {  	_ =	shalt  }
0x6a: {  	_ =	shalt  }
0x6b: {  	_ =	shalt  }
0x6c: {  	_ =	shalt  }
0x6d: {  	_ =	shalt  }
0x6e: {  	_ =	shalt  }
0x6f: {  	_ =	shalt  }
0x70: {  	_ =	shalt  }
0x71: {  	_ =	shalt  }
0x72: {  	_ =	shalt  }
0x73: {  	_ =	shalt  }
0x74: {  	_ =	shalt  }
0x75: {  	_ =	shalt  }
0x76: {  	_ =	shalt  }
0x77: {  	_ =	shalt  }
0x78: {  	_ =	shalt  }
0x79: {  	_ =	shalt  }
0x7a: {  	_ =	shalt  }
0x7b: {  	_ =	shalt  }
0x7c: {  	_ =	shalt  }
0x7d: {  	_ =	shalt  }
0x7e: {  	_ =	shalt  }
0x7f: {  	_ =	shalt  }
0x80: {  	_ =	shalt  }
0x81: {  	_ =	shalt  }
0x82: {  	_ =	shalt  }
0x83: {  	_ =	shalt  }
0x84: {  	_ =	shalt  }
0x85: {  	_ =	shalt  }
0x86: {  	_ =	shalt  }
0x87: {  	_ =	shalt  }
.Lfunc_end0:
.L_simem_size_0:
called_computation_lowered:
.L_overlay_start_0:
0x88: {  	s2 =	sld [smem:$0x3FD9]  }
0x89: {  	s3 =	sld [smem:$0x3FFE];
	_ =	sdelay $0x1  }
0x8a: {  	s1 =	srdreg.scid  }
0x8b: {  	s0 =	sand.u32 $0x1, s1  }
0x8c: {  	s16 =	sshll.u32 s0, $0xA;
	s2 =	sadd.s32 s3, s2  }
0x8d: {  	s2 =	sadd.s32 s2, s16  }
0x8e: {  	[smem:$0x3FB4] =	sst s2  }
0x8f: {  	_ = 	snop  }
0x90: {  	(tm) =	ssettm $0x1  }
0x91: {  	s17 =	sld [smem:$0x3FFB];
	_ =	sdelay $0x3  }
0x92: {  	_ =	strace s17  }
0x93: {  	s2 =	sld [smem:$0x3FFC];
	_ =	sdelay $0x3  }
0x94: {  	_ =	strace s2  }
0x95: {  	s2 =	sld [smem:$0x3FFD];
	_ =	sdelay $0x3  }
0x96: {  	_ =	strace s2  }
0x97: {  	_ =	strace $0x8FFFFFFF  }
0x98: {  	s18 =	sld [smem:$0x3FDB];
	_ =	sdelay $0x1  }
0x99: {  	s19 =	simm.s32 $_scs_section_size  }
0x9a: {  	s4 =	simm.s32 $_size__tile_overlayer_lowered;
	s5 =	simm.s32 $_tile_overlayer_lowered  }
0x9b: {  	s22 =	simm.s32 $0x1BFF;
	s21 =	sshll.u32 s5, $0x1;
	s2 =	sadd.s32 s19, s18  }
0x9c: {  	s6 =	simm.s32 $0x0;
	s20 =	sshll.u32 s4, $0x1;
	s4 =	sadd.s32 s21, s2  }
0x9d: {  	[timem:s6], [sflag:s22] =	dma.local [hbm:s4], s20  }
0x9e: {  	_ =	swait.ge [sflag:s22], s20  }
0x9f: {  	s3 =	ssub.s32 $0x0, s20;
	[sflag:s22] =	ssyncset.done $0x0  }
0xa0: {  	[sflag:s22] =	ssyncadd.s32 s3;
	_ =	sdelay $0x1  }
0xa1: {  	s23 =	simm.s32 $0x1B8B  }
0xa2: {  	_ =	swait.ge [sflag:s23], $0x1  }
0xa3: {  	[sflag:s23] =	ssyncset.done $0x0  }
0xa4: {  	s25 =	simm.s32 $0x1B8E;
	s24 =	sld [smem:$0x3FFE];
	[sflag:s23] =	ssyncadd.s32 $0xFFFFFFFF  }
0xa5: {  	s26 =	simm.s32 $execute0_lowered;
	[smem:$0x3FD2] =	sst s25  }
0xa6: {  	s4 =	sshll.u32 s26, $0x1;
	_ =	strace $0x80000046;
	[dreg:$0x1] =	wrdreg $0xFFFFFFFF  }
0xa7: {  	s28 =	simm.s32 $_size_execute0_lowered;
	s2 =	sadd.s32 s2, s4;
	[dreg:$0x0] =	wrdreg $0x0  }
0xa8: {  	s4 =	sshll.u32 s28, $0x1;
	[dreg:$0x2] =	wrdreg s2  }
0xa9: {  	[dreg:$0x3] =	wrdreg s4  }
0xaa: {  	[dreg:$0x4] =	wrdreg $0xC0  }
0xab: {  	_ =	task [dreg:s6], $0x5FFFF  }
0xac: {  	[dreg:$0x1] =	wrdreg $0xFFFFFFFF  }
0xad: {  	[dreg:$0x0] =	wrdreg $0x60  }
0xae: {  	[dreg:$0x2] =	wrdreg s24  }
0xaf: {  	[dreg:$0x3] =	wrdreg $0x9  }
0xb0: {  	_ =	task.clear_ibuf [dreg:s6], $0x4FFFF;
	_ =	strace $0x90000046  }
0xb1: {  	s29 =	simm.s32 $0x9;
	_ =	strace $0x80000048  }
0xb2: {  	_ =	swait.ge [sflag:s29], $0x1  }
0xb3: {  	[sflag:s29] =	ssyncadd.s32 $0xFFFFFFFF  }
0xb4: {  	_ =	strace $0x90000048  }
0xb5: {  	_ =	sfence  }
0xb6: {  	s30 =	sld [smem:$0x0];
	_ =	sdelay $0x2  }
0xb7: {  	s31 =	sshll.u32 s1, $0xD;
	s1 =	sshrl.u32 s1, $0x2  }
0xb8: {  	s3 =	sand.u32 $0x4000, s31;
	s1 =	sadd.s32 s1, s30  }
0xb9: {  	s0 =	sor.u32 s3, s0;
	s1 =	sshll.u32 s1, $0x11  }
0xba: {  	s0 =	sor.u32 s1, s0  }
0xbb: {  	s0 =	sadd.s32 $0x8F2B, s0  }
0xbc: {  	[sflag:s0] =	ssyncadd.remote.s32 $0x1  }
0xbd: {  	_ =	sfence.sel $0xFFFF  }
0xbe: {  	[dreg:$0x0] =	wrdreg $0xFFFFFFFF;
	(pc) =	sbr.abs _section_cstart, $3  }
0xbf: {  	[dreg:$0x1] =	wrdreg $0xFFFFFFFF  }
0xc0: {  	_ =	task.clear_ibuf [dreg:s6], $0x2FFFF;
	_ =	strace $0x9FFFFFFF  }
0xc1: {  	(tm) =	ssettm $0x7FFFFFFF  }
tec
execute0_lowered:
.L_overlay_start_1:
0x0: {  	(tag) =	ssettag $0x1  }
0x1: {  	s0 =	srdreg.scid  }
0x2: {  	s1 =	stileid.u32;
	s3 =	rddreg [dreg:$0x0]  }
0x3: {  	s2 =	simm.s32 $0x0;
	s5 =	sand.u32 $0x1, s0;
	s20 =	sshll.u32 s1, $0x1  }
0x4: {  	[smem:$0x7FF] =	sst s2;
	s0 =	sadd.s32 $0x41F200, s3;
	s1 =	sor.u32 s5, s20  }
0x5: {  	_ =	strace $0x80000047;
	s4 =	smul.u32 $0x620, s1  }
0x6: {  	s5 =	ssub.s32 $0x2, s5;
	s11 =	smul.u32 $0xC400, s1;
	s1 =	sadd.s32 $0x420C00, s3  }
0x7: {  	s3 =	sadd.s32 $0x4A00, s3;
	s6 =	sshrl.u32 s4, $0x3;
	s7 =	sadd.s32 $0x70, s4  }
0x8: {  	s22 =	sadd.s32 $0xE0, s4;
	s9 =	sadd.s32 $0x150, s4;
	s25 =	sadd.s32 s1, s11  }
0x9: {  	s26 =	sadd.s32 $0x1C0, s4;
	s29 =	sadd.s32 $0x230, s4;
	s15 =	sadd.s32 $0x2A0, s4  }
0xa: {  	s18 =	sadd.s32 $0x310, s4;
	s6 =	sadd.s32 s0, s6;
	s8 =	sshrl.u32 s7, $0x3  }
0xb: {  	s23 =	sshrl.u32 s22, $0x3;
	s10 =	sshrl.u32 s9, $0x3;
	[dreg:$0x6] =	wrdreg s25  }
0xc: {  	s28 =	sshrl.u32 s26, $0x3;
	s7 =	sshll.u32 s7, $0x5;
	s31 =	sshrl.u32 s29, $0x3  }
0xd: {  	s13 =	sshll.u32 s22, $0x5;
	s16 =	sshrl.u32 s15, $0x3;
	s17 =	sshll.u32 s9, $0x5  }
0xe: {  	s20 =	sshrl.u32 s18, $0x3;
	[dreg:$0x2] =	wrdreg s6;
	s21 =	sadd.s32 s0, s8  }
0xf: {  	s22 =	sshll.u32 s26, $0x5;
	s6 =	sadd.s32 s0, s23;
	[dreg:$0x3] =	wrdreg s21  }
0x10: {  	s26 =	sshll.u32 s29, $0x5;
	s24 =	sadd.s32 s0, s10;
	[dreg:$0x4] =	wrdreg s6  }
0x11: {  	s9 =	sshll.u32 s18, $0x5;
	s30 =	sadd.s32 s1, s7;
	[dreg:$0x5] =	wrdreg s24  }
0x12: {  	s12 =	sadd.s32 s0, s31;
	s14 =	sadd.s32 s1, s13;
	[dreg:$0x8] =	wrdreg s30  }
0x13: {  	s19 =	sadd.s32 s1, s17;
	s23 =	sadd.s32 s1, s22;
	[dreg:$0x9] =	wrdreg s12  }
0x14: {  	s29 =	sadd.s32 s1, s26;
	s7 =	sshll.u32 s15, $0x5;
	[dreg:$0xa] =	wrdreg s14  }
0x15: {  	s15 =	sadd.s32 s1, s9;
	s6 =	sadd.s32 s0, s28;
	[dreg:$0xc] =	wrdreg s19  }
0x16: {  	s21 =	sadd.s32 s0, s20;
	s24 =	sadd.s32 $0x380, s4;
	[dreg:$0xe] =	wrdreg s23  }
0x17: {  	s28 =	sadd.s32 $0x3F0, s4;
	[dreg:$0x10] =	wrdreg s29;
	s10 =	sadd.s32 s1, s7  }
0x18: {  	s12 =	sadd.s32 $0x460, s4;
	s14 =	sadd.s32 $0x4D0, s4;
	[dreg:$0x14] =	wrdreg s15  }
0x19: {  	s19 =	sadd.s32 $0x540, s4;
	s20 =	sshrl.u32 s5, $0x1;
	[dreg:$0x7] =	wrdreg s6  }
0x1a: {  	s4 =	sadd.s32 $0x5B0, s4;
	s6 =	sadd.s32 s0, s16;
	[dreg:$0xd] =	wrdreg s21  }
0x1b: {  	s25 =	sshrl.u32 s24, $0x3;
	s30 =	sshrl.u32 s28, $0x3;
	[dreg:$0x12] =	wrdreg s10  }
0x1c: {  	s13 =	sshrl.u32 s12, $0x3;
	s16 =	sshrl.u32 s14, $0x3;
	s8 =	sshll.u32 s24, $0x5  }
0x1d: {  	s21 =	sshrl.u32 s19, $0x3;
	[dreg:$0xb] =	wrdreg s6;
	s6 =	sadd.s32 s0, s25  }
0x1e: {  	s11 =	sshll.u32 s28, $0x5;
	s31 =	sadd.s32 s0, s30;
	[dreg:$0xf] =	wrdreg s6  }
0x1f: {  	s23 =	sshrl.u32 s4, $0x3;
	s17 =	sadd.s32 s0, s16;
	[dreg:$0x11] =	wrdreg s31  }
0x20: {  	s24 =	sshll.u32 s12, $0x5;
	s18 =	sadd.s32 s1, s8;
	[dreg:$0x15] =	wrdreg s17  }
0x21: {  	s26 =	sshll.u32 s14, $0x5;
	s22 =	sadd.s32 s1, s11;
	[dreg:$0x16] =	wrdreg s18  }
0x22: {  	s29 =	sshll.u32 s19, $0x5;
	s25 =	sadd.s32 s1, s24;
	[dreg:$0x18] =	wrdreg s22  }
0x23: {  	s4 =	sshll.u32 s4, $0x5;
	s28 =	sadd.s32 s1, s26;
	[dreg:$0x1a] =	wrdreg s25  }
0x24: {  	s5 =	ssub.s32 s5, s20;
	s30 =	sadd.s32 s1, s29;
	[dreg:$0x1b] =	wrdreg s28  }
0x25: {  	s12 =	simm.s32 $0x2;
	s6 =	sadd.s32 s0, s13;
	[dreg:$0x1c] =	wrdreg s30  }
0x26: {  	s14 =	simm.s32 $0x3;
	s31 =	sadd.s32 s1, s4;
	[dreg:$0x13] =	wrdreg s6  }
0x27: {  	v2 =	vlaneseq.u32;
	s11 =	simm.s32 $0x1;
	s6 =	sadd.s32 s0, s21;
	[dreg:$0x1d] =	wrdreg s31  }
0x28: {  	vm0 =	vmmov $0xffff;
	v1 =	vshrl.u32 v2, $0x3;
	s4 =	smax.u32 s5, $0x1;
	s0 =	sadd.s32 s0, s23;
	[dreg:$0x17] =	wrdreg s6  }
0x29: {  	v0 =	vand.u32 $0x7, v2;
	v2 =	vor.u32 $0x8, v2;
	v1 =	vmul.u32 $0x8, v1;
	s5 =	simm.s32 $0x5;
	s21 =	simm.s32 $0x7100;
	[dreg:$0x19] =	wrdreg s0  }
.LBB2_1:
0x2a: {  	s15 =	rddreg [dreg:$0x2]  }
0x2b: {  	[tilespmem:s2], [sflag:$0x5] =	stream.linear.gather [hbm4b:s15+s2], $0x70, $0x38;
	[tilespmem:$0x1C200] =	vst v63  }
0x2c: {  	_ =	swait.ge [sflag:s5], $0x70  }
0x2d: {  	[sflag:s5] =	ssyncset.done $0x0  }
0x2e: {  	[sflag:s5] =	ssyncadd.s32 $0xFFFFFF90  }
0x2f: {  	v3 =	vld [tilespmem:$0x0];
	_ =	sdelay $0x4  }
0x30: {  	v4 =	vshll.u32 v3, $0x1  }
0x31: {  	v3 =	vand.u32 $0x7, v3;
	v4 =	vand.u32 $0xFFFFFFF0, v4  }
0x32: {  	v3 =	vor.u32 v3, v4  }
0x33: {  	v4 =	vperm.xlane v3, v0;
	_ =	sdelay $0x1  }
0x34: {  	v3 =	vperm.xlane v3, v2;
	v4 =	vadd.s32 v1, v4;
	_ =	sdelay $0x1  }
0x35: {  	v3 =	vadd.s32 v1, v3;
	_ =	sdelay $0x1  }
0x36: {  	s0 =	simm.s32 $0x80  }
0x37: {  	[tilespmem:s0], [sflag:$0x1] =	stream.indirect_vreg.gather [hbm4b:s3+s2], $0x80, v4, vm0, $0xb8;
	[tilespmem:$0x1C200] =	vst v63  }
0x38: {  	s30 =	simm.s32 $0x880  }
0x39: {  	[tilespmem:s30], [sflag:$0x1] =	stream.indirect_vreg.gather [hbm4b:s3+s2], $0x80, v3, vm0, $0xb8;
	[tilespmem:$0x1C200] =	vst v63  }
0x3a: {  	v3 =	vld [tilespmem:$0x10];
	_ =	sdelay $0x4  }
0x3b: {  	v23 =	vshll.u32 v3, $0x1  }
0x3c: {  	v3 =	vand.u32 $0x7, v3;
	v4 =	vand.u32 $0xFFFFFFF0, v23  }
0x3d: {  	v3 =	vor.u32 v3, v4  }
0x3e: {  	v4 =	vperm.xlane v3, v0;
	_ =	sdelay $0x1  }
0x3f: {  	v3 =	vperm.xlane v3, v2;
	v4 =	vadd.s32 v1, v4;
	_ =	sdelay $0x1  }
0x40: {  	v3 =	vadd.s32 v1, v3;
	_ =	sdelay $0x1  }
0x41: {  	s31 =	simm.s32 $0x1080  }
0x42: {  	[tilespmem:s31], [sflag:$0x1] =	stream.indirect_vreg.gather [hbm4b:s3+s2], $0x80, v4, vm0, $0xb8;
	[tilespmem:$0x1C200] =	vst v63  }
0x43: {  	s1 =	simm.s32 $0x1880  }
0x44: {  	[tilespmem:s1], [sflag:$0x1] =	stream.indirect_vreg.gather [hbm4b:s3+s2], $0x80, v3, vm0, $0xb8;
	[tilespmem:$0x1C200] =	vst v63  }
0x45: {  	v3 =	vld [tilespmem:$0x20];
	_ =	sdelay $0x4  }
0x46: {  	v24 =	vshll.u32 v3, $0x1  }
0x47: {  	v3 =	vand.u32 $0x7, v3;
	v4 =	vand.u32 $0xFFFFFFF0, v24  }
0x48: {  	v3 =	vor.u32 v3, v4  }
0x49: {  	v4 =	vperm.xlane v3, v0;
	_ =	sdelay $0x1  }
0x4a: {  	v3 =	vperm.xlane v3, v2;
	v4 =	vadd.s32 v1, v4;
	_ =	sdelay $0x1  }
0x4b: {  	v3 =	vadd.s32 v1, v3;
	_ =	sdelay $0x1  }
0x4c: {  	s6 =	simm.s32 $0x2080  }
0x4d: {  	[tilespmem:s6], [sflag:$0x1] =	stream.indirect_vreg.gather [hbm4b:s3+s2], $0x80, v4, vm0, $0xb8;
	[tilespmem:$0x1C200] =	vst v63  }
0x4e: {  	s7 =	simm.s32 $0x2880  }
0x4f: {  	[tilespmem:s7], [sflag:$0x1] =	stream.indirect_vreg.gather [hbm4b:s3+s2], $0x80, v3, vm0, $0xb8;
	[tilespmem:$0x1C200] =	vst v63  }
0x50: {  	v3 =	vld [tilespmem:$0x30];
	_ =	sdelay $0x4  }
0x51: {  	v25 =	vshll.u32 v3, $0x1  }
0x52: {  	v3 =	vand.u32 $0x7, v3;
	v4 =	vand.u32 $0xFFFFFFF0, v25  }
0x53: {  	v3 =	vor.u32 v3, v4  }
0x54: {  	v4 =	vperm.xlane v3, v0;
	_ =	sdelay $0x1  }
0x55: {  	v3 =	vperm.xlane v3, v2;
	v4 =	vadd.s32 v1, v4;
	_ =	sdelay $0x1  }
0x56: {  	v3 =	vadd.s32 v1, v3;
	_ =	sdelay $0x1  }
0x57: {  	s10 =	simm.s32 $0x3080  }
0x58: {  	[tilespmem:s10], [sflag:$0x1] =	stream.indirect_vreg.gather [hbm4b:s3+s2], $0x80, v4, vm0, $0xb8;
	[tilespmem:$0x1C200] =	vst v63  }
0x59: {  	s15 =	simm.s32 $0x3880  }
0x5a: {  	[tilespmem:s15], [sflag:$0x1] =	stream.indirect_vreg.gather [hbm4b:s3+s2], $0x80, v3, vm0, $0xb8;
	[tilespmem:$0x1C200] =	vst v63  }
0x5b: {  	v3 =	vld [tilespmem:$0x40];
	_ =	sdelay $0x4  }
0x5c: {  	v26 =	vshll.u32 v3, $0x1  }
0x5d: {  	v3 =	vand.u32 $0x7, v3;
	v4 =	vand.u32 $0xFFFFFFF0, v26  }
0x5e: {  	v3 =	vor.u32 v3, v4  }
0x5f: {  	v4 =	vperm.xlane v3, v0;
	_ =	sdelay $0x1  }
0x60: {  	v3 =	vperm.xlane v3, v2;
	v4 =	vadd.s32 v1, v4;
	_ =	sdelay $0x1  }
0x61: {  	v3 =	vadd.s32 v1, v3;
	_ =	sdelay $0x1  }
0x62: {  	s17 =	simm.s32 $0x4080  }
0x63: {  	[tilespmem:s17], [sflag:$0x1] =	stream.indirect_vreg.gather [hbm4b:s3+s2], $0x80, v4, vm0, $0xb8;
	[tilespmem:$0x1C200] =	vst v63  }
0x64: {  	s19 =	simm.s32 $0x4880  }
0x65: {  	[tilespmem:s19], [sflag:$0x1] =	stream.indirect_vreg.gather [hbm4b:s3+s2], $0x80, v3, vm0, $0xb8;
	[tilespmem:$0x1C200] =	vst v63  }
0x66: {  	v3 =	vld [tilespmem:$0x50];
	_ =	sdelay $0x4  }
0x67: {  	v27 =	vshll.u32 v3, $0x1  }
0x68: {  	v3 =	vand.u32 $0x7, v3;
	v4 =	vand.u32 $0xFFFFFFF0, v27  }
0x69: {  	v3 =	vor.u32 v3, v4  }
0x6a: {  	v4 =	vperm.xlane v3, v0;
	_ =	sdelay $0x1  }
0x6b: {  	v3 =	vperm.xlane v3, v2;
	v4 =	vadd.s32 v1, v4;
	_ =	sdelay $0x1  }
0x6c: {  	v3 =	vadd.s32 v1, v3;
	_ =	sdelay $0x1  }
0x6d: {  	s20 =	simm.s32 $0x5080  }
0x6e: {  	[tilespmem:s20], [sflag:$0x1] =	stream.indirect_vreg.gather [hbm4b:s3+s2], $0x80, v4, vm0, $0xb8;
	[tilespmem:$0x1C200] =	vst v63  }
0x6f: {  	s22 =	simm.s32 $0x5880  }
0x70: {  	[tilespmem:s22], [sflag:$0x1] =	stream.indirect_vreg.gather [hbm4b:s3+s2], $0x80, v3, vm0, $0xb8;
	[tilespmem:$0x1C200] =	vst v63  }
0x71: {  	v3 =	vld [tilespmem:$0x60];
	_ =	sdelay $0x4  }
0x72: {  	v28 =	vshll.u32 v3, $0x1  }
0x73: {  	v3 =	vand.u32 $0x7, v3;
	v4 =	vand.u32 $0xFFFFFFF0, v28  }
0x74: {  	v3 =	vor.u32 v3, v4  }
0x75: {  	v4 =	vperm.xlane v3, v0;
	_ =	sdelay $0x1  }
0x76: {  	v3 =	vperm.xlane v3, v2;
	v4 =	vadd.s32 v1, v4;
	_ =	sdelay $0x1  }
0x77: {  	v3 =	vadd.s32 v1, v3;
	_ =	sdelay $0x1  }
0x78: {  	s23 =	simm.s32 $0x6080  }
0x79: {  	[tilespmem:s23], [sflag:$0x1] =	stream.indirect_vreg.gather [hbm4b:s3+s2], $0x80, v4, vm0, $0xb8;
	[tilespmem:$0x1C200] =	vst v63  }
0x7a: {  	s25 =	simm.s32 $0x6880  }
0x7b: {  	[tilespmem:s25], [sflag:$0x1] =	stream.indirect_vreg.gather [hbm4b:s3+s2], $0x80, v3, vm0, $0xb8;
	[tilespmem:$0x1C200] =	vst v63  }
0x7c: {  	s26 =	simm.s32 $0x7080;
	s24 =	rddreg [dreg:$0x3]  }
0x7d: {  	[tilespmem:s26], [sflag:$0x5] =	stream.linear.gather [hbm4b:s24+s2], $0x70, $0x38;
	[tilespmem:$0x1C200] =	vst v63  }
0x7e: {  	_ =	swait.ge [sflag:s5], $0x70  }
0x7f: {  	[sflag:s5] =	ssyncset.done $0x0  }
0x80: {  	[sflag:s5] =	ssyncadd.s32 $0xFFFFFF90  }
0x81: {  	v3 =	vld [tilespmem:$0x7080];
	_ =	sdelay $0x4  }
0x82: {  	v29 =	vshll.u32 v3, $0x1  }
0x83: {  	v3 =	vand.u32 $0x7, v3;
	v4 =	vand.u32 $0xFFFFFFF0, v29  }
0x84: {  	v3 =	vor.u32 v3, v4  }
0x85: {  	v4 =	vperm.xlane v3, v0;
	_ =	sdelay $0x1  }
0x86: {  	v3 =	vperm.xlane v3, v2;
	v4 =	vadd.s32 v1, v4;
	_ =	sdelay $0x1  }
0x87: {  	v3 =	vadd.s32 v1, v3;
	_ =	sdelay $0x2  }
0x88: {  	[tilespmem:s21], [sflag:$0x2] =	stream.indirect_vreg.gather [hbm4b:s3+s2], $0x80, v4, vm0, $0xb8;
	[tilespmem:$0x1C200] =	vst v63  }
0x89: {  	s28 =	simm.s32 $0x7900  }
0x8a: {  	[tilespmem:s28], [sflag:$0x2] =	stream.indirect_vreg.gather [hbm4b:s3+s2], $0x80, v3, vm0, $0xb8;
	[tilespmem:$0x1C200] =	vst v63  }
0x8b: {  	v3 =	vld [tilespmem:$0x7090];
	_ =	sdelay $0x4  }
0x8c: {  	v30 =	vshll.u32 v3, $0x1  }
0x8d: {  	v3 =	vand.u32 $0x7, v3;
	v4 =	vand.u32 $0xFFFFFFF0, v30  }
0x8e: {  	v3 =	vor.u32 v3, v4  }
0x8f: {  	v4 =	vperm.xlane v3, v0;
	_ =	sdelay $0x1  }
0x90: {  	v3 =	vperm.xlane v3, v2;
	v4 =	vadd.s32 v1, v4;
	_ =	sdelay $0x1  }
0x91: {  	v3 =	vadd.s32 v1, v3;
	_ =	sdelay $0x1  }
0x92: {  	s29 =	simm.s32 $0x8100  }
0x93: {  	[tilespmem:s29], [sflag:$0x2] =	stream.indirect_vreg.gather [hbm4b:s3+s2], $0x80, v4, vm0, $0xb8;
	[tilespmem:$0x1C200] =	vst v63  }
0x94: {  	s30 =	simm.s32 $0x8900  }
0x95: {  	[tilespmem:s30], [sflag:$0x2] =	stream.indirect_vreg.gather [hbm4b:s3+s2], $0x80, v3, vm0, $0xb8;
	[tilespmem:$0x1C200] =	vst v63  }
0x96: {  	v3 =	vld [tilespmem:$0x70A0];
	_ =	sdelay $0x4  }
0x97: {  	v31 =	vshll.u32 v3, $0x1  }
0x98: {  	v3 =	vand.u32 $0x7, v3;
	v4 =	vand.u32 $0xFFFFFFF0, v31  }
0x99: {  	v3 =	vor.u32 v3, v4  }
0x9a: {  	v4 =	vperm.xlane v3, v0;
	_ =	sdelay $0x1  }
0x9b: {  	v3 =	vperm.xlane v3, v2;
	v4 =	vadd.s32 v1, v4;
	_ =	sdelay $0x1  }
0x9c: {  	v3 =	vadd.s32 v1, v3;
	_ =	sdelay $0x1  }
0x9d: {  	s31 =	simm.s32 $0x9100  }
0x9e: {  	[tilespmem:s31], [sflag:$0x2] =	stream.indirect_vreg.gather [hbm4b:s3+s2], $0x80, v4, vm0, $0xb8;
	[tilespmem:$0x1C200] =	vst v63  }
0x9f: {  	s1 =	simm.s32 $0x9900  }
0xa0: {  	[tilespmem:s1], [sflag:$0x2] =	stream.indirect_vreg.gather [hbm4b:s3+s2], $0x80, v3, vm0, $0xb8;
	[tilespmem:$0x1C200] =	vst v63  }
0xa1: {  	v3 =	vld [tilespmem:$0x70B0];
	_ =	sdelay $0x4  }
0xa2: {  	v32 =	vshll.u32 v3, $0x1  }
0xa3: {  	v3 =	vand.u32 $0x7, v3;
	v4 =	vand.u32 $0xFFFFFFF0, v32  }
0xa4: {  	v3 =	vor.u32 v3, v4  }
0xa5: {  	v4 =	vperm.xlane v3, v0;
	_ =	sdelay $0x1  }
0xa6: {  	v3 =	vperm.xlane v3, v2;
	v4 =	vadd.s32 v1, v4;
	_ =	sdelay $0x1  }
0xa7: {  	v3 =	vadd.s32 v1, v3;
	_ =	sdelay $0x1  }
0xa8: {  	s7 =	simm.s32 $0xA100  }
0xa9: {  	[tilespmem:s7], [sflag:$0x2] =	stream.indirect_vreg.gather [hbm4b:s3+s2], $0x80, v4, vm0, $0xb8;
	[tilespmem:$0x1C200] =	vst v63  }
0xaa: {  	s15 =	simm.s32 $0xA900  }
0xab: {  	[tilespmem:s15], [sflag:$0x2] =	stream.indirect_vreg.gather [hbm4b:s3+s2], $0x80, v3, vm0, $0xb8;
	[tilespmem:$0x1C200] =	vst v63  }
0xac: {  	v3 =	vld [tilespmem:$0x70C0];
	_ =	sdelay $0x4  }
0xad: {  	v33 =	vshll.u32 v3, $0x1  }
0xae: {  	v3 =	vand.u32 $0x7, v3;
	v4 =	vand.u32 $0xFFFFFFF0, v33  }
0xaf: {  	v3 =	vor.u32 v3, v4  }
0xb0: {  	v4 =	vperm.xlane v3, v0;
	_ =	sdelay $0x1  }
0xb1: {  	v3 =	vperm.xlane v3, v2;
	v4 =	vadd.s32 v1, v4;
	_ =	sdelay $0x1  }
0xb2: {  	v3 =	vadd.s32 v1, v3;
	_ =	sdelay $0x1  }
0xb3: {  	s17 =	simm.s32 $0xB100  }
0xb4: {  	[tilespmem:s17], [sflag:$0x2] =	stream.indirect_vreg.gather [hbm4b:s3+s2], $0x80, v4, vm0, $0xb8;
	[tilespmem:$0x1C200] =	vst v63  }
0xb5: {  	s19 =	simm.s32 $0xB900  }
0xb6: {  	[tilespmem:s19], [sflag:$0x2] =	stream.indirect_vreg.gather [hbm4b:s3+s2], $0x80, v3, vm0, $0xb8;
	[tilespmem:$0x1C200] =	vst v63  }
0xb7: {  	v3 =	vld [tilespmem:$0x70D0];
	_ =	sdelay $0x4  }
0xb8: {  	v34 =	vshll.u32 v3, $0x1  }
0xb9: {  	v3 =	vand.u32 $0x7, v3;
	v4 =	vand.u32 $0xFFFFFFF0, v34  }
0xba: {  	v3 =	vor.u32 v3, v4  }
0xbb: {  	v4 =	vperm.xlane v3, v0;
	_ =	sdelay $0x1  }
0xbc: {  	v3 =	vperm.xlane v3, v2;
	v4 =	vadd.s32 v1, v4;
	_ =	sdelay $0x1  }
0xbd: {  	v3 =	vadd.s32 v1, v3;
	_ =	sdelay $0x1  }
0xbe: {  	s20 =	simm.s32 $0xC100  }
0xbf: {  	[tilespmem:s20], [sflag:$0x2] =	stream.indirect_vreg.gather [hbm4b:s3+s2], $0x80, v4, vm0, $0xb8;
	[tilespmem:$0x1C200] =	vst v63  }
0xc0: {  	s22 =	simm.s32 $0xC900  }
0xc1: {  	[tilespmem:s22], [sflag:$0x2] =	stream.indirect_vreg.gather [hbm4b:s3+s2], $0x80, v3, vm0, $0xb8;
	[tilespmem:$0x1C200] =	vst v63  }
0xc2: {  	v3 =	vld [tilespmem:$0x70E0];
	_ =	sdelay $0x4  }
0xc3: {  	v35 =	vshll.u32 v3, $0x1  }
0xc4: {  	v3 =	vand.u32 $0x7, v3;
	v4 =	vand.u32 $0xFFFFFFF0, v35  }
0xc5: {  	v3 =	vor.u32 v3, v4  }
0xc6: {  	v4 =	vperm.xlane v3, v0;
	_ =	sdelay $0x1  }
0xc7: {  	v3 =	vperm.xlane v3, v2;
	v4 =	vadd.s32 v1, v4;
	_ =	sdelay $0x1  }
0xc8: {  	v3 =	vadd.s32 v1, v3;
	_ =	sdelay $0x1  }
0xc9: {  	s23 =	simm.s32 $0xD100  }
0xca: {  	[tilespmem:s23], [sflag:$0x2] =	stream.indirect_vreg.gather [hbm4b:s3+s2], $0x80, v4, vm0, $0xb8;
	[tilespmem:$0x1C200] =	vst v63  }
0xcb: {  	s25 =	simm.s32 $0xD900  }
0xcc: {  	[tilespmem:s25], [sflag:$0x2] =	stream.indirect_vreg.gather [hbm4b:s3+s2], $0x80, v3, vm0, $0xb8;
	[tilespmem:$0x1C200] =	vst v63  }
0xcd: {  	s24 =	rddreg [dreg:$0x4];
	s31 =	simm.s32 $0xE100  }
0xce: {  	[tilespmem:s31], [sflag:$0x5] =	stream.linear.gather [hbm4b:s24+s2], $0x70, $0x38;
	[tilespmem:$0x1C200] =	vst v63  }
0xcf: {  	_ =	swait.ge [sflag:s5], $0x70  }
0xd0: {  	[sflag:s5] =	ssyncset.done $0x0  }
0xd1: {  	[sflag:s5] =	ssyncadd.s32 $0xFFFFFF90  }
0xd2: {  	v3 =	vld [tilespmem:$0xE100];
	_ =	sdelay $0x4  }
0xd3: {  	v36 =	vshll.u32 v3, $0x1  }
0xd4: {  	v3 =	vand.u32 $0x7, v3;
	v4 =	vand.u32 $0xFFFFFFF0, v36  }
0xd5: {  	v3 =	vor.u32 v3, v4  }
0xd6: {  	v4 =	vperm.xlane v3, v0;
	_ =	sdelay $0x1  }
0xd7: {  	v3 =	vperm.xlane v3, v2;
	v4 =	vadd.s32 v1, v4;
	_ =	sdelay $0x1  }
0xd8: {  	v3 =	vadd.s32 v1, v3;
	_ =	sdelay $0x1  }
0xd9: {  	s1 =	simm.s32 $0xE180  }
0xda: {  	[tilespmem:s1], [sflag:$0x3] =	stream.indirect_vreg.gather [hbm4b:s3+s2], $0x80, v4, vm0, $0xb8;
	[tilespmem:$0x1C200] =	vst v63  }
0xdb: {  	s15 =	simm.s32 $0xE980  }
0xdc: {  	[tilespmem:s15], [sflag:$0x3] =	stream.indirect_vreg.gather [hbm4b:s3+s2], $0x80, v3, vm0, $0xb8;
	[tilespmem:$0x1C200] =	vst v63  }
0xdd: {  	v3 =	vld [tilespmem:$0xE110];
	_ =	sdelay $0x4  }
0xde: {  	v37 =	vshll.u32 v3, $0x1  }
0xdf: {  	v3 =	vand.u32 $0x7, v3;
	v4 =	vand.u32 $0xFFFFFFF0, v37  }
0xe0: {  	v3 =	vor.u32 v3, v4  }
0xe1: {  	v4 =	vperm.xlane v3, v0;
	_ =	sdelay $0x1  }
0xe2: {  	v3 =	vperm.xlane v3, v2;
	v4 =	vadd.s32 v1, v4;
	_ =	sdelay $0x1  }
0xe3: {  	v3 =	vadd.s32 v1, v3;
	_ =	sdelay $0x1  }
0xe4: {  	s19 =	simm.s32 $0xF180  }
0xe5: {  	[tilespmem:s19], [sflag:$0x3] =	stream.indirect_vreg.gather [hbm4b:s3+s2], $0x80, v4, vm0, $0xb8;
	[tilespmem:$0x1C200] =	vst v63  }
0xe6: {  	s20 =	simm.s32 $0xF980  }
0xe7: {  	[tilespmem:s20], [sflag:$0x3] =	stream.indirect_vreg.gather [hbm4b:s3+s2], $0x80, v3, vm0, $0xb8;
	[tilespmem:$0x1C200] =	vst v63  }
0xe8: {  	v3 =	vld [tilespmem:$0xE120];
	_ =	sdelay $0x4  }
0xe9: {  	v38 =	vshll.u32 v3, $0x1  }
0xea: {  	v3 =	vand.u32 $0x7, v3;
	v4 =	vand.u32 $0xFFFFFFF0, v38  }
0xeb: {  	v3 =	vor.u32 v3, v4  }
0xec: {  	v4 =	vperm.xlane v3, v0;
	_ =	sdelay $0x1  }
0xed: {  	v3 =	vperm.xlane v3, v2;
	v4 =	vadd.s32 v1, v4;
	_ =	sdelay $0x1  }
0xee: {  	v3 =	vadd.s32 v1, v3;
	_ =	sdelay $0x1  }
0xef: {  	s22 =	simm.s32 $0x10180  }
0xf0: {  	[tilespmem:s22], [sflag:$0x3] =	stream.indirect_vreg.gather [hbm4b:s3+s2], $0x80, v4, vm0, $0xb8;
	[tilespmem:$0x1C200] =	vst v63  }
0xf1: {  	s23 =	simm.s32 $0x10980  }
0xf2: {  	[tilespmem:s23], [sflag:$0x3] =	stream.indirect_vreg.gather [hbm4b:s3+s2], $0x80, v3, vm0, $0xb8;
	[tilespmem:$0x1C200] =	vst v63  }
0xf3: {  	v3 =	vld [tilespmem:$0xE130];
	_ =	sdelay $0x4  }
0xf4: {  	v39 =	vshll.u32 v3, $0x1  }
0xf5: {  	v3 =	vand.u32 $0x7, v3;
	v4 =	vand.u32 $0xFFFFFFF0, v39  }
0xf6: {  	v3 =	vor.u32 v3, v4  }
0xf7: {  	v4 =	vperm.xlane v3, v0;
	_ =	sdelay $0x1  }
0xf8: {  	v3 =	vperm.xlane v3, v2;
	v4 =	vadd.s32 v1, v4;
	_ =	sdelay $0x1  }
0xf9: {  	v3 =	vadd.s32 v1, v3;
	_ =	sdelay $0x1  }
0xfa: {  	s24 =	simm.s32 $0x11180  }
0xfb: {  	[tilespmem:s24], [sflag:$0x3] =	stream.indirect_vreg.gather [hbm4b:s3+s2], $0x80, v4, vm0, $0xb8;
	[tilespmem:$0x1C200] =	vst v63  }
0xfc: {  	s25 =	simm.s32 $0x11980  }
0xfd: {  	[tilespmem:s25], [sflag:$0x3] =	stream.indirect_vreg.gather [hbm4b:s3+s2], $0x80, v3, vm0, $0xb8;
	[tilespmem:$0x1C200] =	vst v63  }
0xfe: {  	v3 =	vld [tilespmem:$0xE140];
	_ =	sdelay $0x4  }
0xff: {  	v40 =	vshll.u32 v3, $0x1  }
0x100: {  	v3 =	vand.u32 $0x7, v3;
	v4 =	vand.u32 $0xFFFFFFF0, v40  }
0x101: {  	v3 =	vor.u32 v3, v4  }
0x102: {  	v4 =	vperm.xlane v3, v0;
	_ =	sdelay $0x1  }
0x103: {  	v3 =	vperm.xlane v3, v2;
	v4 =	vadd.s32 v1, v4;
	_ =	sdelay $0x1  }
0x104: {  	v3 =	vadd.s32 v1, v3;
	_ =	sdelay $0x1  }
0x105: {  	s31 =	simm.s32 $0x12180  }
0x106: {  	[tilespmem:s31], [sflag:$0x3] =	stream.indirect_vreg.gather [hbm4b:s3+s2], $0x80, v4, vm0, $0xb8;
	[tilespmem:$0x1C200] =	vst v63  }
0x107: {  	s1 =	simm.s32 $0x12980  }
0x108: {  	[tilespmem:s1], [sflag:$0x3] =	stream.indirect_vreg.gather [hbm4b:s3+s2], $0x80, v3, vm0, $0xb8;
	[tilespmem:$0x1C200] =	vst v63  }
0x109: {  	v3 =	vld [tilespmem:$0xE150];
	_ =	sdelay $0x4  }
0x10a: {  	v41 =	vshll.u32 v3, $0x1  }
0x10b: {  	v3 =	vand.u32 $0x7, v3;
	v4 =	vand.u32 $0xFFFFFFF0, v41  }
0x10c: {  	v3 =	vor.u32 v3, v4  }
0x10d: {  	v4 =	vperm.xlane v3, v0;
	_ =	sdelay $0x1  }
0x10e: {  	v3 =	vperm.xlane v3, v2;
	v4 =	vadd.s32 v1, v4;
	_ =	sdelay $0x1  }
0x10f: {  	v3 =	vadd.s32 v1, v3;
	_ =	sdelay $0x1  }
0x110: {  	s15 =	simm.s32 $0x13180  }
0x111: {  	[tilespmem:s15], [sflag:$0x3] =	stream.indirect_vreg.gather [hbm4b:s3+s2], $0x80, v4, vm0, $0xb8;
	[tilespmem:$0x1C200] =	vst v63  }
0x112: {  	s19 =	simm.s32 $0x13980  }
0x113: {  	[tilespmem:s19], [sflag:$0x3] =	stream.indirect_vreg.gather [hbm4b:s3+s2], $0x80, v3, vm0, $0xb8;
	[tilespmem:$0x1C200] =	vst v63  }
0x114: {  	v3 =	vld [tilespmem:$0xE160];
	_ =	sdelay $0x4  }
0x115: {  	v42 =	vshll.u32 v3, $0x1  }
0x116: {  	v3 =	vand.u32 $0x7, v3;
	v4 =	vand.u32 $0xFFFFFFF0, v42  }
0x117: {  	v3 =	vor.u32 v3, v4  }
0x118: {  	v4 =	vperm.xlane v3, v0;
	_ =	sdelay $0x1  }
0x119: {  	v3 =	vperm.xlane v3, v2;
	v4 =	vadd.s32 v1, v4;
	_ =	sdelay $0x1  }
0x11a: {  	v3 =	vadd.s32 v1, v3;
	_ =	sdelay $0x1  }
0x11b: {  	s20 =	simm.s32 $0x14180  }
0x11c: {  	[tilespmem:s20], [sflag:$0x3] =	stream.indirect_vreg.gather [hbm4b:s3+s2], $0x80, v4, vm0, $0xb8;
	[tilespmem:$0x1C200] =	vst v63  }
0x11d: {  	s23 =	simm.s32 $0x14980  }
0x11e: {  	[tilespmem:s23], [sflag:$0x3] =	stream.indirect_vreg.gather [hbm4b:s3+s2], $0x80, v3, vm0, $0xb8;
	[tilespmem:$0x1C200] =	vst v63  }
0x11f: {  	s22 =	rddreg [dreg:$0x5];
	s24 =	simm.s32 $0x15180  }
0x120: {  	[tilespmem:s24], [sflag:$0x5] =	stream.linear.gather [hbm4b:s22+s2], $0x70, $0x38;
	[tilespmem:$0x1C200] =	vst v63  }
0x121: {  	_ =	swait.ge [sflag:s5], $0x70  }
0x122: {  	[sflag:s5] =	ssyncset.done $0x0  }
0x123: {  	[sflag:s5] =	ssyncadd.s32 $0xFFFFFF90  }
0x124: {  	v3 =	vld [tilespmem:$0x15180];
	_ =	sdelay $0x4  }
0x125: {  	v43 =	vshll.u32 v3, $0x1  }
0x126: {  	v3 =	vand.u32 $0x7, v3;
	v4 =	vand.u32 $0xFFFFFFF0, v43  }
0x127: {  	v3 =	vor.u32 v3, v4  }
0x128: {  	v4 =	vperm.xlane v3, v0;
	_ =	sdelay $0x1  }
0x129: {  	v3 =	vperm.xlane v3, v2;
	v4 =	vadd.s32 v1, v4;
	_ =	sdelay $0x1  }
0x12a: {  	v3 =	vadd.s32 v1, v3;
	_ =	sdelay $0x1  }
0x12b: {  	s25 =	simm.s32 $0x15200  }
0x12c: {  	[tilespmem:s25], [sflag:$0x4] =	stream.indirect_vreg.gather [hbm4b:s3+s2], $0x80, v4, vm0, $0xb8;
	[tilespmem:$0x1C200] =	vst v63  }
0x12d: {  	s0 =	simm.s32 $0x15A00  }
0x12e: {  	[tilespmem:s0], [sflag:$0x4] =	stream.indirect_vreg.gather [hbm4b:s3+s2], $0x80, v3, vm0, $0xb8;
	[tilespmem:$0x1C200] =	vst v63  }
0x12f: {  	v3 =	vld [tilespmem:$0x15190];
	_ =	sdelay $0x4  }
0x130: {  	v44 =	vshll.u32 v3, $0x1  }
0x131: {  	v3 =	vand.u32 $0x7, v3;
	v4 =	vand.u32 $0xFFFFFFF0, v44  }
0x132: {  	v3 =	vor.u32 v3, v4  }
0x133: {  	v4 =	vperm.xlane v3, v0;
	_ =	sdelay $0x1  }
0x134: {  	v3 =	vperm.xlane v3, v2;
	v4 =	vadd.s32 v1, v4;
	_ =	sdelay $0x1  }
0x135: {  	v3 =	vadd.s32 v1, v3;
	_ =	sdelay $0x1  }
0x136: {  	s19 =	simm.s32 $0x16200  }
0x137: {  	[tilespmem:s19], [sflag:$0x4] =	stream.indirect_vreg.gather [hbm4b:s3+s2], $0x80, v4, vm0, $0xb8;
	[tilespmem:$0x1C200] =	vst v63  }
0x138: {  	s20 =	simm.s32 $0x16A00  }
0x139: {  	[tilespmem:s20], [sflag:$0x4] =	stream.indirect_vreg.gather [hbm4b:s3+s2], $0x80, v3, vm0, $0xb8;
	[tilespmem:$0x1C200] =	vst v63  }
0x13a: {  	v3 =	vld [tilespmem:$0x151A0];
	_ =	sdelay $0x4  }
0x13b: {  	v45 =	vshll.u32 v3, $0x1  }
0x13c: {  	v3 =	vand.u32 $0x7, v3;
	v4 =	vand.u32 $0xFFFFFFF0, v45  }
0x13d: {  	v3 =	vor.u32 v3, v4  }
0x13e: {  	v4 =	vperm.xlane v3, v0;
	_ =	sdelay $0x1  }
0x13f: {  	v3 =	vperm.xlane v3, v2;
	v4 =	vadd.s32 v1, v4;
	_ =	sdelay $0x1  }
0x140: {  	v3 =	vadd.s32 v1, v3;
	_ =	sdelay $0x1  }
0x141: {  	s22 =	simm.s32 $0x17200  }
0x142: {  	[tilespmem:s22], [sflag:$0x4] =	stream.indirect_vreg.gather [hbm4b:s3+s2], $0x80, v4, vm0, $0xb8;
	[tilespmem:$0x1C200] =	vst v63  }
0x143: {  	s23 =	simm.s32 $0x17A00  }
0x144: {  	[tilespmem:s23], [sflag:$0x4] =	stream.indirect_vreg.gather [hbm4b:s3+s2], $0x80, v3, vm0, $0xb8;
	[tilespmem:$0x1C200] =	vst v63  }
0x145: {  	v3 =	vld [tilespmem:$0x151B0];
	_ =	sdelay $0x4  }
0x146: {  	v46 =	vshll.u32 v3, $0x1  }
0x147: {  	v3 =	vand.u32 $0x7, v3;
	v4 =	vand.u32 $0xFFFFFFF0, v46  }
0x148: {  	v3 =	vor.u32 v3, v4  }
0x149: {  	v4 =	vperm.xlane v3, v0;
	_ =	sdelay $0x1  }
0x14a: {  	v3 =	vperm.xlane v3, v2;
	v4 =	vadd.s32 v1, v4;
	_ =	sdelay $0x1  }
0x14b: {  	v3 =	vadd.s32 v1, v3;
	_ =	sdelay $0x1  }
0x14c: {  	s24 =	simm.s32 $0x18200  }
0x14d: {  	[tilespmem:s24], [sflag:$0x4] =	stream.indirect_vreg.gather [hbm4b:s3+s2], $0x80, v4, vm0, $0xb8;
	[tilespmem:$0x1C200] =	vst v63  }
0x14e: {  	s25 =	simm.s32 $0x18A00  }
0x14f: {  	[tilespmem:s25], [sflag:$0x4] =	stream.indirect_vreg.gather [hbm4b:s3+s2], $0x80, v3, vm0, $0xb8;
	[tilespmem:$0x1C200] =	vst v63  }
0x150: {  	v3 =	vld [tilespmem:$0x151C0];
	_ =	sdelay $0x4  }
0x151: {  	v47 =	vshll.u32 v3, $0x1  }
0x152: {  	v3 =	vand.u32 $0x7, v3;
	v4 =	vand.u32 $0xFFFFFFF0, v47  }
0x153: {  	v3 =	vor.u32 v3, v4  }
0x154: {  	v4 =	vperm.xlane v3, v0;
	_ =	sdelay $0x1  }
0x155: {  	v3 =	vperm.xlane v3, v2;
	v4 =	vadd.s32 v1, v4;
	_ =	sdelay $0x1  }
0x156: {  	v3 =	vadd.s32 v1, v3;
	_ =	sdelay $0x1  }
0x157: {  	s0 =	simm.s32 $0x19200  }
0x158: {  	[tilespmem:s0], [sflag:$0x4] =	stream.indirect_vreg.gather [hbm4b:s3+s2], $0x80, v4, vm0, $0xb8;
	[tilespmem:$0x1C200] =	vst v63  }
0x159: {  	s19 =	simm.s32 $0x19A00  }
0x15a: {  	[tilespmem:s19], [sflag:$0x4] =	stream.indirect_vreg.gather [hbm4b:s3+s2], $0x80, v3, vm0, $0xb8;
	[tilespmem:$0x1C200] =	vst v63  }
0x15b: {  	v3 =	vld [tilespmem:$0x151D0];
	_ =	sdelay $0x4  }
0x15c: {  	v48 =	vshll.u32 v3, $0x1  }
0x15d: {  	v3 =	vand.u32 $0x7, v3;
	v4 =	vand.u32 $0xFFFFFFF0, v48  }
0x15e: {  	v3 =	vor.u32 v3, v4  }
0x15f: {  	v4 =	vperm.xlane v3, v0;
	_ =	sdelay $0x1  }
0x160: {  	v3 =	vperm.xlane v3, v2;
	v4 =	vadd.s32 v1, v4;
	_ =	sdelay $0x1  }
0x161: {  	v3 =	vadd.s32 v1, v3;
	_ =	sdelay $0x1  }
0x162: {  	s20 =	simm.s32 $0x1A200  }
0x163: {  	[tilespmem:s20], [sflag:$0x4] =	stream.indirect_vreg.gather [hbm4b:s3+s2], $0x80, v4, vm0, $0xb8;
	[tilespmem:$0x1C200] =	vst v63  }
0x164: {  	s22 =	simm.s32 $0x1AA00  }
0x165: {  	[tilespmem:s22], [sflag:$0x4] =	stream.indirect_vreg.gather [hbm4b:s3+s2], $0x80, v3, vm0, $0xb8;
	[tilespmem:$0x1C200] =	vst v63  }
0x166: {  	v3 =	vld [tilespmem:$0x151E0];
	_ =	sdelay $0x4  }
0x167: {  	v49 =	vshll.u32 v3, $0x1  }
0x168: {  	v3 =	vand.u32 $0x7, v3;
	v4 =	vand.u32 $0xFFFFFFF0, v49  }
0x169: {  	v3 =	vor.u32 v3, v4  }
0x16a: {  	v4 =	vperm.xlane v3, v0;
	_ =	sdelay $0x1  }
0x16b: {  	v3 =	vperm.xlane v3, v2;
	v4 =	vadd.s32 v1, v4;
	_ =	sdelay $0x1  }
0x16c: {  	v3 =	vadd.s32 v1, v3;
	_ =	sdelay $0x1  }
0x16d: {  	s23 =	simm.s32 $0x1B200  }
0x16e: {  	[tilespmem:s23], [sflag:$0x4] =	stream.indirect_vreg.gather [hbm4b:s3+s2], $0x80, v4, vm0, $0xb8;
	[tilespmem:$0x1C200] =	vst v63  }
0x16f: {  	s24 =	simm.s32 $0x1BA00  }
0x170: {  	[tilespmem:s24], [sflag:$0x4] =	stream.indirect_vreg.gather [hbm4b:s3+s2], $0x80, v3, vm0, $0xb8;
	[tilespmem:$0x1C200] =	vst v63  }
0x171: {  	_ =	swait.ge [sflag:s11], $0x7000  }
0x172: {  	[sflag:s11] =	ssyncset.done $0x0  }
0x173: {  	s13 =	simm.s32 $0x80;
	s25 =	rddreg [dreg:$0x6];
	[sflag:s11] =	ssyncadd.s32 $0xFFFF9000  }
0x174: {  	[hbm4b:s25+s2] =	stream.linear.scatter [tilespmem:s13], [sflag:$0x5], $0x7000, $0x38;
	[tilespmem:$0x1C200] =	vst v63  }
0x175: {  	_ =	swait.ge [sflag:s5], $0x7000  }
0x176: {  	[sflag:s5] =	ssyncset.done $0x0  }
0x177: {  	s0 =	rddreg [dreg:$0x7];
	[sflag:s5] =	ssyncadd.s32 $0xFFFF9000  }
0x178: {  	[tilespmem:s2], [sflag:$0x5] =	stream.linear.gather [hbm4b:s0+s2], $0x70, $0x38;
	[tilespmem:$0x1C200] =	vst v63  }
0x179: {  	_ =	swait.ge [sflag:s5], $0x70  }
0x17a: {  	[sflag:s5] =	ssyncset.done $0x0  }
0x17b: {  	[sflag:s5] =	ssyncadd.s32 $0xFFFFFF90  }
0x17c: {  	v3 =	vld [tilespmem:$0x0];
	_ =	sdelay $0x4  }
0x17d: {  	v50 =	vshll.u32 v3, $0x1  }
0x17e: {  	v3 =	vand.u32 $0x7, v3;
	v4 =	vand.u32 $0xFFFFFFF0, v50  }
0x17f: {  	v3 =	vor.u32 v3, v4  }
0x180: {  	v4 =	vperm.xlane v3, v0;
	_ =	sdelay $0x1  }
0x181: {  	v3 =	vperm.xlane v3, v2;
	v4 =	vadd.s32 v1, v4;
	_ =	sdelay $0x1  }
0x182: {  	v3 =	vadd.s32 v1, v3;
	_ =	sdelay $0x2  }
0x183: {  	[tilespmem:s13], [sflag:$0x1] =	stream.indirect_vreg.gather [hbm4b:s3+s2], $0x80, v4, vm0, $0xb8;
	[tilespmem:$0x1C200] =	vst v63  }
0x184: {  	s16 =	simm.s32 $0x880  }
0x185: {  	[tilespmem:s16], [sflag:$0x1] =	stream.indirect_vreg.gather [hbm4b:s3+s2], $0x80, v3, vm0, $0xb8;
	[tilespmem:$0x1C200] =	vst v63  }
0x186: {  	v3 =	vld [tilespmem:$0x10];
	_ =	sdelay $0x4  }
0x187: {  	v51 =	vshll.u32 v3, $0x1  }
0x188: {  	v3 =	vand.u32 $0x7, v3;
	v4 =	vand.u32 $0xFFFFFFF0, v51  }
0x189: {  	v3 =	vor.u32 v3, v4  }
0x18a: {  	v4 =	vperm.xlane v3, v0;
	_ =	sdelay $0x1  }
0x18b: {  	v3 =	vperm.xlane v3, v2;
	v4 =	vadd.s32 v1, v4;
	_ =	sdelay $0x1  }
0x18c: {  	v3 =	vadd.s32 v1, v3;
	_ =	sdelay $0x1  }
0x18d: {  	s8 =	simm.s32 $0x1080  }
0x18e: {  	[tilespmem:s8], [sflag:$0x1] =	stream.indirect_vreg.gather [hbm4b:s3+s2], $0x80, v4, vm0, $0xb8;
	[tilespmem:$0x1C200] =	vst v63  }
0x18f: {  	s18 =	simm.s32 $0x1880  }
0x190: {  	[tilespmem:s18], [sflag:$0x1] =	stream.indirect_vreg.gather [hbm4b:s3+s2], $0x80, v3, vm0, $0xb8;
	[tilespmem:$0x1C200] =	vst v63  }
0x191: {  	v3 =	vld [tilespmem:$0x20];
	_ =	sdelay $0x4  }
0x192: {  	v52 =	vshll.u32 v3, $0x1  }
0x193: {  	v3 =	vand.u32 $0x7, v3;
	v4 =	vand.u32 $0xFFFFFFF0, v52  }
0x194: {  	v3 =	vor.u32 v3, v4  }
0x195: {  	v4 =	vperm.xlane v3, v0;
	_ =	sdelay $0x1  }
0x196: {  	v3 =	vperm.xlane v3, v2;
	v4 =	vadd.s32 v1, v4;
	_ =	sdelay $0x1  }
0x197: {  	v3 =	vadd.s32 v1, v3;
	_ =	sdelay $0x1  }
0x198: {  	s9 =	simm.s32 $0x2080  }
0x199: {  	[tilespmem:s9], [sflag:$0x1] =	stream.indirect_vreg.gather [hbm4b:s3+s2], $0x80, v4, vm0, $0xb8;
	[tilespmem:$0x1C200] =	vst v63  }
0x19a: {  	s19 =	simm.s32 $0x2880  }
0x19b: {  	[tilespmem:s19], [sflag:$0x1] =	stream.indirect_vreg.gather [hbm4b:s3+s2], $0x80, v3, vm0, $0xb8;
	[tilespmem:$0x1C200] =	vst v63  }
0x19c: {  	v3 =	vld [tilespmem:$0x30];
	_ =	sdelay $0x4  }
0x19d: {  	v53 =	vshll.u32 v3, $0x1  }
0x19e: {  	v3 =	vand.u32 $0x7, v3;
	v4 =	vand.u32 $0xFFFFFFF0, v53  }
0x19f: {  	v3 =	vor.u32 v3, v4  }
0x1a0: {  	v4 =	vperm.xlane v3, v0;
	_ =	sdelay $0x1  }
0x1a1: {  	v3 =	vperm.xlane v3, v2;
	v4 =	vadd.s32 v1, v4;
	_ =	sdelay $0x1  }
0x1a2: {  	v3 =	vadd.s32 v1, v3;
	_ =	sdelay $0x1  }
0x1a3: {  	s10 =	simm.s32 $0x3080  }
0x1a4: {  	[tilespmem:s10], [sflag:$0x1] =	stream.indirect_vreg.gather [hbm4b:s3+s2], $0x80, v4, vm0, $0xb8;
	[tilespmem:$0x1C200] =	vst v63  }
0x1a5: {  	s20 =	simm.s32 $0x3880  }
0x1a6: {  	[tilespmem:s20], [sflag:$0x1] =	stream.indirect_vreg.gather [hbm4b:s3+s2], $0x80, v3, vm0, $0xb8;
	[tilespmem:$0x1C200] =	vst v63  }
0x1a7: {  	v3 =	vld [tilespmem:$0x40];
	_ =	sdelay $0x4  }
0x1a8: {  	v54 =	vshll.u32 v3, $0x1  }
0x1a9: {  	v3 =	vand.u32 $0x7, v3;
	v4 =	vand.u32 $0xFFFFFFF0, v54  }
0x1aa: {  	v3 =	vor.u32 v3, v4  }
0x1ab: {  	v4 =	vperm.xlane v3, v0;
	_ =	sdelay $0x1  }
0x1ac: {  	v3 =	vperm.xlane v3, v2;
	v4 =	vadd.s32 v1, v4;
	_ =	sdelay $0x1  }
0x1ad: {  	v3 =	vadd.s32 v1, v3;
	_ =	sdelay $0x1  }
0x1ae: {  	s16 =	simm.s32 $0x4080  }
0x1af: {  	[tilespmem:s16], [sflag:$0x1] =	stream.indirect_vreg.gather [hbm4b:s3+s2], $0x80, v4, vm0, $0xb8;
	[tilespmem:$0x1C200] =	vst v63  }
0x1b0: {  	s22 =	simm.s32 $0x4880  }
0x1b1: {  	[tilespmem:s22], [sflag:$0x1] =	stream.indirect_vreg.gather [hbm4b:s3+s2], $0x80, v3, vm0, $0xb8;
	[tilespmem:$0x1C200] =	vst v63  }
0x1b2: {  	v3 =	vld [tilespmem:$0x50];
	_ =	sdelay $0x4  }
0x1b3: {  	v55 =	vshll.u32 v3, $0x1  }
0x1b4: {  	v3 =	vand.u32 $0x7, v3;
	v4 =	vand.u32 $0xFFFFFFF0, v55  }
0x1b5: {  	v3 =	vor.u32 v3, v4  }
0x1b6: {  	v4 =	vperm.xlane v3, v0;
	_ =	sdelay $0x1  }
0x1b7: {  	v3 =	vperm.xlane v3, v2;
	v4 =	vadd.s32 v1, v4;
	_ =	sdelay $0x1  }
0x1b8: {  	v3 =	vadd.s32 v1, v3;
	_ =	sdelay $0x1  }
0x1b9: {  	s18 =	simm.s32 $0x5080  }
0x1ba: {  	[tilespmem:s18], [sflag:$0x1] =	stream.indirect_vreg.gather [hbm4b:s3+s2], $0x80, v4, vm0, $0xb8;
	[tilespmem:$0x1C200] =	vst v63  }
0x1bb: {  	s23 =	simm.s32 $0x5880  }
0x1bc: {  	[tilespmem:s23], [sflag:$0x1] =	stream.indirect_vreg.gather [hbm4b:s3+s2], $0x80, v3, vm0, $0xb8;
	[tilespmem:$0x1C200] =	vst v63  }
0x1bd: {  	v3 =	vld [tilespmem:$0x60];
	_ =	sdelay $0x4  }
0x1be: {  	v56 =	vshll.u32 v3, $0x1  }
0x1bf: {  	v3 =	vand.u32 $0x7, v3;
	v4 =	vand.u32 $0xFFFFFFF0, v56  }
0x1c0: {  	v3 =	vor.u32 v3, v4  }
0x1c1: {  	v4 =	vperm.xlane v3, v0;
	_ =	sdelay $0x1  }
0x1c2: {  	v3 =	vperm.xlane v3, v2;
	v4 =	vadd.s32 v1, v4;
	_ =	sdelay $0x1  }
0x1c3: {  	v3 =	vadd.s32 v1, v3;
	_ =	sdelay $0x1  }
0x1c4: {  	s24 =	simm.s32 $0x6080  }
0x1c5: {  	[tilespmem:s24], [sflag:$0x1] =	stream.indirect_vreg.gather [hbm4b:s3+s2], $0x80, v4, vm0, $0xb8;
	[tilespmem:$0x1C200] =	vst v63  }
0x1c6: {  	s25 =	simm.s32 $0x6880  }
0x1c7: {  	[tilespmem:s25], [sflag:$0x1] =	stream.indirect_vreg.gather [hbm4b:s3+s2], $0x80, v3, vm0, $0xb8;
	[tilespmem:$0x1C200] =	vst v63  }
0x1c8: {  	_ =	swait.ge [sflag:s12], $0x7000  }
0x1c9: {  	[sflag:s12] =	ssyncset.done $0x0  }
0x1ca: {  	s9 =	rddreg [dreg:$0x8];
	[sflag:s12] =	ssyncadd.s32 $0xFFFF9000  }
0x1cb: {  	[hbm4b:s9+s2] =	stream.linear.scatter [tilespmem:s21], [sflag:$0x5], $0x7000, $0x38;
	[tilespmem:$0x1C200] =	vst v63  }
0x1cc: {  	_ =	swait.ge [sflag:s5], $0x7000  }
0x1cd: {  	[sflag:s5] =	ssyncset.done $0x0  }
0x1ce: {  	s6 =	simm.s32 $0x7080;
	s10 =	rddreg [dreg:$0x9];
	[sflag:s5] =	ssyncadd.s32 $0xFFFF9000  }
0x1cf: {  	[tilespmem:s6], [sflag:$0x5] =	stream.linear.gather [hbm4b:s10+s2], $0x70, $0x38;
	[tilespmem:$0x1C200] =	vst v63  }
0x1d0: {  	_ =	swait.ge [sflag:s5], $0x70  }
0x1d1: {  	[sflag:s5] =	ssyncset.done $0x0  }
0x1d2: {  	[sflag:s5] =	ssyncadd.s32 $0xFFFFFF90  }
0x1d3: {  	v3 =	vld [tilespmem:$0x7080];
	_ =	sdelay $0x4  }
0x1d4: {  	v57 =	vshll.u32 v3, $0x1  }
0x1d5: {  	v3 =	vand.u32 $0x7, v3;
	v4 =	vand.u32 $0xFFFFFFF0, v57  }
0x1d6: {  	v3 =	vor.u32 v3, v4  }
0x1d7: {  	v4 =	vperm.xlane v3, v0;
	_ =	sdelay $0x1  }
0x1d8: {  	v3 =	vperm.xlane v3, v2;
	v4 =	vadd.s32 v1, v4;
	_ =	sdelay $0x1  }
0x1d9: {  	v3 =	vadd.s32 v1, v3;
	_ =	sdelay $0x2  }
0x1da: {  	[tilespmem:s21], [sflag:$0x2] =	stream.indirect_vreg.gather [hbm4b:s3+s2], $0x80, v4, vm0, $0xb8;
	[tilespmem:$0x1C200] =	vst v63  }
0x1db: {  	s26 =	simm.s32 $0x7900  }
0x1dc: {  	[tilespmem:s26], [sflag:$0x2] =	stream.indirect_vreg.gather [hbm4b:s3+s2], $0x80, v3, vm0, $0xb8;
	[tilespmem:$0x1C200] =	vst v63  }
0x1dd: {  	v3 =	vld [tilespmem:$0x7090];
	_ =	sdelay $0x4  }
0x1de: {  	v58 =	vshll.u32 v3, $0x1  }
0x1df: {  	v3 =	vand.u32 $0x7, v3;
	v4 =	vand.u32 $0xFFFFFFF0, v58  }
0x1e0: {  	v3 =	vor.u32 v3, v4  }
0x1e1: {  	v4 =	vperm.xlane v3, v0;
	_ =	sdelay $0x1  }
0x1e2: {  	v3 =	vperm.xlane v3, v2;
	v4 =	vadd.s32 v1, v4;
	_ =	sdelay $0x1  }
0x1e3: {  	v3 =	vadd.s32 v1, v3;
	_ =	sdelay $0x1  }
0x1e4: {  	s6 =	simm.s32 $0x8100  }
0x1e5: {  	[tilespmem:s6], [sflag:$0x2] =	stream.indirect_vreg.gather [hbm4b:s3+s2], $0x80, v4, vm0, $0xb8;
	[tilespmem:$0x1C200] =	vst v63  }
0x1e6: {  	s28 =	simm.s32 $0x8900  }
0x1e7: {  	[tilespmem:s28], [sflag:$0x2] =	stream.indirect_vreg.gather [hbm4b:s3+s2], $0x80, v3, vm0, $0xb8;
	[tilespmem:$0x1C200] =	vst v63  }
0x1e8: {  	v3 =	vld [tilespmem:$0x70A0];
	_ =	sdelay $0x4  }
0x1e9: {  	v59 =	vshll.u32 v3, $0x1  }
0x1ea: {  	v3 =	vand.u32 $0x7, v3;
	v4 =	vand.u32 $0xFFFFFFF0, v59  }
0x1eb: {  	v3 =	vor.u32 v3, v4  }
0x1ec: {  	v4 =	vperm.xlane v3, v0;
	_ =	sdelay $0x1  }
0x1ed: {  	v3 =	vperm.xlane v3, v2;
	v4 =	vadd.s32 v1, v4;
	_ =	sdelay $0x1  }
0x1ee: {  	v3 =	vadd.s32 v1, v3;
	_ =	sdelay $0x1  }
0x1ef: {  	s26 =	simm.s32 $0x9100  }
0x1f0: {  	[tilespmem:s26], [sflag:$0x2] =	stream.indirect_vreg.gather [hbm4b:s3+s2], $0x80, v4, vm0, $0xb8;
	[tilespmem:$0x1C200] =	vst v63  }
0x1f1: {  	s29 =	simm.s32 $0x9900  }
0x1f2: {  	[tilespmem:s29], [sflag:$0x2] =	stream.indirect_vreg.gather [hbm4b:s3+s2], $0x80, v3, vm0, $0xb8;
	[tilespmem:$0x1C200] =	vst v63  }
0x1f3: {  	v3 =	vld [tilespmem:$0x70B0];
	_ =	sdelay $0x4  }
0x1f4: {  	v60 =	vshll.u32 v3, $0x1  }
0x1f5: {  	v3 =	vand.u32 $0x7, v3;
	v4 =	vand.u32 $0xFFFFFFF0, v60  }
0x1f6: {  	v3 =	vor.u32 v3, v4  }
0x1f7: {  	v4 =	vperm.xlane v3, v0;
	_ =	sdelay $0x1  }
0x1f8: {  	v3 =	vperm.xlane v3, v2;
	v4 =	vadd.s32 v1, v4;
	_ =	sdelay $0x1  }
0x1f9: {  	v3 =	vadd.s32 v1, v3;
	_ =	sdelay $0x1  }
0x1fa: {  	s28 =	simm.s32 $0xA100  }
0x1fb: {  	[tilespmem:s28], [sflag:$0x2] =	stream.indirect_vreg.gather [hbm4b:s3+s2], $0x80, v4, vm0, $0xb8;
	[tilespmem:$0x1C200] =	vst v63  }
0x1fc: {  	s30 =	simm.s32 $0xA900  }
0x1fd: {  	[tilespmem:s30], [sflag:$0x2] =	stream.indirect_vreg.gather [hbm4b:s3+s2], $0x80, v3, vm0, $0xb8;
	[tilespmem:$0x1C200] =	vst v63  }
0x1fe: {  	v3 =	vld [tilespmem:$0x70C0];
	_ =	sdelay $0x4  }
0x1ff: {  	v61 =	vshll.u32 v3, $0x1  }
0x200: {  	v3 =	vand.u32 $0x7, v3;
	v4 =	vand.u32 $0xFFFFFFF0, v61  }
0x201: {  	v3 =	vor.u32 v3, v4  }
0x202: {  	v4 =	vperm.xlane v3, v0;
	_ =	sdelay $0x1  }
0x203: {  	v3 =	vperm.xlane v3, v2;
	v4 =	vadd.s32 v1, v4;
	_ =	sdelay $0x1  }
0x204: {  	v3 =	vadd.s32 v1, v3;
	_ =	sdelay $0x1  }
0x205: {  	s29 =	simm.s32 $0xB100  }
0x206: {  	[tilespmem:s29], [sflag:$0x2] =	stream.indirect_vreg.gather [hbm4b:s3+s2], $0x80, v4, vm0, $0xb8;
	[tilespmem:$0x1C200] =	vst v63  }
0x207: {  	s8 =	simm.s32 $0xB900  }
0x208: {  	[tilespmem:s8], [sflag:$0x2] =	stream.indirect_vreg.gather [hbm4b:s3+s2], $0x80, v3, vm0, $0xb8;
	[tilespmem:$0x1C200] =	vst v63  }
0x209: {  	v3 =	vld [tilespmem:$0x70D0];
	_ =	sdelay $0x4  }
0x20a: {  	v62 =	vshll.u32 v3, $0x1  }
0x20b: {  	v3 =	vand.u32 $0x7, v3;
	v4 =	vand.u32 $0xFFFFFFF0, v62  }
0x20c: {  	v3 =	vor.u32 v3, v4  }
0x20d: {  	v4 =	vperm.xlane v3, v0;
	_ =	sdelay $0x1  }
0x20e: {  	v3 =	vperm.xlane v3, v2;
	v4 =	vadd.s32 v1, v4;
	_ =	sdelay $0x1  }
0x20f: {  	v3 =	vadd.s32 v1, v3;
	_ =	sdelay $0x1  }
0x210: {  	s30 =	simm.s32 $0xC100  }
0x211: {  	[tilespmem:s30], [sflag:$0x2] =	stream.indirect_vreg.gather [hbm4b:s3+s2], $0x80, v4, vm0, $0xb8;
	[tilespmem:$0x1C200] =	vst v63  }
0x212: {  	s9 =	simm.s32 $0xC900  }
0x213: {  	[tilespmem:s9], [sflag:$0x2] =	stream.indirect_vreg.gather [hbm4b:s3+s2], $0x80, v3, vm0, $0xb8;
	[tilespmem:$0x1C200] =	vst v63  }
0x214: {  	v3 =	vld [tilespmem:$0x70E0];
	_ =	sdelay $0x4  }
0x215: {  	v63 =	vshll.u32 v3, $0x1  }
0x216: {  	v3 =	vand.u32 $0x7, v3;
	v4 =	vand.u32 $0xFFFFFFF0, v63  }
0x217: {  	v3 =	vor.u32 v3, v4  }
0x218: {  	v4 =	vperm.xlane v3, v0;
	_ =	sdelay $0x1  }
0x219: {  	v3 =	vperm.xlane v3, v2;
	v4 =	vadd.s32 v1, v4;
	_ =	sdelay $0x1  }
0x21a: {  	v3 =	vadd.s32 v1, v3;
	_ =	sdelay $0x1  }
0x21b: {  	s10 =	simm.s32 $0xD100  }
0x21c: {  	[tilespmem:s10], [sflag:$0x2] =	stream.indirect_vreg.gather [hbm4b:s3+s2], $0x80, v4, vm0, $0xb8;
	[tilespmem:$0x1C200] =	vst v63  }
0x21d: {  	s7 =	simm.s32 $0xD900  }
0x21e: {  	[tilespmem:s7], [sflag:$0x2] =	stream.indirect_vreg.gather [hbm4b:s3+s2], $0x80, v3, vm0, $0xb8;
	[tilespmem:$0x1C200] =	vst v63  }
0x21f: {  	_ =	swait.ge [sflag:s14], $0x7000  }
0x220: {  	[sflag:s14] =	ssyncset.done $0x0  }
0x221: {  	s17 =	simm.s32 $0xE180;
	s13 =	rddreg [dreg:$0xa];
	[sflag:s14] =	ssyncadd.s32 $0xFFFF9000  }
0x222: {  	[hbm4b:s13+s2] =	stream.linear.scatter [tilespmem:s17], [sflag:$0x5], $0x7000, $0x38;
	[tilespmem:$0x1C200] =	vst v63  }
0x223: {  	_ =	swait.ge [sflag:s5], $0x7000  }
0x224: {  	[sflag:s5] =	ssyncset.done $0x0  }
0x225: {  	s7 =	simm.s32 $0xE100;
	s0 =	rddreg [dreg:$0xb];
	[sflag:s5] =	ssyncadd.s32 $0xFFFF9000  }
0x226: {  	[tilespmem:s7], [sflag:$0x5] =	stream.linear.gather [hbm4b:s0+s2], $0x70, $0x38;
	[tilespmem:$0x1C200] =	vst v63  }
0x227: {  	_ =	swait.ge [sflag:s5], $0x70  }
0x228: {  	[sflag:s5] =	ssyncset.done $0x0  }
0x229: {  	[sflag:s5] =	ssyncadd.s32 $0xFFFFFF90  }
0x22a: {  	v3 =	vld [tilespmem:$0xE100];
	_ =	sdelay $0x4  }
0x22b: {  	v8 =	vshll.u32 v3, $0x1  }
0x22c: {  	v3 =	vand.u32 $0x7, v3;
	v4 =	vand.u32 $0xFFFFFFF0, v8  }
0x22d: {  	v3 =	vor.u32 v3, v4  }
0x22e: {  	v4 =	vperm.xlane v3, v0;
	_ =	sdelay $0x1  }
0x22f: {  	v3 =	vperm.xlane v3, v2;
	v4 =	vadd.s32 v1, v4;
	_ =	sdelay $0x1  }
0x230: {  	v3 =	vadd.s32 v1, v3;
	_ =	sdelay $0x2  }
0x231: {  	[tilespmem:s17], [sflag:$0x3] =	stream.indirect_vreg.gather [hbm4b:s3+s2], $0x80, v4, vm0, $0xb8;
	[tilespmem:$0x1C200] =	vst v63  }
0x232: {  	s13 =	simm.s32 $0xE980  }
0x233: {  	[tilespmem:s13], [sflag:$0x3] =	stream.indirect_vreg.gather [hbm4b:s3+s2], $0x80, v3, vm0, $0xb8;
	[tilespmem:$0x1C200] =	vst v63  }
0x234: {  	v3 =	vld [tilespmem:$0xE110];
	_ =	sdelay $0x4  }
0x235: {  	v9 =	vshll.u32 v3, $0x1  }
0x236: {  	v3 =	vand.u32 $0x7, v3;
	v4 =	vand.u32 $0xFFFFFFF0, v9  }
0x237: {  	v3 =	vor.u32 v3, v4  }
0x238: {  	v4 =	vperm.xlane v3, v0;
	_ =	sdelay $0x1  }
0x239: {  	v3 =	vperm.xlane v3, v2;
	v4 =	vadd.s32 v1, v4;
	_ =	sdelay $0x1  }
0x23a: {  	v3 =	vadd.s32 v1, v3;
	_ =	sdelay $0x1  }
0x23b: {  	s15 =	simm.s32 $0xF180  }
0x23c: {  	[tilespmem:s15], [sflag:$0x3] =	stream.indirect_vreg.gather [hbm4b:s3+s2], $0x80, v4, vm0, $0xb8;
	[tilespmem:$0x1C200] =	vst v63  }
0x23d: {  	s17 =	simm.s32 $0xF980  }
0x23e: {  	[tilespmem:s17], [sflag:$0x3] =	stream.indirect_vreg.gather [hbm4b:s3+s2], $0x80, v3, vm0, $0xb8;
	[tilespmem:$0x1C200] =	vst v63  }
0x23f: {  	v3 =	vld [tilespmem:$0xE120];
	_ =	sdelay $0x4  }
0x240: {  	v10 =	vshll.u32 v3, $0x1  }
0x241: {  	v3 =	vand.u32 $0x7, v3;
	v4 =	vand.u32 $0xFFFFFFF0, v10  }
0x242: {  	v3 =	vor.u32 v3, v4  }
0x243: {  	v4 =	vperm.xlane v3, v0;
	_ =	sdelay $0x1  }
0x244: {  	v3 =	vperm.xlane v3, v2;
	v4 =	vadd.s32 v1, v4;
	_ =	sdelay $0x1  }
0x245: {  	v3 =	vadd.s32 v1, v3;
	_ =	sdelay $0x1  }
0x246: {  	s7 =	simm.s32 $0x10180  }
0x247: {  	[tilespmem:s7], [sflag:$0x3] =	stream.indirect_vreg.gather [hbm4b:s3+s2], $0x80, v4, vm0, $0xb8;
	[tilespmem:$0x1C200] =	vst v63  }
0x248: {  	s13 =	simm.s32 $0x10980  }
0x249: {  	[tilespmem:s13], [sflag:$0x3] =	stream.indirect_vreg.gather [hbm4b:s3+s2], $0x80, v3, vm0, $0xb8;
	[tilespmem:$0x1C200] =	vst v63  }
0x24a: {  	v3 =	vld [tilespmem:$0xE130];
	_ =	sdelay $0x4  }
0x24b: {  	v11 =	vshll.u32 v3, $0x1  }
0x24c: {  	v3 =	vand.u32 $0x7, v3;
	v4 =	vand.u32 $0xFFFFFFF0, v11  }
0x24d: {  	v3 =	vor.u32 v3, v4  }
0x24e: {  	v4 =	vperm.xlane v3, v0;
	_ =	sdelay $0x1  }
0x24f: {  	v3 =	vperm.xlane v3, v2;
	v4 =	vadd.s32 v1, v4;
	_ =	sdelay $0x1  }
0x250: {  	v3 =	vadd.s32 v1, v3;
	_ =	sdelay $0x1  }
0x251: {  	s15 =	simm.s32 $0x11180  }
0x252: {  	[tilespmem:s15], [sflag:$0x3] =	stream.indirect_vreg.gather [hbm4b:s3+s2], $0x80, v4, vm0, $0xb8;
	[tilespmem:$0x1C200] =	vst v63  }
0x253: {  	s17 =	simm.s32 $0x11980  }
0x254: {  	[tilespmem:s17], [sflag:$0x3] =	stream.indirect_vreg.gather [hbm4b:s3+s2], $0x80, v3, vm0, $0xb8;
	[tilespmem:$0x1C200] =	vst v63  }
0x255: {  	v3 =	vld [tilespmem:$0xE140];
	_ =	sdelay $0x4  }
0x256: {  	v12 =	vshll.u32 v3, $0x1  }
0x257: {  	v3 =	vand.u32 $0x7, v3;
	v4 =	vand.u32 $0xFFFFFFF0, v12  }
0x258: {  	v3 =	vor.u32 v3, v4  }
0x259: {  	v4 =	vperm.xlane v3, v0;
	_ =	sdelay $0x1  }
0x25a: {  	v3 =	vperm.xlane v3, v2;
	v4 =	vadd.s32 v1, v4;
	_ =	sdelay $0x1  }
0x25b: {  	v3 =	vadd.s32 v1, v3;
	_ =	sdelay $0x1  }
0x25c: {  	s7 =	simm.s32 $0x12180  }
0x25d: {  	[tilespmem:s7], [sflag:$0x3] =	stream.indirect_vreg.gather [hbm4b:s3+s2], $0x80, v4, vm0, $0xb8;
	[tilespmem:$0x1C200] =	vst v63  }
0x25e: {  	s13 =	simm.s32 $0x12980  }
0x25f: {  	[tilespmem:s13], [sflag:$0x3] =	stream.indirect_vreg.gather [hbm4b:s3+s2], $0x80, v3, vm0, $0xb8;
	[tilespmem:$0x1C200] =	vst v63  }
0x260: {  	v3 =	vld [tilespmem:$0xE150];
	_ =	sdelay $0x4  }
0x261: {  	v13 =	vshll.u32 v3, $0x1  }
0x262: {  	v3 =	vand.u32 $0x7, v3;
	v4 =	vand.u32 $0xFFFFFFF0, v13  }
0x263: {  	v3 =	vor.u32 v3, v4  }
0x264: {  	v4 =	vperm.xlane v3, v0;
	_ =	sdelay $0x1  }
0x265: {  	v3 =	vperm.xlane v3, v2;
	v4 =	vadd.s32 v1, v4;
	_ =	sdelay $0x1  }
0x266: {  	v3 =	vadd.s32 v1, v3;
	_ =	sdelay $0x1  }
0x267: {  	s15 =	simm.s32 $0x13180  }
0x268: {  	[tilespmem:s15], [sflag:$0x3] =	stream.indirect_vreg.gather [hbm4b:s3+s2], $0x80, v4, vm0, $0xb8;
	[tilespmem:$0x1C200] =	vst v63  }
0x269: {  	s17 =	simm.s32 $0x13980  }
0x26a: {  	[tilespmem:s17], [sflag:$0x3] =	stream.indirect_vreg.gather [hbm4b:s3+s2], $0x80, v3, vm0, $0xb8;
	[tilespmem:$0x1C200] =	vst v63  }
0x26b: {  	v3 =	vld [tilespmem:$0xE160];
	_ =	sdelay $0x4  }
0x26c: {  	v14 =	vshll.u32 v3, $0x1  }
0x26d: {  	v3 =	vand.u32 $0x7, v3;
	v4 =	vand.u32 $0xFFFFFFF0, v14  }
0x26e: {  	v3 =	vor.u32 v3, v4  }
0x26f: {  	v4 =	vperm.xlane v3, v0;
	_ =	sdelay $0x1  }
0x270: {  	v3 =	vperm.xlane v3, v2;
	v4 =	vadd.s32 v1, v4;
	_ =	sdelay $0x1  }
0x271: {  	v3 =	vadd.s32 v1, v3;
	_ =	sdelay $0x1  }
0x272: {  	s7 =	simm.s32 $0x14180  }
0x273: {  	[tilespmem:s7], [sflag:$0x3] =	stream.indirect_vreg.gather [hbm4b:s3+s2], $0x80, v4, vm0, $0xb8;
	[tilespmem:$0x1C200] =	vst v63  }
0x274: {  	s31 =	simm.s32 $0x14980;
	s0 =	simm.s32 $0x4  }
0x275: {  	[tilespmem:s31], [sflag:$0x3] =	stream.indirect_vreg.gather [hbm4b:s3+s2], $0x80, v3, vm0, $0xb8;
	[tilespmem:$0x1C200] =	vst v63  }
0x276: {  	_ =	swait.ge [sflag:s0], $0x7000  }
0x277: {  	[sflag:s0] =	ssyncset.done $0x0  }
0x278: {  	s1 =	simm.s32 $0x15200;
	s13 =	rddreg [dreg:$0xc];
	[sflag:s0] =	ssyncadd.s32 $0xFFFF9000  }
0x279: {  	[hbm4b:s13+s2] =	stream.linear.scatter [tilespmem:s1], [sflag:$0x5], $0x7000, $0x38;
	[tilespmem:$0x1C200] =	vst v63  }
0x27a: {  	_ =	swait.ge [sflag:s5], $0x7000  }
0x27b: {  	[sflag:s5] =	ssyncset.done $0x0  }
0x27c: {  	s31 =	simm.s32 $0x15180;
	s17 =	rddreg [dreg:$0xd];
	[sflag:s5] =	ssyncadd.s32 $0xFFFF9000  }
0x27d: {  	[tilespmem:s31], [sflag:$0x5] =	stream.linear.gather [hbm4b:s17+s2], $0x70, $0x38;
	[tilespmem:$0x1C200] =	vst v63  }
0x27e: {  	_ =	swait.ge [sflag:s5], $0x70  }
0x27f: {  	[sflag:s5] =	ssyncset.done $0x0  }
0x280: {  	[sflag:s5] =	ssyncadd.s32 $0xFFFFFF90  }
0x281: {  	v3 =	vld [tilespmem:$0x15180];
	_ =	sdelay $0x4  }
0x282: {  	v15 =	vshll.u32 v3, $0x1  }
0x283: {  	v3 =	vand.u32 $0x7, v3;
	v4 =	vand.u32 $0xFFFFFFF0, v15  }
0x284: {  	v3 =	vor.u32 v3, v4  }
0x285: {  	v4 =	vperm.xlane v3, v0;
	_ =	sdelay $0x1  }
0x286: {  	v3 =	vperm.xlane v3, v2;
	v4 =	vadd.s32 v1, v4;
	_ =	sdelay $0x1  }
0x287: {  	v3 =	vadd.s32 v1, v3;
	_ =	sdelay $0x2  }
0x288: {  	[tilespmem:s1], [sflag:$0x4] =	stream.indirect_vreg.gather [hbm4b:s3+s2], $0x80, v4, vm0, $0xb8;
	[tilespmem:$0x1C200] =	vst v63  }
0x289: {  	s7 =	simm.s32 $0x15A00  }
0x28a: {  	[tilespmem:s7], [sflag:$0x4] =	stream.indirect_vreg.gather [hbm4b:s3+s2], $0x80, v3, vm0, $0xb8;
	[tilespmem:$0x1C200] =	vst v63  }
0x28b: {  	v3 =	vld [tilespmem:$0x15190];
	_ =	sdelay $0x4  }
0x28c: {  	v16 =	vshll.u32 v3, $0x1  }
0x28d: {  	v3 =	vand.u32 $0x7, v3;
	v4 =	vand.u32 $0xFFFFFFF0, v16  }
0x28e: {  	v3 =	vor.u32 v3, v4  }
0x28f: {  	v4 =	vperm.xlane v3, v0;
	_ =	sdelay $0x1  }
0x290: {  	v3 =	vperm.xlane v3, v2;
	v4 =	vadd.s32 v1, v4;
	_ =	sdelay $0x1  }
0x291: {  	v3 =	vadd.s32 v1, v3;
	_ =	sdelay $0x1  }
0x292: {  	s13 =	simm.s32 $0x16200  }
0x293: {  	[tilespmem:s13], [sflag:$0x4] =	stream.indirect_vreg.gather [hbm4b:s3+s2], $0x80, v4, vm0, $0xb8;
	[tilespmem:$0x1C200] =	vst v63  }
0x294: {  	s15 =	simm.s32 $0x16A00  }
0x295: {  	[tilespmem:s15], [sflag:$0x4] =	stream.indirect_vreg.gather [hbm4b:s3+s2], $0x80, v3, vm0, $0xb8;
	[tilespmem:$0x1C200] =	vst v63  }
0x296: {  	v3 =	vld [tilespmem:$0x151A0];
	_ =	sdelay $0x4  }
0x297: {  	v17 =	vshll.u32 v3, $0x1  }
0x298: {  	v3 =	vand.u32 $0x7, v3;
	v4 =	vand.u32 $0xFFFFFFF0, v17  }
0x299: {  	v3 =	vor.u32 v3, v4  }
0x29a: {  	v4 =	vperm.xlane v3, v0;
	_ =	sdelay $0x1  }
0x29b: {  	v3 =	vperm.xlane v3, v2;
	v4 =	vadd.s32 v1, v4;
	_ =	sdelay $0x1  }
0x29c: {  	v3 =	vadd.s32 v1, v3;
	_ =	sdelay $0x1  }
0x29d: {  	s31 =	simm.s32 $0x17200  }
0x29e: {  	[tilespmem:s31], [sflag:$0x4] =	stream.indirect_vreg.gather [hbm4b:s3+s2], $0x80, v4, vm0, $0xb8;
	[tilespmem:$0x1C200] =	vst v63  }
0x29f: {  	s17 =	simm.s32 $0x17A00  }
0x2a0: {  	[tilespmem:s17], [sflag:$0x4] =	stream.indirect_vreg.gather [hbm4b:s3+s2], $0x80, v3, vm0, $0xb8;
	[tilespmem:$0x1C200] =	vst v63  }
0x2a1: {  	v3 =	vld [tilespmem:$0x151B0];
	_ =	sdelay $0x4  }
0x2a2: {  	v18 =	vshll.u32 v3, $0x1  }
0x2a3: {  	v3 =	vand.u32 $0x7, v3;
	v4 =	vand.u32 $0xFFFFFFF0, v18  }
0x2a4: {  	v3 =	vor.u32 v3, v4  }
0x2a5: {  	v4 =	vperm.xlane v3, v0;
	_ =	sdelay $0x1  }
0x2a6: {  	v3 =	vperm.xlane v3, v2;
	v4 =	vadd.s32 v1, v4;
	_ =	sdelay $0x1  }
0x2a7: {  	v3 =	vadd.s32 v1, v3;
	_ =	sdelay $0x1  }
0x2a8: {  	s17 =	simm.s32 $0x18200  }
0x2a9: {  	[tilespmem:s17], [sflag:$0x4] =	stream.indirect_vreg.gather [hbm4b:s3+s2], $0x80, v4, vm0, $0xb8;
	[tilespmem:$0x1C200] =	vst v63  }
0x2aa: {  	s7 =	simm.s32 $0x18A00  }
0x2ab: {  	[tilespmem:s7], [sflag:$0x4] =	stream.indirect_vreg.gather [hbm4b:s3+s2], $0x80, v3, vm0, $0xb8;
	[tilespmem:$0x1C200] =	vst v63  }
0x2ac: {  	v3 =	vld [tilespmem:$0x151C0];
	_ =	sdelay $0x4  }
0x2ad: {  	v19 =	vshll.u32 v3, $0x1  }
0x2ae: {  	v3 =	vand.u32 $0x7, v3;
	v4 =	vand.u32 $0xFFFFFFF0, v19  }
0x2af: {  	v3 =	vor.u32 v3, v4  }
0x2b0: {  	v4 =	vperm.xlane v3, v0;
	_ =	sdelay $0x1  }
0x2b1: {  	v3 =	vperm.xlane v3, v2;
	v4 =	vadd.s32 v1, v4;
	_ =	sdelay $0x1  }
0x2b2: {  	v3 =	vadd.s32 v1, v3;
	_ =	sdelay $0x1  }
0x2b3: {  	s1 =	simm.s32 $0x19200  }
0x2b4: {  	[tilespmem:s1], [sflag:$0x4] =	stream.indirect_vreg.gather [hbm4b:s3+s2], $0x80, v4, vm0, $0xb8;
	[tilespmem:$0x1C200] =	vst v63  }
0x2b5: {  	s13 =	simm.s32 $0x19A00  }
0x2b6: {  	[tilespmem:s13], [sflag:$0x4] =	stream.indirect_vreg.gather [hbm4b:s3+s2], $0x80, v3, vm0, $0xb8;
	[tilespmem:$0x1C200] =	vst v63  }
0x2b7: {  	v3 =	vld [tilespmem:$0x151D0];
	_ =	sdelay $0x4  }
0x2b8: {  	v20 =	vshll.u32 v3, $0x1  }
0x2b9: {  	v3 =	vand.u32 $0x7, v3;
	v4 =	vand.u32 $0xFFFFFFF0, v20  }
0x2ba: {  	v3 =	vor.u32 v3, v4  }
0x2bb: {  	v4 =	vperm.xlane v3, v0;
	_ =	sdelay $0x1  }
0x2bc: {  	v3 =	vperm.xlane v3, v2;
	v4 =	vadd.s32 v1, v4;
	_ =	sdelay $0x1  }
0x2bd: {  	v3 =	vadd.s32 v1, v3;
	_ =	sdelay $0x1  }
0x2be: {  	s13 =	simm.s32 $0x1A200  }
0x2bf: {  	[tilespmem:s13], [sflag:$0x4] =	stream.indirect_vreg.gather [hbm4b:s3+s2], $0x80, v4, vm0, $0xb8;
	[tilespmem:$0x1C200] =	vst v63  }
0x2c0: {  	s15 =	simm.s32 $0x1AA00  }
0x2c1: {  	[tilespmem:s15], [sflag:$0x4] =	stream.indirect_vreg.gather [hbm4b:s3+s2], $0x80, v3, vm0, $0xb8;
	[tilespmem:$0x1C200] =	vst v63  }
0x2c2: {  	v3 =	vld [tilespmem:$0x151E0];
	_ =	sdelay $0x4  }
0x2c3: {  	v21 =	vshll.u32 v3, $0x1  }
0x2c4: {  	v3 =	vand.u32 $0x7, v3;
	v4 =	vand.u32 $0xFFFFFFF0, v21  }
0x2c5: {  	v3 =	vor.u32 v3, v4  }
0x2c6: {  	v4 =	vperm.xlane v3, v0;
	_ =	sdelay $0x1  }
0x2c7: {  	v3 =	vperm.xlane v3, v2;
	v4 =	vadd.s32 v1, v4;
	_ =	sdelay $0x1  }
0x2c8: {  	v3 =	vadd.s32 v1, v3;
	_ =	sdelay $0x1  }
0x2c9: {  	s15 =	simm.s32 $0x1B200  }
0x2ca: {  	[tilespmem:s15], [sflag:$0x4] =	stream.indirect_vreg.gather [hbm4b:s3+s2], $0x80, v4, vm0, $0xb8;
	[tilespmem:$0x1C200] =	vst v63  }
0x2cb: {  	s15 =	simm.s32 $0x1BA00  }
0x2cc: {  	[tilespmem:s15], [sflag:$0x4] =	stream.indirect_vreg.gather [hbm4b:s3+s2], $0x80, v3, vm0, $0xb8;
	[tilespmem:$0x1C200] =	vst v63  }
0x2cd: {  	_ =	swait.ge [sflag:s11], $0x7000  }
0x2ce: {  	[sflag:s11] =	ssyncset.done $0x0  }
0x2cf: {  	s7 =	simm.s32 $0x80;
	s15 =	rddreg [dreg:$0xe];
	[sflag:s11] =	ssyncadd.s32 $0xFFFF9000  }
0x2d0: {  	[hbm4b:s15+s2] =	stream.linear.scatter [tilespmem:s7], [sflag:$0x5], $0x7000, $0x38;
	[tilespmem:$0x1C200] =	vst v63  }
0x2d1: {  	_ =	swait.ge [sflag:s5], $0x7000  }
0x2d2: {  	[sflag:s5] =	ssyncset.done $0x0  }
0x2d3: {  	s15 =	rddreg [dreg:$0xf];
	[sflag:s5] =	ssyncadd.s32 $0xFFFF9000  }
0x2d4: {  	[tilespmem:s2], [sflag:$0x5] =	stream.linear.gather [hbm4b:s15+s2], $0x70, $0x38;
	[tilespmem:$0x1C200] =	vst v63  }
0x2d5: {  	_ =	swait.ge [sflag:s5], $0x70  }
0x2d6: {  	[sflag:s5] =	ssyncset.done $0x0  }
0x2d7: {  	[sflag:s5] =	ssyncadd.s32 $0xFFFFFF90  }
0x2d8: {  	v3 =	vld [tilespmem:$0x0];
	_ =	sdelay $0x4  }
0x2d9: {  	v22 =	vshll.u32 v3, $0x1  }
0x2da: {  	v3 =	vand.u32 $0x7, v3;
	v4 =	vand.u32 $0xFFFFFFF0, v22  }
0x2db: {  	v3 =	vor.u32 v3, v4  }
0x2dc: {  	v4 =	vperm.xlane v3, v0;
	_ =	sdelay $0x1  }
0x2dd: {  	v3 =	vperm.xlane v3, v2;
	v4 =	vadd.s32 v1, v4;
	_ =	sdelay $0x1  }
0x2de: {  	v3 =	vadd.s32 v1, v3;
	_ =	sdelay $0x2  }
0x2df: {  	[tilespmem:s7], [sflag:$0x1] =	stream.indirect_vreg.gather [hbm4b:s3+s2], $0x80, v4, vm0, $0xb8;
	[tilespmem:$0x1C200] =	vst v63  }
0x2e0: {  	s15 =	simm.s32 $0x880  }
0x2e1: {  	[tilespmem:s15], [sflag:$0x1] =	stream.indirect_vreg.gather [hbm4b:s3+s2], $0x80, v3, vm0, $0xb8;
	[tilespmem:$0x1C200] =	vst v63  }
0x2e2: {  	v3 =	vld [tilespmem:$0x10];
	_ =	sdelay $0x4  }
0x2e3: {  	v23 =	vshll.u32 v3, $0x1  }
0x2e4: {  	v3 =	vand.u32 $0x7, v3;
	v4 =	vand.u32 $0xFFFFFFF0, v23  }
0x2e5: {  	v3 =	vor.u32 v3, v4  }
0x2e6: {  	v4 =	vperm.xlane v3, v0;
	_ =	sdelay $0x1  }
0x2e7: {  	v3 =	vperm.xlane v3, v2;
	v4 =	vadd.s32 v1, v4;
	_ =	sdelay $0x1  }
0x2e8: {  	v3 =	vadd.s32 v1, v3;
	_ =	sdelay $0x1  }
0x2e9: {  	s15 =	simm.s32 $0x1080  }
0x2ea: {  	[tilespmem:s15], [sflag:$0x1] =	stream.indirect_vreg.gather [hbm4b:s3+s2], $0x80, v4, vm0, $0xb8;
	[tilespmem:$0x1C200] =	vst v63  }
0x2eb: {  	s15 =	simm.s32 $0x1880  }
0x2ec: {  	[tilespmem:s15], [sflag:$0x1] =	stream.indirect_vreg.gather [hbm4b:s3+s2], $0x80, v3, vm0, $0xb8;
	[tilespmem:$0x1C200] =	vst v63  }
0x2ed: {  	v3 =	vld [tilespmem:$0x20];
	_ =	sdelay $0x4  }
0x2ee: {  	v24 =	vshll.u32 v3, $0x1  }
0x2ef: {  	v3 =	vand.u32 $0x7, v3;
	v4 =	vand.u32 $0xFFFFFFF0, v24  }
0x2f0: {  	v3 =	vor.u32 v3, v4  }
0x2f1: {  	v4 =	vperm.xlane v3, v0;
	_ =	sdelay $0x1  }
0x2f2: {  	v3 =	vperm.xlane v3, v2;
	v4 =	vadd.s32 v1, v4;
	_ =	sdelay $0x1  }
0x2f3: {  	v3 =	vadd.s32 v1, v3;
	_ =	sdelay $0x1  }
0x2f4: {  	s15 =	simm.s32 $0x2080  }
0x2f5: {  	[tilespmem:s15], [sflag:$0x1] =	stream.indirect_vreg.gather [hbm4b:s3+s2], $0x80, v4, vm0, $0xb8;
	[tilespmem:$0x1C200] =	vst v63  }
0x2f6: {  	_ = 	snop  }
0x2f7: {  	[tilespmem:s19], [sflag:$0x1] =	stream.indirect_vreg.gather [hbm4b:s3+s2], $0x80, v3, vm0, $0xb8;
	[tilespmem:$0x1C200] =	vst v63  }
0x2f8: {  	v3 =	vld [tilespmem:$0x30];
	_ =	sdelay $0x4  }
0x2f9: {  	v25 =	vshll.u32 v3, $0x1  }
0x2fa: {  	v3 =	vand.u32 $0x7, v3;
	v4 =	vand.u32 $0xFFFFFFF0, v25  }
0x2fb: {  	v3 =	vor.u32 v3, v4  }
0x2fc: {  	v4 =	vperm.xlane v3, v0;
	_ =	sdelay $0x1  }
0x2fd: {  	v3 =	vperm.xlane v3, v2;
	v4 =	vadd.s32 v1, v4;
	_ =	sdelay $0x1  }
0x2fe: {  	v3 =	vadd.s32 v1, v3;
	_ =	sdelay $0x1  }
0x2ff: {  	s15 =	simm.s32 $0x3080  }
0x300: {  	[tilespmem:s15], [sflag:$0x1] =	stream.indirect_vreg.gather [hbm4b:s3+s2], $0x80, v4, vm0, $0xb8;
	[tilespmem:$0x1C200] =	vst v63  }
0x301: {  	_ = 	snop  }
0x302: {  	[tilespmem:s20], [sflag:$0x1] =	stream.indirect_vreg.gather [hbm4b:s3+s2], $0x80, v3, vm0, $0xb8;
	[tilespmem:$0x1C200] =	vst v63  }
0x303: {  	v3 =	vld [tilespmem:$0x40];
	_ =	sdelay $0x4  }
0x304: {  	v26 =	vshll.u32 v3, $0x1  }
0x305: {  	v3 =	vand.u32 $0x7, v3;
	v4 =	vand.u32 $0xFFFFFFF0, v26  }
0x306: {  	v3 =	vor.u32 v3, v4  }
0x307: {  	v4 =	vperm.xlane v3, v0;
	_ =	sdelay $0x1  }
0x308: {  	v3 =	vperm.xlane v3, v2;
	v4 =	vadd.s32 v1, v4;
	_ =	sdelay $0x1  }
0x309: {  	v3 =	vadd.s32 v1, v3;
	_ =	sdelay $0x2  }
0x30a: {  	[tilespmem:s16], [sflag:$0x1] =	stream.indirect_vreg.gather [hbm4b:s3+s2], $0x80, v4, vm0, $0xb8;
	[tilespmem:$0x1C200] =	vst v63  }
0x30b: {  	_ = 	snop  }
0x30c: {  	[tilespmem:s22], [sflag:$0x1] =	stream.indirect_vreg.gather [hbm4b:s3+s2], $0x80, v3, vm0, $0xb8;
	[tilespmem:$0x1C200] =	vst v63  }
0x30d: {  	v3 =	vld [tilespmem:$0x50];
	_ =	sdelay $0x4  }
0x30e: {  	v27 =	vshll.u32 v3, $0x1  }
0x30f: {  	v3 =	vand.u32 $0x7, v3;
	v4 =	vand.u32 $0xFFFFFFF0, v27  }
0x310: {  	v3 =	vor.u32 v3, v4  }
0x311: {  	v4 =	vperm.xlane v3, v0;
	_ =	sdelay $0x1  }
0x312: {  	v3 =	vperm.xlane v3, v2;
	v4 =	vadd.s32 v1, v4;
	_ =	sdelay $0x1  }
0x313: {  	v3 =	vadd.s32 v1, v3;
	_ =	sdelay $0x2  }
0x314: {  	[tilespmem:s18], [sflag:$0x1] =	stream.indirect_vreg.gather [hbm4b:s3+s2], $0x80, v4, vm0, $0xb8;
	[tilespmem:$0x1C200] =	vst v63  }
0x315: {  	_ = 	snop  }
0x316: {  	[tilespmem:s23], [sflag:$0x1] =	stream.indirect_vreg.gather [hbm4b:s3+s2], $0x80, v3, vm0, $0xb8;
	[tilespmem:$0x1C200] =	vst v63  }
0x317: {  	v3 =	vld [tilespmem:$0x60];
	_ =	sdelay $0x4  }
0x318: {  	v28 =	vshll.u32 v3, $0x1  }
0x319: {  	v3 =	vand.u32 $0x7, v3;
	v4 =	vand.u32 $0xFFFFFFF0, v28  }
0x31a: {  	v3 =	vor.u32 v3, v4  }
0x31b: {  	v4 =	vperm.xlane v3, v0;
	_ =	sdelay $0x1  }
0x31c: {  	v3 =	vperm.xlane v3, v2;
	v4 =	vadd.s32 v1, v4;
	_ =	sdelay $0x1  }
0x31d: {  	v3 =	vadd.s32 v1, v3;
	_ =	sdelay $0x2  }
0x31e: {  	[tilespmem:s24], [sflag:$0x1] =	stream.indirect_vreg.gather [hbm4b:s3+s2], $0x80, v4, vm0, $0xb8;
	[tilespmem:$0x1C200] =	vst v63  }
0x31f: {  	_ = 	snop  }
0x320: {  	[tilespmem:s25], [sflag:$0x1] =	stream.indirect_vreg.gather [hbm4b:s3+s2], $0x80, v3, vm0, $0xb8;
	[tilespmem:$0x1C200] =	vst v63  }
0x321: {  	_ =	swait.ge [sflag:s12], $0x7000  }
0x322: {  	[sflag:s12] =	ssyncset.done $0x0  }
0x323: {  	s7 =	rddreg [dreg:$0x10];
	[sflag:s12] =	ssyncadd.s32 $0xFFFF9000  }
0x324: {  	[hbm4b:s7+s2] =	stream.linear.scatter [tilespmem:s21], [sflag:$0x5], $0x7000, $0x38;
	[tilespmem:$0x1C200] =	vst v63  }
0x325: {  	_ =	swait.ge [sflag:s5], $0x7000  }
0x326: {  	[sflag:s5] =	ssyncset.done $0x0  }
0x327: {  	s7 =	simm.s32 $0x7080;
	s25 =	rddreg [dreg:$0x11];
	[sflag:s5] =	ssyncadd.s32 $0xFFFF9000  }
0x328: {  	[tilespmem:s7], [sflag:$0x5] =	stream.linear.gather [hbm4b:s25+s2], $0x70, $0x38;
	[tilespmem:$0x1C200] =	vst v63  }
0x329: {  	_ =	swait.ge [sflag:s5], $0x70  }
0x32a: {  	[sflag:s5] =	ssyncset.done $0x0  }
0x32b: {  	[sflag:s5] =	ssyncadd.s32 $0xFFFFFF90  }
0x32c: {  	v3 =	vld [tilespmem:$0x7080];
	_ =	sdelay $0x4  }
0x32d: {  	v29 =	vshll.u32 v3, $0x1  }
0x32e: {  	v3 =	vand.u32 $0x7, v3;
	v4 =	vand.u32 $0xFFFFFFF0, v29  }
0x32f: {  	v3 =	vor.u32 v3, v4  }
0x330: {  	v4 =	vperm.xlane v3, v0;
	_ =	sdelay $0x1  }
0x331: {  	v3 =	vperm.xlane v3, v2;
	v4 =	vadd.s32 v1, v4;
	_ =	sdelay $0x1  }
0x332: {  	v3 =	vadd.s32 v1, v3;
	_ =	sdelay $0x2  }
0x333: {  	[tilespmem:s21], [sflag:$0x2] =	stream.indirect_vreg.gather [hbm4b:s3+s2], $0x80, v4, vm0, $0xb8;
	[tilespmem:$0x1C200] =	vst v63  }
0x334: {  	s25 =	simm.s32 $0x7900  }
0x335: {  	[tilespmem:s25], [sflag:$0x2] =	stream.indirect_vreg.gather [hbm4b:s3+s2], $0x80, v3, vm0, $0xb8;
	[tilespmem:$0x1C200] =	vst v63  }
0x336: {  	v3 =	vld [tilespmem:$0x7090];
	_ =	sdelay $0x4  }
0x337: {  	v30 =	vshll.u32 v3, $0x1  }
0x338: {  	v3 =	vand.u32 $0x7, v3;
	v4 =	vand.u32 $0xFFFFFFF0, v30  }
0x339: {  	v3 =	vor.u32 v3, v4  }
0x33a: {  	v4 =	vperm.xlane v3, v0;
	_ =	sdelay $0x1  }
0x33b: {  	v3 =	vperm.xlane v3, v2;
	v4 =	vadd.s32 v1, v4;
	_ =	sdelay $0x1  }
0x33c: {  	v3 =	vadd.s32 v1, v3;
	_ =	sdelay $0x2  }
0x33d: {  	[tilespmem:s6], [sflag:$0x2] =	stream.indirect_vreg.gather [hbm4b:s3+s2], $0x80, v4, vm0, $0xb8;
	[tilespmem:$0x1C200] =	vst v63  }
0x33e: {  	s15 =	simm.s32 $0x8900  }
0x33f: {  	[tilespmem:s15], [sflag:$0x2] =	stream.indirect_vreg.gather [hbm4b:s3+s2], $0x80, v3, vm0, $0xb8;
	[tilespmem:$0x1C200] =	vst v63  }
0x340: {  	v3 =	vld [tilespmem:$0x70A0];
	_ =	sdelay $0x4  }
0x341: {  	v31 =	vshll.u32 v3, $0x1  }
0x342: {  	v3 =	vand.u32 $0x7, v3;
	v4 =	vand.u32 $0xFFFFFFF0, v31  }
0x343: {  	v3 =	vor.u32 v3, v4  }
0x344: {  	v4 =	vperm.xlane v3, v0;
	_ =	sdelay $0x1  }
0x345: {  	v3 =	vperm.xlane v3, v2;
	v4 =	vadd.s32 v1, v4;
	_ =	sdelay $0x1  }
0x346: {  	v3 =	vadd.s32 v1, v3;
	_ =	sdelay $0x2  }
0x347: {  	[tilespmem:s26], [sflag:$0x2] =	stream.indirect_vreg.gather [hbm4b:s3+s2], $0x80, v4, vm0, $0xb8;
	[tilespmem:$0x1C200] =	vst v63  }
0x348: {  	s25 =	simm.s32 $0x9900  }
0x349: {  	[tilespmem:s25], [sflag:$0x2] =	stream.indirect_vreg.gather [hbm4b:s3+s2], $0x80, v3, vm0, $0xb8;
	[tilespmem:$0x1C200] =	vst v63  }
0x34a: {  	v3 =	vld [tilespmem:$0x70B0];
	_ =	sdelay $0x4  }
0x34b: {  	v32 =	vshll.u32 v3, $0x1  }
0x34c: {  	v3 =	vand.u32 $0x7, v3;
	v4 =	vand.u32 $0xFFFFFFF0, v32  }
0x34d: {  	v3 =	vor.u32 v3, v4  }
0x34e: {  	v4 =	vperm.xlane v3, v0;
	_ =	sdelay $0x1  }
0x34f: {  	v3 =	vperm.xlane v3, v2;
	v4 =	vadd.s32 v1, v4;
	_ =	sdelay $0x1  }
0x350: {  	v3 =	vadd.s32 v1, v3;
	_ =	sdelay $0x2  }
0x351: {  	[tilespmem:s28], [sflag:$0x2] =	stream.indirect_vreg.gather [hbm4b:s3+s2], $0x80, v4, vm0, $0xb8;
	[tilespmem:$0x1C200] =	vst v63  }
0x352: {  	s15 =	simm.s32 $0xA900  }
0x353: {  	[tilespmem:s15], [sflag:$0x2] =	stream.indirect_vreg.gather [hbm4b:s3+s2], $0x80, v3, vm0, $0xb8;
	[tilespmem:$0x1C200] =	vst v63  }
0x354: {  	v3 =	vld [tilespmem:$0x70C0];
	_ =	sdelay $0x4  }
0x355: {  	v33 =	vshll.u32 v3, $0x1  }
0x356: {  	v3 =	vand.u32 $0x7, v3;
	v4 =	vand.u32 $0xFFFFFFF0, v33  }
0x357: {  	v3 =	vor.u32 v3, v4  }
0x358: {  	v4 =	vperm.xlane v3, v0;
	_ =	sdelay $0x1  }
0x359: {  	v3 =	vperm.xlane v3, v2;
	v4 =	vadd.s32 v1, v4;
	_ =	sdelay $0x1  }
0x35a: {  	v3 =	vadd.s32 v1, v3;
	_ =	sdelay $0x2  }
0x35b: {  	[tilespmem:s29], [sflag:$0x2] =	stream.indirect_vreg.gather [hbm4b:s3+s2], $0x80, v4, vm0, $0xb8;
	[tilespmem:$0x1C200] =	vst v63  }
0x35c: {  	_ = 	snop  }
0x35d: {  	[tilespmem:s8], [sflag:$0x2] =	stream.indirect_vreg.gather [hbm4b:s3+s2], $0x80, v3, vm0, $0xb8;
	[tilespmem:$0x1C200] =	vst v63  }
0x35e: {  	v3 =	vld [tilespmem:$0x70D0];
	_ =	sdelay $0x4  }
0x35f: {  	v34 =	vshll.u32 v3, $0x1  }
0x360: {  	v3 =	vand.u32 $0x7, v3;
	v4 =	vand.u32 $0xFFFFFFF0, v34  }
0x361: {  	v3 =	vor.u32 v3, v4  }
0x362: {  	v4 =	vperm.xlane v3, v0;
	_ =	sdelay $0x1  }
0x363: {  	v3 =	vperm.xlane v3, v2;
	v4 =	vadd.s32 v1, v4;
	_ =	sdelay $0x1  }
0x364: {  	v3 =	vadd.s32 v1, v3;
	_ =	sdelay $0x2  }
0x365: {  	[tilespmem:s30], [sflag:$0x2] =	stream.indirect_vreg.gather [hbm4b:s3+s2], $0x80, v4, vm0, $0xb8;
	[tilespmem:$0x1C200] =	vst v63  }
0x366: {  	_ = 	snop  }
0x367: {  	[tilespmem:s9], [sflag:$0x2] =	stream.indirect_vreg.gather [hbm4b:s3+s2], $0x80, v3, vm0, $0xb8;
	[tilespmem:$0x1C200] =	vst v63  }
0x368: {  	v3 =	vld [tilespmem:$0x70E0];
	_ =	sdelay $0x4  }
0x369: {  	v35 =	vshll.u32 v3, $0x1  }
0x36a: {  	v3 =	vand.u32 $0x7, v3;
	v4 =	vand.u32 $0xFFFFFFF0, v35  }
0x36b: {  	v3 =	vor.u32 v3, v4  }
0x36c: {  	v4 =	vperm.xlane v3, v0;
	_ =	sdelay $0x1  }
0x36d: {  	v3 =	vperm.xlane v3, v2;
	v4 =	vadd.s32 v1, v4;
	_ =	sdelay $0x1  }
0x36e: {  	v3 =	vadd.s32 v1, v3;
	_ =	sdelay $0x2  }
0x36f: {  	[tilespmem:s10], [sflag:$0x2] =	stream.indirect_vreg.gather [hbm4b:s3+s2], $0x80, v4, vm0, $0xb8;
	[tilespmem:$0x1C200] =	vst v63  }
0x370: {  	s25 =	simm.s32 $0xD900  }
0x371: {  	[tilespmem:s25], [sflag:$0x2] =	stream.indirect_vreg.gather [hbm4b:s3+s2], $0x80, v3, vm0, $0xb8;
	[tilespmem:$0x1C200] =	vst v63  }
0x372: {  	_ =	swait.ge [sflag:s14], $0x7000  }
0x373: {  	[sflag:s14] =	ssyncset.done $0x0  }
0x374: {  	s25 =	simm.s32 $0xE180;
	s8 =	rddreg [dreg:$0x12];
	[sflag:s14] =	ssyncadd.s32 $0xFFFF9000  }
0x375: {  	[hbm4b:s8+s2] =	stream.linear.scatter [tilespmem:s25], [sflag:$0x5], $0x7000, $0x38;
	[tilespmem:$0x1C200] =	vst v63  }
0x376: {  	_ =	swait.ge [sflag:s5], $0x7000  }
0x377: {  	[sflag:s5] =	ssyncset.done $0x0  }
0x378: {  	s8 =	simm.s32 $0xE100;
	s6 =	rddreg [dreg:$0x13];
	[sflag:s5] =	ssyncadd.s32 $0xFFFF9000  }
0x379: {  	[tilespmem:s8], [sflag:$0x5] =	stream.linear.gather [hbm4b:s6+s2], $0x70, $0x38;
	[tilespmem:$0x1C200] =	vst v63  }
0x37a: {  	_ =	swait.ge [sflag:s5], $0x70  }
0x37b: {  	[sflag:s5] =	ssyncset.done $0x0  }
0x37c: {  	[sflag:s5] =	ssyncadd.s32 $0xFFFFFF90  }
0x37d: {  	v3 =	vld [tilespmem:$0xE100];
	_ =	sdelay $0x4  }
0x37e: {  	v36 =	vshll.u32 v3, $0x1  }
0x37f: {  	v3 =	vand.u32 $0x7, v3;
	v4 =	vand.u32 $0xFFFFFFF0, v36  }
0x380: {  	v3 =	vor.u32 v3, v4  }
0x381: {  	v4 =	vperm.xlane v3, v0;
	_ =	sdelay $0x1  }
0x382: {  	v3 =	vperm.xlane v3, v2;
	v4 =	vadd.s32 v1, v4;
	_ =	sdelay $0x1  }
0x383: {  	v3 =	vadd.s32 v1, v3;
	_ =	sdelay $0x2  }
0x384: {  	[tilespmem:s25], [sflag:$0x3] =	stream.indirect_vreg.gather [hbm4b:s3+s2], $0x80, v4, vm0, $0xb8;
	[tilespmem:$0x1C200] =	vst v63  }
0x385: {  	s15 =	simm.s32 $0xE980  }
0x386: {  	[tilespmem:s15], [sflag:$0x3] =	stream.indirect_vreg.gather [hbm4b:s3+s2], $0x80, v3, vm0, $0xb8;
	[tilespmem:$0x1C200] =	vst v63  }
0x387: {  	v3 =	vld [tilespmem:$0xE110];
	_ =	sdelay $0x4  }
0x388: {  	v37 =	vshll.u32 v3, $0x1  }
0x389: {  	v3 =	vand.u32 $0x7, v3;
	v4 =	vand.u32 $0xFFFFFFF0, v37  }
0x38a: {  	v3 =	vor.u32 v3, v4  }
0x38b: {  	v4 =	vperm.xlane v3, v0;
	_ =	sdelay $0x1  }
0x38c: {  	v3 =	vperm.xlane v3, v2;
	v4 =	vadd.s32 v1, v4;
	_ =	sdelay $0x1  }
0x38d: {  	v3 =	vadd.s32 v1, v3;
	_ =	sdelay $0x1  }
0x38e: {  	s8 =	simm.s32 $0xF180  }
0x38f: {  	[tilespmem:s8], [sflag:$0x3] =	stream.indirect_vreg.gather [hbm4b:s3+s2], $0x80, v4, vm0, $0xb8;
	[tilespmem:$0x1C200] =	vst v63  }
0x390: {  	s15 =	simm.s32 $0xF980  }
0x391: {  	[tilespmem:s15], [sflag:$0x3] =	stream.indirect_vreg.gather [hbm4b:s3+s2], $0x80, v3, vm0, $0xb8;
	[tilespmem:$0x1C200] =	vst v63  }
0x392: {  	v3 =	vld [tilespmem:$0xE120];
	_ =	sdelay $0x4  }
0x393: {  	v38 =	vshll.u32 v3, $0x1  }
0x394: {  	v3 =	vand.u32 $0x7, v3;
	v4 =	vand.u32 $0xFFFFFFF0, v38  }
0x395: {  	v3 =	vor.u32 v3, v4  }
0x396: {  	v4 =	vperm.xlane v3, v0;
	_ =	sdelay $0x1  }
0x397: {  	v3 =	vperm.xlane v3, v2;
	v4 =	vadd.s32 v1, v4;
	_ =	sdelay $0x1  }
0x398: {  	v3 =	vadd.s32 v1, v3;
	_ =	sdelay $0x1  }
0x399: {  	s8 =	simm.s32 $0x10180  }
0x39a: {  	[tilespmem:s8], [sflag:$0x3] =	stream.indirect_vreg.gather [hbm4b:s3+s2], $0x80, v4, vm0, $0xb8;
	[tilespmem:$0x1C200] =	vst v63  }
0x39b: {  	s15 =	simm.s32 $0x10980  }
0x39c: {  	[tilespmem:s15], [sflag:$0x3] =	stream.indirect_vreg.gather [hbm4b:s3+s2], $0x80, v3, vm0, $0xb8;
	[tilespmem:$0x1C200] =	vst v63  }
0x39d: {  	v3 =	vld [tilespmem:$0xE130];
	_ =	sdelay $0x4  }
0x39e: {  	v39 =	vshll.u32 v3, $0x1  }
0x39f: {  	v3 =	vand.u32 $0x7, v3;
	v4 =	vand.u32 $0xFFFFFFF0, v39  }
0x3a0: {  	v3 =	vor.u32 v3, v4  }
0x3a1: {  	v4 =	vperm.xlane v3, v0;
	_ =	sdelay $0x1  }
0x3a2: {  	v3 =	vperm.xlane v3, v2;
	v4 =	vadd.s32 v1, v4;
	_ =	sdelay $0x1  }
0x3a3: {  	v3 =	vadd.s32 v1, v3;
	_ =	sdelay $0x1  }
0x3a4: {  	s8 =	simm.s32 $0x11180  }
0x3a5: {  	[tilespmem:s8], [sflag:$0x3] =	stream.indirect_vreg.gather [hbm4b:s3+s2], $0x80, v4, vm0, $0xb8;
	[tilespmem:$0x1C200] =	vst v63  }
0x3a6: {  	s15 =	simm.s32 $0x11980  }
0x3a7: {  	[tilespmem:s15], [sflag:$0x3] =	stream.indirect_vreg.gather [hbm4b:s3+s2], $0x80, v3, vm0, $0xb8;
	[tilespmem:$0x1C200] =	vst v63  }
0x3a8: {  	v3 =	vld [tilespmem:$0xE140];
	_ =	sdelay $0x4  }
0x3a9: {  	v40 =	vshll.u32 v3, $0x1  }
0x3aa: {  	v3 =	vand.u32 $0x7, v3;
	v4 =	vand.u32 $0xFFFFFFF0, v40  }
0x3ab: {  	v3 =	vor.u32 v3, v4  }
0x3ac: {  	v4 =	vperm.xlane v3, v0;
	_ =	sdelay $0x1  }
0x3ad: {  	v3 =	vperm.xlane v3, v2;
	v4 =	vadd.s32 v1, v4;
	_ =	sdelay $0x1  }
0x3ae: {  	v3 =	vadd.s32 v1, v3;
	_ =	sdelay $0x1  }
0x3af: {  	s8 =	simm.s32 $0x12180  }
0x3b0: {  	[tilespmem:s8], [sflag:$0x3] =	stream.indirect_vreg.gather [hbm4b:s3+s2], $0x80, v4, vm0, $0xb8;
	[tilespmem:$0x1C200] =	vst v63  }
0x3b1: {  	s15 =	simm.s32 $0x12980  }
0x3b2: {  	[tilespmem:s15], [sflag:$0x3] =	stream.indirect_vreg.gather [hbm4b:s3+s2], $0x80, v3, vm0, $0xb8;
	[tilespmem:$0x1C200] =	vst v63  }
0x3b3: {  	v3 =	vld [tilespmem:$0xE150];
	_ =	sdelay $0x4  }
0x3b4: {  	v41 =	vshll.u32 v3, $0x1  }
0x3b5: {  	v3 =	vand.u32 $0x7, v3;
	v4 =	vand.u32 $0xFFFFFFF0, v41  }
0x3b6: {  	v3 =	vor.u32 v3, v4  }
0x3b7: {  	v4 =	vperm.xlane v3, v0;
	_ =	sdelay $0x1  }
0x3b8: {  	v3 =	vperm.xlane v3, v2;
	v4 =	vadd.s32 v1, v4;
	_ =	sdelay $0x1  }
0x3b9: {  	v3 =	vadd.s32 v1, v3;
	_ =	sdelay $0x1  }
0x3ba: {  	s8 =	simm.s32 $0x13180  }
0x3bb: {  	[tilespmem:s8], [sflag:$0x3] =	stream.indirect_vreg.gather [hbm4b:s3+s2], $0x80, v4, vm0, $0xb8;
	[tilespmem:$0x1C200] =	vst v63  }
0x3bc: {  	s15 =	simm.s32 $0x13980  }
0x3bd: {  	[tilespmem:s15], [sflag:$0x3] =	stream.indirect_vreg.gather [hbm4b:s3+s2], $0x80, v3, vm0, $0xb8;
	[tilespmem:$0x1C200] =	vst v63  }
0x3be: {  	v3 =	vld [tilespmem:$0xE160];
	_ =	sdelay $0x4  }
0x3bf: {  	v42 =	vshll.u32 v3, $0x1  }
0x3c0: {  	v3 =	vand.u32 $0x7, v3;
	v4 =	vand.u32 $0xFFFFFFF0, v42  }
0x3c1: {  	v3 =	vor.u32 v3, v4  }
0x3c2: {  	v4 =	vperm.xlane v3, v0;
	_ =	sdelay $0x1  }
0x3c3: {  	v3 =	vperm.xlane v3, v2;
	v4 =	vadd.s32 v1, v4;
	_ =	sdelay $0x1  }
0x3c4: {  	v3 =	vadd.s32 v1, v3;
	_ =	sdelay $0x1  }
0x3c5: {  	s8 =	simm.s32 $0x14180  }
0x3c6: {  	[tilespmem:s8], [sflag:$0x3] =	stream.indirect_vreg.gather [hbm4b:s3+s2], $0x80, v4, vm0, $0xb8;
	[tilespmem:$0x1C200] =	vst v63  }
0x3c7: {  	s15 =	simm.s32 $0x14980  }
0x3c8: {  	[tilespmem:s15], [sflag:$0x3] =	stream.indirect_vreg.gather [hbm4b:s3+s2], $0x80, v3, vm0, $0xb8;
	[tilespmem:$0x1C200] =	vst v63  }
0x3c9: {  	_ =	swait.ge [sflag:s0], $0x7000  }
0x3ca: {  	[sflag:s0] =	ssyncset.done $0x0  }
0x3cb: {  	s6 =	simm.s32 $0x15200;
	s8 =	rddreg [dreg:$0x14];
	[sflag:s0] =	ssyncadd.s32 $0xFFFF9000  }
0x3cc: {  	[hbm4b:s8+s2] =	stream.linear.scatter [tilespmem:s6], [sflag:$0x5], $0x7000, $0x38;
	[tilespmem:$0x1C200] =	vst v63  }
0x3cd: {  	_ =	swait.ge [sflag:s5], $0x7000  }
0x3ce: {  	[sflag:s5] =	ssyncset.done $0x0  }
0x3cf: {  	s8 =	simm.s32 $0x15180;
	s15 =	rddreg [dreg:$0x15];
	[sflag:s5] =	ssyncadd.s32 $0xFFFF9000  }
0x3d0: {  	[tilespmem:s8], [sflag:$0x5] =	stream.linear.gather [hbm4b:s15+s2], $0x70, $0x38;
	[tilespmem:$0x1C200] =	vst v63  }
0x3d1: {  	_ =	swait.ge [sflag:s5], $0x70  }
0x3d2: {  	[sflag:s5] =	ssyncset.done $0x0  }
0x3d3: {  	[sflag:s5] =	ssyncadd.s32 $0xFFFFFF90  }
0x3d4: {  	v3 =	vld [tilespmem:$0x15180];
	_ =	sdelay $0x4  }
0x3d5: {  	v43 =	vshll.u32 v3, $0x1  }
0x3d6: {  	v3 =	vand.u32 $0x7, v3;
	v4 =	vand.u32 $0xFFFFFFF0, v43  }
0x3d7: {  	v3 =	vor.u32 v3, v4  }
0x3d8: {  	v4 =	vperm.xlane v3, v0;
	_ =	sdelay $0x1  }
0x3d9: {  	v3 =	vperm.xlane v3, v2;
	v4 =	vadd.s32 v1, v4;
	_ =	sdelay $0x1  }
0x3da: {  	v3 =	vadd.s32 v1, v3;
	_ =	sdelay $0x2  }
0x3db: {  	[tilespmem:s6], [sflag:$0x4] =	stream.indirect_vreg.gather [hbm4b:s3+s2], $0x80, v4, vm0, $0xb8;
	[tilespmem:$0x1C200] =	vst v63  }
0x3dc: {  	s15 =	simm.s32 $0x15A00  }
0x3dd: {  	[tilespmem:s15], [sflag:$0x4] =	stream.indirect_vreg.gather [hbm4b:s3+s2], $0x80, v3, vm0, $0xb8;
	[tilespmem:$0x1C200] =	vst v63  }
0x3de: {  	v3 =	vld [tilespmem:$0x15190];
	_ =	sdelay $0x4  }
0x3df: {  	v44 =	vshll.u32 v3, $0x1  }
0x3e0: {  	v3 =	vand.u32 $0x7, v3;
	v4 =	vand.u32 $0xFFFFFFF0, v44  }
0x3e1: {  	v3 =	vor.u32 v3, v4  }
0x3e2: {  	v4 =	vperm.xlane v3, v0;
	_ =	sdelay $0x1  }
0x3e3: {  	v3 =	vperm.xlane v3, v2;
	v4 =	vadd.s32 v1, v4;
	_ =	sdelay $0x1  }
0x3e4: {  	v3 =	vadd.s32 v1, v3;
	_ =	sdelay $0x1  }
0x3e5: {  	s8 =	simm.s32 $0x16200  }
0x3e6: {  	[tilespmem:s8], [sflag:$0x4] =	stream.indirect_vreg.gather [hbm4b:s3+s2], $0x80, v4, vm0, $0xb8;
	[tilespmem:$0x1C200] =	vst v63  }
0x3e7: {  	s15 =	simm.s32 $0x16A00  }
0x3e8: {  	[tilespmem:s15], [sflag:$0x4] =	stream.indirect_vreg.gather [hbm4b:s3+s2], $0x80, v3, vm0, $0xb8;
	[tilespmem:$0x1C200] =	vst v63  }
0x3e9: {  	v3 =	vld [tilespmem:$0x151A0];
	_ =	sdelay $0x4  }
0x3ea: {  	v45 =	vshll.u32 v3, $0x1  }
0x3eb: {  	v3 =	vand.u32 $0x7, v3;
	v4 =	vand.u32 $0xFFFFFFF0, v45  }
0x3ec: {  	v3 =	vor.u32 v3, v4  }
0x3ed: {  	v4 =	vperm.xlane v3, v0;
	_ =	sdelay $0x1  }
0x3ee: {  	v3 =	vperm.xlane v3, v2;
	v4 =	vadd.s32 v1, v4;
	_ =	sdelay $0x1  }
0x3ef: {  	v3 =	vadd.s32 v1, v3;
	_ =	sdelay $0x2  }
0x3f0: {  	[tilespmem:s31], [sflag:$0x4] =	stream.indirect_vreg.gather [hbm4b:s3+s2], $0x80, v4, vm0, $0xb8;
	[tilespmem:$0x1C200] =	vst v63  }
0x3f1: {  	s15 =	simm.s32 $0x17A00  }
0x3f2: {  	[tilespmem:s15], [sflag:$0x4] =	stream.indirect_vreg.gather [hbm4b:s3+s2], $0x80, v3, vm0, $0xb8;
	[tilespmem:$0x1C200] =	vst v63  }
0x3f3: {  	v3 =	vld [tilespmem:$0x151B0];
	_ =	sdelay $0x4  }
0x3f4: {  	v46 =	vshll.u32 v3, $0x1  }
0x3f5: {  	v3 =	vand.u32 $0x7, v3;
	v4 =	vand.u32 $0xFFFFFFF0, v46  }
0x3f6: {  	v3 =	vor.u32 v3, v4  }
0x3f7: {  	v4 =	vperm.xlane v3, v0;
	_ =	sdelay $0x1  }
0x3f8: {  	v3 =	vperm.xlane v3, v2;
	v4 =	vadd.s32 v1, v4;
	_ =	sdelay $0x1  }
0x3f9: {  	v3 =	vadd.s32 v1, v3;
	_ =	sdelay $0x2  }
0x3fa: {  	[tilespmem:s17], [sflag:$0x4] =	stream.indirect_vreg.gather [hbm4b:s3+s2], $0x80, v4, vm0, $0xb8;
	[tilespmem:$0x1C200] =	vst v63  }
0x3fb: {  	s31 =	simm.s32 $0x18A00  }
0x3fc: {  	[tilespmem:s31], [sflag:$0x4] =	stream.indirect_vreg.gather [hbm4b:s3+s2], $0x80, v3, vm0, $0xb8;
	[tilespmem:$0x1C200] =	vst v63  }
0x3fd: {  	v3 =	vld [tilespmem:$0x151C0];
	_ =	sdelay $0x4  }
0x3fe: {  	v47 =	vshll.u32 v3, $0x1  }
0x3ff: {  	v3 =	vand.u32 $0x7, v3;
	v4 =	vand.u32 $0xFFFFFFF0, v47  }
0x400: {  	v3 =	vor.u32 v3, v4  }
0x401: {  	v4 =	vperm.xlane v3, v0;
	_ =	sdelay $0x1  }
0x402: {  	v3 =	vperm.xlane v3, v2;
	v4 =	vadd.s32 v1, v4;
	_ =	sdelay $0x1  }
0x403: {  	v3 =	vadd.s32 v1, v3;
	_ =	sdelay $0x2  }
0x404: {  	[tilespmem:s1], [sflag:$0x4] =	stream.indirect_vreg.gather [hbm4b:s3+s2], $0x80, v4, vm0, $0xb8;
	[tilespmem:$0x1C200] =	vst v63  }
0x405: {  	s15 =	simm.s32 $0x19A00  }
0x406: {  	[tilespmem:s15], [sflag:$0x4] =	stream.indirect_vreg.gather [hbm4b:s3+s2], $0x80, v3, vm0, $0xb8;
	[tilespmem:$0x1C200] =	vst v63  }
0x407: {  	v3 =	vld [tilespmem:$0x151D0];
	_ =	sdelay $0x4  }
0x408: {  	v48 =	vshll.u32 v3, $0x1  }
0x409: {  	v3 =	vand.u32 $0x7, v3;
	v4 =	vand.u32 $0xFFFFFFF0, v48  }
0x40a: {  	v3 =	vor.u32 v3, v4  }
0x40b: {  	v4 =	vperm.xlane v3, v0;
	_ =	sdelay $0x1  }
0x40c: {  	v3 =	vperm.xlane v3, v2;
	v4 =	vadd.s32 v1, v4;
	_ =	sdelay $0x1  }
0x40d: {  	v3 =	vadd.s32 v1, v3;
	_ =	sdelay $0x2  }
0x40e: {  	[tilespmem:s13], [sflag:$0x4] =	stream.indirect_vreg.gather [hbm4b:s3+s2], $0x80, v4, vm0, $0xb8;
	[tilespmem:$0x1C200] =	vst v63  }
0x40f: {  	s17 =	simm.s32 $0x1AA00  }
0x410: {  	[tilespmem:s17], [sflag:$0x4] =	stream.indirect_vreg.gather [hbm4b:s3+s2], $0x80, v3, vm0, $0xb8;
	[tilespmem:$0x1C200] =	vst v63  }
0x411: {  	v3 =	vld [tilespmem:$0x151E0];
	_ =	sdelay $0x4  }
0x412: {  	v49 =	vshll.u32 v3, $0x1  }
0x413: {  	v3 =	vand.u32 $0x7, v3;
	v4 =	vand.u32 $0xFFFFFFF0, v49  }
0x414: {  	v3 =	vor.u32 v3, v4  }
0x415: {  	v4 =	vperm.xlane v3, v0;
	_ =	sdelay $0x1  }
0x416: {  	v3 =	vperm.xlane v3, v2;
	v4 =	vadd.s32 v1, v4;
	_ =	sdelay $0x1  }
0x417: {  	v3 =	vadd.s32 v1, v3;
	_ =	sdelay $0x1  }
0x418: {  	s31 =	simm.s32 $0x1B200  }
0x419: {  	[tilespmem:s31], [sflag:$0x4] =	stream.indirect_vreg.gather [hbm4b:s3+s2], $0x80, v4, vm0, $0xb8;
	[tilespmem:$0x1C200] =	vst v63  }
0x41a: {  	s8 =	simm.s32 $0x1BA00  }
0x41b: {  	[tilespmem:s8], [sflag:$0x4] =	stream.indirect_vreg.gather [hbm4b:s3+s2], $0x80, v3, vm0, $0xb8;
	[tilespmem:$0x1C200] =	vst v63  }
0x41c: {  	_ =	swait.ge [sflag:s11], $0x7000  }
0x41d: {  	[sflag:s11] =	ssyncset.done $0x0  }
0x41e: {  	s17 =	simm.s32 $0x80;
	s13 =	rddreg [dreg:$0x16];
	[sflag:s11] =	ssyncadd.s32 $0xFFFF9000  }
0x41f: {  	[hbm4b:s13+s2] =	stream.linear.scatter [tilespmem:s17], [sflag:$0x5], $0x7000, $0x38;
	[tilespmem:$0x1C200] =	vst v63  }
0x420: {  	_ =	swait.ge [sflag:s5], $0x7000  }
0x421: {  	[sflag:s5] =	ssyncset.done $0x0  }
0x422: {  	s31 =	rddreg [dreg:$0x17];
	[sflag:s5] =	ssyncadd.s32 $0xFFFF9000  }
0x423: {  	[tilespmem:s2], [sflag:$0x5] =	stream.linear.gather [hbm4b:s31+s2], $0x70, $0x38;
	[tilespmem:$0x1C200] =	vst v63  }
0x424: {  	_ =	swait.ge [sflag:s5], $0x70  }
0x425: {  	[sflag:s5] =	ssyncset.done $0x0  }
0x426: {  	[sflag:s5] =	ssyncadd.s32 $0xFFFFFF90  }
0x427: {  	v3 =	vld [tilespmem:$0x0];
	_ =	sdelay $0x4  }
0x428: {  	v50 =	vshll.u32 v3, $0x1  }
0x429: {  	v3 =	vand.u32 $0x7, v3;
	v4 =	vand.u32 $0xFFFFFFF0, v50  }
0x42a: {  	v3 =	vor.u32 v3, v4  }
0x42b: {  	v4 =	vperm.xlane v3, v0;
	_ =	sdelay $0x1  }
0x42c: {  	v3 =	vperm.xlane v3, v2;
	v4 =	vadd.s32 v1, v4;
	_ =	sdelay $0x1  }
0x42d: {  	v3 =	vadd.s32 v1, v3;
	_ =	sdelay $0x2  }
0x42e: {  	[tilespmem:s17], [sflag:$0x1] =	stream.indirect_vreg.gather [hbm4b:s3+s2], $0x80, v4, vm0, $0xb8;
	[tilespmem:$0x1C200] =	vst v63  }
0x42f: {  	s8 =	simm.s32 $0x880  }
0x430: {  	[tilespmem:s8], [sflag:$0x1] =	stream.indirect_vreg.gather [hbm4b:s3+s2], $0x80, v3, vm0, $0xb8;
	[tilespmem:$0x1C200] =	vst v63  }
0x431: {  	v3 =	vld [tilespmem:$0x10];
	_ =	sdelay $0x4  }
0x432: {  	v51 =	vshll.u32 v3, $0x1  }
0x433: {  	v3 =	vand.u32 $0x7, v3;
	v4 =	vand.u32 $0xFFFFFFF0, v51  }
0x434: {  	v3 =	vor.u32 v3, v4  }
0x435: {  	v4 =	vperm.xlane v3, v0;
	_ =	sdelay $0x1  }
0x436: {  	v3 =	vperm.xlane v3, v2;
	v4 =	vadd.s32 v1, v4;
	_ =	sdelay $0x1  }
0x437: {  	v3 =	vadd.s32 v1, v3;
	_ =	sdelay $0x1  }
0x438: {  	s15 =	simm.s32 $0x1080  }
0x439: {  	[tilespmem:s15], [sflag:$0x1] =	stream.indirect_vreg.gather [hbm4b:s3+s2], $0x80, v4, vm0, $0xb8;
	[tilespmem:$0x1C200] =	vst v63  }
0x43a: {  	s17 =	simm.s32 $0x1880  }
0x43b: {  	[tilespmem:s17], [sflag:$0x1] =	stream.indirect_vreg.gather [hbm4b:s3+s2], $0x80, v3, vm0, $0xb8;
	[tilespmem:$0x1C200] =	vst v63  }
0x43c: {  	v3 =	vld [tilespmem:$0x20];
	_ =	sdelay $0x4  }
0x43d: {  	v52 =	vshll.u32 v3, $0x1  }
0x43e: {  	v3 =	vand.u32 $0x7, v3;
	v4 =	vand.u32 $0xFFFFFFF0, v52  }
0x43f: {  	v3 =	vor.u32 v3, v4  }
0x440: {  	v4 =	vperm.xlane v3, v0;
	_ =	sdelay $0x1  }
0x441: {  	v3 =	vperm.xlane v3, v2;
	v4 =	vadd.s32 v1, v4;
	_ =	sdelay $0x1  }
0x442: {  	v3 =	vadd.s32 v1, v3;
	_ =	sdelay $0x1  }
0x443: {  	s31 =	simm.s32 $0x2080  }
0x444: {  	[tilespmem:s31], [sflag:$0x1] =	stream.indirect_vreg.gather [hbm4b:s3+s2], $0x80, v4, vm0, $0xb8;
	[tilespmem:$0x1C200] =	vst v63  }
0x445: {  	s19 =	simm.s32 $0x2880  }
0x446: {  	[tilespmem:s19], [sflag:$0x1] =	stream.indirect_vreg.gather [hbm4b:s3+s2], $0x80, v3, vm0, $0xb8;
	[tilespmem:$0x1C200] =	vst v63  }
0x447: {  	v3 =	vld [tilespmem:$0x30];
	_ =	sdelay $0x4  }
0x448: {  	v53 =	vshll.u32 v3, $0x1  }
0x449: {  	v3 =	vand.u32 $0x7, v3;
	v4 =	vand.u32 $0xFFFFFFF0, v53  }
0x44a: {  	v3 =	vor.u32 v3, v4  }
0x44b: {  	v4 =	vperm.xlane v3, v0;
	_ =	sdelay $0x1  }
0x44c: {  	v3 =	vperm.xlane v3, v2;
	v4 =	vadd.s32 v1, v4;
	_ =	sdelay $0x1  }
0x44d: {  	v3 =	vadd.s32 v1, v3;
	_ =	sdelay $0x1  }
0x44e: {  	s8 =	simm.s32 $0x3080  }
0x44f: {  	[tilespmem:s8], [sflag:$0x1] =	stream.indirect_vreg.gather [hbm4b:s3+s2], $0x80, v4, vm0, $0xb8;
	[tilespmem:$0x1C200] =	vst v63  }
0x450: {  	s20 =	simm.s32 $0x3880  }
0x451: {  	[tilespmem:s20], [sflag:$0x1] =	stream.indirect_vreg.gather [hbm4b:s3+s2], $0x80, v3, vm0, $0xb8;
	[tilespmem:$0x1C200] =	vst v63  }
0x452: {  	v3 =	vld [tilespmem:$0x40];
	_ =	sdelay $0x4  }
0x453: {  	v54 =	vshll.u32 v3, $0x1  }
0x454: {  	v3 =	vand.u32 $0x7, v3;
	v4 =	vand.u32 $0xFFFFFFF0, v54  }
0x455: {  	v3 =	vor.u32 v3, v4  }
0x456: {  	v4 =	vperm.xlane v3, v0;
	_ =	sdelay $0x1  }
0x457: {  	v3 =	vperm.xlane v3, v2;
	v4 =	vadd.s32 v1, v4;
	_ =	sdelay $0x1  }
0x458: {  	v3 =	vadd.s32 v1, v3;
	_ =	sdelay $0x1  }
0x459: {  	s15 =	simm.s32 $0x4080  }
0x45a: {  	[tilespmem:s15], [sflag:$0x1] =	stream.indirect_vreg.gather [hbm4b:s3+s2], $0x80, v4, vm0, $0xb8;
	[tilespmem:$0x1C200] =	vst v63  }
0x45b: {  	s22 =	simm.s32 $0x4880  }
0x45c: {  	[tilespmem:s22], [sflag:$0x1] =	stream.indirect_vreg.gather [hbm4b:s3+s2], $0x80, v3, vm0, $0xb8;
	[tilespmem:$0x1C200] =	vst v63  }
0x45d: {  	v3 =	vld [tilespmem:$0x50];
	_ =	sdelay $0x4  }
0x45e: {  	v55 =	vshll.u32 v3, $0x1  }
0x45f: {  	v3 =	vand.u32 $0x7, v3;
	v4 =	vand.u32 $0xFFFFFFF0, v55  }
0x460: {  	v3 =	vor.u32 v3, v4  }
0x461: {  	v4 =	vperm.xlane v3, v0;
	_ =	sdelay $0x1  }
0x462: {  	v3 =	vperm.xlane v3, v2;
	v4 =	vadd.s32 v1, v4;
	_ =	sdelay $0x1  }
0x463: {  	v3 =	vadd.s32 v1, v3;
	_ =	sdelay $0x1  }
0x464: {  	s16 =	simm.s32 $0x5080  }
0x465: {  	[tilespmem:s16], [sflag:$0x1] =	stream.indirect_vreg.gather [hbm4b:s3+s2], $0x80, v4, vm0, $0xb8;
	[tilespmem:$0x1C200] =	vst v63  }
0x466: {  	s18 =	simm.s32 $0x5880  }
0x467: {  	[tilespmem:s18], [sflag:$0x1] =	stream.indirect_vreg.gather [hbm4b:s3+s2], $0x80, v3, vm0, $0xb8;
	[tilespmem:$0x1C200] =	vst v63  }
0x468: {  	v3 =	vld [tilespmem:$0x60];
	_ =	sdelay $0x4  }
0x469: {  	v56 =	vshll.u32 v3, $0x1  }
0x46a: {  	v3 =	vand.u32 $0x7, v3;
	v4 =	vand.u32 $0xFFFFFFF0, v56  }
0x46b: {  	v3 =	vor.u32 v3, v4  }
0x46c: {  	v4 =	vperm.xlane v3, v0;
	_ =	sdelay $0x1  }
0x46d: {  	v3 =	vperm.xlane v3, v2;
	v4 =	vadd.s32 v1, v4;
	_ =	sdelay $0x1  }
0x46e: {  	v3 =	vadd.s32 v1, v3;
	_ =	sdelay $0x1  }
0x46f: {  	s23 =	simm.s32 $0x6080  }
0x470: {  	[tilespmem:s23], [sflag:$0x1] =	stream.indirect_vreg.gather [hbm4b:s3+s2], $0x80, v4, vm0, $0xb8;
	[tilespmem:$0x1C200] =	vst v63  }
0x471: {  	s24 =	simm.s32 $0x6880  }
0x472: {  	[tilespmem:s24], [sflag:$0x1] =	stream.indirect_vreg.gather [hbm4b:s3+s2], $0x80, v3, vm0, $0xb8;
	[tilespmem:$0x1C200] =	vst v63  }
0x473: {  	_ =	swait.ge [sflag:s12], $0x7000  }
0x474: {  	[sflag:s12] =	ssyncset.done $0x0  }
0x475: {  	s16 =	rddreg [dreg:$0x18];
	[sflag:s12] =	ssyncadd.s32 $0xFFFF9000  }
0x476: {  	[hbm4b:s16+s2] =	stream.linear.scatter [tilespmem:s21], [sflag:$0x5], $0x7000, $0x38;
	[tilespmem:$0x1C200] =	vst v63  }
0x477: {  	_ =	swait.ge [sflag:s5], $0x7000  }
0x478: {  	[sflag:s5] =	ssyncset.done $0x0  }
0x479: {  	s17 =	rddreg [dreg:$0x19];
	[sflag:s5] =	ssyncadd.s32 $0xFFFF9000  }
0x47a: {  	[tilespmem:s7], [sflag:$0x5] =	stream.linear.gather [hbm4b:s17+s2], $0x70, $0x38;
	[tilespmem:$0x1C200] =	vst v63  }
0x47b: {  	_ =	swait.ge [sflag:s5], $0x70  }
0x47c: {  	[sflag:s5] =	ssyncset.done $0x0  }
0x47d: {  	[sflag:s5] =	ssyncadd.s32 $0xFFFFFF90  }
0x47e: {  	v3 =	vld [tilespmem:$0x7080];
	_ =	sdelay $0x4  }
0x47f: {  	v57 =	vshll.u32 v3, $0x1  }
0x480: {  	v3 =	vand.u32 $0x7, v3;
	v4 =	vand.u32 $0xFFFFFFF0, v57  }
0x481: {  	v3 =	vor.u32 v3, v4  }
0x482: {  	v4 =	vperm.xlane v3, v0;
	_ =	sdelay $0x1  }
0x483: {  	v3 =	vperm.xlane v3, v2;
	v4 =	vadd.s32 v1, v4;
	_ =	sdelay $0x1  }
0x484: {  	v3 =	vadd.s32 v1, v3;
	_ =	sdelay $0x2  }
0x485: {  	[tilespmem:s21], [sflag:$0x2] =	stream.indirect_vreg.gather [hbm4b:s3+s2], $0x80, v4, vm0, $0xb8;
	[tilespmem:$0x1C200] =	vst v63  }
0x486: {  	s18 =	simm.s32 $0x7900  }
0x487: {  	[tilespmem:s18], [sflag:$0x2] =	stream.indirect_vreg.gather [hbm4b:s3+s2], $0x80, v3, vm0, $0xb8;
	[tilespmem:$0x1C200] =	vst v63  }
0x488: {  	v3 =	vld [tilespmem:$0x7090];
	_ =	sdelay $0x4  }
0x489: {  	v58 =	vshll.u32 v3, $0x1  }
0x48a: {  	v3 =	vand.u32 $0x7, v3;
	v4 =	vand.u32 $0xFFFFFFF0, v58  }
0x48b: {  	v3 =	vor.u32 v3, v4  }
0x48c: {  	v4 =	vperm.xlane v3, v0;
	_ =	sdelay $0x1  }
0x48d: {  	v3 =	vperm.xlane v3, v2;
	v4 =	vadd.s32 v1, v4;
	_ =	sdelay $0x1  }
0x48e: {  	v3 =	vadd.s32 v1, v3;
	_ =	sdelay $0x1  }
0x48f: {  	s19 =	simm.s32 $0x8100  }
0x490: {  	[tilespmem:s19], [sflag:$0x2] =	stream.indirect_vreg.gather [hbm4b:s3+s2], $0x80, v4, vm0, $0xb8;
	[tilespmem:$0x1C200] =	vst v63  }
0x491: {  	s20 =	simm.s32 $0x8900  }
0x492: {  	[tilespmem:s20], [sflag:$0x2] =	stream.indirect_vreg.gather [hbm4b:s3+s2], $0x80, v3, vm0, $0xb8;
	[tilespmem:$0x1C200] =	vst v63  }
0x493: {  	v3 =	vld [tilespmem:$0x70A0];
	_ =	sdelay $0x4  }
0x494: {  	v59 =	vshll.u32 v3, $0x1  }
0x495: {  	v3 =	vand.u32 $0x7, v3;
	v4 =	vand.u32 $0xFFFFFFF0, v59  }
0x496: {  	v3 =	vor.u32 v3, v4  }
0x497: {  	v4 =	vperm.xlane v3, v0;
	_ =	sdelay $0x1  }
0x498: {  	v3 =	vperm.xlane v3, v2;
	v4 =	vadd.s32 v1, v4;
	_ =	sdelay $0x1  }
0x499: {  	v3 =	vadd.s32 v1, v3;
	_ =	sdelay $0x1  }
0x49a: {  	s26 =	simm.s32 $0x9100  }
0x49b: {  	[tilespmem:s26], [sflag:$0x2] =	stream.indirect_vreg.gather [hbm4b:s3+s2], $0x80, v4, vm0, $0xb8;
	[tilespmem:$0x1C200] =	vst v63  }
0x49c: {  	s22 =	simm.s32 $0x9900  }
0x49d: {  	[tilespmem:s22], [sflag:$0x2] =	stream.indirect_vreg.gather [hbm4b:s3+s2], $0x80, v3, vm0, $0xb8;
	[tilespmem:$0x1C200] =	vst v63  }
0x49e: {  	v3 =	vld [tilespmem:$0x70B0];
	_ =	sdelay $0x4  }
0x49f: {  	v60 =	vshll.u32 v3, $0x1  }
0x4a0: {  	v3 =	vand.u32 $0x7, v3;
	v4 =	vand.u32 $0xFFFFFFF0, v60  }
0x4a1: {  	v3 =	vor.u32 v3, v4  }
0x4a2: {  	v4 =	vperm.xlane v3, v0;
	_ =	sdelay $0x1  }
0x4a3: {  	v3 =	vperm.xlane v3, v2;
	v4 =	vadd.s32 v1, v4;
	_ =	sdelay $0x1  }
0x4a4: {  	v3 =	vadd.s32 v1, v3;
	_ =	sdelay $0x1  }
0x4a5: {  	s28 =	simm.s32 $0xA100  }
0x4a6: {  	[tilespmem:s28], [sflag:$0x2] =	stream.indirect_vreg.gather [hbm4b:s3+s2], $0x80, v4, vm0, $0xb8;
	[tilespmem:$0x1C200] =	vst v63  }
0x4a7: {  	s23 =	simm.s32 $0xA900  }
0x4a8: {  	[tilespmem:s23], [sflag:$0x2] =	stream.indirect_vreg.gather [hbm4b:s3+s2], $0x80, v3, vm0, $0xb8;
	[tilespmem:$0x1C200] =	vst v63  }
0x4a9: {  	v3 =	vld [tilespmem:$0x70C0];
	_ =	sdelay $0x4  }
0x4aa: {  	v61 =	vshll.u32 v3, $0x1  }
0x4ab: {  	v3 =	vand.u32 $0x7, v3;
	v4 =	vand.u32 $0xFFFFFFF0, v61  }
0x4ac: {  	v3 =	vor.u32 v3, v4  }
0x4ad: {  	v4 =	vperm.xlane v3, v0;
	_ =	sdelay $0x1  }
0x4ae: {  	v3 =	vperm.xlane v3, v2;
	v4 =	vadd.s32 v1, v4;
	_ =	sdelay $0x1  }
0x4af: {  	v3 =	vadd.s32 v1, v3;
	_ =	sdelay $0x1  }
0x4b0: {  	s29 =	simm.s32 $0xB100  }
0x4b1: {  	[tilespmem:s29], [sflag:$0x2] =	stream.indirect_vreg.gather [hbm4b:s3+s2], $0x80, v4, vm0, $0xb8;
	[tilespmem:$0x1C200] =	vst v63  }
0x4b2: {  	s24 =	simm.s32 $0xB900  }
0x4b3: {  	[tilespmem:s24], [sflag:$0x2] =	stream.indirect_vreg.gather [hbm4b:s3+s2], $0x80, v3, vm0, $0xb8;
	[tilespmem:$0x1C200] =	vst v63  }
0x4b4: {  	v3 =	vld [tilespmem:$0x70D0];
	_ =	sdelay $0x4  }
0x4b5: {  	v62 =	vshll.u32 v3, $0x1  }
0x4b6: {  	v3 =	vand.u32 $0x7, v3;
	v4 =	vand.u32 $0xFFFFFFF0, v62  }
0x4b7: {  	v3 =	vor.u32 v3, v4  }
0x4b8: {  	v4 =	vperm.xlane v3, v0;
	_ =	sdelay $0x1  }
0x4b9: {  	v3 =	vperm.xlane v3, v2;
	v4 =	vadd.s32 v1, v4;
	_ =	sdelay $0x1  }
0x4ba: {  	v3 =	vadd.s32 v1, v3;
	_ =	sdelay $0x1  }
0x4bb: {  	s30 =	simm.s32 $0xC100  }
0x4bc: {  	[tilespmem:s30], [sflag:$0x2] =	stream.indirect_vreg.gather [hbm4b:s3+s2], $0x80, v4, vm0, $0xb8;
	[tilespmem:$0x1C200] =	vst v63  }
0x4bd: {  	s9 =	simm.s32 $0xC900  }
0x4be: {  	[tilespmem:s9], [sflag:$0x2] =	stream.indirect_vreg.gather [hbm4b:s3+s2], $0x80, v3, vm0, $0xb8;
	[tilespmem:$0x1C200] =	vst v63  }
0x4bf: {  	v3 =	vld [tilespmem:$0x70E0];
	_ =	sdelay $0x4  }
0x4c0: {  	v63 =	vshll.u32 v3, $0x1  }
0x4c1: {  	v3 =	vand.u32 $0x7, v3;
	v4 =	vand.u32 $0xFFFFFFF0, v63  }
0x4c2: {  	v3 =	vor.u32 v3, v4  }
0x4c3: {  	v4 =	vperm.xlane v3, v0;
	_ =	sdelay $0x1  }
0x4c4: {  	v3 =	vperm.xlane v3, v2;
	v4 =	vadd.s32 v1, v4;
	_ =	sdelay $0x1  }
0x4c5: {  	v3 =	vadd.s32 v1, v3;
	_ =	sdelay $0x1  }
0x4c6: {  	s10 =	simm.s32 $0xD100  }
0x4c7: {  	[tilespmem:s10], [sflag:$0x2] =	stream.indirect_vreg.gather [hbm4b:s3+s2], $0x80, v4, vm0, $0xb8;
	[tilespmem:$0x1C200] =	vst v63  }
0x4c8: {  	s26 =	simm.s32 $0xD900  }
0x4c9: {  	[tilespmem:s26], [sflag:$0x2] =	stream.indirect_vreg.gather [hbm4b:s3+s2], $0x80, v3, vm0, $0xb8;
	[tilespmem:$0x1C200] =	vst v63  }
0x4ca: {  	_ =	swait.ge [sflag:s14], $0x7000  }
0x4cb: {  	[sflag:s14] =	ssyncset.done $0x0  }
0x4cc: {  	s25 =	simm.s32 $0xE180;
	s28 =	rddreg [dreg:$0x1a];
	[sflag:s14] =	ssyncadd.s32 $0xFFFF9000  }
0x4cd: {  	[hbm4b:s28+s2] =	stream.linear.scatter [tilespmem:s25], [sflag:$0x5], $0x7000, $0x38;
	[tilespmem:$0x1C200] =	vst v63  }
0x4ce: {  	_ =	swait.ge [sflag:s5], $0x7000  }
0x4cf: {  	[sflag:s5] =	ssyncset.done $0x0  }
0x4d0: {  	[sflag:s5] =	ssyncadd.s32 $0xFFFF9000  }
0x4d1: {  	_ =	swait.ge [sflag:s0], $0x7000  }
0x4d2: {  	[sflag:s0] =	ssyncset.done $0x0  }
0x4d3: {  	s6 =	simm.s32 $0x15200;
	s29 =	rddreg [dreg:$0x1b];
	[sflag:s0] =	ssyncadd.s32 $0xFFFF9000  }
0x4d4: {  	[hbm4b:s29+s2] =	stream.linear.scatter [tilespmem:s6], [sflag:$0x5], $0x7000, $0x38;
	[tilespmem:$0x1C200] =	vst v63  }
0x4d5: {  	_ =	swait.ge [sflag:s5], $0x7000  }
0x4d6: {  	[sflag:s5] =	ssyncset.done $0x0  }
0x4d7: {  	[sflag:s5] =	ssyncadd.s32 $0xFFFF9000  }
0x4d8: {  	_ =	swait.ge [sflag:s11], $0x7000  }
0x4d9: {  	[sflag:s11] =	ssyncset.done $0x0  }
0x4da: {  	s1 =	simm.s32 $0x80;
	s30 =	rddreg [dreg:$0x1c];
	[sflag:s11] =	ssyncadd.s32 $0xFFFF9000  }
0x4db: {  	[hbm4b:s30+s2] =	stream.linear.scatter [tilespmem:s1], [sflag:$0x5], $0x7000, $0x38;
	[tilespmem:$0x1C200] =	vst v63  }
0x4dc: {  	_ =	swait.ge [sflag:s5], $0x7000  }
0x4dd: {  	[sflag:s5] =	ssyncset.done $0x0  }
0x4de: {  	[sflag:s5] =	ssyncadd.s32 $0xFFFF9000  }
0x4df: {  	_ =	swait.ge [sflag:s12], $0x7000  }
0x4e0: {  	p0 =	sne.s32 s4, $0x1;
	[sflag:s12] =	ssyncset.done $0x0  }
.Ltmp0:
0x4e1: {  	s31 =	rddreg [dreg:$0x1d];
	[sflag:s12] =	ssyncadd.s32 $0xFFFF9000;
	(pc) =	sbr.rel @p0 .LBB2_1-.Ltmp0, $4  }
0x4e2: {  	[hbm4b:s31+s2] =	stream.linear.scatter [tilespmem:s21], [sflag:$0x5], $0x7000, $0x38;
	[tilespmem:$0x1C200] =	vst v63  }
0x4e3: {  	_ =	swait.ge [sflag:s5], $0x7000  }
0x4e4: {  	[sflag:s5] =	ssyncset.done $0x0  }
0x4e5: {  	s4 =	sadd.s32 $0xFFFFFFFF, s4;
	[sflag:s5] =	ssyncadd.s32 $0xFFFF9000  }
0x4e6: {  	_ =	sfence.sel $0x180000  }
0x4e7: {  	[bflag:$0x0] =	sbarrier.arrive $0xFFFF  }
0x4e8: {  	_ =	strace $0x90000047  }
0x4e9: {  	s0 =	stileid.u32;
	[bflag:$0x2] =	sbarrier.arrive $0xFFFF  }
0x4ea: {  	p0 =	sne.s32 s0, $0x0;
	s0 =	rddreg [dreg:$0x1]  }
0x4eb: {  	s0 =	sadd.s32 @!p0 $0x100000, s0  }
0x4ec: {  	[sflag:s0] =	ssyncadd.tile.s32 @!p0 $0x1;
	_ =	shalt  }
.Lfunc_end2:
_tile_overlayer_lowered:
.L_overlay_start_2:
0x4ed: {  	(tag) =	ssettag $0x2  }
0x4ee: {  	s0 =	rddreg [dreg:$0x0];
	s2 =	stileid.u32  }
0x4ef: {  	s1 =	rddreg [dreg:$0x1];
	p0 =	sne.s32 s2, $0x0  }
0x4f0: {  	s3 =	rddreg [dreg:$0x2];
	[bflag:$0x3] =	sbarrier.arrive $0xFFFF;
	s2 =	simm.s32 @!p0 $0x1C05  }
0x4f1: {  	[timem:s3], [sflag:s2] =	dma.local @!p0 [hbm:s0], s1  }
0x4f2: {  	s0 =	simm.s32 @!p0 $0x5  }
0x4f3: {  	_ =	swait.ge @!p0 [sflag:s0], s1  }
0x4f4: {  	s1 =	ssub.s32 @!p0 $0x0, s1;
	[sflag:s0] =	ssyncset.done @!p0 $0x0  }
0x4f5: {  	[sflag:s0] =	ssyncadd.s32 @!p0 s1  }
0x4f6: {  	[bflag:$0x3] =	sbarrier.arrive $0xFFFF  }
0x4f7: {  	_ =	shalt  }

</sc_bundles>
